<compile_context>
chip_gen: v7x
topology: tpu7x:2x2x1
jax: 0.10.2.dev20260603
libtpu: 0.0.44.dev20260713+nightly
codegen_flags: <defaults>
</compile_context>

<pallas_src>
import jax
import jax.numpy as jnp
from jax import lax
from jax.experimental import pallas as pl
from jax.experimental.pallas import tpu as pltpu
from jax.experimental.pallas import tpu_sc as plsc

N = 10000
NPAD = 10240
E = 320000
D = 128
DH = 64
DOUT = 40
DOUT_PAD = 128
NP = 10240

NUM_CORES = 2
NUM_SUBCORES = 16
ROWS_PER_TILE = NPAD // NUM_SUBCORES
CHUNK = 128
CH_TILE = 160
E_PAD = CH_TILE * NUM_SUBCORES * CHUNK
NCHUNKS = E_PAD // CHUNK
NBUF = 5
QUADS = CH_TILE // NBUF

_SC_MESH = plsc.VectorSubcoreMesh(core_axis_name="c", subcore_axis_name="s")


def _pre_body(x_ref, w_ref, b_ref, lo_ref, hi_ref):
    h = jnp.dot(x_ref[...], w_ref[...], preferred_element_type=jnp.float32)
    h = h + b_ref[...]
    lo_ref[...] = h[:, :DH]
    hi_ref[...] = h[:, DH:]


def _pre_matmul(x, w0, b0r):
    bn = 1024
    return pl.pallas_call(
        _pre_body,
        grid=(NPAD // bn,),
        in_specs=[
            pl.BlockSpec((bn, D), lambda i: (i, 0)),
            pl.BlockSpec((D, D), lambda i: (0, 0)),
            pl.BlockSpec((1, D), lambda i: (0, 0)),
        ],
        out_specs=[
            pl.BlockSpec((bn, DH), lambda i: (i, 0)),
            pl.BlockSpec((bn, DH), lambda i: (i, 0)),
        ],
        out_shape=[
            jax.ShapeDtypeStruct((NPAD, DH), jnp.float32),
            jax.ShapeDtypeStruct((NPAD, DH), jnp.float32),
        ],
    )(x, w0, b0r)


def _hop_body(h_lo, h_hi, sc2d, ni2d, zeros_hbm,
              out_lo, out_hi,
              sc_v, ni_v, r0, r1, r2, r3, r4, acc,
              g0, g1, g2, g3, g4, s0, s1, s2, s3, s4):
    c = lax.axis_index("c")
    s = lax.axis_index("s")
    row0 = s * ROWS_PER_TILE
    cbase = s * CH_TILE
    rows = (r0, r1, r2, r3, r4)
    gsem = (g0, g1, g2, g3, g4)
    ssem = (s0, s1, s2, s3, s4)

    def run(h_hbm, o_hbm):
        pltpu.sync_copy(sc2d.at[pl.ds(cbase, CH_TILE)], sc_v)
        pltpu.sync_copy(ni2d.at[pl.ds(cbase, CH_TILE)], ni_v)

        pltpu.sync_copy(zeros_hbm.at[pl.ds(row0, ROWS_PER_TILE)],
                        acc.at[pl.ds(row0, ROWS_PER_TILE)])
        plsc.subcore_barrier()

        def start_g(j, b):
            pltpu.async_copy(h_hbm.at[sc_v.at[j]], rows[b], gsem[b])

        def wait_g(j, b):
            pltpu.make_async_copy(h_hbm.at[sc_v.at[j]], rows[b], gsem[b]).wait()

        def start_s(j, b):
            pltpu.async_copy(rows[b], acc.at[ni_v.at[j]], ssem[b], add=True)

        def wait_s(j, b):
            pltpu.make_async_copy(rows[b], acc.at[ni_v.at[j]], ssem[b]).wait()

        start_g(0, 0)
        for j in range(NBUF):
            if j + 1 < NBUF:
                start_g(j + 1, j + 1)
            else:
                wait_s(0, 0)
                start_g(NBUF, 0)
            wait_g(j, j)
            start_s(j, j)

        @pl.loop(1, QUADS)
        def _quad(q):
            for u in range(NBUF):
                j = NBUF * q + u
                b, b1 = u, (u + 1) % NBUF

                @pl.when(j + 1 < CH_TILE)
                def _():
                    wait_s(j - (NBUF - 1), b1)
                    start_g(j + 1, b1)

                wait_g(j, b)
                start_s(j, b)

        for u in range(NBUF):
            wait_s(CH_TILE - NBUF + u, u)

        plsc.subcore_barrier()
        pltpu.sync_copy(acc.at[pl.ds(row0, ROWS_PER_TILE)],
                        o_hbm.at[pl.ds(row0, ROWS_PER_TILE)])

    @pl.when(c == 0)
    def _():
        run(h_lo, out_lo)

    @pl.when(c == 1)
    def _():
        run(h_hi, out_hi)


_hop_call = pl.kernel(
    _hop_body,
    out_type=[
        jax.ShapeDtypeStruct((NPAD, DH), jnp.float32),
        jax.ShapeDtypeStruct((NPAD, DH), jnp.float32),
    ],
    mesh=_SC_MESH,
    scratch_types=[
        pltpu.VMEM((CH_TILE, CHUNK), jnp.int32),
        pltpu.VMEM((CH_TILE, CHUNK), jnp.int32),
        pltpu.VMEM((CHUNK, DH), jnp.float32),
        pltpu.VMEM((CHUNK, DH), jnp.float32),
        pltpu.VMEM((CHUNK, DH), jnp.float32),
        pltpu.VMEM((CHUNK, DH), jnp.float32),
        pltpu.VMEM((CHUNK, DH), jnp.float32),
        pltpu.VMEM_SHARED((NPAD, DH), jnp.float32),
    ] + [pltpu.SemaphoreType.DMA] * 10,
    compiler_params=pltpu.CompilerParams(use_tc_tiling_on_sc=False),
)


def _head_body(scale_ref, p0a, p0b, p1a, p1b, p2a, p2b,
               wa, wb, wc, wd, we, wf, b_ref, out_ref):
    scale = scale_ref[0]
    acc = jnp.dot(p0a[...], wa[...], preferred_element_type=jnp.float32)
    acc += jnp.dot(p0b[...], wb[...], preferred_element_type=jnp.float32)
    acc *= scale
    acc += jnp.dot(p1a[...], wc[...], preferred_element_type=jnp.float32)
    acc += jnp.dot(p1b[...], wd[...], preferred_element_type=jnp.float32)
    acc += jnp.dot(p2a[...], we[...], preferred_element_type=jnp.float32)
    acc += jnp.dot(p2b[...], wf[...], preferred_element_type=jnp.float32)
    out_ref[...] = acc + b_ref[...]


def _head_matmul(scale, parts, wparts, bhr):
    bn = 1024
    part_spec = pl.BlockSpec((bn, DH), lambda i: (i, 0))
    w_spec = pl.BlockSpec((DH, DOUT_PAD), lambda i: (0, 0))
    return pl.pallas_call(
        _head_body,
        grid=(NPAD // bn,),
        in_specs=[pl.BlockSpec(memory_space=pltpu.SMEM)]
                 + [part_spec] * 6 + [w_spec] * 6
                 + [pl.BlockSpec((1, DOUT_PAD), lambda i: (0, 0))],
        out_specs=pl.BlockSpec((bn, DOUT_PAD), lambda i: (i, 0)),
        out_shape=jax.ShapeDtypeStruct((NPAD, DOUT_PAD), jnp.float32),
    )(scale, *parts, *wparts, bhr)


def _take_body(feat_hbm, nli_hbm, out_hbm, idx, rows, sem):
    w = lax.axis_index("s") * NUM_CORES + lax.axis_index("c")
    per_w = NP // (NUM_CORES * NUM_SUBCORES)
    base = w * per_w
    pltpu.sync_copy(nli_hbm.at[pl.ds(base, per_w)], idx)
    for lo, sz in ((0, CHUNK), (CHUNK, CHUNK), (2 * CHUNK, per_w - 2 * CHUNK)):
        pltpu.async_copy(feat_hbm.at[idx.at[pl.ds(lo, sz)]],
                         rows.at[pl.ds(lo, sz)], sem).wait()
    pltpu.sync_copy(rows, out_hbm.at[pl.ds(base, per_w)])


_take_call = pl.kernel(
    _take_body,
    out_type=jax.ShapeDtypeStruct((NP, DOUT_PAD), jnp.float32),
    mesh=_SC_MESH,
    scratch_types=[
        pltpu.VMEM((NP // (NUM_CORES * NUM_SUBCORES),), jnp.int32),
        pltpu.VMEM((NP // (NUM_CORES * NUM_SUBCORES), DOUT_PAD), jnp.float32),
        pltpu.SemaphoreType.DMA,
    ],
    compiler_params=pltpu.CompilerParams(use_tc_tiling_on_sc=False),
)


def kernel(x, agg_scatter_0, agg_node_index_0, agg_scatter_1, agg_node_index_1,
           node_label_index, node_label, W0, b0, eps, W_head, b_head):
    zeros = jnp.zeros((NPAD, DH), jnp.float32)

    x_pad = jnp.pad(x, ((0, NPAD - N), (0, 0)))
    h0_lo, h0_hi = _pre_matmul(x_pad, W0, b0.reshape(1, D))
    pad_idx = (N + jnp.arange(E_PAD - E, dtype=jnp.int32) % (NPAD - N))

    def _chunked(idx):
        return jnp.concatenate([idx, pad_idx]).reshape(NCHUNKS, CHUNK)

    h1_lo, h1_hi = _hop_call(h0_lo, h0_hi, _chunked(agg_scatter_0),
                             _chunked(agg_node_index_0), zeros)
    h2_lo, h2_hi = _hop_call(h1_lo, h1_hi, _chunked(agg_scatter_1),
                             _chunked(agg_node_index_1), zeros)

    w_pad = jnp.zeros((3 * D, DOUT_PAD), jnp.float32).at[:, :DOUT].set(W_head)
    wparts = [w_pad[k * DH:(k + 1) * DH] for k in range(6)]
    b_pad = jnp.zeros((1, DOUT_PAD), jnp.float32).at[0, :DOUT].set(b_head)
    scale = (1.0 + eps).astype(jnp.float32)

    feat = _head_matmul(scale,
                        (h0_lo, h0_hi, h1_lo, h1_hi, h2_lo, h2_hi),
                        wparts, b_pad)

    nli_pad = jnp.concatenate(
        [node_label_index, jnp.zeros((NP - N,), jnp.int32)])
    pred_pad = _take_call(feat, nli_pad)
    return (pred_pad[:N, :DOUT], node_label)

# --- scband reference (transcript-rebuilt; emitter-appended) ---
"""Pipeline reference for scband-local-wlgnn-30116310679891 (READ-ONLY COPY).

The authoritative reference and input builder live on the scoring server;
editing this copy changes nothing except your own understanding.
"""

import jax, jax.numpy as jnp
import numpy as np

N = 10000
E = 320000
D = 128
DOUT = 40
HOPS = 2

def setup_inputs(seed: int = 0) -> dict:
    key = jax.random.key(seed)
    ks = jax.random.split(key, 16)
    inp = {}
    inp["x"] = jax.random.normal(ks[0], (N, D), dtype=jnp.float32)
    inp["agg_scatter_0"] = jax.random.randint(ks[1], (E,), 0, N, dtype=jnp.int32)
    inp["agg_node_index_0"] = jax.random.randint(ks[2], (E,), 0, N, dtype=jnp.int32)
    inp["agg_scatter_1"] = jax.random.randint(ks[3], (E,), 0, N, dtype=jnp.int32)
    inp["agg_node_index_1"] = jax.random.randint(ks[4], (E,), 0, N, dtype=jnp.int32)
    inp["node_label_index"] = jax.random.randint(ks[5], (N,), 0, N, dtype=jnp.int32)
    inp["node_label"] = jax.random.randint(ks[6], (N,), 0, DOUT, dtype=jnp.int32)
    # learned parameters
    inp["W0"] = jax.random.normal(ks[7], (D, D), dtype=jnp.float32) * (1.0 / np.sqrt(D))
    inp["b0"] = jnp.zeros((D,), dtype=jnp.float32)
    inp["eps"] = jnp.ones((1,), dtype=jnp.float32)
    inp["W_head"] = jax.random.normal(ks[8], (D * (HOPS + 1), DOUT), dtype=jnp.float32) * (1.0 / np.sqrt(D * (HOPS + 1)))
    inp["b_head"] = jnp.zeros((DOUT,), dtype=jnp.float32)
    return inp


def reference(x, agg_scatter_0, agg_node_index_0, agg_scatter_1, agg_node_index_1,
              node_label_index, node_label, W0, b0, eps, W_head, b_head):
    # x = self.lins[0](x)
    h0 = x @ W0 + b0
    # out = (1 + eps) * x
    out = (1.0 + eps) * h0
    h = h0
    hops = ((agg_scatter_0, agg_node_index_0), (agg_scatter_1, agg_node_index_1))
    for sc, ni in hops:
        # h = h[agg_scatter[hop-1]]  (gather)
        h = jnp.take(h, sc, axis=0)
        # scatter_reduce(0, agg_node_index, h, reduce='sum', include_self=False) onto zeros
        h = jax.ops.segment_sum(h, ni, num_segments=N)
        out = jnp.concatenate([out, h], axis=1)
    # dropout (eval mode -> identity)
    # post_mp MLP head (single linear layer: layers_post_mp=1)
    feat = out @ W_head + b_head
    # _apply_index: node_label_index.shape[0] == node_label.shape[0] branch
    pred = jnp.take(feat, node_label_index, axis=0)
    return (pred, node_label)

if __name__ == "__main__":
    import jax
    _d = setup_inputs()
    print(jax.jit(kernel)(*tuple(_d.values())))

</pallas_src>

<mosaic_0001>
#map = affine_map<(d0, d1) -> (0, 0)>
module attributes {stable_mosaic.version = 14 : i64} {
  func.func @_hop_body(%arg0: i32, %arg1: i32, %arg2: memref<10240x64xf32, #tpu.memory_space<hbm>>, %arg3: memref<10240x64xf32, #tpu.memory_space<hbm>>, %arg4: memref<2560x128xi32, #tpu.memory_space<hbm>>, %arg5: memref<2560x128xi32, #tpu.memory_space<hbm>>, %arg6: memref<10240x64xf32, #tpu.memory_space<hbm>>, %arg7: memref<10240x64xf32, #tpu.memory_space<hbm>>, %arg8: memref<10240x64xf32, #tpu.memory_space<hbm>>, %arg9: memref<160x128xi32, #tpu.memory_space<vmem>>, %arg10: memref<160x128xi32, #tpu.memory_space<vmem>>, %arg11: memref<128x64xf32, #tpu.memory_space<vmem>>, %arg12: memref<128x64xf32, #tpu.memory_space<vmem>>, %arg13: memref<128x64xf32, #tpu.memory_space<vmem>>, %arg14: memref<128x64xf32, #tpu.memory_space<vmem>>, %arg15: memref<128x64xf32, #tpu.memory_space<vmem>>, %arg16: memref<10240x64xf32, #tpu.memory_space<vmem_shared>>, %arg17: memref<!tpu.dma_semaphore, #tpu.memory_space<semaphore_mem>>, %arg18: memref<!tpu.dma_semaphore, #tpu.memory_space<semaphore_mem>>, %arg19: memref<!tpu.dma_semaphore, #tpu.memory_space<semaphore_mem>>, %arg20: memref<!tpu.dma_semaphore, #tpu.memory_space<semaphore_mem>>, %arg21: memref<!tpu.dma_semaphore, #tpu.memory_space<semaphore_mem>>, %arg22: memref<!tpu.dma_semaphore, #tpu.memory_space<semaphore_mem>>, %arg23: memref<!tpu.dma_semaphore, #tpu.memory_space<semaphore_mem>>, %arg24: memref<!tpu.dma_semaphore, #tpu.memory_space<semaphore_mem>>, %arg25: memref<!tpu.dma_semaphore, #tpu.memory_space<semaphore_mem>>, %arg26: memref<!tpu.dma_semaphore, #tpu.memory_space<semaphore_mem>>) attributes {dimension_semantics = [#tpu.dimension_semantics<core_parallel>, #tpu.dimension_semantics<subcore_parallel>], iteration_bounds = array<i64: 2, 16>, scalar_prefetch = 0 : i64, scratch_operands = 18 : i64, tpu.core_type = #tpu.core_type<sc_vector_subcore>, window_params = [{transform_indices = #map}, {transform_indices = #map}, {transform_indices = #map}, {transform_indices = #map}, {transform_indices = #map}, {transform_indices = #map}, {transform_indices = #map}]} {
    %mul3A = arith.constant 640 : i32
    %mul3A_0 = arith.muli %arg1, %mul3A : i32
    %mul3A_1 = arith.constant 160 : i32
    %mul3A_2 = arith.muli %arg1, %mul3A_1 : i32
    %eq3A = arith.constant 0 : i32
    %eq3A_3 = arith.cmpi eq, %arg0, %eq3A : i32
    %convert_element_type3A = arith.extui %eq3A_3 : i1 to i32
    %cond3A = arith.constant 0 : i32
    %cond3A_4 = arith.cmpi ne, %convert_element_type3A, %cond3A : i32
    scf.if %cond3A_4 {
      "tpu.region"() ({
        %run_scoped3A = tpu.sem_alloc : memref<!tpu.dma_semaphore, #tpu.memory_space<semaphore_mem>>
        %dma_start3A_167 = arith.constant 0 : i32
        %dma_start3A_168 = tpu.memref_slice %arg4[%mul3A_2, %dma_start3A_167] : memref<2560x128xi32, #tpu.memory_space<hbm>> -> memref<160x128xi32, #tpu.memory_space<hbm>>
        %dma_start3A_169 = arith.constant 0 : i32
        %dma_start3A_170 = tpu.memref_slice %arg4[%mul3A_2, %dma_start3A_169] : memref<2560x128xi32, #tpu.memory_space<hbm>> -> memref<160x128xi32, #tpu.memory_space<hbm>>
        tpu.enqueue_dma source(%dma_start3A_170 : memref<160x128xi32, #tpu.memory_space<hbm>>) target(%arg9 : memref<160x128xi32, #tpu.memory_space<vmem>>) target_semaphore(%run_scoped3A : memref<!tpu.dma_semaphore, #tpu.memory_space<semaphore_mem>>)
        %dma_wait3A_171 = arith.constant 0 : i32
        %dma_wait3A_172 = tpu.memref_slice %arg4[%mul3A_2, %dma_wait3A_171] : memref<2560x128xi32, #tpu.memory_space<hbm>> -> memref<160x128xi32, #tpu.memory_space<hbm>>
        %dma_wait3A_173 = arith.constant 0 : i32
        %dma_wait3A_174 = tpu.memref_slice %arg4[%mul3A_2, %dma_wait3A_173] : memref<2560x128xi32, #tpu.memory_space<hbm>> -> memref<160x128xi32, #tpu.memory_space<hbm>>
        tpu.wait_dma2 semaphore(%run_scoped3A : memref<!tpu.dma_semaphore, #tpu.memory_space<semaphore_mem>>) src(%dma_wait3A_174 : memref<160x128xi32, #tpu.memory_space<hbm>>) dst(%arg9 : memref<160x128xi32, #tpu.memory_space<vmem>>)
        tpu.yield
      }) : () -> ()
      "tpu.region"() ({
        %run_scoped3A = tpu.sem_alloc : memref<!tpu.dma_semaphore, #tpu.memory_space<semaphore_mem>>
        %dma_start3A_167 = arith.constant 0 : i32
        %dma_start3A_168 = tpu.memref_slice %arg5[%mul3A_2, %dma_start3A_167] : memref<2560x128xi32, #tpu.memory_space<hbm>> -> memref<160x128xi32, #tpu.memory_space<hbm>>
        %dma_start3A_169 = arith.constant 0 : i32
        %dma_start3A_170 = tpu.memref_slice %arg5[%mul3A_2, %dma_start3A_169] : memref<2560x128xi32, #tpu.memory_space<hbm>> -> memref<160x128xi32, #tpu.memory_space<hbm>>
        tpu.enqueue_dma source(%dma_start3A_170 : memref<160x128xi32, #tpu.memory_space<hbm>>) target(%arg10 : memref<160x128xi32, #tpu.memory_space<vmem>>) target_semaphore(%run_scoped3A : memref<!tpu.dma_semaphore, #tpu.memory_space<semaphore_mem>>)
        %dma_wait3A_171 = arith.constant 0 : i32
        %dma_wait3A_172 = tpu.memref_slice %arg5[%mul3A_2, %dma_wait3A_171] : memref<2560x128xi32, #tpu.memory_space<hbm>> -> memref<160x128xi32, #tpu.memory_space<hbm>>
        %dma_wait3A_173 = arith.constant 0 : i32
        %dma_wait3A_174 = tpu.memref_slice %arg5[%mul3A_2, %dma_wait3A_173] : memref<2560x128xi32, #tpu.memory_space<hbm>> -> memref<160x128xi32, #tpu.memory_space<hbm>>
        tpu.wait_dma2 semaphore(%run_scoped3A : memref<!tpu.dma_semaphore, #tpu.memory_space<semaphore_mem>>) src(%dma_wait3A_174 : memref<160x128xi32, #tpu.memory_space<hbm>>) dst(%arg10 : memref<160x128xi32, #tpu.memory_space<vmem>>)
        tpu.yield
      }) : () -> ()
      "tpu.region"() ({
        %run_scoped3A = tpu.sem_alloc : memref<!tpu.dma_semaphore, #tpu.memory_space<semaphore_mem>>
        %dma_start3A_167 = arith.constant 0 : i32
        %dma_start3A_168 = tpu.memref_slice %arg16[%mul3A_0, %dma_start3A_167] : memref<10240x64xf32, #tpu.memory_space<vmem_shared>> -> memref<640x64xf32, #tpu.memory_space<vmem_shared>>
        %dma_start3A_169 = arith.constant 0 : i32
        %dma_start3A_170 = tpu.memref_slice %arg6[%mul3A_0, %dma_start3A_169] : memref<10240x64xf32, #tpu.memory_space<hbm>> -> memref<640x64xf32, #tpu.memory_space<hbm>>
        tpu.enqueue_dma source(%dma_start3A_170 : memref<640x64xf32, #tpu.memory_space<hbm>>) target(%dma_start3A_168 : memref<640x64xf32, #tpu.memory_space<vmem_shared>>) target_semaphore(%run_scoped3A : memref<!tpu.dma_semaphore, #tpu.memory_space<semaphore_mem>>)
        %dma_wait3A_171 = arith.constant 0 : i32
        %dma_wait3A_172 = tpu.memref_slice %arg16[%mul3A_0, %dma_wait3A_171] : memref<10240x64xf32, #tpu.memory_space<vmem_shared>> -> memref<640x64xf32, #tpu.memory_space<vmem_shared>>
        %dma_wait3A_173 = arith.constant 0 : i32
        %dma_wait3A_174 = tpu.memref_slice %arg6[%mul3A_0, %dma_wait3A_173] : memref<10240x64xf32, #tpu.memory_space<hbm>> -> memref<640x64xf32, #tpu.memory_space<hbm>>
        tpu.wait_dma2 semaphore(%run_scoped3A : memref<!tpu.dma_semaphore, #tpu.memory_space<semaphore_mem>>) src(%dma_wait3A_174 : memref<640x64xf32, #tpu.memory_space<hbm>>) dst(%dma_wait3A_172 : memref<640x64xf32, #tpu.memory_space<vmem_shared>>)
        tpu.yield
      }) : () -> ()
      %barrier3A = arith.constant 0 : index
      tpu.barrier barrier_id(%barrier3A)
      %dma_start3A = arith.constant 0 : i32
      %dma_start3A_10 = arith.constant 0 : i32
      %dma_start3A_11 = tpu.memref_slice %arg9[%dma_start3A, %dma_start3A_10] : memref<160x128xi32, #tpu.memory_space<vmem>> -> memref<1x128xi32, #tpu.memory_space<vmem>>
      %dma_start3A_12 = tpu.memref_squeeze %dma_start3A_11 : memref<1x128xi32, #tpu.memory_space<vmem>> -> memref<128xi32, #tpu.memory_space<vmem>>
      %dma_start3A_13 = arith.constant 0 : i32
      %dma_start3A_14 = arith.constant 0 : i32
      %dma_start3A_15 = tpu.memref_slice %arg2[%dma_start3A_13, %dma_start3A_14] : memref<10240x64xf32, #tpu.memory_space<hbm>> -> memref<10240x64xf32, #tpu.memory_space<hbm>>
      tpu.enqueue_indirect_dma source(%dma_start3A_15 : memref<10240x64xf32, #tpu.memory_space<hbm>>) target(%arg11 : memref<128x64xf32, #tpu.memory_space<vmem>>) offsets(%dma_start3A_12 : memref<128xi32, #tpu.memory_space<vmem>>) semaphore(%arg17 : memref<!tpu.dma_semaphore, #tpu.memory_space<semaphore_mem>>)
      %dma_start3A_16 = arith.constant 1 : i32
      %dma_start3A_17 = arith.constant 0 : i32
      %dma_start3A_18 = tpu.memref_slice %arg9[%dma_start3A_16, %dma_start3A_17] : memref<160x128xi32, #tpu.memory_space<vmem>> -> memref<1x128xi32, #tpu.memory_space<vmem>>
      %dma_start3A_19 = tpu.memref_squeeze %dma_start3A_18 : memref<1x128xi32, #tpu.memory_space<vmem>> -> memref<128xi32, #tpu.memory_space<vmem>>
      %dma_start3A_20 = arith.constant 0 : i32
      %dma_start3A_21 = arith.constant 0 : i32
      %dma_start3A_22 = tpu.memref_slice %arg2[%dma_start3A_20, %dma_start3A_21] : memref<10240x64xf32, #tpu.memory_space<hbm>> -> memref<10240x64xf32, #tpu.memory_space<hbm>>
      tpu.enqueue_indirect_dma source(%dma_start3A_22 : memref<10240x64xf32, #tpu.memory_space<hbm>>) target(%arg12 : memref<128x64xf32, #tpu.memory_space<vmem>>) offsets(%dma_start3A_19 : memref<128xi32, #tpu.memory_space<vmem>>) semaphore(%arg18 : memref<!tpu.dma_semaphore, #tpu.memory_space<semaphore_mem>>)
      %dma_wait3A = arith.constant 0 : i32
      %dma_wait3A_23 = arith.constant 0 : i32
      %dma_wait3A_24 = tpu.memref_slice %arg9[%dma_wait3A, %dma_wait3A_23] : memref<160x128xi32, #tpu.memory_space<vmem>> -> memref<1x128xi32, #tpu.memory_space<vmem>>
      %dma_wait3A_25 = tpu.memref_squeeze %dma_wait3A_24 : memref<1x128xi32, #tpu.memory_space<vmem>> -> memref<128xi32, #tpu.memory_space<vmem>>
      %dma_wait3A_26 = arith.constant 0 : i32
      %dma_wait3A_27 = arith.constant 0 : i32
      %dma_wait3A_28 = tpu.memref_slice %arg2[%dma_wait3A_26, %dma_wait3A_27] : memref<10240x64xf32, #tpu.memory_space<hbm>> -> memref<10240x64xf32, #tpu.memory_space<hbm>>
      tpu.wait_indirect_dma semaphore(%arg17 : memref<!tpu.dma_semaphore, #tpu.memory_space<semaphore_mem>>) src(%dma_wait3A_28 : memref<10240x64xf32, #tpu.memory_space<hbm>>) dst(%arg11 : memref<128x64xf32, #tpu.memory_space<vmem>>)
      %dma_start3A_29 = arith.constant 0 : i32
      %dma_start3A_30 = arith.constant 0 : i32
      %dma_start3A_31 = tpu.memref_slice %arg10[%dma_start3A_29, %dma_start3A_30] : memref<160x128xi32, #tpu.memory_space<vmem>> -> memref<1x128xi32, #tpu.memory_space<vmem>>
      %dma_start3A_32 = tpu.memref_squeeze %dma_start3A_31 : memref<1x128xi32, #tpu.memory_space<vmem>> -> memref<128xi32, #tpu.memory_space<vmem>>
      %dma_start3A_33 = arith.constant 0 : i32
      %dma_start3A_34 = arith.constant 0 : i32
      %dma_start3A_35 = tpu.memref_slice %arg16[%dma_start3A_33, %dma_start3A_34] : memref<10240x64xf32, #tpu.memory_space<vmem_shared>> -> memref<10240x64xf32, #tpu.memory_space<vmem_shared>>
      tpu.enqueue_indirect_dma source(%arg11 : memref<128x64xf32, #tpu.memory_space<vmem>>) target(%dma_start3A_35 : memref<10240x64xf32, #tpu.memory_space<vmem_shared>>) offsets(%dma_start3A_32 : memref<128xi32, #tpu.memory_space<vmem>>) semaphore(%arg22 : memref<!tpu.dma_semaphore, #tpu.memory_space<semaphore_mem>>) {add = true}
      %dma_start3A_36 = arith.constant 2 : i32
      %dma_start3A_37 = arith.constant 0 : i32
      %dma_start3A_38 = tpu.memref_slice %arg9[%dma_start3A_36, %dma_start3A_37] : memref<160x128xi32, #tpu.memory_space<vmem>> -> memref<1x128xi32, #tpu.memory_space<vmem>>
      %dma_start3A_39 = tpu.memref_squeeze %dma_start3A_38 : memref<1x128xi32, #tpu.memory_space<vmem>> -> memref<128xi32, #tpu.memory_space<vmem>>
      %dma_start3A_40 = arith.constant 0 : i32
      %dma_start3A_41 = arith.constant 0 : i32
      %dma_start3A_42 = tpu.memref_slice %arg2[%dma_start3A_40, %dma_start3A_41] : memref<10240x64xf32, #tpu.memory_space<hbm>> -> memref<10240x64xf32, #tpu.memory_space<hbm>>
      tpu.enqueue_indirect_dma source(%dma_start3A_42 : memref<10240x64xf32, #tpu.memory_space<hbm>>) target(%arg13 : memref<128x64xf32, #tpu.memory_space<vmem>>) offsets(%dma_start3A_39 : memref<128xi32, #tpu.memory_space<vmem>>) semaphore(%arg19 : memref<!tpu.dma_semaphore, #tpu.memory_space<semaphore_mem>>)
      %dma_wait3A_43 = arith.constant 1 : i32
      %dma_wait3A_44 = arith.constant 0 : i32
      %dma_wait3A_45 = tpu.memref_slice %arg9[%dma_wait3A_43, %dma_wait3A_44] : memref<160x128xi32, #tpu.memory_space<vmem>> -> memref<1x128xi32, #tpu.memory_space<vmem>>
      %dma_wait3A_46 = tpu.memref_squeeze %dma_wait3A_45 : memref<1x128xi32, #tpu.memory_space<vmem>> -> memref<128xi32, #tpu.memory_space<vmem>>
      %dma_wait3A_47 = arith.constant 0 : i32
      %dma_wait3A_48 = arith.constant 0 : i32
      %dma_wait3A_49 = tpu.memref_slice %arg2[%dma_wait3A_47, %dma_wait3A_48] : memref<10240x64xf32, #tpu.memory_space<hbm>> -> memref<10240x64xf32, #tpu.memory_space<hbm>>
      tpu.wait_indirect_dma semaphore(%arg18 : memref<!tpu.dma_semaphore, #tpu.memory_space<semaphore_mem>>) src(%dma_wait3A_49 : memref<10240x64xf32, #tpu.memory_space<hbm>>) dst(%arg12 : memref<128x64xf32, #tpu.memory_space<vmem>>)
      %dma_start3A_50 = arith.constant 1 : i32
      %dma_start3A_51 = arith.constant 0 : i32
      %dma_start3A_52 = tpu.memref_slice %arg10[%dma_start3A_50, %dma_start3A_51] : memref<160x128xi32, #tpu.memory_space<vmem>> -> memref<1x128xi32, #tpu.memory_space<vmem>>
      %dma_start3A_53 = tpu.memref_squeeze %dma_start3A_52 : memref<1x128xi32, #tpu.memory_space<vmem>> -> memref<128xi32, #tpu.memory_space<vmem>>
      %dma_start3A_54 = arith.constant 0 : i32
      %dma_start3A_55 = arith.constant 0 : i32
      %dma_start3A_56 = tpu.memref_slice %arg16[%dma_start3A_54, %dma_start3A_55] : memref<10240x64xf32, #tpu.memory_space<vmem_shared>> -> memref<10240x64xf32, #tpu.memory_space<vmem_shared>>
      tpu.enqueue_indirect_dma source(%arg12 : memref<128x64xf32, #tpu.memory_space<vmem>>) target(%dma_start3A_56 : memref<10240x64xf32, #tpu.memory_space<vmem_shared>>) offsets(%dma_start3A_53 : memref<128xi32, #tpu.memory_space<vmem>>) semaphore(%arg23 : memref<!tpu.dma_semaphore, #tpu.memory_space<semaphore_mem>>) {add = true}
      %dma_start3A_57 = arith.constant 3 : i32
      %dma_start3A_58 = arith.constant 0 : i32
      %dma_start3A_59 = tpu.memref_slice %arg9[%dma_start3A_57, %dma_start3A_58] : memref<160x128xi32, #tpu.memory_space<vmem>> -> memref<1x128xi32, #tpu.memory_space<vmem>>
      %dma_start3A_60 = tpu.memref_squeeze %dma_start3A_59 : memref<1x128xi32, #tpu.memory_space<vmem>> -> memref<128xi32, #tpu.memory_space<vmem>>
      %dma_start3A_61 = arith.constant 0 : i32
      %dma_start3A_62 = arith.constant 0 : i32
      %dma_start3A_63 = tpu.memref_slice %arg2[%dma_start3A_61, %dma_start3A_62] : memref<10240x64xf32, #tpu.memory_space<hbm>> -> memref<10240x64xf32, #tpu.memory_space<hbm>>
      tpu.enqueue_indirect_dma source(%dma_start3A_63 : memref<10240x64xf32, #tpu.memory_space<hbm>>) target(%arg14 : memref<128x64xf32, #tpu.memory_space<vmem>>) offsets(%dma_start3A_60 : memref<128xi32, #tpu.memory_space<vmem>>) semaphore(%arg20 : memref<!tpu.dma_semaphore, #tpu.memory_space<semaphore_mem>>)
      %dma_wait3A_64 = arith.constant 2 : i32
      %dma_wait3A_65 = arith.constant 0 : i32
      %dma_wait3A_66 = tpu.memref_slice %arg9[%dma_wait3A_64, %dma_wait3A_65] : memref<160x128xi32, #tpu.memory_space<vmem>> -> memref<1x128xi32, #tpu.memory_space<vmem>>
      %dma_wait3A_67 = tpu.memref_squeeze %dma_wait3A_66 : memref<1x128xi32, #tpu.memory_space<vmem>> -> memref<128xi32, #tpu.memory_space<vmem>>
      %dma_wait3A_68 = arith.constant 0 : i32
      %dma_wait3A_69 = arith.constant 0 : i32
      %dma_wait3A_70 = tpu.memref_slice %arg2[%dma_wait3A_68, %dma_wait3A_69] : memref<10240x64xf32, #tpu.memory_space<hbm>> -> memref<10240x64xf32, #tpu.memory_space<hbm>>
      tpu.wait_indirect_dma semaphore(%arg19 : memref<!tpu.dma_semaphore, #tpu.memory_space<semaphore_mem>>) src(%dma_wait3A_70 : memref<10240x64xf32, #tpu.memory_space<hbm>>) dst(%arg13 : memref<128x64xf32, #tpu.memory_space<vmem>>)
      %dma_start3A_71 = arith.constant 2 : i32
      %dma_start3A_72 = arith.constant 0 : i32
      %dma_start3A_73 = tpu.memref_slice %arg10[%dma_start3A_71, %dma_start3A_72] : memref<160x128xi32, #tpu.memory_space<vmem>> -> memref<1x128xi32, #tpu.memory_space<vmem>>
      %dma_start3A_74 = tpu.memref_squeeze %dma_start3A_73 : memref<1x128xi32, #tpu.memory_space<vmem>> -> memref<128xi32, #tpu.memory_space<vmem>>
      %dma_start3A_75 = arith.constant 0 : i32
      %dma_start3A_76 = arith.constant 0 : i32
      %dma_start3A_77 = tpu.memref_slice %arg16[%dma_start3A_75, %dma_start3A_76] : memref<10240x64xf32, #tpu.memory_space<vmem_shared>> -> memref<10240x64xf32, #tpu.memory_space<vmem_shared>>
      tpu.enqueue_indirect_dma source(%arg13 : memref<128x64xf32, #tpu.memory_space<vmem>>) target(%dma_start3A_77 : memref<10240x64xf32, #tpu.memory_space<vmem_shared>>) offsets(%dma_start3A_74 : memref<128xi32, #tpu.memory_space<vmem>>) semaphore(%arg24 : memref<!tpu.dma_semaphore, #tpu.memory_space<semaphore_mem>>) {add = true}
      %dma_start3A_78 = arith.constant 4 : i32
      %dma_start3A_79 = arith.constant 0 : i32
      %dma_start3A_80 = tpu.memref_slice %arg9[%dma_start3A_78, %dma_start3A_79] : memref<160x128xi32, #tpu.memory_space<vmem>> -> memref<1x128xi32, #tpu.memory_space<vmem>>
      %dma_start3A_81 = tpu.memref_squeeze %dma_start3A_80 : memref<1x128xi32, #tpu.memory_space<vmem>> -> memref<128xi32, #tpu.memory_space<vmem>>
      %dma_start3A_82 = arith.constant 0 : i32
      %dma_start3A_83 = arith.constant 0 : i32
      %dma_start3A_84 = tpu.memref_slice %arg2[%dma_start3A_82, %dma_start3A_83] : memref<10240x64xf32, #tpu.memory_space<hbm>> -> memref<10240x64xf32, #tpu.memory_space<hbm>>
      tpu.enqueue_indirect_dma source(%dma_start3A_84 : memref<10240x64xf32, #tpu.memory_space<hbm>>) target(%arg15 : memref<128x64xf32, #tpu.memory_space<vmem>>) offsets(%dma_start3A_81 : memref<128xi32, #tpu.memory_space<vmem>>) semaphore(%arg21 : memref<!tpu.dma_semaphore, #tpu.memory_space<semaphore_mem>>)
      %dma_wait3A_85 = arith.constant 3 : i32
      %dma_wait3A_86 = arith.constant 0 : i32
      %dma_wait3A_87 = tpu.memref_slice %arg9[%dma_wait3A_85, %dma_wait3A_86] : memref<160x128xi32, #tpu.memory_space<vmem>> -> memref<1x128xi32, #tpu.memory_space<vmem>>
      %dma_wait3A_88 = tpu.memref_squeeze %dma_wait3A_87 : memref<1x128xi32, #tpu.memory_space<vmem>> -> memref<128xi32, #tpu.memory_space<vmem>>
      %dma_wait3A_89 = arith.constant 0 : i32
      %dma_wait3A_90 = arith.constant 0 : i32
      %dma_wait3A_91 = tpu.memref_slice %arg2[%dma_wait3A_89, %dma_wait3A_90] : memref<10240x64xf32, #tpu.memory_space<hbm>> -> memref<10240x64xf32, #tpu.memory_space<hbm>>
      tpu.wait_indirect_dma semaphore(%arg20 : memref<!tpu.dma_semaphore, #tpu.memory_space<semaphore_mem>>) src(%dma_wait3A_91 : memref<10240x64xf32, #tpu.memory_space<hbm>>) dst(%arg14 : memref<128x64xf32, #tpu.memory_space<vmem>>)
      %dma_start3A_92 = arith.constant 3 : i32
      %dma_start3A_93 = arith.constant 0 : i32
      %dma_start3A_94 = tpu.memref_slice %arg10[%dma_start3A_92, %dma_start3A_93] : memref<160x128xi32, #tpu.memory_space<vmem>> -> memref<1x128xi32, #tpu.memory_space<vmem>>
      %dma_start3A_95 = tpu.memref_squeeze %dma_start3A_94 : memref<1x128xi32, #tpu.memory_space<vmem>> -> memref<128xi32, #tpu.memory_space<vmem>>
      %dma_start3A_96 = arith.constant 0 : i32
      %dma_start3A_97 = arith.constant 0 : i32
      %dma_start3A_98 = tpu.memref_slice %arg16[%dma_start3A_96, %dma_start3A_97] : memref<10240x64xf32, #tpu.memory_space<vmem_shared>> -> memref<10240x64xf32, #tpu.memory_space<vmem_shared>>
      tpu.enqueue_indirect_dma source(%arg14 : memref<128x64xf32, #tpu.memory_space<vmem>>) target(%dma_start3A_98 : memref<10240x64xf32, #tpu.memory_space<vmem_shared>>) offsets(%dma_start3A_95 : memref<128xi32, #tpu.memory_space<vmem>>) semaphore(%arg25 : memref<!tpu.dma_semaphore, #tpu.memory_space<semaphore_mem>>) {add = true}
      %dma_wait3A_99 = arith.constant 0 : i32
      %dma_wait3A_100 = arith.constant 0 : i32
      %dma_wait3A_101 = tpu.memref_slice %arg10[%dma_wait3A_99, %dma_wait3A_100] : memref<160x128xi32, #tpu.memory_space<vmem>> -> memref<1x128xi32, #tpu.memory_space<vmem>>
      %dma_wait3A_102 = tpu.memref_squeeze %dma_wait3A_101 : memref<1x128xi32, #tpu.memory_space<vmem>> -> memref<128xi32, #tpu.memory_space<vmem>>
      %dma_wait3A_103 = arith.constant 0 : i32
      %dma_wait3A_104 = arith.constant 0 : i32
      %dma_wait3A_105 = tpu.memref_slice %arg16[%dma_wait3A_103, %dma_wait3A_104] : memref<10240x64xf32, #tpu.memory_space<vmem_shared>> -> memref<10240x64xf32, #tpu.memory_space<vmem_shared>>
      tpu.wait_indirect_dma semaphore(%arg22 : memref<!tpu.dma_semaphore, #tpu.memory_space<semaphore_mem>>) src(%arg11 : memref<128x64xf32, #tpu.memory_space<vmem>>) dst(%dma_wait3A_105 : memref<10240x64xf32, #tpu.memory_space<vmem_shared>>)
      %dma_start3A_106 = arith.constant 5 : i32
      %dma_start3A_107 = arith.constant 0 : i32
      %dma_start3A_108 = tpu.memref_slice %arg9[%dma_start3A_106, %dma_start3A_107] : memref<160x128xi32, #tpu.memory_space<vmem>> -> memref<1x128xi32, #tpu.memory_space<vmem>>
      %dma_start3A_109 = tpu.memref_squeeze %dma_start3A_108 : memref<1x128xi32, #tpu.memory_space<vmem>> -> memref<128xi32, #tpu.memory_space<vmem>>
      %dma_start3A_110 = arith.constant 0 : i32
      %dma_start3A_111 = arith.constant 0 : i32
      %dma_start3A_112 = tpu.memref_slice %arg2[%dma_start3A_110, %dma_start3A_111] : memref<10240x64xf32, #tpu.memory_space<hbm>> -> memref<10240x64xf32, #tpu.memory_space<hbm>>
      tpu.enqueue_indirect_dma source(%dma_start3A_112 : memref<10240x64xf32, #tpu.memory_space<hbm>>) target(%arg11 : memref<128x64xf32, #tpu.memory_space<vmem>>) offsets(%dma_start3A_109 : memref<128xi32, #tpu.memory_space<vmem>>) semaphore(%arg17 : memref<!tpu.dma_semaphore, #tpu.memory_space<semaphore_mem>>)
      %dma_wait3A_113 = arith.constant 4 : i32
      %dma_wait3A_114 = arith.constant 0 : i32
      %dma_wait3A_115 = tpu.memref_slice %arg9[%dma_wait3A_113, %dma_wait3A_114] : memref<160x128xi32, #tpu.memory_space<vmem>> -> memref<1x128xi32, #tpu.memory_space<vmem>>
      %dma_wait3A_116 = tpu.memref_squeeze %dma_wait3A_115 : memref<1x128xi32, #tpu.memory_space<vmem>> -> memref<128xi32, #tpu.memory_space<vmem>>
      %dma_wait3A_117 = arith.constant 0 : i32
      %dma_wait3A_118 = arith.constant 0 : i32
      %dma_wait3A_119 = tpu.memref_slice %arg2[%dma_wait3A_117, %dma_wait3A_118] : memref<10240x64xf32, #tpu.memory_space<hbm>> -> memref<10240x64xf32, #tpu.memory_space<hbm>>
      tpu.wait_indirect_dma semaphore(%arg21 : memref<!tpu.dma_semaphore, #tpu.memory_space<semaphore_mem>>) src(%dma_wait3A_119 : memref<10240x64xf32, #tpu.memory_space<hbm>>) dst(%arg15 : memref<128x64xf32, #tpu.memory_space<vmem>>)
      %dma_start3A_120 = arith.constant 4 : i32
      %dma_start3A_121 = arith.constant 0 : i32
      %dma_start3A_122 = tpu.memref_slice %arg10[%dma_start3A_120, %dma_start3A_121] : memref<160x128xi32, #tpu.memory_space<vmem>> -> memref<1x128xi32, #tpu.memory_space<vmem>>
      %dma_start3A_123 = tpu.memref_squeeze %dma_start3A_122 : memref<1x128xi32, #tpu.memory_space<vmem>> -> memref<128xi32, #tpu.memory_space<vmem>>
      %dma_start3A_124 = arith.constant 0 : i32
      %dma_start3A_125 = arith.constant 0 : i32
      %dma_start3A_126 = tpu.memref_slice %arg16[%dma_start3A_124, %dma_start3A_125] : memref<10240x64xf32, #tpu.memory_space<vmem_shared>> -> memref<10240x64xf32, #tpu.memory_space<vmem_shared>>
      tpu.enqueue_indirect_dma source(%arg15 : memref<128x64xf32, #tpu.memory_space<vmem>>) target(%dma_start3A_126 : memref<10240x64xf32, #tpu.memory_space<vmem_shared>>) offsets(%dma_start3A_123 : memref<128xi32, #tpu.memory_space<vmem>>) semaphore(%arg26 : memref<!tpu.dma_semaphore, #tpu.memory_space<semaphore_mem>>) {add = true}
      %scan3A = arith.constant 0 : i32
      %scan3A_127 = arith.constant 31 : i32
      %scan3A_128 = arith.addi %scan3A, %scan3A_127 : i32
      %scan3A_129 = arith.constant 1 : i32
      scf.for %scan3A_167 = %scan3A to %scan3A_128 step %scan3A_129  : i32 {
        %mul3A_168 = arith.constant 1 : i32
        %mul3A_169 = arith.muli %scan3A_167, %mul3A_168 : i32
        %add3A = arith.constant 1 : i32
        %add3A_170 = arith.addi %add3A, %mul3A_169 : i32
        %mul3A_171 = arith.constant 5 : i32
        %mul3A_172 = arith.muli %mul3A_171, %add3A_170 : i32
        %add3A_173 = arith.constant 0 : i32
        %add3A_174 = arith.addi %mul3A_172, %add3A_173 : i32
        %add3A_175 = arith.constant 1 : i32
        %add3A_176 = arith.addi %add3A_174, %add3A_175 : i32
        %lt3A = arith.constant 160 : i32
        %lt3A_177 = arith.cmpi slt, %add3A_176, %lt3A : i32
        %convert_element_type3A_178 = arith.extui %lt3A_177 : i1 to i32
        %cond3A_179 = arith.constant 0 : i32
        %cond3A_180 = arith.cmpi ne, %convert_element_type3A_178, %cond3A_179 : i32
        scf.if %cond3A_180 {
          %sub3A = arith.constant 4 : i32
          %sub3A_285 = arith.subi %add3A_174, %sub3A : i32
          %dma_wait3A_286 = arith.constant 0 : i32
          %dma_wait3A_287 = tpu.memref_slice %arg10[%sub3A_285, %dma_wait3A_286] : memref<160x128xi32, #tpu.memory_space<vmem>> -> memref<1x128xi32, #tpu.memory_space<vmem>>
          %dma_wait3A_288 = tpu.memref_squeeze %dma_wait3A_287 : memref<1x128xi32, #tpu.memory_space<vmem>> -> memref<128xi32, #tpu.memory_space<vmem>>
          %dma_wait3A_289 = arith.constant 0 : i32
          %dma_wait3A_290 = arith.constant 0 : i32
          %dma_wait3A_291 = tpu.memref_slice %arg16[%dma_wait3A_289, %dma_wait3A_290] : memref<10240x64xf32, #tpu.memory_space<vmem_shared>> -> memref<10240x64xf32, #tpu.memory_space<vmem_shared>>
          tpu.wait_indirect_dma semaphore(%arg23 : memref<!tpu.dma_semaphore, #tpu.memory_space<semaphore_mem>>) src(%arg12 : memref<128x64xf32, #tpu.memory_space<vmem>>) dst(%dma_wait3A_291 : memref<10240x64xf32, #tpu.memory_space<vmem_shared>>)
          %add3A_292 = arith.constant 1 : i32
          %add3A_293 = arith.addi %add3A_174, %add3A_292 : i32
          %dma_start3A_294 = arith.constant 0 : i32
          %dma_start3A_295 = tpu.memref_slice %arg9[%add3A_293, %dma_start3A_294] : memref<160x128xi32, #tpu.memory_space<vmem>> -> memref<1x128xi32, #tpu.memory_space<vmem>>
          %dma_start3A_296 = tpu.memref_squeeze %dma_start3A_295 : memref<1x128xi32, #tpu.memory_space<vmem>> -> memref<128xi32, #tpu.memory_space<vmem>>
          %dma_start3A_297 = arith.constant 0 : i32
          %dma_start3A_298 = arith.constant 0 : i32
          %dma_start3A_299 = tpu.memref_slice %arg2[%dma_start3A_297, %dma_start3A_298] : memref<10240x64xf32, #tpu.memory_space<hbm>> -> memref<10240x64xf32, #tpu.memory_space<hbm>>
          tpu.enqueue_indirect_dma source(%dma_start3A_299 : memref<10240x64xf32, #tpu.memory_space<hbm>>) target(%arg12 : memref<128x64xf32, #tpu.memory_space<vmem>>) offsets(%dma_start3A_296 : memref<128xi32, #tpu.memory_space<vmem>>) semaphore(%arg18 : memref<!tpu.dma_semaphore, #tpu.memory_space<semaphore_mem>>)
        } else {
        }
        %dma_wait3A_181 = arith.constant 0 : i32
        %dma_wait3A_182 = tpu.memref_slice %arg9[%add3A_174, %dma_wait3A_181] : memref<160x128xi32, #tpu.memory_space<vmem>> -> memref<1x128xi32, #tpu.memory_space<vmem>>
        %dma_wait3A_183 = tpu.memref_squeeze %dma_wait3A_182 : memref<1x128xi32, #tpu.memory_space<vmem>> -> memref<128xi32, #tpu.memory_space<vmem>>
        %dma_wait3A_184 = arith.constant 0 : i32
        %dma_wait3A_185 = arith.constant 0 : i32
        %dma_wait3A_186 = tpu.memref_slice %arg2[%dma_wait3A_184, %dma_wait3A_185] : memref<10240x64xf32, #tpu.memory_space<hbm>> -> memref<10240x64xf32, #tpu.memory_space<hbm>>
        tpu.wait_indirect_dma semaphore(%arg17 : memref<!tpu.dma_semaphore, #tpu.memory_space<semaphore_mem>>) src(%dma_wait3A_186 : memref<10240x64xf32, #tpu.memory_space<hbm>>) dst(%arg11 : memref<128x64xf32, #tpu.memory_space<vmem>>)
        %dma_start3A_187 = arith.constant 0 : i32
        %dma_start3A_188 = tpu.memref_slice %arg10[%add3A_174, %dma_start3A_187] : memref<160x128xi32, #tpu.memory_space<vmem>> -> memref<1x128xi32, #tpu.memory_space<vmem>>
        %dma_start3A_189 = tpu.memref_squeeze %dma_start3A_188 : memref<1x128xi32, #tpu.memory_space<vmem>> -> memref<128xi32, #tpu.memory_space<vmem>>
        %dma_start3A_190 = arith.constant 0 : i32
        %dma_start3A_191 = arith.constant 0 : i32
        %dma_start3A_192 = tpu.memref_slice %arg16[%dma_start3A_190, %dma_start3A_191] : memref<10240x64xf32, #tpu.memory_space<vmem_shared>> -> memref<10240x64xf32, #tpu.memory_space<vmem_shared>>
        tpu.enqueue_indirect_dma source(%arg11 : memref<128x64xf32, #tpu.memory_space<vmem>>) target(%dma_start3A_192 : memref<10240x64xf32, #tpu.memory_space<vmem_shared>>) offsets(%dma_start3A_189 : memref<128xi32, #tpu.memory_space<vmem>>) semaphore(%arg22 : memref<!tpu.dma_semaphore, #tpu.memory_space<semaphore_mem>>) {add = true}
        %mul3A_193 = arith.constant 5 : i32
        %mul3A_194 = arith.muli %mul3A_193, %add3A_170 : i32
        %add3A_195 = arith.constant 1 : i32
        %add3A_196 = arith.addi %mul3A_194, %add3A_195 : i32
        %add3A_197 = arith.constant 1 : i32
        %add3A_198 = arith.addi %add3A_196, %add3A_197 : i32
        %lt3A_199 = arith.constant 160 : i32
        %lt3A_200 = arith.cmpi slt, %add3A_198, %lt3A_199 : i32
        %convert_element_type3A_201 = arith.extui %lt3A_200 : i1 to i32
        %cond3A_202 = arith.constant 0 : i32
        %cond3A_203 = arith.cmpi ne, %convert_element_type3A_201, %cond3A_202 : i32
        scf.if %cond3A_203 {
          %sub3A = arith.constant 4 : i32
          %sub3A_285 = arith.subi %add3A_196, %sub3A : i32
          %dma_wait3A_286 = arith.constant 0 : i32
          %dma_wait3A_287 = tpu.memref_slice %arg10[%sub3A_285, %dma_wait3A_286] : memref<160x128xi32, #tpu.memory_space<vmem>> -> memref<1x128xi32, #tpu.memory_space<vmem>>
          %dma_wait3A_288 = tpu.memref_squeeze %dma_wait3A_287 : memref<1x128xi32, #tpu.memory_space<vmem>> -> memref<128xi32, #tpu.memory_space<vmem>>
          %dma_wait3A_289 = arith.constant 0 : i32
          %dma_wait3A_290 = arith.constant 0 : i32
          %dma_wait3A_291 = tpu.memref_slice %arg16[%dma_wait3A_289, %dma_wait3A_290] : memref<10240x64xf32, #tpu.memory_space<vmem_shared>> -> memref<10240x64xf32, #tpu.memory_space<vmem_shared>>
          tpu.wait_indirect_dma semaphore(%arg24 : memref<!tpu.dma_semaphore, #tpu.memory_space<semaphore_mem>>) src(%arg13 : memref<128x64xf32, #tpu.memory_space<vmem>>) dst(%dma_wait3A_291 : memref<10240x64xf32, #tpu.memory_space<vmem_shared>>)
          %add3A_292 = arith.constant 1 : i32
          %add3A_293 = arith.addi %add3A_196, %add3A_292 : i32
          %dma_start3A_294 = arith.constant 0 : i32
          %dma_start3A_295 = tpu.memref_slice %arg9[%add3A_293, %dma_start3A_294] : memref<160x128xi32, #tpu.memory_space<vmem>> -> memref<1x128xi32, #tpu.memory_space<vmem>>
          %dma_start3A_296 = tpu.memref_squeeze %dma_start3A_295 : memref<1x128xi32, #tpu.memory_space<vmem>> -> memref<128xi32, #tpu.memory_space<vmem>>
          %dma_start3A_297 = arith.constant 0 : i32
          %dma_start3A_298 = arith.constant 0 : i32
          %dma_start3A_299 = tpu.memref_slice %arg2[%dma_start3A_297, %dma_start3A_298] : memref<10240x64xf32, #tpu.memory_space<hbm>> -> memref<10240x64xf32, #tpu.memory_space<hbm>>
          tpu.enqueue_indirect_dma source(%dma_start3A_299 : memref<10240x64xf32, #tpu.memory_space<hbm>>) target(%arg13 : memref<128x64xf32, #tpu.memory_space<vmem>>) offsets(%dma_start3A_296 : memref<128xi32, #tpu.memory_space<vmem>>) semaphore(%arg19 : memref<!tpu.dma_semaphore, #tpu.memory_space<semaphore_mem>>)
        } else {
        }
        %dma_wait3A_204 = arith.constant 0 : i32
        %dma_wait3A_205 = tpu.memref_slice %arg9[%add3A_196, %dma_wait3A_204] : memref<160x128xi32, #tpu.memory_space<vmem>> -> memref<1x128xi32, #tpu.memory_space<vmem>>
        %dma_wait3A_206 = tpu.memref_squeeze %dma_wait3A_205 : memref<1x128xi32, #tpu.memory_space<vmem>> -> memref<128xi32, #tpu.memory_space<vmem>>
        %dma_wait3A_207 = arith.constant 0 : i32
        %dma_wait3A_208 = arith.constant 0 : i32
        %dma_wait3A_209 = tpu.memref_slice %arg2[%dma_wait3A_207, %dma_wait3A_208] : memref<10240x64xf32, #tpu.memory_space<hbm>> -> memref<10240x64xf32, #tpu.memory_space<hbm>>
        tpu.wait_indirect_dma semaphore(%arg18 : memref<!tpu.dma_semaphore, #tpu.memory_space<semaphore_mem>>) src(%dma_wait3A_209 : memref<10240x64xf32, #tpu.memory_space<hbm>>) dst(%arg12 : memref<128x64xf32, #tpu.memory_space<vmem>>)
        %dma_start3A_210 = arith.constant 0 : i32
        %dma_start3A_211 = tpu.memref_slice %arg10[%add3A_196, %dma_start3A_210] : memref<160x128xi32, #tpu.memory_space<vmem>> -> memref<1x128xi32, #tpu.memory_space<vmem>>
        %dma_start3A_212 = tpu.memref_squeeze %dma_start3A_211 : memref<1x128xi32, #tpu.memory_space<vmem>> -> memref<128xi32, #tpu.memory_space<vmem>>
        %dma_start3A_213 = arith.constant 0 : i32
        %dma_start3A_214 = arith.constant 0 : i32
        %dma_start3A_215 = tpu.memref_slice %arg16[%dma_start3A_213, %dma_start3A_214] : memref<10240x64xf32, #tpu.memory_space<vmem_shared>> -> memref<10240x64xf32, #tpu.memory_space<vmem_shared>>
        tpu.enqueue_indirect_dma source(%arg12 : memref<128x64xf32, #tpu.memory_space<vmem>>) target(%dma_start3A_215 : memref<10240x64xf32, #tpu.memory_space<vmem_shared>>) offsets(%dma_start3A_212 : memref<128xi32, #tpu.memory_space<vmem>>) semaphore(%arg23 : memref<!tpu.dma_semaphore, #tpu.memory_space<semaphore_mem>>) {add = true}
        %mul3A_216 = arith.constant 5 : i32
        %mul3A_217 = arith.muli %mul3A_216, %add3A_170 : i32
        %add3A_218 = arith.constant 2 : i32
        %add3A_219 = arith.addi %mul3A_217, %add3A_218 : i32
        %add3A_220 = arith.constant 1 : i32
        %add3A_221 = arith.addi %add3A_219, %add3A_220 : i32
        %lt3A_222 = arith.constant 160 : i32
        %lt3A_223 = arith.cmpi slt, %add3A_221, %lt3A_222 : i32
        %convert_element_type3A_224 = arith.extui %lt3A_223 : i1 to i32
        %cond3A_225 = arith.constant 0 : i32
        %cond3A_226 = arith.cmpi ne, %convert_element_type3A_224, %cond3A_225 : i32
        scf.if %cond3A_226 {
          %sub3A = arith.constant 4 : i32
          %sub3A_285 = arith.subi %add3A_219, %sub3A : i32
          %dma_wait3A_286 = arith.constant 0 : i32
          %dma_wait3A_287 = tpu.memref_slice %arg10[%sub3A_285, %dma_wait3A_286] : memref<160x128xi32, #tpu.memory_space<vmem>> -> memref<1x128xi32, #tpu.memory_space<vmem>>
          %dma_wait3A_288 = tpu.memref_squeeze %dma_wait3A_287 : memref<1x128xi32, #tpu.memory_space<vmem>> -> memref<128xi32, #tpu.memory_space<vmem>>
          %dma_wait3A_289 = arith.constant 0 : i32
          %dma_wait3A_290 = arith.constant 0 : i32
          %dma_wait3A_291 = tpu.memref_slice %arg16[%dma_wait3A_289, %dma_wait3A_290] : memref<10240x64xf32, #tpu.memory_space<vmem_shared>> -> memref<10240x64xf32, #tpu.memory_space<vmem_shared>>
          tpu.wait_indirect_dma semaphore(%arg25 : memref<!tpu.dma_semaphore, #tpu.memory_space<semaphore_mem>>) src(%arg14 : memref<128x64xf32, #tpu.memory_space<vmem>>) dst(%dma_wait3A_291 : memref<10240x64xf32, #tpu.memory_space<vmem_shared>>)
          %add3A_292 = arith.constant 1 : i32
          %add3A_293 = arith.addi %add3A_219, %add3A_292 : i32
          %dma_start3A_294 = arith.constant 0 : i32
          %dma_start3A_295 = tpu.memref_slice %arg9[%add3A_293, %dma_start3A_294] : memref<160x128xi32, #tpu.memory_space<vmem>> -> memref<1x128xi32, #tpu.memory_space<vmem>>
          %dma_start3A_296 = tpu.memref_squeeze %dma_start3A_295 : memref<1x128xi32, #tpu.memory_space<vmem>> -> memref<128xi32, #tpu.memory_space<vmem>>
          %dma_start3A_297 = arith.constant 0 : i32
          %dma_start3A_298 = arith.constant 0 : i32
          %dma_start3A_299 = tpu.memref_slice %arg2[%dma_start3A_297, %dma_start3A_298] : memref<10240x64xf32, #tpu.memory_space<hbm>> -> memref<10240x64xf32, #tpu.memory_space<hbm>>
          tpu.enqueue_indirect_dma source(%dma_start3A_299 : memref<10240x64xf32, #tpu.memory_space<hbm>>) target(%arg14 : memref<128x64xf32, #tpu.memory_space<vmem>>) offsets(%dma_start3A_296 : memref<128xi32, #tpu.memory_space<vmem>>) semaphore(%arg20 : memref<!tpu.dma_semaphore, #tpu.memory_space<semaphore_mem>>)
        } else {
        }
        %dma_wait3A_227 = arith.constant 0 : i32
        %dma_wait3A_228 = tpu.memref_slice %arg9[%add3A_219, %dma_wait3A_227] : memref<160x128xi32, #tpu.memory_space<vmem>> -> memref<1x128xi32, #tpu.memory_space<vmem>>
        %dma_wait3A_229 = tpu.memref_squeeze %dma_wait3A_228 : memref<1x128xi32, #tpu.memory_space<vmem>> -> memref<128xi32, #tpu.memory_space<vmem>>
        %dma_wait3A_230 = arith.constant 0 : i32
        %dma_wait3A_231 = arith.constant 0 : i32
        %dma_wait3A_232 = tpu.memref_slice %arg2[%dma_wait3A_230, %dma_wait3A_231] : memref<10240x64xf32, #tpu.memory_space<hbm>> -> memref<10240x64xf32, #tpu.memory_space<hbm>>
        tpu.wait_indirect_dma semaphore(%arg19 : memref<!tpu.dma_semaphore, #tpu.memory_space<semaphore_mem>>) src(%dma_wait3A_232 : memref<10240x64xf32, #tpu.memory_space<hbm>>) dst(%arg13 : memref<128x64xf32, #tpu.memory_space<vmem>>)
        %dma_start3A_233 = arith.constant 0 : i32
        %dma_start3A_234 = tpu.memref_slice %arg10[%add3A_219, %dma_start3A_233] : memref<160x128xi32, #tpu.memory_space<vmem>> -> memref<1x128xi32, #tpu.memory_space<vmem>>
        %dma_start3A_235 = tpu.memref_squeeze %dma_start3A_234 : memref<1x128xi32, #tpu.memory_space<vmem>> -> memref<128xi32, #tpu.memory_space<vmem>>
        %dma_start3A_236 = arith.constant 0 : i32
        %dma_start3A_237 = arith.constant 0 : i32
        %dma_start3A_238 = tpu.memref_slice %arg16[%dma_start3A_236, %dma_start3A_237] : memref<10240x64xf32, #tpu.memory_space<vmem_shared>> -> memref<10240x64xf32, #tpu.memory_space<vmem_shared>>
        tpu.enqueue_indirect_dma source(%arg13 : memref<128x64xf32, #tpu.memory_space<vmem>>) target(%dma_start3A_238 : memref<10240x64xf32, #tpu.memory_space<vmem_shared>>) offsets(%dma_start3A_235 : memref<128xi32, #tpu.memory_space<vmem>>) semaphore(%arg24 : memref<!tpu.dma_semaphore, #tpu.memory_space<semaphore_mem>>) {add = true}
        %mul3A_239 = arith.constant 5 : i32
        %mul3A_240 = arith.muli %mul3A_239, %add3A_170 : i32
        %add3A_241 = arith.constant 3 : i32
        %add3A_242 = arith.addi %mul3A_240, %add3A_241 : i32
        %add3A_243 = arith.constant 1 : i32
        %add3A_244 = arith.addi %add3A_242, %add3A_243 : i32
        %lt3A_245 = arith.constant 160 : i32
        %lt3A_246 = arith.cmpi slt, %add3A_244, %lt3A_245 : i32
        %convert_element_type3A_247 = arith.extui %lt3A_246 : i1 to i32
        %cond3A_248 = arith.constant 0 : i32
        %cond3A_249 = arith.cmpi ne, %convert_element_type3A_247, %cond3A_248 : i32
        scf.if %cond3A_249 {
          %sub3A = arith.constant 4 : i32
          %sub3A_285 = arith.subi %add3A_242, %sub3A : i32
          %dma_wait3A_286 = arith.constant 0 : i32
          %dma_wait3A_287 = tpu.memref_slice %arg10[%sub3A_285, %dma_wait3A_286] : memref<160x128xi32, #tpu.memory_space<vmem>> -> memref<1x128xi32, #tpu.memory_space<vmem>>
          %dma_wait3A_288 = tpu.memref_squeeze %dma_wait3A_287 : memref<1x128xi32, #tpu.memory_space<vmem>> -> memref<128xi32, #tpu.memory_space<vmem>>
          %dma_wait3A_289 = arith.constant 0 : i32
          %dma_wait3A_290 = arith.constant 0 : i32
          %dma_wait3A_291 = tpu.memref_slice %arg16[%dma_wait3A_289, %dma_wait3A_290] : memref<10240x64xf32, #tpu.memory_space<vmem_shared>> -> memref<10240x64xf32, #tpu.memory_space<vmem_shared>>
          tpu.wait_indirect_dma semaphore(%arg26 : memref<!tpu.dma_semaphore, #tpu.memory_space<semaphore_mem>>) src(%arg15 : memref<128x64xf32, #tpu.memory_space<vmem>>) dst(%dma_wait3A_291 : memref<10240x64xf32, #tpu.memory_space<vmem_shared>>)
          %add3A_292 = arith.constant 1 : i32
          %add3A_293 = arith.addi %add3A_242, %add3A_292 : i32
          %dma_start3A_294 = arith.constant 0 : i32
          %dma_start3A_295 = tpu.memref_slice %arg9[%add3A_293, %dma_start3A_294] : memref<160x128xi32, #tpu.memory_space<vmem>> -> memref<1x128xi32, #tpu.memory_space<vmem>>
          %dma_start3A_296 = tpu.memref_squeeze %dma_start3A_295 : memref<1x128xi32, #tpu.memory_space<vmem>> -> memref<128xi32, #tpu.memory_space<vmem>>
          %dma_start3A_297 = arith.constant 0 : i32
          %dma_start3A_298 = arith.constant 0 : i32
          %dma_start3A_299 = tpu.memref_slice %arg2[%dma_start3A_297, %dma_start3A_298] : memref<10240x64xf32, #tpu.memory_space<hbm>> -> memref<10240x64xf32, #tpu.memory_space<hbm>>
          tpu.enqueue_indirect_dma source(%dma_start3A_299 : memref<10240x64xf32, #tpu.memory_space<hbm>>) target(%arg15 : memref<128x64xf32, #tpu.memory_space<vmem>>) offsets(%dma_start3A_296 : memref<128xi32, #tpu.memory_space<vmem>>) semaphore(%arg21 : memref<!tpu.dma_semaphore, #tpu.memory_space<semaphore_mem>>)
        } else {
        }
        %dma_wait3A_250 = arith.constant 0 : i32
        %dma_wait3A_251 = tpu.memref_slice %arg9[%add3A_242, %dma_wait3A_250] : memref<160x128xi32, #tpu.memory_space<vmem>> -> memref<1x128xi32, #tpu.memory_space<vmem>>
        %dma_wait3A_252 = tpu.memref_squeeze %dma_wait3A_251 : memref<1x128xi32, #tpu.memory_space<vmem>> -> memref<128xi32, #tpu.memory_space<vmem>>
        %dma_wait3A_253 = arith.constant 0 : i32
        %dma_wait3A_254 = arith.constant 0 : i32
        %dma_wait3A_255 = tpu.memref_slice %arg2[%dma_wait3A_253, %dma_wait3A_254] : memref<10240x64xf32, #tpu.memory_space<hbm>> -> memref<10240x64xf32, #tpu.memory_space<hbm>>
        tpu.wait_indirect_dma semaphore(%arg20 : memref<!tpu.dma_semaphore, #tpu.memory_space<semaphore_mem>>) src(%dma_wait3A_255 : memref<10240x64xf32, #tpu.memory_space<hbm>>) dst(%arg14 : memref<128x64xf32, #tpu.memory_space<vmem>>)
        %dma_start3A_256 = arith.constant 0 : i32
        %dma_start3A_257 = tpu.memref_slice %arg10[%add3A_242, %dma_start3A_256] : memref<160x128xi32, #tpu.memory_space<vmem>> -> memref<1x128xi32, #tpu.memory_space<vmem>>
        %dma_start3A_258 = tpu.memref_squeeze %dma_start3A_257 : memref<1x128xi32, #tpu.memory_space<vmem>> -> memref<128xi32, #tpu.memory_space<vmem>>
        %dma_start3A_259 = arith.constant 0 : i32
        %dma_start3A_260 = arith.constant 0 : i32
        %dma_start3A_261 = tpu.memref_slice %arg16[%dma_start3A_259, %dma_start3A_260] : memref<10240x64xf32, #tpu.memory_space<vmem_shared>> -> memref<10240x64xf32, #tpu.memory_space<vmem_shared>>
        tpu.enqueue_indirect_dma source(%arg14 : memref<128x64xf32, #tpu.memory_space<vmem>>) target(%dma_start3A_261 : memref<10240x64xf32, #tpu.memory_space<vmem_shared>>) offsets(%dma_start3A_258 : memref<128xi32, #tpu.memory_space<vmem>>) semaphore(%arg25 : memref<!tpu.dma_semaphore, #tpu.memory_space<semaphore_mem>>) {add = true}
        %mul3A_262 = arith.constant 5 : i32
        %mul3A_263 = arith.muli %mul3A_262, %add3A_170 : i32
        %add3A_264 = arith.constant 4 : i32
        %add3A_265 = arith.addi %mul3A_263, %add3A_264 : i32
        %add3A_266 = arith.constant 1 : i32
        %add3A_267 = arith.addi %add3A_265, %add3A_266 : i32
        %lt3A_268 = arith.constant 160 : i32
        %lt3A_269 = arith.cmpi slt, %add3A_267, %lt3A_268 : i32
        %convert_element_type3A_270 = arith.extui %lt3A_269 : i1 to i32
        %cond3A_271 = arith.constant 0 : i32
        %cond3A_272 = arith.cmpi ne, %convert_element_type3A_270, %cond3A_271 : i32
        scf.if %cond3A_272 {
          %sub3A = arith.constant 4 : i32
          %sub3A_285 = arith.subi %add3A_265, %sub3A : i32
          %dma_wait3A_286 = arith.constant 0 : i32
          %dma_wait3A_287 = tpu.memref_slice %arg10[%sub3A_285, %dma_wait3A_286] : memref<160x128xi32, #tpu.memory_space<vmem>> -> memref<1x128xi32, #tpu.memory_space<vmem>>
          %dma_wait3A_288 = tpu.memref_squeeze %dma_wait3A_287 : memref<1x128xi32, #tpu.memory_space<vmem>> -> memref<128xi32, #tpu.memory_space<vmem>>
          %dma_wait3A_289 = arith.constant 0 : i32
          %dma_wait3A_290 = arith.constant 0 : i32
          %dma_wait3A_291 = tpu.memref_slice %arg16[%dma_wait3A_289, %dma_wait3A_290] : memref<10240x64xf32, #tpu.memory_space<vmem_shared>> -> memref<10240x64xf32, #tpu.memory_space<vmem_shared>>
          tpu.wait_indirect_dma semaphore(%arg22 : memref<!tpu.dma_semaphore, #tpu.memory_space<semaphore_mem>>) src(%arg11 : memref<128x64xf32, #tpu.memory_space<vmem>>) dst(%dma_wait3A_291 : memref<10240x64xf32, #tpu.memory_space<vmem_shared>>)
          %add3A_292 = arith.constant 1 : i32
          %add3A_293 = arith.addi %add3A_265, %add3A_292 : i32
          %dma_start3A_294 = arith.constant 0 : i32
          %dma_start3A_295 = tpu.memref_slice %arg9[%add3A_293, %dma_start3A_294] : memref<160x128xi32, #tpu.memory_space<vmem>> -> memref<1x128xi32, #tpu.memory_space<vmem>>
          %dma_start3A_296 = tpu.memref_squeeze %dma_start3A_295 : memref<1x128xi32, #tpu.memory_space<vmem>> -> memref<128xi32, #tpu.memory_space<vmem>>
          %dma_start3A_297 = arith.constant 0 : i32
          %dma_start3A_298 = arith.constant 0 : i32
          %dma_start3A_299 = tpu.memref_slice %arg2[%dma_start3A_297, %dma_start3A_298] : memref<10240x64xf32, #tpu.memory_space<hbm>> -> memref<10240x64xf32, #tpu.memory_space<hbm>>
          tpu.enqueue_indirect_dma source(%dma_start3A_299 : memref<10240x64xf32, #tpu.memory_space<hbm>>) target(%arg11 : memref<128x64xf32, #tpu.memory_space<vmem>>) offsets(%dma_start3A_296 : memref<128xi32, #tpu.memory_space<vmem>>) semaphore(%arg17 : memref<!tpu.dma_semaphore, #tpu.memory_space<semaphore_mem>>)
        } else {
        }
        %dma_wait3A_273 = arith.constant 0 : i32
        %dma_wait3A_274 = tpu.memref_slice %arg9[%add3A_265, %dma_wait3A_273] : memref<160x128xi32, #tpu.memory_space<vmem>> -> memref<1x128xi32, #tpu.memory_space<vmem>>
        %dma_wait3A_275 = tpu.memref_squeeze %dma_wait3A_274 : memref<1x128xi32, #tpu.memory_space<vmem>> -> memref<128xi32, #tpu.memory_space<vmem>>
        %dma_wait3A_276 = arith.constant 0 : i32
        %dma_wait3A_277 = arith.constant 0 : i32
        %dma_wait3A_278 = tpu.memref_slice %arg2[%dma_wait3A_276, %dma_wait3A_277] : memref<10240x64xf32, #tpu.memory_space<hbm>> -> memref<10240x64xf32, #tpu.memory_space<hbm>>
        tpu.wait_indirect_dma semaphore(%arg21 : memref<!tpu.dma_semaphore, #tpu.memory_space<semaphore_mem>>) src(%dma_wait3A_278 : memref<10240x64xf32, #tpu.memory_space<hbm>>) dst(%arg15 : memref<128x64xf32, #tpu.memory_space<vmem>>)
        %dma_start3A_279 = arith.constant 0 : i32
        %dma_start3A_280 = tpu.memref_slice %arg10[%add3A_265, %dma_start3A_279] : memref<160x128xi32, #tpu.memory_space<vmem>> -> memref<1x128xi32, #tpu.memory_space<vmem>>
        %dma_start3A_281 = tpu.memref_squeeze %dma_start3A_280 : memref<1x128xi32, #tpu.memory_space<vmem>> -> memref<128xi32, #tpu.memory_space<vmem>>
        %dma_start3A_282 = arith.constant 0 : i32
        %dma_start3A_283 = arith.constant 0 : i32
        %dma_start3A_284 = tpu.memref_slice %arg16[%dma_start3A_282, %dma_start3A_283] : memref<10240x64xf32, #tpu.memory_space<vmem_shared>> -> memref<10240x64xf32, #tpu.memory_space<vmem_shared>>
        tpu.enqueue_indirect_dma source(%arg15 : memref<128x64xf32, #tpu.memory_space<vmem>>) target(%dma_start3A_284 : memref<10240x64xf32, #tpu.memory_space<vmem_shared>>) offsets(%dma_start3A_281 : memref<128xi32, #tpu.memory_space<vmem>>) semaphore(%arg26 : memref<!tpu.dma_semaphore, #tpu.memory_space<semaphore_mem>>) {add = true}
      }
      %scan3A_130 = arith.constant 31 : i32
      %dma_wait3A_131 = arith.constant 155 : i32
      %dma_wait3A_132 = arith.constant 0 : i32
      %dma_wait3A_133 = tpu.memref_slice %arg10[%dma_wait3A_131, %dma_wait3A_132] : memref<160x128xi32, #tpu.memory_space<vmem>> -> memref<1x128xi32, #tpu.memory_space<vmem>>
      %dma_wait3A_134 = tpu.memref_squeeze %dma_wait3A_133 : memref<1x128xi32, #tpu.memory_space<vmem>> -> memref<128xi32, #tpu.memory_space<vmem>>
      %dma_wait3A_135 = arith.constant 0 : i32
      %dma_wait3A_136 = arith.constant 0 : i32
      %dma_wait3A_137 = tpu.memref_slice %arg16[%dma_wait3A_135, %dma_wait3A_136] : memref<10240x64xf32, #tpu.memory_space<vmem_shared>> -> memref<10240x64xf32, #tpu.memory_space<vmem_shared>>
      tpu.wait_indirect_dma semaphore(%arg22 : memref<!tpu.dma_semaphore, #tpu.memory_space<semaphore_mem>>) src(%arg11 : memref<128x64xf32, #tpu.memory_space<vmem>>) dst(%dma_wait3A_137 : memref<10240x64xf32, #tpu.memory_space<vmem_shared>>)
      %dma_wait3A_138 = arith.constant 156 : i32
      %dma_wait3A_139 = arith.constant 0 : i32
      %dma_wait3A_140 = tpu.memref_slice %arg10[%dma_wait3A_138, %dma_wait3A_139] : memref<160x128xi32, #tpu.memory_space<vmem>> -> memref<1x128xi32, #tpu.memory_space<vmem>>
      %dma_wait3A_141 = tpu.memref_squeeze %dma_wait3A_140 : memref<1x128xi32, #tpu.memory_space<vmem>> -> memref<128xi32, #tpu.memory_space<vmem>>
      %dma_wait3A_142 = arith.constant 0 : i32
      %dma_wait3A_143 = arith.constant 0 : i32
      %dma_wait3A_144 = tpu.memref_slice %arg16[%dma_wait3A_142, %dma_wait3A_143] : memref<10240x64xf32, #tpu.memory_space<vmem_shared>> -> memref<10240x64xf32, #tpu.memory_space<vmem_shared>>
      tpu.wait_indirect_dma semaphore(%arg23 : memref<!tpu.dma_semaphore, #tpu.memory_space<semaphore_mem>>) src(%arg12 : memref<128x64xf32, #tpu.memory_space<vmem>>) dst(%dma_wait3A_144 : memref<10240x64xf32, #tpu.memory_space<vmem_shared>>)
      %dma_wait3A_145 = arith.constant 157 : i32
      %dma_wait3A_146 = arith.constant 0 : i32
      %dma_wait3A_147 = tpu.memref_slice %arg10[%dma_wait3A_145, %dma_wait3A_146] : memref<160x128xi32, #tpu.memory_space<vmem>> -> memref<1x128xi32, #tpu.memory_space<vmem>>
      %dma_wait3A_148 = tpu.memref_squeeze %dma_wait3A_147 : memref<1x128xi32, #tpu.memory_space<vmem>> -> memref<128xi32, #tpu.memory_space<vmem>>
      %dma_wait3A_149 = arith.constant 0 : i32
      %dma_wait3A_150 = arith.constant 0 : i32
      %dma_wait3A_151 = tpu.memref_slice %arg16[%dma_wait3A_149, %dma_wait3A_150] : memref<10240x64xf32, #tpu.memory_space<vmem_shared>> -> memref<10240x64xf32, #tpu.memory_space<vmem_shared>>
      tpu.wait_indirect_dma semaphore(%arg24 : memref<!tpu.dma_semaphore, #tpu.memory_space<semaphore_mem>>) src(%arg13 : memref<128x64xf32, #tpu.memory_space<vmem>>) dst(%dma_wait3A_151 : memref<10240x64xf32, #tpu.memory_space<vmem_shared>>)
      %dma_wait3A_152 = arith.constant 158 : i32
      %dma_wait3A_153 = arith.constant 0 : i32
      %dma_wait3A_154 = tpu.memref_slice %arg10[%dma_wait3A_152, %dma_wait3A_153] : memref<160x128xi32, #tpu.memory_space<vmem>> -> memref<1x128xi32, #tpu.memory_space<vmem>>
      %dma_wait3A_155 = tpu.memref_squeeze %dma_wait3A_154 : memref<1x128xi32, #tpu.memory_space<vmem>> -> memref<128xi32, #tpu.memory_space<vmem>>
      %dma_wait3A_156 = arith.constant 0 : i32
      %dma_wait3A_157 = arith.constant 0 : i32
      %dma_wait3A_158 = tpu.memref_slice %arg16[%dma_wait3A_156, %dma_wait3A_157] : memref<10240x64xf32, #tpu.memory_space<vmem_shared>> -> memref<10240x64xf32, #tpu.memory_space<vmem_shared>>
      tpu.wait_indirect_dma semaphore(%arg25 : memref<!tpu.dma_semaphore, #tpu.memory_space<semaphore_mem>>) src(%arg14 : memref<128x64xf32, #tpu.memory_space<vmem>>) dst(%dma_wait3A_158 : memref<10240x64xf32, #tpu.memory_space<vmem_shared>>)
      %dma_wait3A_159 = arith.constant 159 : i32
      %dma_wait3A_160 = arith.constant 0 : i32
      %dma_wait3A_161 = tpu.memref_slice %arg10[%dma_wait3A_159, %dma_wait3A_160] : memref<160x128xi32, #tpu.memory_space<vmem>> -> memref<1x128xi32, #tpu.memory_space<vmem>>
      %dma_wait3A_162 = tpu.memref_squeeze %dma_wait3A_161 : memref<1x128xi32, #tpu.memory_space<vmem>> -> memref<128xi32, #tpu.memory_space<vmem>>
      %dma_wait3A_163 = arith.constant 0 : i32
      %dma_wait3A_164 = arith.constant 0 : i32
      %dma_wait3A_165 = tpu.memref_slice %arg16[%dma_wait3A_163, %dma_wait3A_164] : memref<10240x64xf32, #tpu.memory_space<vmem_shared>> -> memref<10240x64xf32, #tpu.memory_space<vmem_shared>>
      tpu.wait_indirect_dma semaphore(%arg26 : memref<!tpu.dma_semaphore, #tpu.memory_space<semaphore_mem>>) src(%arg15 : memref<128x64xf32, #tpu.memory_space<vmem>>) dst(%dma_wait3A_165 : memref<10240x64xf32, #tpu.memory_space<vmem_shared>>)
      %barrier3A_166 = arith.constant 0 : index
      tpu.barrier barrier_id(%barrier3A_166)
      "tpu.region"() ({
        %run_scoped3A = tpu.sem_alloc : memref<!tpu.dma_semaphore, #tpu.memory_space<semaphore_mem>>
        %dma_start3A_167 = arith.constant 0 : i32
        %dma_start3A_168 = tpu.memref_slice %arg7[%mul3A_0, %dma_start3A_167] : memref<10240x64xf32, #tpu.memory_space<hbm>> -> memref<640x64xf32, #tpu.memory_space<hbm>>
        %dma_start3A_169 = arith.constant 0 : i32
        %dma_start3A_170 = tpu.memref_slice %arg16[%mul3A_0, %dma_start3A_169] : memref<10240x64xf32, #tpu.memory_space<vmem_shared>> -> memref<640x64xf32, #tpu.memory_space<vmem_shared>>
        tpu.enqueue_dma source(%dma_start3A_170 : memref<640x64xf32, #tpu.memory_space<vmem_shared>>) target(%dma_start3A_168 : memref<640x64xf32, #tpu.memory_space<hbm>>) target_semaphore(%run_scoped3A : memref<!tpu.dma_semaphore, #tpu.memory_space<semaphore_mem>>)
        %dma_wait3A_171 = arith.constant 0 : i32
        %dma_wait3A_172 = tpu.memref_slice %arg7[%mul3A_0, %dma_wait3A_171] : memref<10240x64xf32, #tpu.memory_space<hbm>> -> memref<640x64xf32, #tpu.memory_space<hbm>>
        %dma_wait3A_173 = arith.constant 0 : i32
        %dma_wait3A_174 = tpu.memref_slice %arg16[%mul3A_0, %dma_wait3A_173] : memref<10240x64xf32, #tpu.memory_space<vmem_shared>> -> memref<640x64xf32, #tpu.memory_space<vmem_shared>>
        tpu.wait_dma2 semaphore(%run_scoped3A : memref<!tpu.dma_semaphore, #tpu.memory_space<semaphore_mem>>) src(%dma_wait3A_174 : memref<640x64xf32, #tpu.memory_space<vmem_shared>>) dst(%dma_wait3A_172 : memref<640x64xf32, #tpu.memory_space<hbm>>)
        tpu.yield
      }) : () -> ()
    } else {
    }
    %eq3A_5 = arith.constant 1 : i32
    %eq3A_6 = arith.cmpi eq, %arg0, %eq3A_5 : i32
    %convert_element_type3A_7 = arith.extui %eq3A_6 : i1 to i32
    %cond3A_8 = arith.constant 0 : i32
    %cond3A_9 = arith.cmpi ne, %convert_element_type3A_7, %cond3A_8 : i32
    scf.if %cond3A_9 {
      "tpu.region"() ({
        %run_scoped3A = tpu.sem_alloc : memref<!tpu.dma_semaphore, #tpu.memory_space<semaphore_mem>>
        %dma_start3A_167 = arith.constant 0 : i32
        %dma_start3A_168 = tpu.memref_slice %arg4[%mul3A_2, %dma_start3A_167] : memref<2560x128xi32, #tpu.memory_space<hbm>> -> memref<160x128xi32, #tpu.memory_space<hbm>>
        %dma_start3A_169 = arith.constant 0 : i32
        %dma_start3A_170 = tpu.memref_slice %arg4[%mul3A_2, %dma_start3A_169] : memref<2560x128xi32, #tpu.memory_space<hbm>> -> memref<160x128xi32, #tpu.memory_space<hbm>>
        tpu.enqueue_dma source(%dma_start3A_170 : memref<160x128xi32, #tpu.memory_space<hbm>>) target(%arg9 : memref<160x128xi32, #tpu.memory_space<vmem>>) target_semaphore(%run_scoped3A : memref<!tpu.dma_semaphore, #tpu.memory_space<semaphore_mem>>)
        %dma_wait3A_171 = arith.constant 0 : i32
        %dma_wait3A_172 = tpu.memref_slice %arg4[%mul3A_2, %dma_wait3A_171] : memref<2560x128xi32, #tpu.memory_space<hbm>> -> memref<160x128xi32, #tpu.memory_space<hbm>>
        %dma_wait3A_173 = arith.constant 0 : i32
        %dma_wait3A_174 = tpu.memref_slice %arg4[%mul3A_2, %dma_wait3A_173] : memref<2560x128xi32, #tpu.memory_space<hbm>> -> memref<160x128xi32, #tpu.memory_space<hbm>>
        tpu.wait_dma2 semaphore(%run_scoped3A : memref<!tpu.dma_semaphore, #tpu.memory_space<semaphore_mem>>) src(%dma_wait3A_174 : memref<160x128xi32, #tpu.memory_space<hbm>>) dst(%arg9 : memref<160x128xi32, #tpu.memory_space<vmem>>)
        tpu.yield
      }) : () -> ()
      "tpu.region"() ({
        %run_scoped3A = tpu.sem_alloc : memref<!tpu.dma_semaphore, #tpu.memory_space<semaphore_mem>>
        %dma_start3A_167 = arith.constant 0 : i32
        %dma_start3A_168 = tpu.memref_slice %arg5[%mul3A_2, %dma_start3A_167] : memref<2560x128xi32, #tpu.memory_space<hbm>> -> memref<160x128xi32, #tpu.memory_space<hbm>>
        %dma_start3A_169 = arith.constant 0 : i32
        %dma_start3A_170 = tpu.memref_slice %arg5[%mul3A_2, %dma_start3A_169] : memref<2560x128xi32, #tpu.memory_space<hbm>> -> memref<160x128xi32, #tpu.memory_space<hbm>>
        tpu.enqueue_dma source(%dma_start3A_170 : memref<160x128xi32, #tpu.memory_space<hbm>>) target(%arg10 : memref<160x128xi32, #tpu.memory_space<vmem>>) target_semaphore(%run_scoped3A : memref<!tpu.dma_semaphore, #tpu.memory_space<semaphore_mem>>)
        %dma_wait3A_171 = arith.constant 0 : i32
        %dma_wait3A_172 = tpu.memref_slice %arg5[%mul3A_2, %dma_wait3A_171] : memref<2560x128xi32, #tpu.memory_space<hbm>> -> memref<160x128xi32, #tpu.memory_space<hbm>>
        %dma_wait3A_173 = arith.constant 0 : i32
        %dma_wait3A_174 = tpu.memref_slice %arg5[%mul3A_2, %dma_wait3A_173] : memref<2560x128xi32, #tpu.memory_space<hbm>> -> memref<160x128xi32, #tpu.memory_space<hbm>>
        tpu.wait_dma2 semaphore(%run_scoped3A : memref<!tpu.dma_semaphore, #tpu.memory_space<semaphore_mem>>) src(%dma_wait3A_174 : memref<160x128xi32, #tpu.memory_space<hbm>>) dst(%arg10 : memref<160x128xi32, #tpu.memory_space<vmem>>)
        tpu.yield
      }) : () -> ()
      "tpu.region"() ({
        %run_scoped3A = tpu.sem_alloc : memref<!tpu.dma_semaphore, #tpu.memory_space<semaphore_mem>>
        %dma_start3A_167 = arith.constant 0 : i32
        %dma_start3A_168 = tpu.memref_slice %arg16[%mul3A_0, %dma_start3A_167] : memref<10240x64xf32, #tpu.memory_space<vmem_shared>> -> memref<640x64xf32, #tpu.memory_space<vmem_shared>>
        %dma_start3A_169 = arith.constant 0 : i32
        %dma_start3A_170 = tpu.memref_slice %arg6[%mul3A_0, %dma_start3A_169] : memref<10240x64xf32, #tpu.memory_space<hbm>> -> memref<640x64xf32, #tpu.memory_space<hbm>>
        tpu.enqueue_dma source(%dma_start3A_170 : memref<640x64xf32, #tpu.memory_space<hbm>>) target(%dma_start3A_168 : memref<640x64xf32, #tpu.memory_space<vmem_shared>>) target_semaphore(%run_scoped3A : memref<!tpu.dma_semaphore, #tpu.memory_space<semaphore_mem>>)
        %dma_wait3A_171 = arith.constant 0 : i32
        %dma_wait3A_172 = tpu.memref_slice %arg16[%mul3A_0, %dma_wait3A_171] : memref<10240x64xf32, #tpu.memory_space<vmem_shared>> -> memref<640x64xf32, #tpu.memory_space<vmem_shared>>
        %dma_wait3A_173 = arith.constant 0 : i32
        %dma_wait3A_174 = tpu.memref_slice %arg6[%mul3A_0, %dma_wait3A_173] : memref<10240x64xf32, #tpu.memory_space<hbm>> -> memref<640x64xf32, #tpu.memory_space<hbm>>
        tpu.wait_dma2 semaphore(%run_scoped3A : memref<!tpu.dma_semaphore, #tpu.memory_space<semaphore_mem>>) src(%dma_wait3A_174 : memref<640x64xf32, #tpu.memory_space<hbm>>) dst(%dma_wait3A_172 : memref<640x64xf32, #tpu.memory_space<vmem_shared>>)
        tpu.yield
      }) : () -> ()
      %barrier3A = arith.constant 0 : index
      tpu.barrier barrier_id(%barrier3A)
      %dma_start3A = arith.constant 0 : i32
      %dma_start3A_10 = arith.constant 0 : i32
      %dma_start3A_11 = tpu.memref_slice %arg9[%dma_start3A, %dma_start3A_10] : memref<160x128xi32, #tpu.memory_space<vmem>> -> memref<1x128xi32, #tpu.memory_space<vmem>>
      %dma_start3A_12 = tpu.memref_squeeze %dma_start3A_11 : memref<1x128xi32, #tpu.memory_space<vmem>> -> memref<128xi32, #tpu.memory_space<vmem>>
      %dma_start3A_13 = arith.constant 0 : i32
      %dma_start3A_14 = arith.constant 0 : i32
      %dma_start3A_15 = tpu.memref_slice %arg3[%dma_start3A_13, %dma_start3A_14] : memref<10240x64xf32, #tpu.memory_space<hbm>> -> memref<10240x64xf32, #tpu.memory_space<hbm>>
      tpu.enqueue_indirect_dma source(%dma_start3A_15 : memref<10240x64xf32, #tpu.memory_space<hbm>>) target(%arg11 : memref<128x64xf32, #tpu.memory_space<vmem>>) offsets(%dma_start3A_12 : memref<128xi32, #tpu.memory_space<vmem>>) semaphore(%arg17 : memref<!tpu.dma_semaphore, #tpu.memory_space<semaphore_mem>>)
      %dma_start3A_16 = arith.constant 1 : i32
      %dma_start3A_17 = arith.constant 0 : i32
      %dma_start3A_18 = tpu.memref_slice %arg9[%dma_start3A_16, %dma_start3A_17] : memref<160x128xi32, #tpu.memory_space<vmem>> -> memref<1x128xi32, #tpu.memory_space<vmem>>
      %dma_start3A_19 = tpu.memref_squeeze %dma_start3A_18 : memref<1x128xi32, #tpu.memory_space<vmem>> -> memref<128xi32, #tpu.memory_space<vmem>>
      %dma_start3A_20 = arith.constant 0 : i32
      %dma_start3A_21 = arith.constant 0 : i32
      %dma_start3A_22 = tpu.memref_slice %arg3[%dma_start3A_20, %dma_start3A_21] : memref<10240x64xf32, #tpu.memory_space<hbm>> -> memref<10240x64xf32, #tpu.memory_space<hbm>>
      tpu.enqueue_indirect_dma source(%dma_start3A_22 : memref<10240x64xf32, #tpu.memory_space<hbm>>) target(%arg12 : memref<128x64xf32, #tpu.memory_space<vmem>>) offsets(%dma_start3A_19 : memref<128xi32, #tpu.memory_space<vmem>>) semaphore(%arg18 : memref<!tpu.dma_semaphore, #tpu.memory_space<semaphore_mem>>)
      %dma_wait3A = arith.constant 0 : i32
      %dma_wait3A_23 = arith.constant 0 : i32
      %dma_wait3A_24 = tpu.memref_slice %arg9[%dma_wait3A, %dma_wait3A_23] : memref<160x128xi32, #tpu.memory_space<vmem>> -> memref<1x128xi32, #tpu.memory_space<vmem>>
      %dma_wait3A_25 = tpu.memref_squeeze %dma_wait3A_24 : memref<1x128xi32, #tpu.memory_space<vmem>> -> memref<128xi32, #tpu.memory_space<vmem>>
      %dma_wait3A_26 = arith.constant 0 : i32
      %dma_wait3A_27 = arith.constant 0 : i32
      %dma_wait3A_28 = tpu.memref_slice %arg3[%dma_wait3A_26, %dma_wait3A_27] : memref<10240x64xf32, #tpu.memory_space<hbm>> -> memref<10240x64xf32, #tpu.memory_space<hbm>>
      tpu.wait_indirect_dma semaphore(%arg17 : memref<!tpu.dma_semaphore, #tpu.memory_space<semaphore_mem>>) src(%dma_wait3A_28 : memref<10240x64xf32, #tpu.memory_space<hbm>>) dst(%arg11 : memref<128x64xf32, #tpu.memory_space<vmem>>)
      %dma_start3A_29 = arith.constant 0 : i32
      %dma_start3A_30 = arith.constant 0 : i32
      %dma_start3A_31 = tpu.memref_slice %arg10[%dma_start3A_29, %dma_start3A_30] : memref<160x128xi32, #tpu.memory_space<vmem>> -> memref<1x128xi32, #tpu.memory_space<vmem>>
      %dma_start3A_32 = tpu.memref_squeeze %dma_start3A_31 : memref<1x128xi32, #tpu.memory_space<vmem>> -> memref<128xi32, #tpu.memory_space<vmem>>
      %dma_start3A_33 = arith.constant 0 : i32
      %dma_start3A_34 = arith.constant 0 : i32
      %dma_start3A_35 = tpu.memref_slice %arg16[%dma_start3A_33, %dma_start3A_34] : memref<10240x64xf32, #tpu.memory_space<vmem_shared>> -> memref<10240x64xf32, #tpu.memory_space<vmem_shared>>
      tpu.enqueue_indirect_dma source(%arg11 : memref<128x64xf32, #tpu.memory_space<vmem>>) target(%dma_start3A_35 : memref<10240x64xf32, #tpu.memory_space<vmem_shared>>) offsets(%dma_start3A_32 : memref<128xi32, #tpu.memory_space<vmem>>) semaphore(%arg22 : memref<!tpu.dma_semaphore, #tpu.memory_space<semaphore_mem>>) {add = true}
      %dma_start3A_36 = arith.constant 2 : i32
      %dma_start3A_37 = arith.constant 0 : i32
      %dma_start3A_38 = tpu.memref_slice %arg9[%dma_start3A_36, %dma_start3A_37] : memref<160x128xi32, #tpu.memory_space<vmem>> -> memref<1x128xi32, #tpu.memory_space<vmem>>
      %dma_start3A_39 = tpu.memref_squeeze %dma_start3A_38 : memref<1x128xi32, #tpu.memory_space<vmem>> -> memref<128xi32, #tpu.memory_space<vmem>>
      %dma_start3A_40 = arith.constant 0 : i32
      %dma_start3A_41 = arith.constant 0 : i32
      %dma_start3A_42 = tpu.memref_slice %arg3[%dma_start3A_40, %dma_start3A_41] : memref<10240x64xf32, #tpu.memory_space<hbm>> -> memref<10240x64xf32, #tpu.memory_space<hbm>>
      tpu.enqueue_indirect_dma source(%dma_start3A_42 : memref<10240x64xf32, #tpu.memory_space<hbm>>) target(%arg13 : memref<128x64xf32, #tpu.memory_space<vmem>>) offsets(%dma_start3A_39 : memref<128xi32, #tpu.memory_space<vmem>>) semaphore(%arg19 : memref<!tpu.dma_semaphore, #tpu.memory_space<semaphore_mem>>)
      %dma_wait3A_43 = arith.constant 1 : i32
      %dma_wait3A_44 = arith.constant 0 : i32
      %dma_wait3A_45 = tpu.memref_slice %arg9[%dma_wait3A_43, %dma_wait3A_44] : memref<160x128xi32, #tpu.memory_space<vmem>> -> memref<1x128xi32, #tpu.memory_space<vmem>>
      %dma_wait3A_46 = tpu.memref_squeeze %dma_wait3A_45 : memref<1x128xi32, #tpu.memory_space<vmem>> -> memref<128xi32, #tpu.memory_space<vmem>>
      %dma_wait3A_47 = arith.constant 0 : i32
      %dma_wait3A_48 = arith.constant 0 : i32
      %dma_wait3A_49 = tpu.memref_slice %arg3[%dma_wait3A_47, %dma_wait3A_48] : memref<10240x64xf32, #tpu.memory_space<hbm>> -> memref<10240x64xf32, #tpu.memory_space<hbm>>
      tpu.wait_indirect_dma semaphore(%arg18 : memref<!tpu.dma_semaphore, #tpu.memory_space<semaphore_mem>>) src(%dma_wait3A_49 : memref<10240x64xf32, #tpu.memory_space<hbm>>) dst(%arg12 : memref<128x64xf32, #tpu.memory_space<vmem>>)
      %dma_start3A_50 = arith.constant 1 : i32
      %dma_start3A_51 = arith.constant 0 : i32
      %dma_start3A_52 = tpu.memref_slice %arg10[%dma_start3A_50, %dma_start3A_51] : memref<160x128xi32, #tpu.memory_space<vmem>> -> memref<1x128xi32, #tpu.memory_space<vmem>>
      %dma_start3A_53 = tpu.memref_squeeze %dma_start3A_52 : memref<1x128xi32, #tpu.memory_space<vmem>> -> memref<128xi32, #tpu.memory_space<vmem>>
      %dma_start3A_54 = arith.constant 0 : i32
      %dma_start3A_55 = arith.constant 0 : i32
      %dma_start3A_56 = tpu.memref_slice %arg16[%dma_start3A_54, %dma_start3A_55] : memref<10240x64xf32, #tpu.memory_space<vmem_shared>> -> memref<10240x64xf32, #tpu.memory_space<vmem_shared>>
      tpu.enqueue_indirect_dma source(%arg12 : memref<128x64xf32, #tpu.memory_space<vmem>>) target(%dma_start3A_56 : memref<10240x64xf32, #tpu.memory_space<vmem_shared>>) offsets(%dma_start3A_53 : memref<128xi32, #tpu.memory_space<vmem>>) semaphore(%arg23 : memref<!tpu.dma_semaphore, #tpu.memory_space<semaphore_mem>>) {add = true}
      %dma_start3A_57 = arith.constant 3 : i32
      %dma_start3A_58 = arith.constant 0 : i32
      %dma_start3A_59 = tpu.memref_slice %arg9[%dma_start3A_57, %dma_start3A_58] : memref<160x128xi32, #tpu.memory_space<vmem>> -> memref<1x128xi32, #tpu.memory_space<vmem>>
      %dma_start3A_60 = tpu.memref_squeeze %dma_start3A_59 : memref<1x128xi32, #tpu.memory_space<vmem>> -> memref<128xi32, #tpu.memory_space<vmem>>
      %dma_start3A_61 = arith.constant 0 : i32
      %dma_start3A_62 = arith.constant 0 : i32
      %dma_start3A_63 = tpu.memref_slice %arg3[%dma_start3A_61, %dma_start3A_62] : memref<10240x64xf32, #tpu.memory_space<hbm>> -> memref<10240x64xf32, #tpu.memory_space<hbm>>
      tpu.enqueue_indirect_dma source(%dma_start3A_63 : memref<10240x64xf32, #tpu.memory_space<hbm>>) target(%arg14 : memref<128x64xf32, #tpu.memory_space<vmem>>) offsets(%dma_start3A_60 : memref<128xi32, #tpu.memory_space<vmem>>) semaphore(%arg20 : memref<!tpu.dma_semaphore, #tpu.memory_space<semaphore_mem>>)
      %dma_wait3A_64 = arith.constant 2 : i32
      %dma_wait3A_65 = arith.constant 0 : i32
      %dma_wait3A_66 = tpu.memref_slice %arg9[%dma_wait3A_64, %dma_wait3A_65] : memref<160x128xi32, #tpu.memory_space<vmem>> -> memref<1x128xi32, #tpu.memory_space<vmem>>
      %dma_wait3A_67 = tpu.memref_squeeze %dma_wait3A_66 : memref<1x128xi32, #tpu.memory_space<vmem>> -> memref<128xi32, #tpu.memory_space<vmem>>
      %dma_wait3A_68 = arith.constant 0 : i32
      %dma_wait3A_69 = arith.constant 0 : i32
      %dma_wait3A_70 = tpu.memref_slice %arg3[%dma_wait3A_68, %dma_wait3A_69] : memref<10240x64xf32, #tpu.memory_space<hbm>> -> memref<10240x64xf32, #tpu.memory_space<hbm>>
      tpu.wait_indirect_dma semaphore(%arg19 : memref<!tpu.dma_semaphore, #tpu.memory_space<semaphore_mem>>) src(%dma_wait3A_70 : memref<10240x64xf32, #tpu.memory_space<hbm>>) dst(%arg13 : memref<128x64xf32, #tpu.memory_space<vmem>>)
      %dma_start3A_71 = arith.constant 2 : i32
      %dma_start3A_72 = arith.constant 0 : i32
      %dma_start3A_73 = tpu.memref_slice %arg10[%dma_start3A_71, %dma_start3A_72] : memref<160x128xi32, #tpu.memory_space<vmem>> -> memref<1x128xi32, #tpu.memory_space<vmem>>
      %dma_start3A_74 = tpu.memref_squeeze %dma_start3A_73 : memref<1x128xi32, #tpu.memory_space<vmem>> -> memref<128xi32, #tpu.memory_space<vmem>>
      %dma_start3A_75 = arith.constant 0 : i32
      %dma_start3A_76 = arith.constant 0 : i32
      %dma_start3A_77 = tpu.memref_slice %arg16[%dma_start3A_75, %dma_start3A_76] : memref<10240x64xf32, #tpu.memory_space<vmem_shared>> -> memref<10240x64xf32, #tpu.memory_space<vmem_shared>>
      tpu.enqueue_indirect_dma source(%arg13 : memref<128x64xf32, #tpu.memory_space<vmem>>) target(%dma_start3A_77 : memref<10240x64xf32, #tpu.memory_space<vmem_shared>>) offsets(%dma_start3A_74 : memref<128xi32, #tpu.memory_space<vmem>>) semaphore(%arg24 : memref<!tpu.dma_semaphore, #tpu.memory_space<semaphore_mem>>) {add = true}
      %dma_start3A_78 = arith.constant 4 : i32
      %dma_start3A_79 = arith.constant 0 : i32
      %dma_start3A_80 = tpu.memref_slice %arg9[%dma_start3A_78, %dma_start3A_79] : memref<160x128xi32, #tpu.memory_space<vmem>> -> memref<1x128xi32, #tpu.memory_space<vmem>>
      %dma_start3A_81 = tpu.memref_squeeze %dma_start3A_80 : memref<1x128xi32, #tpu.memory_space<vmem>> -> memref<128xi32, #tpu.memory_space<vmem>>
      %dma_start3A_82 = arith.constant 0 : i32
      %dma_start3A_83 = arith.constant 0 : i32
      %dma_start3A_84 = tpu.memref_slice %arg3[%dma_start3A_82, %dma_start3A_83] : memref<10240x64xf32, #tpu.memory_space<hbm>> -> memref<10240x64xf32, #tpu.memory_space<hbm>>
      tpu.enqueue_indirect_dma source(%dma_start3A_84 : memref<10240x64xf32, #tpu.memory_space<hbm>>) target(%arg15 : memref<128x64xf32, #tpu.memory_space<vmem>>) offsets(%dma_start3A_81 : memref<128xi32, #tpu.memory_space<vmem>>) semaphore(%arg21 : memref<!tpu.dma_semaphore, #tpu.memory_space<semaphore_mem>>)
      %dma_wait3A_85 = arith.constant 3 : i32
      %dma_wait3A_86 = arith.constant 0 : i32
      %dma_wait3A_87 = tpu.memref_slice %arg9[%dma_wait3A_85, %dma_wait3A_86] : memref<160x128xi32, #tpu.memory_space<vmem>> -> memref<1x128xi32, #tpu.memory_space<vmem>>
      %dma_wait3A_88 = tpu.memref_squeeze %dma_wait3A_87 : memref<1x128xi32, #tpu.memory_space<vmem>> -> memref<128xi32, #tpu.memory_space<vmem>>
      %dma_wait3A_89 = arith.constant 0 : i32
      %dma_wait3A_90 = arith.constant 0 : i32
      %dma_wait3A_91 = tpu.memref_slice %arg3[%dma_wait3A_89, %dma_wait3A_90] : memref<10240x64xf32, #tpu.memory_space<hbm>> -> memref<10240x64xf32, #tpu.memory_space<hbm>>
      tpu.wait_indirect_dma semaphore(%arg20 : memref<!tpu.dma_semaphore, #tpu.memory_space<semaphore_mem>>) src(%dma_wait3A_91 : memref<10240x64xf32, #tpu.memory_space<hbm>>) dst(%arg14 : memref<128x64xf32, #tpu.memory_space<vmem>>)
      %dma_start3A_92 = arith.constant 3 : i32
      %dma_start3A_93 = arith.constant 0 : i32
      %dma_start3A_94 = tpu.memref_slice %arg10[%dma_start3A_92, %dma_start3A_93] : memref<160x128xi32, #tpu.memory_space<vmem>> -> memref<1x128xi32, #tpu.memory_space<vmem>>
      %dma_start3A_95 = tpu.memref_squeeze %dma_start3A_94 : memref<1x128xi32, #tpu.memory_space<vmem>> -> memref<128xi32, #tpu.memory_space<vmem>>
      %dma_start3A_96 = arith.constant 0 : i32
      %dma_start3A_97 = arith.constant 0 : i32
      %dma_start3A_98 = tpu.memref_slice %arg16[%dma_start3A_96, %dma_start3A_97] : memref<10240x64xf32, #tpu.memory_space<vmem_shared>> -> memref<10240x64xf32, #tpu.memory_space<vmem_shared>>
      tpu.enqueue_indirect_dma source(%arg14 : memref<128x64xf32, #tpu.memory_space<vmem>>) target(%dma_start3A_98 : memref<10240x64xf32, #tpu.memory_space<vmem_shared>>) offsets(%dma_start3A_95 : memref<128xi32, #tpu.memory_space<vmem>>) semaphore(%arg25 : memref<!tpu.dma_semaphore, #tpu.memory_space<semaphore_mem>>) {add = true}
      %dma_wait3A_99 = arith.constant 0 : i32
      %dma_wait3A_100 = arith.constant 0 : i32
      %dma_wait3A_101 = tpu.memref_slice %arg10[%dma_wait3A_99, %dma_wait3A_100] : memref<160x128xi32, #tpu.memory_space<vmem>> -> memref<1x128xi32, #tpu.memory_space<vmem>>
      %dma_wait3A_102 = tpu.memref_squeeze %dma_wait3A_101 : memref<1x128xi32, #tpu.memory_space<vmem>> -> memref<128xi32, #tpu.memory_space<vmem>>
      %dma_wait3A_103 = arith.constant 0 : i32
      %dma_wait3A_104 = arith.constant 0 : i32
      %dma_wait3A_105 = tpu.memref_slice %arg16[%dma_wait3A_103, %dma_wait3A_104] : memref<10240x64xf32, #tpu.memory_space<vmem_shared>> -> memref<10240x64xf32, #tpu.memory_space<vmem_shared>>
      tpu.wait_indirect_dma semaphore(%arg22 : memref<!tpu.dma_semaphore, #tpu.memory_space<semaphore_mem>>) src(%arg11 : memref<128x64xf32, #tpu.memory_space<vmem>>) dst(%dma_wait3A_105 : memref<10240x64xf32, #tpu.memory_space<vmem_shared>>)
      %dma_start3A_106 = arith.constant 5 : i32
      %dma_start3A_107 = arith.constant 0 : i32
      %dma_start3A_108 = tpu.memref_slice %arg9[%dma_start3A_106, %dma_start3A_107] : memref<160x128xi32, #tpu.memory_space<vmem>> -> memref<1x128xi32, #tpu.memory_space<vmem>>
      %dma_start3A_109 = tpu.memref_squeeze %dma_start3A_108 : memref<1x128xi32, #tpu.memory_space<vmem>> -> memref<128xi32, #tpu.memory_space<vmem>>
      %dma_start3A_110 = arith.constant 0 : i32
      %dma_start3A_111 = arith.constant 0 : i32
      %dma_start3A_112 = tpu.memref_slice %arg3[%dma_start3A_110, %dma_start3A_111] : memref<10240x64xf32, #tpu.memory_space<hbm>> -> memref<10240x64xf32, #tpu.memory_space<hbm>>
      tpu.enqueue_indirect_dma source(%dma_start3A_112 : memref<10240x64xf32, #tpu.memory_space<hbm>>) target(%arg11 : memref<128x64xf32, #tpu.memory_space<vmem>>) offsets(%dma_start3A_109 : memref<128xi32, #tpu.memory_space<vmem>>) semaphore(%arg17 : memref<!tpu.dma_semaphore, #tpu.memory_space<semaphore_mem>>)
      %dma_wait3A_113 = arith.constant 4 : i32
      %dma_wait3A_114 = arith.constant 0 : i32
      %dma_wait3A_115 = tpu.memref_slice %arg9[%dma_wait3A_113, %dma_wait3A_114] : memref<160x128xi32, #tpu.memory_space<vmem>> -> memref<1x128xi32, #tpu.memory_space<vmem>>
      %dma_wait3A_116 = tpu.memref_squeeze %dma_wait3A_115 : memref<1x128xi32, #tpu.memory_space<vmem>> -> memref<128xi32, #tpu.memory_space<vmem>>
      %dma_wait3A_117 = arith.constant 0 : i32
      %dma_wait3A_118 = arith.constant 0 : i32
      %dma_wait3A_119 = tpu.memref_slice %arg3[%dma_wait3A_117, %dma_wait3A_118] : memref<10240x64xf32, #tpu.memory_space<hbm>> -> memref<10240x64xf32, #tpu.memory_space<hbm>>
      tpu.wait_indirect_dma semaphore(%arg21 : memref<!tpu.dma_semaphore, #tpu.memory_space<semaphore_mem>>) src(%dma_wait3A_119 : memref<10240x64xf32, #tpu.memory_space<hbm>>) dst(%arg15 : memref<128x64xf32, #tpu.memory_space<vmem>>)
      %dma_start3A_120 = arith.constant 4 : i32
      %dma_start3A_121 = arith.constant 0 : i32
      %dma_start3A_122 = tpu.memref_slice %arg10[%dma_start3A_120, %dma_start3A_121] : memref<160x128xi32, #tpu.memory_space<vmem>> -> memref<1x128xi32, #tpu.memory_space<vmem>>
      %dma_start3A_123 = tpu.memref_squeeze %dma_start3A_122 : memref<1x128xi32, #tpu.memory_space<vmem>> -> memref<128xi32, #tpu.memory_space<vmem>>
      %dma_start3A_124 = arith.constant 0 : i32
      %dma_start3A_125 = arith.constant 0 : i32
      %dma_start3A_126 = tpu.memref_slice %arg16[%dma_start3A_124, %dma_start3A_125] : memref<10240x64xf32, #tpu.memory_space<vmem_shared>> -> memref<10240x64xf32, #tpu.memory_space<vmem_shared>>
      tpu.enqueue_indirect_dma source(%arg15 : memref<128x64xf32, #tpu.memory_space<vmem>>) target(%dma_start3A_126 : memref<10240x64xf32, #tpu.memory_space<vmem_shared>>) offsets(%dma_start3A_123 : memref<128xi32, #tpu.memory_space<vmem>>) semaphore(%arg26 : memref<!tpu.dma_semaphore, #tpu.memory_space<semaphore_mem>>) {add = true}
      %scan3A = arith.constant 0 : i32
      %scan3A_127 = arith.constant 31 : i32
      %scan3A_128 = arith.addi %scan3A, %scan3A_127 : i32
      %scan3A_129 = arith.constant 1 : i32
      scf.for %scan3A_167 = %scan3A to %scan3A_128 step %scan3A_129  : i32 {
        %mul3A_168 = arith.constant 1 : i32
        %mul3A_169 = arith.muli %scan3A_167, %mul3A_168 : i32
        %add3A = arith.constant 1 : i32
        %add3A_170 = arith.addi %add3A, %mul3A_169 : i32
        %mul3A_171 = arith.constant 5 : i32
        %mul3A_172 = arith.muli %mul3A_171, %add3A_170 : i32
        %add3A_173 = arith.constant 0 : i32
        %add3A_174 = arith.addi %mul3A_172, %add3A_173 : i32
        %add3A_175 = arith.constant 1 : i32
        %add3A_176 = arith.addi %add3A_174, %add3A_175 : i32
        %lt3A = arith.constant 160 : i32
        %lt3A_177 = arith.cmpi slt, %add3A_176, %lt3A : i32
        %convert_element_type3A_178 = arith.extui %lt3A_177 : i1 to i32
        %cond3A_179 = arith.constant 0 : i32
        %cond3A_180 = arith.cmpi ne, %convert_element_type3A_178, %cond3A_179 : i32
        scf.if %cond3A_180 {
          %sub3A = arith.constant 4 : i32
          %sub3A_285 = arith.subi %add3A_174, %sub3A : i32
          %dma_wait3A_286 = arith.constant 0 : i32
          %dma_wait3A_287 = tpu.memref_slice %arg10[%sub3A_285, %dma_wait3A_286] : memref<160x128xi32, #tpu.memory_space<vmem>> -> memref<1x128xi32, #tpu.memory_space<vmem>>
          %dma_wait3A_288 = tpu.memref_squeeze %dma_wait3A_287 : memref<1x128xi32, #tpu.memory_space<vmem>> -> memref<128xi32, #tpu.memory_space<vmem>>
          %dma_wait3A_289 = arith.constant 0 : i32
          %dma_wait3A_290 = arith.constant 0 : i32
          %dma_wait3A_291 = tpu.memref_slice %arg16[%dma_wait3A_289, %dma_wait3A_290] : memref<10240x64xf32, #tpu.memory_space<vmem_shared>> -> memref<10240x64xf32, #tpu.memory_space<vmem_shared>>
          tpu.wait_indirect_dma semaphore(%arg23 : memref<!tpu.dma_semaphore, #tpu.memory_space<semaphore_mem>>) src(%arg12 : memref<128x64xf32, #tpu.memory_space<vmem>>) dst(%dma_wait3A_291 : memref<10240x64xf32, #tpu.memory_space<vmem_shared>>)
          %add3A_292 = arith.constant 1 : i32
          %add3A_293 = arith.addi %add3A_174, %add3A_292 : i32
          %dma_start3A_294 = arith.constant 0 : i32
          %dma_start3A_295 = tpu.memref_slice %arg9[%add3A_293, %dma_start3A_294] : memref<160x128xi32, #tpu.memory_space<vmem>> -> memref<1x128xi32, #tpu.memory_space<vmem>>
          %dma_start3A_296 = tpu.memref_squeeze %dma_start3A_295 : memref<1x128xi32, #tpu.memory_space<vmem>> -> memref<128xi32, #tpu.memory_space<vmem>>
          %dma_start3A_297 = arith.constant 0 : i32
          %dma_start3A_298 = arith.constant 0 : i32
          %dma_start3A_299 = tpu.memref_slice %arg3[%dma_start3A_297, %dma_start3A_298] : memref<10240x64xf32, #tpu.memory_space<hbm>> -> memref<10240x64xf32, #tpu.memory_space<hbm>>
          tpu.enqueue_indirect_dma source(%dma_start3A_299 : memref<10240x64xf32, #tpu.memory_space<hbm>>) target(%arg12 : memref<128x64xf32, #tpu.memory_space<vmem>>) offsets(%dma_start3A_296 : memref<128xi32, #tpu.memory_space<vmem>>) semaphore(%arg18 : memref<!tpu.dma_semaphore, #tpu.memory_space<semaphore_mem>>)
        } else {
        }
        %dma_wait3A_181 = arith.constant 0 : i32
        %dma_wait3A_182 = tpu.memref_slice %arg9[%add3A_174, %dma_wait3A_181] : memref<160x128xi32, #tpu.memory_space<vmem>> -> memref<1x128xi32, #tpu.memory_space<vmem>>
        %dma_wait3A_183 = tpu.memref_squeeze %dma_wait3A_182 : memref<1x128xi32, #tpu.memory_space<vmem>> -> memref<128xi32, #tpu.memory_space<vmem>>
        %dma_wait3A_184 = arith.constant 0 : i32
        %dma_wait3A_185 = arith.constant 0 : i32
        %dma_wait3A_186 = tpu.memref_slice %arg3[%dma_wait3A_184, %dma_wait3A_185] : memref<10240x64xf32, #tpu.memory_space<hbm>> -> memref<10240x64xf32, #tpu.memory_space<hbm>>
        tpu.wait_indirect_dma semaphore(%arg17 : memref<!tpu.dma_semaphore, #tpu.memory_space<semaphore_mem>>) src(%dma_wait3A_186 : memref<10240x64xf32, #tpu.memory_space<hbm>>) dst(%arg11 : memref<128x64xf32, #tpu.memory_space<vmem>>)
        %dma_start3A_187 = arith.constant 0 : i32
        %dma_start3A_188 = tpu.memref_slice %arg10[%add3A_174, %dma_start3A_187] : memref<160x128xi32, #tpu.memory_space<vmem>> -> memref<1x128xi32, #tpu.memory_space<vmem>>
        %dma_start3A_189 = tpu.memref_squeeze %dma_start3A_188 : memref<1x128xi32, #tpu.memory_space<vmem>> -> memref<128xi32, #tpu.memory_space<vmem>>
        %dma_start3A_190 = arith.constant 0 : i32
        %dma_start3A_191 = arith.constant 0 : i32
        %dma_start3A_192 = tpu.memref_slice %arg16[%dma_start3A_190, %dma_start3A_191] : memref<10240x64xf32, #tpu.memory_space<vmem_shared>> -> memref<10240x64xf32, #tpu.memory_space<vmem_shared>>
        tpu.enqueue_indirect_dma source(%arg11 : memref<128x64xf32, #tpu.memory_space<vmem>>) target(%dma_start3A_192 : memref<10240x64xf32, #tpu.memory_space<vmem_shared>>) offsets(%dma_start3A_189 : memref<128xi32, #tpu.memory_space<vmem>>) semaphore(%arg22 : memref<!tpu.dma_semaphore, #tpu.memory_space<semaphore_mem>>) {add = true}
        %mul3A_193 = arith.constant 5 : i32
        %mul3A_194 = arith.muli %mul3A_193, %add3A_170 : i32
        %add3A_195 = arith.constant 1 : i32
        %add3A_196 = arith.addi %mul3A_194, %add3A_195 : i32
        %add3A_197 = arith.constant 1 : i32
        %add3A_198 = arith.addi %add3A_196, %add3A_197 : i32
        %lt3A_199 = arith.constant 160 : i32
        %lt3A_200 = arith.cmpi slt, %add3A_198, %lt3A_199 : i32
        %convert_element_type3A_201 = arith.extui %lt3A_200 : i1 to i32
        %cond3A_202 = arith.constant 0 : i32
        %cond3A_203 = arith.cmpi ne, %convert_element_type3A_201, %cond3A_202 : i32
        scf.if %cond3A_203 {
          %sub3A = arith.constant 4 : i32
          %sub3A_285 = arith.subi %add3A_196, %sub3A : i32
          %dma_wait3A_286 = arith.constant 0 : i32
          %dma_wait3A_287 = tpu.memref_slice %arg10[%sub3A_285, %dma_wait3A_286] : memref<160x128xi32, #tpu.memory_space<vmem>> -> memref<1x128xi32, #tpu.memory_space<vmem>>
          %dma_wait3A_288 = tpu.memref_squeeze %dma_wait3A_287 : memref<1x128xi32, #tpu.memory_space<vmem>> -> memref<128xi32, #tpu.memory_space<vmem>>
          %dma_wait3A_289 = arith.constant 0 : i32
          %dma_wait3A_290 = arith.constant 0 : i32
          %dma_wait3A_291 = tpu.memref_slice %arg16[%dma_wait3A_289, %dma_wait3A_290] : memref<10240x64xf32, #tpu.memory_space<vmem_shared>> -> memref<10240x64xf32, #tpu.memory_space<vmem_shared>>
          tpu.wait_indirect_dma semaphore(%arg24 : memref<!tpu.dma_semaphore, #tpu.memory_space<semaphore_mem>>) src(%arg13 : memref<128x64xf32, #tpu.memory_space<vmem>>) dst(%dma_wait3A_291 : memref<10240x64xf32, #tpu.memory_space<vmem_shared>>)
          %add3A_292 = arith.constant 1 : i32
          %add3A_293 = arith.addi %add3A_196, %add3A_292 : i32
          %dma_start3A_294 = arith.constant 0 : i32
          %dma_start3A_295 = tpu.memref_slice %arg9[%add3A_293, %dma_start3A_294] : memref<160x128xi32, #tpu.memory_space<vmem>> -> memref<1x128xi32, #tpu.memory_space<vmem>>
          %dma_start3A_296 = tpu.memref_squeeze %dma_start3A_295 : memref<1x128xi32, #tpu.memory_space<vmem>> -> memref<128xi32, #tpu.memory_space<vmem>>
          %dma_start3A_297 = arith.constant 0 : i32
          %dma_start3A_298 = arith.constant 0 : i32
          %dma_start3A_299 = tpu.memref_slice %arg3[%dma_start3A_297, %dma_start3A_298] : memref<10240x64xf32, #tpu.memory_space<hbm>> -> memref<10240x64xf32, #tpu.memory_space<hbm>>
          tpu.enqueue_indirect_dma source(%dma_start3A_299 : memref<10240x64xf32, #tpu.memory_space<hbm>>) target(%arg13 : memref<128x64xf32, #tpu.memory_space<vmem>>) offsets(%dma_start3A_296 : memref<128xi32, #tpu.memory_space<vmem>>) semaphore(%arg19 : memref<!tpu.dma_semaphore, #tpu.memory_space<semaphore_mem>>)
        } else {
        }
        %dma_wait3A_204 = arith.constant 0 : i32
        %dma_wait3A_205 = tpu.memref_slice %arg9[%add3A_196, %dma_wait3A_204] : memref<160x128xi32, #tpu.memory_space<vmem>> -> memref<1x128xi32, #tpu.memory_space<vmem>>
        %dma_wait3A_206 = tpu.memref_squeeze %dma_wait3A_205 : memref<1x128xi32, #tpu.memory_space<vmem>> -> memref<128xi32, #tpu.memory_space<vmem>>
        %dma_wait3A_207 = arith.constant 0 : i32
        %dma_wait3A_208 = arith.constant 0 : i32
        %dma_wait3A_209 = tpu.memref_slice %arg3[%dma_wait3A_207, %dma_wait3A_208] : memref<10240x64xf32, #tpu.memory_space<hbm>> -> memref<10240x64xf32, #tpu.memory_space<hbm>>
        tpu.wait_indirect_dma semaphore(%arg18 : memref<!tpu.dma_semaphore, #tpu.memory_space<semaphore_mem>>) src(%dma_wait3A_209 : memref<10240x64xf32, #tpu.memory_space<hbm>>) dst(%arg12 : memref<128x64xf32, #tpu.memory_space<vmem>>)
        %dma_start3A_210 = arith.constant 0 : i32
        %dma_start3A_211 = tpu.memref_slice %arg10[%add3A_196, %dma_start3A_210] : memref<160x128xi32, #tpu.memory_space<vmem>> -> memref<1x128xi32, #tpu.memory_space<vmem>>
        %dma_start3A_212 = tpu.memref_squeeze %dma_start3A_211 : memref<1x128xi32, #tpu.memory_space<vmem>> -> memref<128xi32, #tpu.memory_space<vmem>>
        %dma_start3A_213 = arith.constant 0 : i32
        %dma_start3A_214 = arith.constant 0 : i32
        %dma_start3A_215 = tpu.memref_slice %arg16[%dma_start3A_213, %dma_start3A_214] : memref<10240x64xf32, #tpu.memory_space<vmem_shared>> -> memref<10240x64xf32, #tpu.memory_space<vmem_shared>>
        tpu.enqueue_indirect_dma source(%arg12 : memref<128x64xf32, #tpu.memory_space<vmem>>) target(%dma_start3A_215 : memref<10240x64xf32, #tpu.memory_space<vmem_shared>>) offsets(%dma_start3A_212 : memref<128xi32, #tpu.memory_space<vmem>>) semaphore(%arg23 : memref<!tpu.dma_semaphore, #tpu.memory_space<semaphore_mem>>) {add = true}
        %mul3A_216 = arith.constant 5 : i32
        %mul3A_217 = arith.muli %mul3A_216, %add3A_170 : i32
        %add3A_218 = arith.constant 2 : i32
        %add3A_219 = arith.addi %mul3A_217, %add3A_218 : i32
        %add3A_220 = arith.constant 1 : i32
        %add3A_221 = arith.addi %add3A_219, %add3A_220 : i32
        %lt3A_222 = arith.constant 160 : i32
        %lt3A_223 = arith.cmpi slt, %add3A_221, %lt3A_222 : i32
        %convert_element_type3A_224 = arith.extui %lt3A_223 : i1 to i32
        %cond3A_225 = arith.constant 0 : i32
        %cond3A_226 = arith.cmpi ne, %convert_element_type3A_224, %cond3A_225 : i32
        scf.if %cond3A_226 {
          %sub3A = arith.constant 4 : i32
          %sub3A_285 = arith.subi %add3A_219, %sub3A : i32
          %dma_wait3A_286 = arith.constant 0 : i32
          %dma_wait3A_287 = tpu.memref_slice %arg10[%sub3A_285, %dma_wait3A_286] : memref<160x128xi32, #tpu.memory_space<vmem>> -> memref<1x128xi32, #tpu.memory_space<vmem>>
          %dma_wait3A_288 = tpu.memref_squeeze %dma_wait3A_287 : memref<1x128xi32, #tpu.memory_space<vmem>> -> memref<128xi32, #tpu.memory_space<vmem>>
          %dma_wait3A_289 = arith.constant 0 : i32
          %dma_wait3A_290 = arith.constant 0 : i32
          %dma_wait3A_291 = tpu.memref_slice %arg16[%dma_wait3A_289, %dma_wait3A_290] : memref<10240x64xf32, #tpu.memory_space<vmem_shared>> -> memref<10240x64xf32, #tpu.memory_space<vmem_shared>>
          tpu.wait_indirect_dma semaphore(%arg25 : memref<!tpu.dma_semaphore, #tpu.memory_space<semaphore_mem>>) src(%arg14 : memref<128x64xf32, #tpu.memory_space<vmem>>) dst(%dma_wait3A_291 : memref<10240x64xf32, #tpu.memory_space<vmem_shared>>)
          %add3A_292 = arith.constant 1 : i32
          %add3A_293 = arith.addi %add3A_219, %add3A_292 : i32
          %dma_start3A_294 = arith.constant 0 : i32
          %dma_start3A_295 = tpu.memref_slice %arg9[%add3A_293, %dma_start3A_294] : memref<160x128xi32, #tpu.memory_space<vmem>> -> memref<1x128xi32, #tpu.memory_space<vmem>>
          %dma_start3A_296 = tpu.memref_squeeze %dma_start3A_295 : memref<1x128xi32, #tpu.memory_space<vmem>> -> memref<128xi32, #tpu.memory_space<vmem>>
          %dma_start3A_297 = arith.constant 0 : i32
          %dma_start3A_298 = arith.constant 0 : i32
          %dma_start3A_299 = tpu.memref_slice %arg3[%dma_start3A_297, %dma_start3A_298] : memref<10240x64xf32, #tpu.memory_space<hbm>> -> memref<10240x64xf32, #tpu.memory_space<hbm>>
          tpu.enqueue_indirect_dma source(%dma_start3A_299 : memref<10240x64xf32, #tpu.memory_space<hbm>>) target(%arg14 : memref<128x64xf32, #tpu.memory_space<vmem>>) offsets(%dma_start3A_296 : memref<128xi32, #tpu.memory_space<vmem>>) semaphore(%arg20 : memref<!tpu.dma_semaphore, #tpu.memory_space<semaphore_mem>>)
        } else {
        }
        %dma_wait3A_227 = arith.constant 0 : i32
        %dma_wait3A_228 = tpu.memref_slice %arg9[%add3A_219, %dma_wait3A_227] : memref<160x128xi32, #tpu.memory_space<vmem>> -> memref<1x128xi32, #tpu.memory_space<vmem>>
        %dma_wait3A_229 = tpu.memref_squeeze %dma_wait3A_228 : memref<1x128xi32, #tpu.memory_space<vmem>> -> memref<128xi32, #tpu.memory_space<vmem>>
        %dma_wait3A_230 = arith.constant 0 : i32
        %dma_wait3A_231 = arith.constant 0 : i32
        %dma_wait3A_232 = tpu.memref_slice %arg3[%dma_wait3A_230, %dma_wait3A_231] : memref<10240x64xf32, #tpu.memory_space<hbm>> -> memref<10240x64xf32, #tpu.memory_space<hbm>>
        tpu.wait_indirect_dma semaphore(%arg19 : memref<!tpu.dma_semaphore, #tpu.memory_space<semaphore_mem>>) src(%dma_wait3A_232 : memref<10240x64xf32, #tpu.memory_space<hbm>>) dst(%arg13 : memref<128x64xf32, #tpu.memory_space<vmem>>)
        %dma_start3A_233 = arith.constant 0 : i32
        %dma_start3A_234 = tpu.memref_slice %arg10[%add3A_219, %dma_start3A_233] : memref<160x128xi32, #tpu.memory_space<vmem>> -> memref<1x128xi32, #tpu.memory_space<vmem>>
        %dma_start3A_235 = tpu.memref_squeeze %dma_start3A_234 : memref<1x128xi32, #tpu.memory_space<vmem>> -> memref<128xi32, #tpu.memory_space<vmem>>
        %dma_start3A_236 = arith.constant 0 : i32
        %dma_start3A_237 = arith.constant 0 : i32
        %dma_start3A_238 = tpu.memref_slice %arg16[%dma_start3A_236, %dma_start3A_237] : memref<10240x64xf32, #tpu.memory_space<vmem_shared>> -> memref<10240x64xf32, #tpu.memory_space<vmem_shared>>
        tpu.enqueue_indirect_dma source(%arg13 : memref<128x64xf32, #tpu.memory_space<vmem>>) target(%dma_start3A_238 : memref<10240x64xf32, #tpu.memory_space<vmem_shared>>) offsets(%dma_start3A_235 : memref<128xi32, #tpu.memory_space<vmem>>) semaphore(%arg24 : memref<!tpu.dma_semaphore, #tpu.memory_space<semaphore_mem>>) {add = true}
        %mul3A_239 = arith.constant 5 : i32
        %mul3A_240 = arith.muli %mul3A_239, %add3A_170 : i32
        %add3A_241 = arith.constant 3 : i32
        %add3A_242 = arith.addi %mul3A_240, %add3A_241 : i32
        %add3A_243 = arith.constant 1 : i32
        %add3A_244 = arith.addi %add3A_242, %add3A_243 : i32
        %lt3A_245 = arith.constant 160 : i32
        %lt3A_246 = arith.cmpi slt, %add3A_244, %lt3A_245 : i32
        %convert_element_type3A_247 = arith.extui %lt3A_246 : i1 to i32
        %cond3A_248 = arith.constant 0 : i32
        %cond3A_249 = arith.cmpi ne, %convert_element_type3A_247, %cond3A_248 : i32
        scf.if %cond3A_249 {
          %sub3A = arith.constant 4 : i32
          %sub3A_285 = arith.subi %add3A_242, %sub3A : i32
          %dma_wait3A_286 = arith.constant 0 : i32
          %dma_wait3A_287 = tpu.memref_slice %arg10[%sub3A_285, %dma_wait3A_286] : memref<160x128xi32, #tpu.memory_space<vmem>> -> memref<1x128xi32, #tpu.memory_space<vmem>>
          %dma_wait3A_288 = tpu.memref_squeeze %dma_wait3A_287 : memref<1x128xi32, #tpu.memory_space<vmem>> -> memref<128xi32, #tpu.memory_space<vmem>>
          %dma_wait3A_289 = arith.constant 0 : i32
          %dma_wait3A_290 = arith.constant 0 : i32
          %dma_wait3A_291 = tpu.memref_slice %arg16[%dma_wait3A_289, %dma_wait3A_290] : memref<10240x64xf32, #tpu.memory_space<vmem_shared>> -> memref<10240x64xf32, #tpu.memory_space<vmem_shared>>
          tpu.wait_indirect_dma semaphore(%arg26 : memref<!tpu.dma_semaphore, #tpu.memory_space<semaphore_mem>>) src(%arg15 : memref<128x64xf32, #tpu.memory_space<vmem>>) dst(%dma_wait3A_291 : memref<10240x64xf32, #tpu.memory_space<vmem_shared>>)
          %add3A_292 = arith.constant 1 : i32
          %add3A_293 = arith.addi %add3A_242, %add3A_292 : i32
          %dma_start3A_294 = arith.constant 0 : i32
          %dma_start3A_295 = tpu.memref_slice %arg9[%add3A_293, %dma_start3A_294] : memref<160x128xi32, #tpu.memory_space<vmem>> -> memref<1x128xi32, #tpu.memory_space<vmem>>
          %dma_start3A_296 = tpu.memref_squeeze %dma_start3A_295 : memref<1x128xi32, #tpu.memory_space<vmem>> -> memref<128xi32, #tpu.memory_space<vmem>>
          %dma_start3A_297 = arith.constant 0 : i32
          %dma_start3A_298 = arith.constant 0 : i32
          %dma_start3A_299 = tpu.memref_slice %arg3[%dma_start3A_297, %dma_start3A_298] : memref<10240x64xf32, #tpu.memory_space<hbm>> -> memref<10240x64xf32, #tpu.memory_space<hbm>>
          tpu.enqueue_indirect_dma source(%dma_start3A_299 : memref<10240x64xf32, #tpu.memory_space<hbm>>) target(%arg15 : memref<128x64xf32, #tpu.memory_space<vmem>>) offsets(%dma_start3A_296 : memref<128xi32, #tpu.memory_space<vmem>>) semaphore(%arg21 : memref<!tpu.dma_semaphore, #tpu.memory_space<semaphore_mem>>)
        } else {
        }
        %dma_wait3A_250 = arith.constant 0 : i32
        %dma_wait3A_251 = tpu.memref_slice %arg9[%add3A_242, %dma_wait3A_250] : memref<160x128xi32, #tpu.memory_space<vmem>> -> memref<1x128xi32, #tpu.memory_space<vmem>>
        %dma_wait3A_252 = tpu.memref_squeeze %dma_wait3A_251 : memref<1x128xi32, #tpu.memory_space<vmem>> -> memref<128xi32, #tpu.memory_space<vmem>>
        %dma_wait3A_253 = arith.constant 0 : i32
        %dma_wait3A_254 = arith.constant 0 : i32
        %dma_wait3A_255 = tpu.memref_slice %arg3[%dma_wait3A_253, %dma_wait3A_254] : memref<10240x64xf32, #tpu.memory_space<hbm>> -> memref<10240x64xf32, #tpu.memory_space<hbm>>
        tpu.wait_indirect_dma semaphore(%arg20 : memref<!tpu.dma_semaphore, #tpu.memory_space<semaphore_mem>>) src(%dma_wait3A_255 : memref<10240x64xf32, #tpu.memory_space<hbm>>) dst(%arg14 : memref<128x64xf32, #tpu.memory_space<vmem>>)
        %dma_start3A_256 = arith.constant 0 : i32
        %dma_start3A_257 = tpu.memref_slice %arg10[%add3A_242, %dma_start3A_256] : memref<160x128xi32, #tpu.memory_space<vmem>> -> memref<1x128xi32, #tpu.memory_space<vmem>>
        %dma_start3A_258 = tpu.memref_squeeze %dma_start3A_257 : memref<1x128xi32, #tpu.memory_space<vmem>> -> memref<128xi32, #tpu.memory_space<vmem>>
        %dma_start3A_259 = arith.constant 0 : i32
        %dma_start3A_260 = arith.constant 0 : i32
        %dma_start3A_261 = tpu.memref_slice %arg16[%dma_start3A_259, %dma_start3A_260] : memref<10240x64xf32, #tpu.memory_space<vmem_shared>> -> memref<10240x64xf32, #tpu.memory_space<vmem_shared>>
        tpu.enqueue_indirect_dma source(%arg14 : memref<128x64xf32, #tpu.memory_space<vmem>>) target(%dma_start3A_261 : memref<10240x64xf32, #tpu.memory_space<vmem_shared>>) offsets(%dma_start3A_258 : memref<128xi32, #tpu.memory_space<vmem>>) semaphore(%arg25 : memref<!tpu.dma_semaphore, #tpu.memory_space<semaphore_mem>>) {add = true}
        %mul3A_262 = arith.constant 5 : i32
        %mul3A_263 = arith.muli %mul3A_262, %add3A_170 : i32
        %add3A_264 = arith.constant 4 : i32
        %add3A_265 = arith.addi %mul3A_263, %add3A_264 : i32
        %add3A_266 = arith.constant 1 : i32
        %add3A_267 = arith.addi %add3A_265, %add3A_266 : i32
        %lt3A_268 = arith.constant 160 : i32
        %lt3A_269 = arith.cmpi slt, %add3A_267, %lt3A_268 : i32
        %convert_element_type3A_270 = arith.extui %lt3A_269 : i1 to i32
        %cond3A_271 = arith.constant 0 : i32
        %cond3A_272 = arith.cmpi ne, %convert_element_type3A_270, %cond3A_271 : i32
        scf.if %cond3A_272 {
          %sub3A = arith.constant 4 : i32
          %sub3A_285 = arith.subi %add3A_265, %sub3A : i32
          %dma_wait3A_286 = arith.constant 0 : i32
          %dma_wait3A_287 = tpu.memref_slice %arg10[%sub3A_285, %dma_wait3A_286] : memref<160x128xi32, #tpu.memory_space<vmem>> -> memref<1x128xi32, #tpu.memory_space<vmem>>
          %dma_wait3A_288 = tpu.memref_squeeze %dma_wait3A_287 : memref<1x128xi32, #tpu.memory_space<vmem>> -> memref<128xi32, #tpu.memory_space<vmem>>
          %dma_wait3A_289 = arith.constant 0 : i32
          %dma_wait3A_290 = arith.constant 0 : i32
          %dma_wait3A_291 = tpu.memref_slice %arg16[%dma_wait3A_289, %dma_wait3A_290] : memref<10240x64xf32, #tpu.memory_space<vmem_shared>> -> memref<10240x64xf32, #tpu.memory_space<vmem_shared>>
          tpu.wait_indirect_dma semaphore(%arg22 : memref<!tpu.dma_semaphore, #tpu.memory_space<semaphore_mem>>) src(%arg11 : memref<128x64xf32, #tpu.memory_space<vmem>>) dst(%dma_wait3A_291 : memref<10240x64xf32, #tpu.memory_space<vmem_shared>>)
          %add3A_292 = arith.constant 1 : i32
          %add3A_293 = arith.addi %add3A_265, %add3A_292 : i32
          %dma_start3A_294 = arith.constant 0 : i32
          %dma_start3A_295 = tpu.memref_slice %arg9[%add3A_293, %dma_start3A_294] : memref<160x128xi32, #tpu.memory_space<vmem>> -> memref<1x128xi32, #tpu.memory_space<vmem>>
          %dma_start3A_296 = tpu.memref_squeeze %dma_start3A_295 : memref<1x128xi32, #tpu.memory_space<vmem>> -> memref<128xi32, #tpu.memory_space<vmem>>
          %dma_start3A_297 = arith.constant 0 : i32
          %dma_start3A_298 = arith.constant 0 : i32
          %dma_start3A_299 = tpu.memref_slice %arg3[%dma_start3A_297, %dma_start3A_298] : memref<10240x64xf32, #tpu.memory_space<hbm>> -> memref<10240x64xf32, #tpu.memory_space<hbm>>
          tpu.enqueue_indirect_dma source(%dma_start3A_299 : memref<10240x64xf32, #tpu.memory_space<hbm>>) target(%arg11 : memref<128x64xf32, #tpu.memory_space<vmem>>) offsets(%dma_start3A_296 : memref<128xi32, #tpu.memory_space<vmem>>) semaphore(%arg17 : memref<!tpu.dma_semaphore, #tpu.memory_space<semaphore_mem>>)
        } else {
        }
        %dma_wait3A_273 = arith.constant 0 : i32
        %dma_wait3A_274 = tpu.memref_slice %arg9[%add3A_265, %dma_wait3A_273] : memref<160x128xi32, #tpu.memory_space<vmem>> -> memref<1x128xi32, #tpu.memory_space<vmem>>
        %dma_wait3A_275 = tpu.memref_squeeze %dma_wait3A_274 : memref<1x128xi32, #tpu.memory_space<vmem>> -> memref<128xi32, #tpu.memory_space<vmem>>
        %dma_wait3A_276 = arith.constant 0 : i32
        %dma_wait3A_277 = arith.constant 0 : i32
        %dma_wait3A_278 = tpu.memref_slice %arg3[%dma_wait3A_276, %dma_wait3A_277] : memref<10240x64xf32, #tpu.memory_space<hbm>> -> memref<10240x64xf32, #tpu.memory_space<hbm>>
        tpu.wait_indirect_dma semaphore(%arg21 : memref<!tpu.dma_semaphore, #tpu.memory_space<semaphore_mem>>) src(%dma_wait3A_278 : memref<10240x64xf32, #tpu.memory_space<hbm>>) dst(%arg15 : memref<128x64xf32, #tpu.memory_space<vmem>>)
        %dma_start3A_279 = arith.constant 0 : i32
        %dma_start3A_280 = tpu.memref_slice %arg10[%add3A_265, %dma_start3A_279] : memref<160x128xi32, #tpu.memory_space<vmem>> -> memref<1x128xi32, #tpu.memory_space<vmem>>
        %dma_start3A_281 = tpu.memref_squeeze %dma_start3A_280 : memref<1x128xi32, #tpu.memory_space<vmem>> -> memref<128xi32, #tpu.memory_space<vmem>>
        %dma_start3A_282 = arith.constant 0 : i32
        %dma_start3A_283 = arith.constant 0 : i32
        %dma_start3A_284 = tpu.memref_slice %arg16[%dma_start3A_282, %dma_start3A_283] : memref<10240x64xf32, #tpu.memory_space<vmem_shared>> -> memref<10240x64xf32, #tpu.memory_space<vmem_shared>>
        tpu.enqueue_indirect_dma source(%arg15 : memref<128x64xf32, #tpu.memory_space<vmem>>) target(%dma_start3A_284 : memref<10240x64xf32, #tpu.memory_space<vmem_shared>>) offsets(%dma_start3A_281 : memref<128xi32, #tpu.memory_space<vmem>>) semaphore(%arg26 : memref<!tpu.dma_semaphore, #tpu.memory_space<semaphore_mem>>) {add = true}
      }
      %scan3A_130 = arith.constant 31 : i32
      %dma_wait3A_131 = arith.constant 155 : i32
      %dma_wait3A_132 = arith.constant 0 : i32
      %dma_wait3A_133 = tpu.memref_slice %arg10[%dma_wait3A_131, %dma_wait3A_132] : memref<160x128xi32, #tpu.memory_space<vmem>> -> memref<1x128xi32, #tpu.memory_space<vmem>>
      %dma_wait3A_134 = tpu.memref_squeeze %dma_wait3A_133 : memref<1x128xi32, #tpu.memory_space<vmem>> -> memref<128xi32, #tpu.memory_space<vmem>>
      %dma_wait3A_135 = arith.constant 0 : i32
      %dma_wait3A_136 = arith.constant 0 : i32
      %dma_wait3A_137 = tpu.memref_slice %arg16[%dma_wait3A_135, %dma_wait3A_136] : memref<10240x64xf32, #tpu.memory_space<vmem_shared>> -> memref<10240x64xf32, #tpu.memory_space<vmem_shared>>
      tpu.wait_indirect_dma semaphore(%arg22 : memref<!tpu.dma_semaphore, #tpu.memory_space<semaphore_mem>>) src(%arg11 : memref<128x64xf32, #tpu.memory_space<vmem>>) dst(%dma_wait3A_137 : memref<10240x64xf32, #tpu.memory_space<vmem_shared>>)
      %dma_wait3A_138 = arith.constant 156 : i32
      %dma_wait3A_139 = arith.constant 0 : i32
      %dma_wait3A_140 = tpu.memref_slice %arg10[%dma_wait3A_138, %dma_wait3A_139] : memref<160x128xi32, #tpu.memory_space<vmem>> -> memref<1x128xi32, #tpu.memory_space<vmem>>
      %dma_wait3A_141 = tpu.memref_squeeze %dma_wait3A_140 : memref<1x128xi32, #tpu.memory_space<vmem>> -> memref<128xi32, #tpu.memory_space<vmem>>
      %dma_wait3A_142 = arith.constant 0 : i32
      %dma_wait3A_143 = arith.constant 0 : i32
      %dma_wait3A_144 = tpu.memref_slice %arg16[%dma_wait3A_142, %dma_wait3A_143] : memref<10240x64xf32, #tpu.memory_space<vmem_shared>> -> memref<10240x64xf32, #tpu.memory_space<vmem_shared>>
      tpu.wait_indirect_dma semaphore(%arg23 : memref<!tpu.dma_semaphore, #tpu.memory_space<semaphore_mem>>) src(%arg12 : memref<128x64xf32, #tpu.memory_space<vmem>>) dst(%dma_wait3A_144 : memref<10240x64xf32, #tpu.memory_space<vmem_shared>>)
      %dma_wait3A_145 = arith.constant 157 : i32
      %dma_wait3A_146 = arith.constant 0 : i32
      %dma_wait3A_147 = tpu.memref_slice %arg10[%dma_wait3A_145, %dma_wait3A_146] : memref<160x128xi32, #tpu.memory_space<vmem>> -> memref<1x128xi32, #tpu.memory_space<vmem>>
      %dma_wait3A_148 = tpu.memref_squeeze %dma_wait3A_147 : memref<1x128xi32, #tpu.memory_space<vmem>> -> memref<128xi32, #tpu.memory_space<vmem>>
      %dma_wait3A_149 = arith.constant 0 : i32
      %dma_wait3A_150 = arith.constant 0 : i32
      %dma_wait3A_151 = tpu.memref_slice %arg16[%dma_wait3A_149, %dma_wait3A_150] : memref<10240x64xf32, #tpu.memory_space<vmem_shared>> -> memref<10240x64xf32, #tpu.memory_space<vmem_shared>>
      tpu.wait_indirect_dma semaphore(%arg24 : memref<!tpu.dma_semaphore, #tpu.memory_space<semaphore_mem>>) src(%arg13 : memref<128x64xf32, #tpu.memory_space<vmem>>) dst(%dma_wait3A_151 : memref<10240x64xf32, #tpu.memory_space<vmem_shared>>)
      %dma_wait3A_152 = arith.constant 158 : i32
      %dma_wait3A_153 = arith.constant 0 : i32
      %dma_wait3A_154 = tpu.memref_slice %arg10[%dma_wait3A_152, %dma_wait3A_153] : memref<160x128xi32, #tpu.memory_space<vmem>> -> memref<1x128xi32, #tpu.memory_space<vmem>>
      %dma_wait3A_155 = tpu.memref_squeeze %dma_wait3A_154 : memref<1x128xi32, #tpu.memory_space<vmem>> -> memref<128xi32, #tpu.memory_space<vmem>>
      %dma_wait3A_156 = arith.constant 0 : i32
      %dma_wait3A_157 = arith.constant 0 : i32
      %dma_wait3A_158 = tpu.memref_slice %arg16[%dma_wait3A_156, %dma_wait3A_157] : memref<10240x64xf32, #tpu.memory_space<vmem_shared>> -> memref<10240x64xf32, #tpu.memory_space<vmem_shared>>
      tpu.wait_indirect_dma semaphore(%arg25 : memref<!tpu.dma_semaphore, #tpu.memory_space<semaphore_mem>>) src(%arg14 : memref<128x64xf32, #tpu.memory_space<vmem>>) dst(%dma_wait3A_158 : memref<10240x64xf32, #tpu.memory_space<vmem_shared>>)
      %dma_wait3A_159 = arith.constant 159 : i32
      %dma_wait3A_160 = arith.constant 0 : i32
      %dma_wait3A_161 = tpu.memref_slice %arg10[%dma_wait3A_159, %dma_wait3A_160] : memref<160x128xi32, #tpu.memory_space<vmem>> -> memref<1x128xi32, #tpu.memory_space<vmem>>
      %dma_wait3A_162 = tpu.memref_squeeze %dma_wait3A_161 : memref<1x128xi32, #tpu.memory_space<vmem>> -> memref<128xi32, #tpu.memory_space<vmem>>
      %dma_wait3A_163 = arith.constant 0 : i32
      %dma_wait3A_164 = arith.constant 0 : i32
      %dma_wait3A_165 = tpu.memref_slice %arg16[%dma_wait3A_163, %dma_wait3A_164] : memref<10240x64xf32, #tpu.memory_space<vmem_shared>> -> memref<10240x64xf32, #tpu.memory_space<vmem_shared>>
      tpu.wait_indirect_dma semaphore(%arg26 : memref<!tpu.dma_semaphore, #tpu.memory_space<semaphore_mem>>) src(%arg15 : memref<128x64xf32, #tpu.memory_space<vmem>>) dst(%dma_wait3A_165 : memref<10240x64xf32, #tpu.memory_space<vmem_shared>>)
      %barrier3A_166 = arith.constant 0 : index
      tpu.barrier barrier_id(%barrier3A_166)
      "tpu.region"() ({
        %run_scoped3A = tpu.sem_alloc : memref<!tpu.dma_semaphore, #tpu.memory_space<semaphore_mem>>
        %dma_start3A_167 = arith.constant 0 : i32
        %dma_start3A_168 = tpu.memref_slice %arg8[%mul3A_0, %dma_start3A_167] : memref<10240x64xf32, #tpu.memory_space<hbm>> -> memref<640x64xf32, #tpu.memory_space<hbm>>
        %dma_start3A_169 = arith.constant 0 : i32
        %dma_start3A_170 = tpu.memref_slice %arg16[%mul3A_0, %dma_start3A_169] : memref<10240x64xf32, #tpu.memory_space<vmem_shared>> -> memref<640x64xf32, #tpu.memory_space<vmem_shared>>
        tpu.enqueue_dma source(%dma_start3A_170 : memref<640x64xf32, #tpu.memory_space<vmem_shared>>) target(%dma_start3A_168 : memref<640x64xf32, #tpu.memory_space<hbm>>) target_semaphore(%run_scoped3A : memref<!tpu.dma_semaphore, #tpu.memory_space<semaphore_mem>>)
        %dma_wait3A_171 = arith.constant 0 : i32
        %dma_wait3A_172 = tpu.memref_slice %arg8[%mul3A_0, %dma_wait3A_171] : memref<10240x64xf32, #tpu.memory_space<hbm>> -> memref<640x64xf32, #tpu.memory_space<hbm>>
        %dma_wait3A_173 = arith.constant 0 : i32
        %dma_wait3A_174 = tpu.memref_slice %arg16[%mul3A_0, %dma_wait3A_173] : memref<10240x64xf32, #tpu.memory_space<vmem_shared>> -> memref<640x64xf32, #tpu.memory_space<vmem_shared>>
        tpu.wait_dma2 semaphore(%run_scoped3A : memref<!tpu.dma_semaphore, #tpu.memory_space<semaphore_mem>>) src(%dma_wait3A_174 : memref<640x64xf32, #tpu.memory_space<vmem_shared>>) dst(%dma_wait3A_172 : memref<640x64xf32, #tpu.memory_space<hbm>>)
        tpu.yield
      }) : () -> ()
    } else {
    }
    return
  }
}

#map = affine_map<(d0, d1) -> (0, 0)>
module attributes {stable_mosaic.version = 14 : i64} {
  func.func @_hop_body(%arg0: i32, %arg1: i32, %arg2: memref<10240x64xf32, #tpu.memory_space<hbm>>, %arg3: memref<10240x64xf32, #tpu.memory_space<hbm>>, %arg4: memref<2560x128xi32, #tpu.memory_space<hbm>>, %arg5: memref<2560x128xi32, #tpu.memory_space<hbm>>, %arg6: memref<10240x64xf32, #tpu.memory_space<hbm>>, %arg7: memref<10240x64xf32, #tpu.memory_space<hbm>>, %arg8: memref<10240x64xf32, #tpu.memory_space<hbm>>, %arg9: memref<160x128xi32, #tpu.memory_space<vmem>>, %arg10: memref<160x128xi32, #tpu.memory_space<vmem>>, %arg11: memref<128x64xf32, #tpu.memory_space<vmem>>, %arg12: memref<128x64xf32, #tpu.memory_space<vmem>>, %arg13: memref<128x64xf32, #tpu.memory_space<vmem>>, %arg14: memref<128x64xf32, #tpu.memory_space<vmem>>, %arg15: memref<128x64xf32, #tpu.memory_space<vmem>>, %arg16: memref<10240x64xf32, #tpu.memory_space<vmem_shared>>, %arg17: memref<!tpu.dma_semaphore, #tpu.memory_space<semaphore_mem>>, %arg18: memref<!tpu.dma_semaphore, #tpu.memory_space<semaphore_mem>>, %arg19: memref<!tpu.dma_semaphore, #tpu.memory_space<semaphore_mem>>, %arg20: memref<!tpu.dma_semaphore, #tpu.memory_space<semaphore_mem>>, %arg21: memref<!tpu.dma_semaphore, #tpu.memory_space<semaphore_mem>>, %arg22: memref<!tpu.dma_semaphore, #tpu.memory_space<semaphore_mem>>, %arg23: memref<!tpu.dma_semaphore, #tpu.memory_space<semaphore_mem>>, %arg24: memref<!tpu.dma_semaphore, #tpu.memory_space<semaphore_mem>>, %arg25: memref<!tpu.dma_semaphore, #tpu.memory_space<semaphore_mem>>, %arg26: memref<!tpu.dma_semaphore, #tpu.memory_space<semaphore_mem>>) attributes {dimension_semantics = [#tpu.dimension_semantics<core_parallel>, #tpu.dimension_semantics<subcore_parallel>], iteration_bounds = array<i64: 2, 16>, scalar_prefetch = 0 : i64, scratch_operands = 18 : i64, tpu.core_type = #tpu.core_type<sc_vector_subcore>, window_params = [{transform_indices = #map}, {transform_indices = #map}, {transform_indices = #map}, {transform_indices = #map}, {transform_indices = #map}, {transform_indices = #map}, {transform_indices = #map}]} {
    %mul3A = arith.constant 640 : i32
    %mul3A_0 = arith.muli %arg1, %mul3A : i32
    %mul3A_1 = arith.constant 160 : i32
    %mul3A_2 = arith.muli %arg1, %mul3A_1 : i32
    %eq3A = arith.constant 0 : i32
    %eq3A_3 = arith.cmpi eq, %arg0, %eq3A : i32
    %convert_element_type3A = arith.extui %eq3A_3 : i1 to i32
    %cond3A = arith.constant 0 : i32
    %cond3A_4 = arith.cmpi ne, %convert_element_type3A, %cond3A : i32
    scf.if %cond3A_4 {
      "tpu.region"() ({
        %run_scoped3A = tpu.sem_alloc : memref<!tpu.dma_semaphore, #tpu.memory_space<semaphore_mem>>
        %dma_start3A_167 = arith.constant 0 : i32
        %dma_start3A_168 = tpu.memref_slice %arg4[%mul3A_2, %dma_start3A_167] : memref<2560x128xi32, #tpu.memory_space<hbm>> -> memref<160x128xi32, #tpu.memory_space<hbm>>
        %dma_start3A_169 = arith.constant 0 : i32
        %dma_start3A_170 = tpu.memref_slice %arg4[%mul3A_2, %dma_start3A_169] : memref<2560x128xi32, #tpu.memory_space<hbm>> -> memref<160x128xi32, #tpu.memory_space<hbm>>
        tpu.enqueue_dma source(%dma_start3A_170 : memref<160x128xi32, #tpu.memory_space<hbm>>) target(%arg9 : memref<160x128xi32, #tpu.memory_space<vmem>>) target_semaphore(%run_scoped3A : memref<!tpu.dma_semaphore, #tpu.memory_space<semaphore_mem>>)
        %dma_wait3A_171 = arith.constant 0 : i32
        %dma_wait3A_172 = tpu.memref_slice %arg4[%mul3A_2, %dma_wait3A_171] : memref<2560x128xi32, #tpu.memory_space<hbm>> -> memref<160x128xi32, #tpu.memory_space<hbm>>
        %dma_wait3A_173 = arith.constant 0 : i32
        %dma_wait3A_174 = tpu.memref_slice %arg4[%mul3A_2, %dma_wait3A_173] : memref<2560x128xi32, #tpu.memory_space<hbm>> -> memref<160x128xi32, #tpu.memory_space<hbm>>
        tpu.wait_dma2 semaphore(%run_scoped3A : memref<!tpu.dma_semaphore, #tpu.memory_space<semaphore_mem>>) src(%dma_wait3A_174 : memref<160x128xi32, #tpu.memory_space<hbm>>) dst(%arg9 : memref<160x128xi32, #tpu.memory_space<vmem>>)
        tpu.yield
      }) : () -> ()
      "tpu.region"() ({
        %run_scoped3A = tpu.sem_alloc : memref<!tpu.dma_semaphore, #tpu.memory_space<semaphore_mem>>
        %dma_start3A_167 = arith.constant 0 : i32
        %dma_start3A_168 = tpu.memref_slice %arg5[%mul3A_2, %dma_start3A_167] : memref<2560x128xi32, #tpu.memory_space<hbm>> -> memref<160x128xi32, #tpu.memory_space<hbm>>
        %dma_start3A_169 = arith.constant 0 : i32
        %dma_start3A_170 = tpu.memref_slice %arg5[%mul3A_2, %dma_start3A_169] : memref<2560x128xi32, #tpu.memory_space<hbm>> -> memref<160x128xi32, #tpu.memory_space<hbm>>
        tpu.enqueue_dma source(%dma_start3A_170 : memref<160x128xi32, #tpu.memory_space<hbm>>) target(%arg10 : memref<160x128xi32, #tpu.memory_space<vmem>>) target_semaphore(%run_scoped3A : memref<!tpu.dma_semaphore, #tpu.memory_space<semaphore_mem>>)
        %dma_wait3A_171 = arith.constant 0 : i32
        %dma_wait3A_172 = tpu.memref_slice %arg5[%mul3A_2, %dma_wait3A_171] : memref<2560x128xi32, #tpu.memory_space<hbm>> -> memref<160x128xi32, #tpu.memory_space<hbm>>
        %dma_wait3A_173 = arith.constant 0 : i32
        %dma_wait3A_174 = tpu.memref_slice %arg5[%mul3A_2, %dma_wait3A_173] : memref<2560x128xi32, #tpu.memory_space<hbm>> -> memref<160x128xi32, #tpu.memory_space<hbm>>
        tpu.wait_dma2 semaphore(%run_scoped3A : memref<!tpu.dma_semaphore, #tpu.memory_space<semaphore_mem>>) src(%dma_wait3A_174 : memref<160x128xi32, #tpu.memory_space<hbm>>) dst(%arg10 : memref<160x128xi32, #tpu.memory_space<vmem>>)
        tpu.yield
      }) : () -> ()
      "tpu.region"() ({
        %run_scoped3A = tpu.sem_alloc : memref<!tpu.dma_semaphore, #tpu.memory_space<semaphore_mem>>
        %dma_start3A_167 = arith.constant 0 : i32
        %dma_start3A_168 = tpu.memref_slice %arg16[%mul3A_0, %dma_start3A_167] : memref<10240x64xf32, #tpu.memory_space<vmem_shared>> -> memref<640x64xf32, #tpu.memory_space<vmem_shared>>
        %dma_start3A_169 = arith.constant 0 : i32
        %dma_start3A_170 = tpu.memref_slice %arg6[%mul3A_0, %dma_start3A_169] : memref<10240x64xf32, #tpu.memory_space<hbm>> -> memref<640x64xf32, #tpu.memory_space<hbm>>
        tpu.enqueue_dma source(%dma_start3A_170 : memref<640x64xf32, #tpu.memory_space<hbm>>) target(%dma_start3A_168 : memref<640x64xf32, #tpu.memory_space<vmem_shared>>) target_semaphore(%run_scoped3A : memref<!tpu.dma_semaphore, #tpu.memory_space<semaphore_mem>>)
        %dma_wait3A_171 = arith.constant 0 : i32
        %dma_wait3A_172 = tpu.memref_slice %arg16[%mul3A_0, %dma_wait3A_171] : memref<10240x64xf32, #tpu.memory_space<vmem_shared>> -> memref<640x64xf32, #tpu.memory_space<vmem_shared>>
        %dma_wait3A_173 = arith.constant 0 : i32
        %dma_wait3A_174 = tpu.memref_slice %arg6[%mul3A_0, %dma_wait3A_173] : memref<10240x64xf32, #tpu.memory_space<hbm>> -> memref<640x64xf32, #tpu.memory_space<hbm>>
        tpu.wait_dma2 semaphore(%run_scoped3A : memref<!tpu.dma_semaphore, #tpu.memory_space<semaphore_mem>>) src(%dma_wait3A_174 : memref<640x64xf32, #tpu.memory_space<hbm>>) dst(%dma_wait3A_172 : memref<640x64xf32, #tpu.memory_space<vmem_shared>>)
        tpu.yield
      }) : () -> ()
      %barrier3A = arith.constant 0 : index
      tpu.barrier barrier_id(%barrier3A)
      %dma_start3A = arith.constant 0 : i32
      %dma_start3A_10 = arith.constant 0 : i32
      %dma_start3A_11 = tpu.memref_slice %arg9[%dma_start3A, %dma_start3A_10] : memref<160x128xi32, #tpu.memory_space<vmem>> -> memref<1x128xi32, #tpu.memory_space<vmem>>
      %dma_start3A_12 = tpu.memref_squeeze %dma_start3A_11 : memref<1x128xi32, #tpu.memory_space<vmem>> -> memref<128xi32, #tpu.memory_space<vmem>>
      %dma_start3A_13 = arith.constant 0 : i32
      %dma_start3A_14 = arith.constant 0 : i32
      %dma_start3A_15 = tpu.memref_slice %arg2[%dma_start3A_13, %dma_start3A_14] : memref<10240x64xf32, #tpu.memory_space<hbm>> -> memref<10240x64xf32, #tpu.memory_space<hbm>>
      tpu.enqueue_indirect_dma source(%dma_start3A_15 : memref<10240x64xf32, #tpu.memory_space<hbm>>) target(%arg11 : memref<128x64xf32, #tpu.memory_space<vmem>>) offsets(%dma_start3A_12 : memref<128xi32, #tpu.memory_space<vmem>>) semaphore(%arg17 : memref<!tpu.dma_semaphore, #tpu.memory_space<semaphore_mem>>)
      %dma_start3A_16 = arith.constant 1 : i32
      %dma_start3A_17 = arith.constant 0 : i32
      %dma_start3A_18 = tpu.memref_slice %arg9[%dma_start3A_16, %dma_start3A_17] : memref<160x128xi32, #tpu.memory_space<vmem>> -> memref<1x128xi32, #tpu.memory_space<vmem>>
      %dma_start3A_19 = tpu.memref_squeeze %dma_start3A_18 : memref<1x128xi32, #tpu.memory_space<vmem>> -> memref<128xi32, #tpu.memory_space<vmem>>
      %dma_start3A_20 = arith.constant 0 : i32
      %dma_start3A_21 = arith.constant 0 : i32
      %dma_start3A_22 = tpu.memref_slice %arg2[%dma_start3A_20, %dma_start3A_21] : memref<10240x64xf32, #tpu.memory_space<hbm>> -> memref<10240x64xf32, #tpu.memory_space<hbm>>
      tpu.enqueue_indirect_dma source(%dma_start3A_22 : memref<10240x64xf32, #tpu.memory_space<hbm>>) target(%arg12 : memref<128x64xf32, #tpu.memory_space<vmem>>) offsets(%dma_start3A_19 : memref<128xi32, #tpu.memory_space<vmem>>) semaphore(%arg18 : memref<!tpu.dma_semaphore, #tpu.memory_space<semaphore_mem>>)
      %dma_wait3A = arith.constant 0 : i32
      %dma_wait3A_23 = arith.constant 0 : i32
      %dma_wait3A_24 = tpu.memref_slice %arg9[%dma_wait3A, %dma_wait3A_23] : memref<160x128xi32, #tpu.memory_space<vmem>> -> memref<1x128xi32, #tpu.memory_space<vmem>>
      %dma_wait3A_25 = tpu.memref_squeeze %dma_wait3A_24 : memref<1x128xi32, #tpu.memory_space<vmem>> -> memref<128xi32, #tpu.memory_space<vmem>>
      %dma_wait3A_26 = arith.constant 0 : i32
      %dma_wait3A_27 = arith.constant 0 : i32
      %dma_wait3A_28 = tpu.memref_slice %arg2[%dma_wait3A_26, %dma_wait3A_27] : memref<10240x64xf32, #tpu.memory_space<hbm>> -> memref<10240x64xf32, #tpu.memory_space<hbm>>
      tpu.wait_indirect_dma semaphore(%arg17 : memref<!tpu.dma_semaphore, #tpu.memory_space<semaphore_mem>>) src(%dma_wait3A_28 : memref<10240x64xf32, #tpu.memory_space<hbm>>) dst(%arg11 : memref<128x64xf32, #tpu.memory_space<vmem>>)
      %dma_start3A_29 = arith.constant 0 : i32
      %dma_start3A_30 = arith.constant 0 : i32
      %dma_start3A_31 = tpu.memref_slice %arg10[%dma_start3A_29, %dma_start3A_30] : memref<160x128xi32, #tpu.memory_space<vmem>> -> memref<1x128xi32, #tpu.memory_space<vmem>>
      %dma_start3A_32 = tpu.memref_squeeze %dma_start3A_31 : memref<1x128xi32, #tpu.memory_space<vmem>> -> memref<128xi32, #tpu.memory_space<vmem>>
      %dma_start3A_33 = arith.constant 0 : i32
      %dma_start3A_34 = arith.constant 0 : i32
      %dma_start3A_35 = tpu.memref_slice %arg16[%dma_start3A_33, %dma_start3A_34] : memref<10240x64xf32, #tpu.memory_space<vmem_shared>> -> memref<10240x64xf32, #tpu.memory_space<vmem_shared>>
      tpu.enqueue_indirect_dma source(%arg11 : memref<128x64xf32, #tpu.memory_space<vmem>>) target(%dma_start3A_35 : memref<10240x64xf32, #tpu.memory_space<vmem_shared>>) offsets(%dma_start3A_32 : memref<128xi32, #tpu.memory_space<vmem>>) semaphore(%arg22 : memref<!tpu.dma_semaphore, #tpu.memory_space<semaphore_mem>>) {add = true}
      %dma_start3A_36 = arith.constant 2 : i32
      %dma_start3A_37 = arith.constant 0 : i32
      %dma_start3A_38 = tpu.memref_slice %arg9[%dma_start3A_36, %dma_start3A_37] : memref<160x128xi32, #tpu.memory_space<vmem>> -> memref<1x128xi32, #tpu.memory_space<vmem>>
      %dma_start3A_39 = tpu.memref_squeeze %dma_start3A_38 : memref<1x128xi32, #tpu.memory_space<vmem>> -> memref<128xi32, #tpu.memory_space<vmem>>
      %dma_start3A_40 = arith.constant 0 : i32
      %dma_start3A_41 = arith.constant 0 : i32
      %dma_start3A_42 = tpu.memref_slice %arg2[%dma_start3A_40, %dma_start3A_41] : memref<10240x64xf32, #tpu.memory_space<hbm>> -> memref<10240x64xf32, #tpu.memory_space<hbm>>
      tpu.enqueue_indirect_dma source(%dma_start3A_42 : memref<10240x64xf32, #tpu.memory_space<hbm>>) target(%arg13 : memref<128x64xf32, #tpu.memory_space<vmem>>) offsets(%dma_start3A_39 : memref<128xi32, #tpu.memory_space<vmem>>) semaphore(%arg19 : memref<!tpu.dma_semaphore, #tpu.memory_space<semaphore_mem>>)
      %dma_wait3A_43 = arith.constant 1 : i32
      %dma_wait3A_44 = arith.constant 0 : i32
      %dma_wait3A_45 = tpu.memref_slice %arg9[%dma_wait3A_43, %dma_wait3A_44] : memref<160x128xi32, #tpu.memory_space<vmem>> -> memref<1x128xi32, #tpu.memory_space<vmem>>
      %dma_wait3A_46 = tpu.memref_squeeze %dma_wait3A_45 : memref<1x128xi32, #tpu.memory_space<vmem>> -> memref<128xi32, #tpu.memory_space<vmem>>
      %dma_wait3A_47 = arith.constant 0 : i32
      %dma_wait3A_48 = arith.constant 0 : i32
      %dma_wait3A_49 = tpu.memref_slice %arg2[%dma_wait3A_47, %dma_wait3A_48] : memref<10240x64xf32, #tpu.memory_space<hbm>> -> memref<10240x64xf32, #tpu.memory_space<hbm>>
      tpu.wait_indirect_dma semaphore(%arg18 : memref<!tpu.dma_semaphore, #tpu.memory_space<semaphore_mem>>) src(%dma_wait3A_49 : memref<10240x64xf32, #tpu.memory_space<hbm>>) dst(%arg12 : memref<128x64xf32, #tpu.memory_space<vmem>>)
      %dma_start3A_50 = arith.constant 1 : i32
      %dma_start3A_51 = arith.constant 0 : i32
      %dma_start3A_52 = tpu.memref_slice %arg10[%dma_start3A_50, %dma_start3A_51] : memref<160x128xi32, #tpu.memory_space<vmem>> -> memref<1x128xi32, #tpu.memory_space<vmem>>
      %dma_start3A_53 = tpu.memref_squeeze %dma_start3A_52 : memref<1x128xi32, #tpu.memory_space<vmem>> -> memref<128xi32, #tpu.memory_space<vmem>>
      %dma_start3A_54 = arith.constant 0 : i32
      %dma_start3A_55 = arith.constant 0 : i32
      %dma_start3A_56 = tpu.memref_slice %arg16[%dma_start3A_54, %dma_start3A_55] : memref<10240x64xf32, #tpu.memory_space<vmem_shared>> -> memref<10240x64xf32, #tpu.memory_space<vmem_shared>>
      tpu.enqueue_indirect_dma source(%arg12 : memref<128x64xf32, #tpu.memory_space<vmem>>) target(%dma_start3A_56 : memref<10240x64xf32, #tpu.memory_space<vmem_shared>>) offsets(%dma_start3A_53 : memref<128xi32, #tpu.memory_space<vmem>>) semaphore(%arg23 : memref<!tpu.dma_semaphore, #tpu.memory_space<semaphore_mem>>) {add = true}
      %dma_start3A_57 = arith.constant 3 : i32
      %dma_start3A_58 = arith.constant 0 : i32
      %dma_start3A_59 = tpu.memref_slice %arg9[%dma_start3A_57, %dma_start3A_58] : memref<160x128xi32, #tpu.memory_space<vmem>> -> memref<1x128xi32, #tpu.memory_space<vmem>>
      %dma_start3A_60 = tpu.memref_squeeze %dma_start3A_59 : memref<1x128xi32, #tpu.memory_space<vmem>> -> memref<128xi32, #tpu.memory_space<vmem>>
      %dma_start3A_61 = arith.constant 0 : i32
      %dma_start3A_62 = arith.constant 0 : i32
      %dma_start3A_63 = tpu.memref_slice %arg2[%dma_start3A_61, %dma_start3A_62] : memref<10240x64xf32, #tpu.memory_space<hbm>> -> memref<10240x64xf32, #tpu.memory_space<hbm>>
      tpu.enqueue_indirect_dma source(%dma_start3A_63 : memref<10240x64xf32, #tpu.memory_space<hbm>>) target(%arg14 : memref<128x64xf32, #tpu.memory_space<vmem>>) offsets(%dma_start3A_60 : memref<128xi32, #tpu.memory_space<vmem>>) semaphore(%arg20 : memref<!tpu.dma_semaphore, #tpu.memory_space<semaphore_mem>>)
      %dma_wait3A_64 = arith.constant 2 : i32
      %dma_wait3A_65 = arith.constant 0 : i32
      %dma_wait3A_66 = tpu.memref_slice %arg9[%dma_wait3A_64, %dma_wait3A_65] : memref<160x128xi32, #tpu.memory_space<vmem>> -> memref<1x128xi32, #tpu.memory_space<vmem>>
      %dma_wait3A_67 = tpu.memref_squeeze %dma_wait3A_66 : memref<1x128xi32, #tpu.memory_space<vmem>> -> memref<128xi32, #tpu.memory_space<vmem>>
      %dma_wait3A_68 = arith.constant 0 : i32
      %dma_wait3A_69 = arith.constant 0 : i32
      %dma_wait3A_70 = tpu.memref_slice %arg2[%dma_wait3A_68, %dma_wait3A_69] : memref<10240x64xf32, #tpu.memory_space<hbm>> -> memref<10240x64xf32, #tpu.memory_space<hbm>>
      tpu.wait_indirect_dma semaphore(%arg19 : memref<!tpu.dma_semaphore, #tpu.memory_space<semaphore_mem>>) src(%dma_wait3A_70 : memref<10240x64xf32, #tpu.memory_space<hbm>>) dst(%arg13 : memref<128x64xf32, #tpu.memory_space<vmem>>)
      %dma_start3A_71 = arith.constant 2 : i32
      %dma_start3A_72 = arith.constant 0 : i32
      %dma_start3A_73 = tpu.memref_slice %arg10[%dma_start3A_71, %dma_start3A_72] : memref<160x128xi32, #tpu.memory_space<vmem>> -> memref<1x128xi32, #tpu.memory_space<vmem>>
      %dma_start3A_74 = tpu.memref_squeeze %dma_start3A_73 : memref<1x128xi32, #tpu.memory_space<vmem>> -> memref<128xi32, #tpu.memory_space<vmem>>
      %dma_start3A_75 = arith.constant 0 : i32
      %dma_start3A_76 = arith.constant 0 : i32
      %dma_start3A_77 = tpu.memref_slice %arg16[%dma_start3A_75, %dma_start3A_76] : memref<10240x64xf32, #tpu.memory_space<vmem_shared>> -> memref<10240x64xf32, #tpu.memory_space<vmem_shared>>
      tpu.enqueue_indirect_dma source(%arg13 : memref<128x64xf32, #tpu.memory_space<vmem>>) target(%dma_start3A_77 : memref<10240x64xf32, #tpu.memory_space<vmem_shared>>) offsets(%dma_start3A_74 : memref<128xi32, #tpu.memory_space<vmem>>) semaphore(%arg24 : memref<!tpu.dma_semaphore, #tpu.memory_space<semaphore_mem>>) {add = true}
      %dma_start3A_78 = arith.constant 4 : i32
      %dma_start3A_79 = arith.constant 0 : i32
      %dma_start3A_80 = tpu.memref_slice %arg9[%dma_start3A_78, %dma_start3A_79] : memref<160x128xi32, #tpu.memory_space<vmem>> -> memref<1x128xi32, #tpu.memory_space<vmem>>
      %dma_start3A_81 = tpu.memref_squeeze %dma_start3A_80 : memref<1x128xi32, #tpu.memory_space<vmem>> -> memref<128xi32, #tpu.memory_space<vmem>>
      %dma_start3A_82 = arith.constant 0 : i32
      %dma_start3A_83 = arith.constant 0 : i32
      %dma_start3A_84 = tpu.memref_slice %arg2[%dma_start3A_82, %dma_start3A_83] : memref<10240x64xf32, #tpu.memory_space<hbm>> -> memref<10240x64xf32, #tpu.memory_space<hbm>>
      tpu.enqueue_indirect_dma source(%dma_start3A_84 : memref<10240x64xf32, #tpu.memory_space<hbm>>) target(%arg15 : memref<128x64xf32, #tpu.memory_space<vmem>>) offsets(%dma_start3A_81 : memref<128xi32, #tpu.memory_space<vmem>>) semaphore(%arg21 : memref<!tpu.dma_semaphore, #tpu.memory_space<semaphore_mem>>)
      %dma_wait3A_85 = arith.constant 3 : i32
      %dma_wait3A_86 = arith.constant 0 : i32
      %dma_wait3A_87 = tpu.memref_slice %arg9[%dma_wait3A_85, %dma_wait3A_86] : memref<160x128xi32, #tpu.memory_space<vmem>> -> memref<1x128xi32, #tpu.memory_space<vmem>>
      %dma_wait3A_88 = tpu.memref_squeeze %dma_wait3A_87 : memref<1x128xi32, #tpu.memory_space<vmem>> -> memref<128xi32, #tpu.memory_space<vmem>>
      %dma_wait3A_89 = arith.constant 0 : i32
      %dma_wait3A_90 = arith.constant 0 : i32
      %dma_wait3A_91 = tpu.memref_slice %arg2[%dma_wait3A_89, %dma_wait3A_90] : memref<10240x64xf32, #tpu.memory_space<hbm>> -> memref<10240x64xf32, #tpu.memory_space<hbm>>
      tpu.wait_indirect_dma semaphore(%arg20 : memref<!tpu.dma_semaphore, #tpu.memory_space<semaphore_mem>>) src(%dma_wait3A_91 : memref<10240x64xf32, #tpu.memory_space<hbm>>) dst(%arg14 : memref<128x64xf32, #tpu.memory_space<vmem>>)
      %dma_start3A_92 = arith.constant 3 : i32
      %dma_start3A_93 = arith.constant 0 : i32
      %dma_start3A_94 = tpu.memref_slice %arg10[%dma_start3A_92, %dma_start3A_93] : memref<160x128xi32, #tpu.memory_space<vmem>> -> memref<1x128xi32, #tpu.memory_space<vmem>>
      %dma_start3A_95 = tpu.memref_squeeze %dma_start3A_94 : memref<1x128xi32, #tpu.memory_space<vmem>> -> memref<128xi32, #tpu.memory_space<vmem>>
      %dma_start3A_96 = arith.constant 0 : i32
      %dma_start3A_97 = arith.constant 0 : i32
      %dma_start3A_98 = tpu.memref_slice %arg16[%dma_start3A_96, %dma_start3A_97] : memref<10240x64xf32, #tpu.memory_space<vmem_shared>> -> memref<10240x64xf32, #tpu.memory_space<vmem_shared>>
      tpu.enqueue_indirect_dma source(%arg14 : memref<128x64xf32, #tpu.memory_space<vmem>>) target(%dma_start3A_98 : memref<10240x64xf32, #tpu.memory_space<vmem_shared>>) offsets(%dma_start3A_95 : memref<128xi32, #tpu.memory_space<vmem>>) semaphore(%arg25 : memref<!tpu.dma_semaphore, #tpu.memory_space<semaphore_mem>>) {add = true}
      %dma_wait3A_99 = arith.constant 0 : i32
      %dma_wait3A_100 = arith.constant 0 : i32
      %dma_wait3A_101 = tpu.memref_slice %arg10[%dma_wait3A_99, %dma_wait3A_100] : memref<160x128xi32, #tpu.memory_space<vmem>> -> memref<1x128xi32, #tpu.memory_space<vmem>>
      %dma_wait3A_102 = tpu.memref_squeeze %dma_wait3A_101 : memref<1x128xi32, #tpu.memory_space<vmem>> -> memref<128xi32, #tpu.memory_space<vmem>>
      %dma_wait3A_103 = arith.constant 0 : i32
      %dma_wait3A_104 = arith.constant 0 : i32
      %dma_wait3A_105 = tpu.memref_slice %arg16[%dma_wait3A_103, %dma_wait3A_104] : memref<10240x64xf32, #tpu.memory_space<vmem_shared>> -> memref<10240x64xf32, #tpu.memory_space<vmem_shared>>
      tpu.wait_indirect_dma semaphore(%arg22 : memref<!tpu.dma_semaphore, #tpu.memory_space<semaphore_mem>>) src(%arg11 : memref<128x64xf32, #tpu.memory_space<vmem>>) dst(%dma_wait3A_105 : memref<10240x64xf32, #tpu.memory_space<vmem_shared>>)
      %dma_start3A_106 = arith.constant 5 : i32
      %dma_start3A_107 = arith.constant 0 : i32
      %dma_start3A_108 = tpu.memref_slice %arg9[%dma_start3A_106, %dma_start3A_107] : memref<160x128xi32, #tpu.memory_space<vmem>> -> memref<1x128xi32, #tpu.memory_space<vmem>>
      %dma_start3A_109 = tpu.memref_squeeze %dma_start3A_108 : memref<1x128xi32, #tpu.memory_space<vmem>> -> memref<128xi32, #tpu.memory_space<vmem>>
      %dma_start3A_110 = arith.constant 0 : i32
      %dma_start3A_111 = arith.constant 0 : i32
      %dma_start3A_112 = tpu.memref_slice %arg2[%dma_start3A_110, %dma_start3A_111] : memref<10240x64xf32, #tpu.memory_space<hbm>> -> memref<10240x64xf32, #tpu.memory_space<hbm>>
      tpu.enqueue_indirect_dma source(%dma_start3A_112 : memref<10240x64xf32, #tpu.memory_space<hbm>>) target(%arg11 : memref<128x64xf32, #tpu.memory_space<vmem>>) offsets(%dma_start3A_109 : memref<128xi32, #tpu.memory_space<vmem>>) semaphore(%arg17 : memref<!tpu.dma_semaphore, #tpu.memory_space<semaphore_mem>>)
      %dma_wait3A_113 = arith.constant 4 : i32
      %dma_wait3A_114 = arith.constant 0 : i32
      %dma_wait3A_115 = tpu.memref_slice %arg9[%dma_wait3A_113, %dma_wait3A_114] : memref<160x128xi32, #tpu.memory_space<vmem>> -> memref<1x128xi32, #tpu.memory_space<vmem>>
      %dma_wait3A_116 = tpu.memref_squeeze %dma_wait3A_115 : memref<1x128xi32, #tpu.memory_space<vmem>> -> memref<128xi32, #tpu.memory_space<vmem>>
      %dma_wait3A_117 = arith.constant 0 : i32
      %dma_wait3A_118 = arith.constant 0 : i32
      %dma_wait3A_119 = tpu.memref_slice %arg2[%dma_wait3A_117, %dma_wait3A_118] : memref<10240x64xf32, #tpu.memory_space<hbm>> -> memref<10240x64xf32, #tpu.memory_space<hbm>>
      tpu.wait_indirect_dma semaphore(%arg21 : memref<!tpu.dma_semaphore, #tpu.memory_space<semaphore_mem>>) src(%dma_wait3A_119 : memref<10240x64xf32, #tpu.memory_space<hbm>>) dst(%arg15 : memref<128x64xf32, #tpu.memory_space<vmem>>)
      %dma_start3A_120 = arith.constant 4 : i32
      %dma_start3A_121 = arith.constant 0 : i32
      %dma_start3A_122 = tpu.memref_slice %arg10[%dma_start3A_120, %dma_start3A_121] : memref<160x128xi32, #tpu.memory_space<vmem>> -> memref<1x128xi32, #tpu.memory_space<vmem>>
      %dma_start3A_123 = tpu.memref_squeeze %dma_start3A_122 : memref<1x128xi32, #tpu.memory_space<vmem>> -> memref<128xi32, #tpu.memory_space<vmem>>
      %dma_start3A_124 = arith.constant 0 : i32
      %dma_start3A_125 = arith.constant 0 : i32
      %dma_start3A_126 = tpu.memref_slice %arg16[%dma_start3A_124, %dma_start3A_125] : memref<10240x64xf32, #tpu.memory_space<vmem_shared>> -> memref<10240x64xf32, #tpu.memory_space<vmem_shared>>
      tpu.enqueue_indirect_dma source(%arg15 : memref<128x64xf32, #tpu.memory_space<vmem>>) target(%dma_start3A_126 : memref<10240x64xf32, #tpu.memory_space<vmem_shared>>) offsets(%dma_start3A_123 : memref<128xi32, #tpu.memory_space<vmem>>) semaphore(%arg26 : memref<!tpu.dma_semaphore, #tpu.memory_space<semaphore_mem>>) {add = true}
      %scan3A = arith.constant 0 : i32
      %scan3A_127 = arith.constant 31 : i32
      %scan3A_128 = arith.addi %scan3A, %scan3A_127 : i32
      %scan3A_129 = arith.constant 1 : i32
      scf.for %scan3A_167 = %scan3A to %scan3A_128 step %scan3A_129  : i32 {
        %mul3A_168 = arith.constant 1 : i32
        %mul3A_169 = arith.muli %scan3A_167, %mul3A_168 : i32
        %add3A = arith.constant 1 : i32
        %add3A_170 = arith.addi %add3A, %mul3A_169 : i32
        %mul3A_171 = arith.constant 5 : i32
        %mul3A_172 = arith.muli %mul3A_171, %add3A_170 : i32
        %add3A_173 = arith.constant 0 : i32
        %add3A_174 = arith.addi %mul3A_172, %add3A_173 : i32
        %add3A_175 = arith.constant 1 : i32
        %add3A_176 = arith.addi %add3A_174, %add3A_175 : i32
        %lt3A = arith.constant 160 : i32
        %lt3A_177 = arith.cmpi slt, %add3A_176, %lt3A : i32
        %convert_element_type3A_178 = arith.extui %lt3A_177 : i1 to i32
        %cond3A_179 = arith.constant 0 : i32
        %cond3A_180 = arith.cmpi ne, %convert_element_type3A_178, %cond3A_179 : i32
        scf.if %cond3A_180 {
          %sub3A = arith.constant 4 : i32
          %sub3A_285 = arith.subi %add3A_174, %sub3A : i32
          %dma_wait3A_286 = arith.constant 0 : i32
          %dma_wait3A_287 = tpu.memref_slice %arg10[%sub3A_285, %dma_wait3A_286] : memref<160x128xi32, #tpu.memory_space<vmem>> -> memref<1x128xi32, #tpu.memory_space<vmem>>
          %dma_wait3A_288 = tpu.memref_squeeze %dma_wait3A_287 : memref<1x128xi32, #tpu.memory_space<vmem>> -> memref<128xi32, #tpu.memory_space<vmem>>
          %dma_wait3A_289 = arith.constant 0 : i32
          %dma_wait3A_290 = arith.constant 0 : i32
          %dma_wait3A_291 = tpu.memref_slice %arg16[%dma_wait3A_289, %dma_wait3A_290] : memref<10240x64xf32, #tpu.memory_space<vmem_shared>> -> memref<10240x64xf32, #tpu.memory_space<vmem_shared>>
          tpu.wait_indirect_dma semaphore(%arg23 : memref<!tpu.dma_semaphore, #tpu.memory_space<semaphore_mem>>) src(%arg12 : memref<128x64xf32, #tpu.memory_space<vmem>>) dst(%dma_wait3A_291 : memref<10240x64xf32, #tpu.memory_space<vmem_shared>>)
          %add3A_292 = arith.constant 1 : i32
          %add3A_293 = arith.addi %add3A_174, %add3A_292 : i32
          %dma_start3A_294 = arith.constant 0 : i32
          %dma_start3A_295 = tpu.memref_slice %arg9[%add3A_293, %dma_start3A_294] : memref<160x128xi32, #tpu.memory_space<vmem>> -> memref<1x128xi32, #tpu.memory_space<vmem>>
          %dma_start3A_296 = tpu.memref_squeeze %dma_start3A_295 : memref<1x128xi32, #tpu.memory_space<vmem>> -> memref<128xi32, #tpu.memory_space<vmem>>
          %dma_start3A_297 = arith.constant 0 : i32
          %dma_start3A_298 = arith.constant 0 : i32
          %dma_start3A_299 = tpu.memref_slice %arg2[%dma_start3A_297, %dma_start3A_298] : memref<10240x64xf32, #tpu.memory_space<hbm>> -> memref<10240x64xf32, #tpu.memory_space<hbm>>
          tpu.enqueue_indirect_dma source(%dma_start3A_299 : memref<10240x64xf32, #tpu.memory_space<hbm>>) target(%arg12 : memref<128x64xf32, #tpu.memory_space<vmem>>) offsets(%dma_start3A_296 : memref<128xi32, #tpu.memory_space<vmem>>) semaphore(%arg18 : memref<!tpu.dma_semaphore, #tpu.memory_space<semaphore_mem>>)
        } else {
        }
        %dma_wait3A_181 = arith.constant 0 : i32
        %dma_wait3A_182 = tpu.memref_slice %arg9[%add3A_174, %dma_wait3A_181] : memref<160x128xi32, #tpu.memory_space<vmem>> -> memref<1x128xi32, #tpu.memory_space<vmem>>
        %dma_wait3A_183 = tpu.memref_squeeze %dma_wait3A_182 : memref<1x128xi32, #tpu.memory_space<vmem>> -> memref<128xi32, #tpu.memory_space<vmem>>
        %dma_wait3A_184 = arith.constant 0 : i32
        %dma_wait3A_185 = arith.constant 0 : i32
        %dma_wait3A_186 = tpu.memref_slice %arg2[%dma_wait3A_184, %dma_wait3A_185] : memref<10240x64xf32, #tpu.memory_space<hbm>> -> memref<10240x64xf32, #tpu.memory_space<hbm>>
        tpu.wait_indirect_dma semaphore(%arg17 : memref<!tpu.dma_semaphore, #tpu.memory_space<semaphore_mem>>) src(%dma_wait3A_186 : memref<10240x64xf32, #tpu.memory_space<hbm>>) dst(%arg11 : memref<128x64xf32, #tpu.memory_space<vmem>>)
        %dma_start3A_187 = arith.constant 0 : i32
        %dma_start3A_188 = tpu.memref_slice %arg10[%add3A_174, %dma_start3A_187] : memref<160x128xi32, #tpu.memory_space<vmem>> -> memref<1x128xi32, #tpu.memory_space<vmem>>
        %dma_start3A_189 = tpu.memref_squeeze %dma_start3A_188 : memref<1x128xi32, #tpu.memory_space<vmem>> -> memref<128xi32, #tpu.memory_space<vmem>>
        %dma_start3A_190 = arith.constant 0 : i32
        %dma_start3A_191 = arith.constant 0 : i32
        %dma_start3A_192 = tpu.memref_slice %arg16[%dma_start3A_190, %dma_start3A_191] : memref<10240x64xf32, #tpu.memory_space<vmem_shared>> -> memref<10240x64xf32, #tpu.memory_space<vmem_shared>>
        tpu.enqueue_indirect_dma source(%arg11 : memref<128x64xf32, #tpu.memory_space<vmem>>) target(%dma_start3A_192 : memref<10240x64xf32, #tpu.memory_space<vmem_shared>>) offsets(%dma_start3A_189 : memref<128xi32, #tpu.memory_space<vmem>>) semaphore(%arg22 : memref<!tpu.dma_semaphore, #tpu.memory_space<semaphore_mem>>) {add = true}
        %mul3A_193 = arith.constant 5 : i32
        %mul3A_194 = arith.muli %mul3A_193, %add3A_170 : i32
        %add3A_195 = arith.constant 1 : i32
        %add3A_196 = arith.addi %mul3A_194, %add3A_195 : i32
        %add3A_197 = arith.constant 1 : i32
        %add3A_198 = arith.addi %add3A_196, %add3A_197 : i32
        %lt3A_199 = arith.constant 160 : i32
        %lt3A_200 = arith.cmpi slt, %add3A_198, %lt3A_199 : i32
        %convert_element_type3A_201 = arith.extui %lt3A_200 : i1 to i32
        %cond3A_202 = arith.constant 0 : i32
        %cond3A_203 = arith.cmpi ne, %convert_element_type3A_201, %cond3A_202 : i32
        scf.if %cond3A_203 {
          %sub3A = arith.constant 4 : i32
          %sub3A_285 = arith.subi %add3A_196, %sub3A : i32
          %dma_wait3A_286 = arith.constant 0 : i32
          %dma_wait3A_287 = tpu.memref_slice %arg10[%sub3A_285, %dma_wait3A_286] : memref<160x128xi32, #tpu.memory_space<vmem>> -> memref<1x128xi32, #tpu.memory_space<vmem>>
          %dma_wait3A_288 = tpu.memref_squeeze %dma_wait3A_287 : memref<1x128xi32, #tpu.memory_space<vmem>> -> memref<128xi32, #tpu.memory_space<vmem>>
          %dma_wait3A_289 = arith.constant 0 : i32
          %dma_wait3A_290 = arith.constant 0 : i32
          %dma_wait3A_291 = tpu.memref_slice %arg16[%dma_wait3A_289, %dma_wait3A_290] : memref<10240x64xf32, #tpu.memory_space<vmem_shared>> -> memref<10240x64xf32, #tpu.memory_space<vmem_shared>>
          tpu.wait_indirect_dma semaphore(%arg24 : memref<!tpu.dma_semaphore, #tpu.memory_space<semaphore_mem>>) src(%arg13 : memref<128x64xf32, #tpu.memory_space<vmem>>) dst(%dma_wait3A_291 : memref<10240x64xf32, #tpu.memory_space<vmem_shared>>)
          %add3A_292 = arith.constant 1 : i32
          %add3A_293 = arith.addi %add3A_196, %add3A_292 : i32
          %dma_start3A_294 = arith.constant 0 : i32
          %dma_start3A_295 = tpu.memref_slice %arg9[%add3A_293, %dma_start3A_294] : memref<160x128xi32, #tpu.memory_space<vmem>> -> memref<1x128xi32, #tpu.memory_space<vmem>>
          %dma_start3A_296 = tpu.memref_squeeze %dma_start3A_295 : memref<1x128xi32, #tpu.memory_space<vmem>> -> memref<128xi32, #tpu.memory_space<vmem>>
          %dma_start3A_297 = arith.constant 0 : i32
          %dma_start3A_298 = arith.constant 0 : i32
          %dma_start3A_299 = tpu.memref_slice %arg2[%dma_start3A_297, %dma_start3A_298] : memref<10240x64xf32, #tpu.memory_space<hbm>> -> memref<10240x64xf32, #tpu.memory_space<hbm>>
          tpu.enqueue_indirect_dma source(%dma_start3A_299 : memref<10240x64xf32, #tpu.memory_space<hbm>>) target(%arg13 : memref<128x64xf32, #tpu.memory_space<vmem>>) offsets(%dma_start3A_296 : memref<128xi32, #tpu.memory_space<vmem>>) semaphore(%arg19 : memref<!tpu.dma_semaphore, #tpu.memory_space<semaphore_mem>>)
        } else {
        }
        %dma_wait3A_204 = arith.constant 0 : i32
        %dma_wait3A_205 = tpu.memref_slice %arg9[%add3A_196, %dma_wait3A_204] : memref<160x128xi32, #tpu.memory_space<vmem>> -> memref<1x128xi32, #tpu.memory_space<vmem>>
        %dma_wait3A_206 = tpu.memref_squeeze %dma_wait3A_205 : memref<1x128xi32, #tpu.memory_space<vmem>> -> memref<128xi32, #tpu.memory_space<vmem>>
        %dma_wait3A_207 = arith.constant 0 : i32
        %dma_wait3A_208 = arith.constant 0 : i32
        %dma_wait3A_209 = tpu.memref_slice %arg2[%dma_wait3A_207, %dma_wait3A_208] : memref<10240x64xf32, #tpu.memory_space<hbm>> -> memref<10240x64xf32, #tpu.memory_space<hbm>>
        tpu.wait_indirect_dma semaphore(%arg18 : memref<!tpu.dma_semaphore, #tpu.memory_space<semaphore_mem>>) src(%dma_wait3A_209 : memref<10240x64xf32, #tpu.memory_space<hbm>>) dst(%arg12 : memref<128x64xf32, #tpu.memory_space<vmem>>)
        %dma_start3A_210 = arith.constant 0 : i32
        %dma_start3A_211 = tpu.memref_slice %arg10[%add3A_196, %dma_start3A_210] : memref<160x128xi32, #tpu.memory_space<vmem>> -> memref<1x128xi32, #tpu.memory_space<vmem>>
        %dma_start3A_212 = tpu.memref_squeeze %dma_start3A_211 : memref<1x128xi32, #tpu.memory_space<vmem>> -> memref<128xi32, #tpu.memory_space<vmem>>
        %dma_start3A_213 = arith.constant 0 : i32
        %dma_start3A_214 = arith.constant 0 : i32
        %dma_start3A_215 = tpu.memref_slice %arg16[%dma_start3A_213, %dma_start3A_214] : memref<10240x64xf32, #tpu.memory_space<vmem_shared>> -> memref<10240x64xf32, #tpu.memory_space<vmem_shared>>
        tpu.enqueue_indirect_dma source(%arg12 : memref<128x64xf32, #tpu.memory_space<vmem>>) target(%dma_start3A_215 : memref<10240x64xf32, #tpu.memory_space<vmem_shared>>) offsets(%dma_start3A_212 : memref<128xi32, #tpu.memory_space<vmem>>) semaphore(%arg23 : memref<!tpu.dma_semaphore, #tpu.memory_space<semaphore_mem>>) {add = true}
        %mul3A_216 = arith.constant 5 : i32
        %mul3A_217 = arith.muli %mul3A_216, %add3A_170 : i32
        %add3A_218 = arith.constant 2 : i32
        %add3A_219 = arith.addi %mul3A_217, %add3A_218 : i32
        %add3A_220 = arith.constant 1 : i32
        %add3A_221 = arith.addi %add3A_219, %add3A_220 : i32
        %lt3A_222 = arith.constant 160 : i32
        %lt3A_223 = arith.cmpi slt, %add3A_221, %lt3A_222 : i32
        %convert_element_type3A_224 = arith.extui %lt3A_223 : i1 to i32
        %cond3A_225 = arith.constant 0 : i32
        %cond3A_226 = arith.cmpi ne, %convert_element_type3A_224, %cond3A_225 : i32
        scf.if %cond3A_226 {
          %sub3A = arith.constant 4 : i32
          %sub3A_285 = arith.subi %add3A_219, %sub3A : i32
          %dma_wait3A_286 = arith.constant 0 : i32
          %dma_wait3A_287 = tpu.memref_slice %arg10[%sub3A_285, %dma_wait3A_286] : memref<160x128xi32, #tpu.memory_space<vmem>> -> memref<1x128xi32, #tpu.memory_space<vmem>>
          %dma_wait3A_288 = tpu.memref_squeeze %dma_wait3A_287 : memref<1x128xi32, #tpu.memory_space<vmem>> -> memref<128xi32, #tpu.memory_space<vmem>>
          %dma_wait3A_289 = arith.constant 0 : i32
          %dma_wait3A_290 = arith.constant 0 : i32
          %dma_wait3A_291 = tpu.memref_slice %arg16[%dma_wait3A_289, %dma_wait3A_290] : memref<10240x64xf32, #tpu.memory_space<vmem_shared>> -> memref<10240x64xf32, #tpu.memory_space<vmem_shared>>
          tpu.wait_indirect_dma semaphore(%arg25 : memref<!tpu.dma_semaphore, #tpu.memory_space<semaphore_mem>>) src(%arg14 : memref<128x64xf32, #tpu.memory_space<vmem>>) dst(%dma_wait3A_291 : memref<10240x64xf32, #tpu.memory_space<vmem_shared>>)
          %add3A_292 = arith.constant 1 : i32
          %add3A_293 = arith.addi %add3A_219, %add3A_292 : i32
          %dma_start3A_294 = arith.constant 0 : i32
          %dma_start3A_295 = tpu.memref_slice %arg9[%add3A_293, %dma_start3A_294] : memref<160x128xi32, #tpu.memory_space<vmem>> -> memref<1x128xi32, #tpu.memory_space<vmem>>
          %dma_start3A_296 = tpu.memref_squeeze %dma_start3A_295 : memref<1x128xi32, #tpu.memory_space<vmem>> -> memref<128xi32, #tpu.memory_space<vmem>>
          %dma_start3A_297 = arith.constant 0 : i32
          %dma_start3A_298 = arith.constant 0 : i32
          %dma_start3A_299 = tpu.memref_slice %arg2[%dma_start3A_297, %dma_start3A_298] : memref<10240x64xf32, #tpu.memory_space<hbm>> -> memref<10240x64xf32, #tpu.memory_space<hbm>>
          tpu.enqueue_indirect_dma source(%dma_start3A_299 : memref<10240x64xf32, #tpu.memory_space<hbm>>) target(%arg14 : memref<128x64xf32, #tpu.memory_space<vmem>>) offsets(%dma_start3A_296 : memref<128xi32, #tpu.memory_space<vmem>>) semaphore(%arg20 : memref<!tpu.dma_semaphore, #tpu.memory_space<semaphore_mem>>)
        } else {
        }
        %dma_wait3A_227 = arith.constant 0 : i32
        %dma_wait3A_228 = tpu.memref_slice %arg9[%add3A_219, %dma_wait3A_227] : memref<160x128xi32, #tpu.memory_space<vmem>> -> memref<1x128xi32, #tpu.memory_space<vmem>>
        %dma_wait3A_229 = tpu.memref_squeeze %dma_wait3A_228 : memref<1x128xi32, #tpu.memory_space<vmem>> -> memref<128xi32, #tpu.memory_space<vmem>>
        %dma_wait3A_230 = arith.constant 0 : i32
        %dma_wait3A_231 = arith.constant 0 : i32
        %dma_wait3A_232 = tpu.memref_slice %arg2[%dma_wait3A_230, %dma_wait3A_231] : memref<10240x64xf32, #tpu.memory_space<hbm>> -> memref<10240x64xf32, #tpu.memory_space<hbm>>
        tpu.wait_indirect_dma semaphore(%arg19 : memref<!tpu.dma_semaphore, #tpu.memory_space<semaphore_mem>>) src(%dma_wait3A_232 : memref<10240x64xf32, #tpu.memory_space<hbm>>) dst(%arg13 : memref<128x64xf32, #tpu.memory_space<vmem>>)
        %dma_start3A_233 = arith.constant 0 : i32
        %dma_start3A_234 = tpu.memref_slice %arg10[%add3A_219, %dma_start3A_233] : memref<160x128xi32, #tpu.memory_space<vmem>> -> memref<1x128xi32, #tpu.memory_space<vmem>>
        %dma_start3A_235 = tpu.memref_squeeze %dma_start3A_234 : memref<1x128xi32, #tpu.memory_space<vmem>> -> memref<128xi32, #tpu.memory_space<vmem>>
        %dma_start3A_236 = arith.constant 0 : i32
        %dma_start3A_237 = arith.constant 0 : i32
        %dma_start3A_238 = tpu.memref_slice %arg16[%dma_start3A_236, %dma_start3A_237] : memref<10240x64xf32, #tpu.memory_space<vmem_shared>> -> memref<10240x64xf32, #tpu.memory_space<vmem_shared>>
        tpu.enqueue_indirect_dma source(%arg13 : memref<128x64xf32, #tpu.memory_space<vmem>>) target(%dma_start3A_238 : memref<10240x64xf32, #tpu.memory_space<vmem_shared>>) offsets(%dma_start3A_235 : memref<128xi32, #tpu.memory_space<vmem>>) semaphore(%arg24 : memref<!tpu.dma_semaphore, #tpu.memory_space<semaphore_mem>>) {add = true}
        %mul3A_239 = arith.constant 5 : i32
        %mul3A_240 = arith.muli %mul3A_239, %add3A_170 : i32
        %add3A_241 = arith.constant 3 : i32
        %add3A_242 = arith.addi %mul3A_240, %add3A_241 : i32
        %add3A_243 = arith.constant 1 : i32
        %add3A_244 = arith.addi %add3A_242, %add3A_243 : i32
        %lt3A_245 = arith.constant 160 : i32
        %lt3A_246 = arith.cmpi slt, %add3A_244, %lt3A_245 : i32
        %convert_element_type3A_247 = arith.extui %lt3A_246 : i1 to i32
        %cond3A_248 = arith.constant 0 : i32
        %cond3A_249 = arith.cmpi ne, %convert_element_type3A_247, %cond3A_248 : i32
        scf.if %cond3A_249 {
          %sub3A = arith.constant 4 : i32
          %sub3A_285 = arith.subi %add3A_242, %sub3A : i32
          %dma_wait3A_286 = arith.constant 0 : i32
          %dma_wait3A_287 = tpu.memref_slice %arg10[%sub3A_285, %dma_wait3A_286] : memref<160x128xi32, #tpu.memory_space<vmem>> -> memref<1x128xi32, #tpu.memory_space<vmem>>
          %dma_wait3A_288 = tpu.memref_squeeze %dma_wait3A_287 : memref<1x128xi32, #tpu.memory_space<vmem>> -> memref<128xi32, #tpu.memory_space<vmem>>
          %dma_wait3A_289 = arith.constant 0 : i32
          %dma_wait3A_290 = arith.constant 0 : i32
          %dma_wait3A_291 = tpu.memref_slice %arg16[%dma_wait3A_289, %dma_wait3A_290] : memref<10240x64xf32, #tpu.memory_space<vmem_shared>> -> memref<10240x64xf32, #tpu.memory_space<vmem_shared>>
          tpu.wait_indirect_dma semaphore(%arg26 : memref<!tpu.dma_semaphore, #tpu.memory_space<semaphore_mem>>) src(%arg15 : memref<128x64xf32, #tpu.memory_space<vmem>>) dst(%dma_wait3A_291 : memref<10240x64xf32, #tpu.memory_space<vmem_shared>>)
          %add3A_292 = arith.constant 1 : i32
          %add3A_293 = arith.addi %add3A_242, %add3A_292 : i32
          %dma_start3A_294 = arith.constant 0 : i32
          %dma_start3A_295 = tpu.memref_slice %arg9[%add3A_293, %dma_start3A_294] : memref<160x128xi32, #tpu.memory_space<vmem>> -> memref<1x128xi32, #tpu.memory_space<vmem>>
          %dma_start3A_296 = tpu.memref_squeeze %dma_start3A_295 : memref<1x128xi32, #tpu.memory_space<vmem>> -> memref<128xi32, #tpu.memory_space<vmem>>
          %dma_start3A_297 = arith.constant 0 : i32
          %dma_start3A_298 = arith.constant 0 : i32
          %dma_start3A_299 = tpu.memref_slice %arg2[%dma_start3A_297, %dma_start3A_298] : memref<10240x64xf32, #tpu.memory_space<hbm>> -> memref<10240x64xf32, #tpu.memory_space<hbm>>
          tpu.enqueue_indirect_dma source(%dma_start3A_299 : memref<10240x64xf32, #tpu.memory_space<hbm>>) target(%arg15 : memref<128x64xf32, #tpu.memory_space<vmem>>) offsets(%dma_start3A_296 : memref<128xi32, #tpu.memory_space<vmem>>) semaphore(%arg21 : memref<!tpu.dma_semaphore, #tpu.memory_space<semaphore_mem>>)
        } else {
        }
        %dma_wait3A_250 = arith.constant 0 : i32
        %dma_wait3A_251 = tpu.memref_slice %arg9[%add3A_242, %dma_wait3A_250] : memref<160x128xi32, #tpu.memory_space<vmem>> -> memref<1x128xi32, #tpu.memory_space<vmem>>
        %dma_wait3A_252 = tpu.memref_squeeze %dma_wait3A_251 : memref<1x128xi32, #tpu.memory_space<vmem>> -> memref<128xi32, #tpu.memory_space<vmem>>
        %dma_wait3A_253 = arith.constant 0 : i32
        %dma_wait3A_254 = arith.constant 0 : i32
        %dma_wait3A_255 = tpu.memref_slice %arg2[%dma_wait3A_253, %dma_wait3A_254] : memref<10240x64xf32, #tpu.memory_space<hbm>> -> memref<10240x64xf32, #tpu.memory_space<hbm>>
        tpu.wait_indirect_dma semaphore(%arg20 : memref<!tpu.dma_semaphore, #tpu.memory_space<semaphore_mem>>) src(%dma_wait3A_255 : memref<10240x64xf32, #tpu.memory_space<hbm>>) dst(%arg14 : memref<128x64xf32, #tpu.memory_space<vmem>>)
        %dma_start3A_256 = arith.constant 0 : i32
        %dma_start3A_257 = tpu.memref_slice %arg10[%add3A_242, %dma_start3A_256] : memref<160x128xi32, #tpu.memory_space<vmem>> -> memref<1x128xi32, #tpu.memory_space<vmem>>
        %dma_start3A_258 = tpu.memref_squeeze %dma_start3A_257 : memref<1x128xi32, #tpu.memory_space<vmem>> -> memref<128xi32, #tpu.memory_space<vmem>>
        %dma_start3A_259 = arith.constant 0 : i32
        %dma_start3A_260 = arith.constant 0 : i32
        %dma_start3A_261 = tpu.memref_slice %arg16[%dma_start3A_259, %dma_start3A_260] : memref<10240x64xf32, #tpu.memory_space<vmem_shared>> -> memref<10240x64xf32, #tpu.memory_space<vmem_shared>>
        tpu.enqueue_indirect_dma source(%arg14 : memref<128x64xf32, #tpu.memory_space<vmem>>) target(%dma_start3A_261 : memref<10240x64xf32, #tpu.memory_space<vmem_shared>>) offsets(%dma_start3A_258 : memref<128xi32, #tpu.memory_space<vmem>>) semaphore(%arg25 : memref<!tpu.dma_semaphore, #tpu.memory_space<semaphore_mem>>) {add = true}
        %mul3A_262 = arith.constant 5 : i32
        %mul3A_263 = arith.muli %mul3A_262, %add3A_170 : i32
        %add3A_264 = arith.constant 4 : i32
        %add3A_265 = arith.addi %mul3A_263, %add3A_264 : i32
        %add3A_266 = arith.constant 1 : i32
        %add3A_267 = arith.addi %add3A_265, %add3A_266 : i32
        %lt3A_268 = arith.constant 160 : i32
        %lt3A_269 = arith.cmpi slt, %add3A_267, %lt3A_268 : i32
        %convert_element_type3A_270 = arith.extui %lt3A_269 : i1 to i32
        %cond3A_271 = arith.constant 0 : i32
        %cond3A_272 = arith.cmpi ne, %convert_element_type3A_270, %cond3A_271 : i32
        scf.if %cond3A_272 {
          %sub3A = arith.constant 4 : i32
          %sub3A_285 = arith.subi %add3A_265, %sub3A : i32
          %dma_wait3A_286 = arith.constant 0 : i32
          %dma_wait3A_287 = tpu.memref_slice %arg10[%sub3A_285, %dma_wait3A_286] : memref<160x128xi32, #tpu.memory_space<vmem>> -> memref<1x128xi32, #tpu.memory_space<vmem>>
          %dma_wait3A_288 = tpu.memref_squeeze %dma_wait3A_287 : memref<1x128xi32, #tpu.memory_space<vmem>> -> memref<128xi32, #tpu.memory_space<vmem>>
          %dma_wait3A_289 = arith.constant 0 : i32
          %dma_wait3A_290 = arith.constant 0 : i32
          %dma_wait3A_291 = tpu.memref_slice %arg16[%dma_wait3A_289, %dma_wait3A_290] : memref<10240x64xf32, #tpu.memory_space<vmem_shared>> -> memref<10240x64xf32, #tpu.memory_space<vmem_shared>>
          tpu.wait_indirect_dma semaphore(%arg22 : memref<!tpu.dma_semaphore, #tpu.memory_space<semaphore_mem>>) src(%arg11 : memref<128x64xf32, #tpu.memory_space<vmem>>) dst(%dma_wait3A_291 : memref<10240x64xf32, #tpu.memory_space<vmem_shared>>)
          %add3A_292 = arith.constant 1 : i32
          %add3A_293 = arith.addi %add3A_265, %add3A_292 : i32
          %dma_start3A_294 = arith.constant 0 : i32
          %dma_start3A_295 = tpu.memref_slice %arg9[%add3A_293, %dma_start3A_294] : memref<160x128xi32, #tpu.memory_space<vmem>> -> memref<1x128xi32, #tpu.memory_space<vmem>>
          %dma_start3A_296 = tpu.memref_squeeze %dma_start3A_295 : memref<1x128xi32, #tpu.memory_space<vmem>> -> memref<128xi32, #tpu.memory_space<vmem>>
          %dma_start3A_297 = arith.constant 0 : i32
          %dma_start3A_298 = arith.constant 0 : i32
          %dma_start3A_299 = tpu.memref_slice %arg2[%dma_start3A_297, %dma_start3A_298] : memref<10240x64xf32, #tpu.memory_space<hbm>> -> memref<10240x64xf32, #tpu.memory_space<hbm>>
          tpu.enqueue_indirect_dma source(%dma_start3A_299 : memref<10240x64xf32, #tpu.memory_space<hbm>>) target(%arg11 : memref<128x64xf32, #tpu.memory_space<vmem>>) offsets(%dma_start3A_296 : memref<128xi32, #tpu.memory_space<vmem>>) semaphore(%arg17 : memref<!tpu.dma_semaphore, #tpu.memory_space<semaphore_mem>>)
        } else {
        }
        %dma_wait3A_273 = arith.constant 0 : i32
        %dma_wait3A_274 = tpu.memref_slice %arg9[%add3A_265, %dma_wait3A_273] : memref<160x128xi32, #tpu.memory_space<vmem>> -> memref<1x128xi32, #tpu.memory_space<vmem>>
        %dma_wait3A_275 = tpu.memref_squeeze %dma_wait3A_274 : memref<1x128xi32, #tpu.memory_space<vmem>> -> memref<128xi32, #tpu.memory_space<vmem>>
        %dma_wait3A_276 = arith.constant 0 : i32
        %dma_wait3A_277 = arith.constant 0 : i32
        %dma_wait3A_278 = tpu.memref_slice %arg2[%dma_wait3A_276, %dma_wait3A_277] : memref<10240x64xf32, #tpu.memory_space<hbm>> -> memref<10240x64xf32, #tpu.memory_space<hbm>>
        tpu.wait_indirect_dma semaphore(%arg21 : memref<!tpu.dma_semaphore, #tpu.memory_space<semaphore_mem>>) src(%dma_wait3A_278 : memref<10240x64xf32, #tpu.memory_space<hbm>>) dst(%arg15 : memref<128x64xf32, #tpu.memory_space<vmem>>)
        %dma_start3A_279 = arith.constant 0 : i32
        %dma_start3A_280 = tpu.memref_slice %arg10[%add3A_265, %dma_start3A_279] : memref<160x128xi32, #tpu.memory_space<vmem>> -> memref<1x128xi32, #tpu.memory_space<vmem>>
        %dma_start3A_281 = tpu.memref_squeeze %dma_start3A_280 : memref<1x128xi32, #tpu.memory_space<vmem>> -> memref<128xi32, #tpu.memory_space<vmem>>
        %dma_start3A_282 = arith.constant 0 : i32
        %dma_start3A_283 = arith.constant 0 : i32
        %dma_start3A_284 = tpu.memref_slice %arg16[%dma_start3A_282, %dma_start3A_283] : memref<10240x64xf32, #tpu.memory_space<vmem_shared>> -> memref<10240x64xf32, #tpu.memory_space<vmem_shared>>
        tpu.enqueue_indirect_dma source(%arg15 : memref<128x64xf32, #tpu.memory_space<vmem>>) target(%dma_start3A_284 : memref<10240x64xf32, #tpu.memory_space<vmem_shared>>) offsets(%dma_start3A_281 : memref<128xi32, #tpu.memory_space<vmem>>) semaphore(%arg26 : memref<!tpu.dma_semaphore, #tpu.memory_space<semaphore_mem>>) {add = true}
      }
      %scan3A_130 = arith.constant 31 : i32
      %dma_wait3A_131 = arith.constant 155 : i32
      %dma_wait3A_132 = arith.constant 0 : i32
      %dma_wait3A_133 = tpu.memref_slice %arg10[%dma_wait3A_131, %dma_wait3A_132] : memref<160x128xi32, #tpu.memory_space<vmem>> -> memref<1x128xi32, #tpu.memory_space<vmem>>
      %dma_wait3A_134 = tpu.memref_squeeze %dma_wait3A_133 : memref<1x128xi32, #tpu.memory_space<vmem>> -> memref<128xi32, #tpu.memory_space<vmem>>
      %dma_wait3A_135 = arith.constant 0 : i32
      %dma_wait3A_136 = arith.constant 0 : i32
      %dma_wait3A_137 = tpu.memref_slice %arg16[%dma_wait3A_135, %dma_wait3A_136] : memref<10240x64xf32, #tpu.memory_space<vmem_shared>> -> memref<10240x64xf32, #tpu.memory_space<vmem_shared>>
      tpu.wait_indirect_dma semaphore(%arg22 : memref<!tpu.dma_semaphore, #tpu.memory_space<semaphore_mem>>) src(%arg11 : memref<128x64xf32, #tpu.memory_space<vmem>>) dst(%dma_wait3A_137 : memref<10240x64xf32, #tpu.memory_space<vmem_shared>>)
      %dma_wait3A_138 = arith.constant 156 : i32
      %dma_wait3A_139 = arith.constant 0 : i32
      %dma_wait3A_140 = tpu.memref_slice %arg10[%dma_wait3A_138, %dma_wait3A_139] : memref<160x128xi32, #tpu.memory_space<vmem>> -> memref<1x128xi32, #tpu.memory_space<vmem>>
      %dma_wait3A_141 = tpu.memref_squeeze %dma_wait3A_140 : memref<1x128xi32, #tpu.memory_space<vmem>> -> memref<128xi32, #tpu.memory_space<vmem>>
      %dma_wait3A_142 = arith.constant 0 : i32
      %dma_wait3A_143 = arith.constant 0 : i32
      %dma_wait3A_144 = tpu.memref_slice %arg16[%dma_wait3A_142, %dma_wait3A_143] : memref<10240x64xf32, #tpu.memory_space<vmem_shared>> -> memref<10240x64xf32, #tpu.memory_space<vmem_shared>>
      tpu.wait_indirect_dma semaphore(%arg23 : memref<!tpu.dma_semaphore, #tpu.memory_space<semaphore_mem>>) src(%arg12 : memref<128x64xf32, #tpu.memory_space<vmem>>) dst(%dma_wait3A_144 : memref<10240x64xf32, #tpu.memory_space<vmem_shared>>)
      %dma_wait3A_145 = arith.constant 157 : i32
      %dma_wait3A_146 = arith.constant 0 : i32
      %dma_wait3A_147 = tpu.memref_slice %arg10[%dma_wait3A_145, %dma_wait3A_146] : memref<160x128xi32, #tpu.memory_space<vmem>> -> memref<1x128xi32, #tpu.memory_space<vmem>>
      %dma_wait3A_148 = tpu.memref_squeeze %dma_wait3A_147 : memref<1x128xi32, #tpu.memory_space<vmem>> -> memref<128xi32, #tpu.memory_space<vmem>>
      %dma_wait3A_149 = arith.constant 0 : i32
      %dma_wait3A_150 = arith.constant 0 : i32
      %dma_wait3A_151 = tpu.memref_slice %arg16[%dma_wait3A_149, %dma_wait3A_150] : memref<10240x64xf32, #tpu.memory_space<vmem_shared>> -> memref<10240x64xf32, #tpu.memory_space<vmem_shared>>
      tpu.wait_indirect_dma semaphore(%arg24 : memref<!tpu.dma_semaphore, #tpu.memory_space<semaphore_mem>>) src(%arg13 : memref<128x64xf32, #tpu.memory_space<vmem>>) dst(%dma_wait3A_151 : memref<10240x64xf32, #tpu.memory_space<vmem_shared>>)
      %dma_wait3A_152 = arith.constant 158 : i32
      %dma_wait3A_153 = arith.constant 0 : i32
      %dma_wait3A_154 = tpu.memref_slice %arg10[%dma_wait3A_152, %dma_wait3A_153] : memref<160x128xi32, #tpu.memory_space<vmem>> -> memref<1x128xi32, #tpu.memory_space<vmem>>
      %dma_wait3A_155 = tpu.memref_squeeze %dma_wait3A_154 : memref<1x128xi32, #tpu.memory_space<vmem>> -> memref<128xi32, #tpu.memory_space<vmem>>
      %dma_wait3A_156 = arith.constant 0 : i32
      %dma_wait3A_157 = arith.constant 0 : i32
      %dma_wait3A_158 = tpu.memref_slice %arg16[%dma_wait3A_156, %dma_wait3A_157] : memref<10240x64xf32, #tpu.memory_space<vmem_shared>> -> memref<10240x64xf32, #tpu.memory_space<vmem_shared>>
      tpu.wait_indirect_dma semaphore(%arg25 : memref<!tpu.dma_semaphore, #tpu.memory_space<semaphore_mem>>) src(%arg14 : memref<128x64xf32, #tpu.memory_space<vmem>>) dst(%dma_wait3A_158 : memref<10240x64xf32, #tpu.memory_space<vmem_shared>>)
      %dma_wait3A_159 = arith.constant 159 : i32
      %dma_wait3A_160 = arith.constant 0 : i32
      %dma_wait3A_161 = tpu.memref_slice %arg10[%dma_wait3A_159, %dma_wait3A_160] : memref<160x128xi32, #tpu.memory_space<vmem>> -> memref<1x128xi32, #tpu.memory_space<vmem>>
      %dma_wait3A_162 = tpu.memref_squeeze %dma_wait3A_161 : memref<1x128xi32, #tpu.memory_space<vmem>> -> memref<128xi32, #tpu.memory_space<vmem>>
      %dma_wait3A_163 = arith.constant 0 : i32
      %dma_wait3A_164 = arith.constant 0 : i32
      %dma_wait3A_165 = tpu.memref_slice %arg16[%dma_wait3A_163, %dma_wait3A_164] : memref<10240x64xf32, #tpu.memory_space<vmem_shared>> -> memref<10240x64xf32, #tpu.memory_space<vmem_shared>>
      tpu.wait_indirect_dma semaphore(%arg26 : memref<!tpu.dma_semaphore, #tpu.memory_space<semaphore_mem>>) src(%arg15 : memref<128x64xf32, #tpu.memory_space<vmem>>) dst(%dma_wait3A_165 : memref<10240x64xf32, #tpu.memory_space<vmem_shared>>)
      %barrier3A_166 = arith.constant 0 : index
      tpu.barrier barrier_id(%barrier3A_166)
      "tpu.region"() ({
        %run_scoped3A = tpu.sem_alloc : memref<!tpu.dma_semaphore, #tpu.memory_space<semaphore_mem>>
        %dma_start3A_167 = arith.constant 0 : i32
        %dma_start3A_168 = tpu.memref_slice %arg7[%mul3A_0, %dma_start3A_167] : memref<10240x64xf32, #tpu.memory_space<hbm>> -> memref<640x64xf32, #tpu.memory_space<hbm>>
        %dma_start3A_169 = arith.constant 0 : i32
        %dma_start3A_170 = tpu.memref_slice %arg16[%mul3A_0, %dma_start3A_169] : memref<10240x64xf32, #tpu.memory_space<vmem_shared>> -> memref<640x64xf32, #tpu.memory_space<vmem_shared>>
        tpu.enqueue_dma source(%dma_start3A_170 : memref<640x64xf32, #tpu.memory_space<vmem_shared>>) target(%dma_start3A_168 : memref<640x64xf32, #tpu.memory_space<hbm>>) target_semaphore(%run_scoped3A : memref<!tpu.dma_semaphore, #tpu.memory_space<semaphore_mem>>)
        %dma_wait3A_171 = arith.constant 0 : i32
        %dma_wait3A_172 = tpu.memref_slice %arg7[%mul3A_0, %dma_wait3A_171] : memref<10240x64xf32, #tpu.memory_space<hbm>> -> memref<640x64xf32, #tpu.memory_space<hbm>>
        %dma_wait3A_173 = arith.constant 0 : i32
        %dma_wait3A_174 = tpu.memref_slice %arg16[%mul3A_0, %dma_wait3A_173] : memref<10240x64xf32, #tpu.memory_space<vmem_shared>> -> memref<640x64xf32, #tpu.memory_space<vmem_shared>>
        tpu.wait_dma2 semaphore(%run_scoped3A : memref<!tpu.dma_semaphore, #tpu.memory_space<semaphore_mem>>) src(%dma_wait3A_174 : memref<640x64xf32, #tpu.memory_space<vmem_shared>>) dst(%dma_wait3A_172 : memref<640x64xf32, #tpu.memory_space<hbm>>)
        tpu.yield
      }) : () -> ()
    } else {
    }
    %eq3A_5 = arith.constant 1 : i32
    %eq3A_6 = arith.cmpi eq, %arg0, %eq3A_5 : i32
    %convert_element_type3A_7 = arith.extui %eq3A_6 : i1 to i32
    %cond3A_8 = arith.constant 0 : i32
    %cond3A_9 = arith.cmpi ne, %convert_element_type3A_7, %cond3A_8 : i32
    scf.if %cond3A_9 {
      "tpu.region"() ({
        %run_scoped3A = tpu.sem_alloc : memref<!tpu.dma_semaphore, #tpu.memory_space<semaphore_mem>>
        %dma_start3A_167 = arith.constant 0 : i32
        %dma_start3A_168 = tpu.memref_slice %arg4[%mul3A_2, %dma_start3A_167] : memref<2560x128xi32, #tpu.memory_space<hbm>> -> memref<160x128xi32, #tpu.memory_space<hbm>>
        %dma_start3A_169 = arith.constant 0 : i32
        %dma_start3A_170 = tpu.memref_slice %arg4[%mul3A_2, %dma_start3A_169] : memref<2560x128xi32, #tpu.memory_space<hbm>> -> memref<160x128xi32, #tpu.memory_space<hbm>>
        tpu.enqueue_dma source(%dma_start3A_170 : memref<160x128xi32, #tpu.memory_space<hbm>>) target(%arg9 : memref<160x128xi32, #tpu.memory_space<vmem>>) target_semaphore(%run_scoped3A : memref<!tpu.dma_semaphore, #tpu.memory_space<semaphore_mem>>)
        %dma_wait3A_171 = arith.constant 0 : i32
        %dma_wait3A_172 = tpu.memref_slice %arg4[%mul3A_2, %dma_wait3A_171] : memref<2560x128xi32, #tpu.memory_space<hbm>> -> memref<160x128xi32, #tpu.memory_space<hbm>>
        %dma_wait3A_173 = arith.constant 0 : i32
        %dma_wait3A_174 = tpu.memref_slice %arg4[%mul3A_2, %dma_wait3A_173] : memref<2560x128xi32, #tpu.memory_space<hbm>> -> memref<160x128xi32, #tpu.memory_space<hbm>>
        tpu.wait_dma2 semaphore(%run_scoped3A : memref<!tpu.dma_semaphore, #tpu.memory_space<semaphore_mem>>) src(%dma_wait3A_174 : memref<160x128xi32, #tpu.memory_space<hbm>>) dst(%arg9 : memref<160x128xi32, #tpu.memory_space<vmem>>)
        tpu.yield
      }) : () -> ()
      "tpu.region"() ({
        %run_scoped3A = tpu.sem_alloc : memref<!tpu.dma_semaphore, #tpu.memory_space<semaphore_mem>>
        %dma_start3A_167 = arith.constant 0 : i32
        %dma_start3A_168 = tpu.memref_slice %arg5[%mul3A_2, %dma_start3A_167] : memref<2560x128xi32, #tpu.memory_space<hbm>> -> memref<160x128xi32, #tpu.memory_space<hbm>>
        %dma_start3A_169 = arith.constant 0 : i32
        %dma_start3A_170 = tpu.memref_slice %arg5[%mul3A_2, %dma_start3A_169] : memref<2560x128xi32, #tpu.memory_space<hbm>> -> memref<160x128xi32, #tpu.memory_space<hbm>>
        tpu.enqueue_dma source(%dma_start3A_170 : memref<160x128xi32, #tpu.memory_space<hbm>>) target(%arg10 : memref<160x128xi32, #tpu.memory_space<vmem>>) target_semaphore(%run_scoped3A : memref<!tpu.dma_semaphore, #tpu.memory_space<semaphore_mem>>)
        %dma_wait3A_171 = arith.constant 0 : i32
        %dma_wait3A_172 = tpu.memref_slice %arg5[%mul3A_2, %dma_wait3A_171] : memref<2560x128xi32, #tpu.memory_space<hbm>> -> memref<160x128xi32, #tpu.memory_space<hbm>>
        %dma_wait3A_173 = arith.constant 0 : i32
        %dma_wait3A_174 = tpu.memref_slice %arg5[%mul3A_2, %dma_wait3A_173] : memref<2560x128xi32, #tpu.memory_space<hbm>> -> memref<160x128xi32, #tpu.memory_space<hbm>>
        tpu.wait_dma2 semaphore(%run_scoped3A : memref<!tpu.dma_semaphore, #tpu.memory_space<semaphore_mem>>) src(%dma_wait3A_174 : memref<160x128xi32, #tpu.memory_space<hbm>>) dst(%arg10 : memref<160x128xi32, #tpu.memory_space<vmem>>)
        tpu.yield
      }) : () -> ()
      "tpu.region"() ({
        %run_scoped3A = tpu.sem_alloc : memref<!tpu.dma_semaphore, #tpu.memory_space<semaphore_mem>>
        %dma_start3A_167 = arith.constant 0 : i32
        %dma_start3A_168 = tpu.memref_slice %arg16[%mul3A_0, %dma_start3A_167] : memref<10240x64xf32, #tpu.memory_space<vmem_shared>> -> memref<640x64xf32, #tpu.memory_space<vmem_shared>>
        %dma_start3A_169 = arith.constant 0 : i32
        %dma_start3A_170 = tpu.memref_slice %arg6[%mul3A_0, %dma_start3A_169] : memref<10240x64xf32, #tpu.memory_space<hbm>> -> memref<640x64xf32, #tpu.memory_space<hbm>>
        tpu.enqueue_dma source(%dma_start3A_170 : memref<640x64xf32, #tpu.memory_space<hbm>>) target(%dma_start3A_168 : memref<640x64xf32, #tpu.memory_space<vmem_shared>>) target_semaphore(%run_scoped3A : memref<!tpu.dma_semaphore, #tpu.memory_space<semaphore_mem>>)
        %dma_wait3A_171 = arith.constant 0 : i32
        %dma_wait3A_172 = tpu.memref_slice %arg16[%mul3A_0, %dma_wait3A_171] : memref<10240x64xf32, #tpu.memory_space<vmem_shared>> -> memref<640x64xf32, #tpu.memory_space<vmem_shared>>
        %dma_wait3A_173 = arith.constant 0 : i32
        %dma_wait3A_174 = tpu.memref_slice %arg6[%mul3A_0, %dma_wait3A_173] : memref<10240x64xf32, #tpu.memory_space<hbm>> -> memref<640x64xf32, #tpu.memory_space<hbm>>
        tpu.wait_dma2 semaphore(%run_scoped3A : memref<!tpu.dma_semaphore, #tpu.memory_space<semaphore_mem>>) src(%dma_wait3A_174 : memref<640x64xf32, #tpu.memory_space<hbm>>) dst(%dma_wait3A_172 : memref<640x64xf32, #tpu.memory_space<vmem_shared>>)
        tpu.yield
      }) : () -> ()
      %barrier3A = arith.constant 0 : index
      tpu.barrier barrier_id(%barrier3A)
      %dma_start3A = arith.constant 0 : i32
      %dma_start3A_10 = arith.constant 0 : i32
      %dma_start3A_11 = tpu.memref_slice %arg9[%dma_start3A, %dma_start3A_10] : memref<160x128xi32, #tpu.memory_space<vmem>> -> memref<1x128xi32, #tpu.memory_space<vmem>>
      %dma_start3A_12 = tpu.memref_squeeze %dma_start3A_11 : memref<1x128xi32, #tpu.memory_space<vmem>> -> memref<128xi32, #tpu.memory_space<vmem>>
      %dma_start3A_13 = arith.constant 0 : i32
      %dma_start3A_14 = arith.constant 0 : i32
      %dma_start3A_15 = tpu.memref_slice %arg3[%dma_start3A_13, %dma_start3A_14] : memref<10240x64xf32, #tpu.memory_space<hbm>> -> memref<10240x64xf32, #tpu.memory_space<hbm>>
      tpu.enqueue_indirect_dma source(%dma_start3A_15 : memref<10240x64xf32, #tpu.memory_space<hbm>>) target(%arg11 : memref<128x64xf32, #tpu.memory_space<vmem>>) offsets(%dma_start3A_12 : memref<128xi32, #tpu.memory_space<vmem>>) semaphore(%arg17 : memref<!tpu.dma_semaphore, #tpu.memory_space<semaphore_mem>>)
      %dma_start3A_16 = arith.constant 1 : i32
      %dma_start3A_17 = arith.constant 0 : i32
      %dma_start3A_18 = tpu.memref_slice %arg9[%dma_start3A_16, %dma_start3A_17] : memref<160x128xi32, #tpu.memory_space<vmem>> -> memref<1x128xi32, #tpu.memory_space<vmem>>
      %dma_start3A_19 = tpu.memref_squeeze %dma_start3A_18 : memref<1x128xi32, #tpu.memory_space<vmem>> -> memref<128xi32, #tpu.memory_space<vmem>>
      %dma_start3A_20 = arith.constant 0 : i32
      %dma_start3A_21 = arith.constant 0 : i32
      %dma_start3A_22 = tpu.memref_slice %arg3[%dma_start3A_20, %dma_start3A_21] : memref<10240x64xf32, #tpu.memory_space<hbm>> -> memref<10240x64xf32, #tpu.memory_space<hbm>>
      tpu.enqueue_indirect_dma source(%dma_start3A_22 : memref<10240x64xf32, #tpu.memory_space<hbm>>) target(%arg12 : memref<128x64xf32, #tpu.memory_space<vmem>>) offsets(%dma_start3A_19 : memref<128xi32, #tpu.memory_space<vmem>>) semaphore(%arg18 : memref<!tpu.dma_semaphore, #tpu.memory_space<semaphore_mem>>)
      %dma_wait3A = arith.constant 0 : i32
      %dma_wait3A_23 = arith.constant 0 : i32
      %dma_wait3A_24 = tpu.memref_slice %arg9[%dma_wait3A, %dma_wait3A_23] : memref<160x128xi32, #tpu.memory_space<vmem>> -> memref<1x128xi32, #tpu.memory_space<vmem>>
      %dma_wait3A_25 = tpu.memref_squeeze %dma_wait3A_24 : memref<1x128xi32, #tpu.memory_space<vmem>> -> memref<128xi32, #tpu.memory_space<vmem>>
      %dma_wait3A_26 = arith.constant 0 : i32
      %dma_wait3A_27 = arith.constant 0 : i32
      %dma_wait3A_28 = tpu.memref_slice %arg3[%dma_wait3A_26, %dma_wait3A_27] : memref<10240x64xf32, #tpu.memory_space<hbm>> -> memref<10240x64xf32, #tpu.memory_space<hbm>>
      tpu.wait_indirect_dma semaphore(%arg17 : memref<!tpu.dma_semaphore, #tpu.memory_space<semaphore_mem>>) src(%dma_wait3A_28 : memref<10240x64xf32, #tpu.memory_space<hbm>>) dst(%arg11 : memref<128x64xf32, #tpu.memory_space<vmem>>)
      %dma_start3A_29 = arith.constant 0 : i32
      %dma_start3A_30 = arith.constant 0 : i32
      %dma_start3A_31 = tpu.memref_slice %arg10[%dma_start3A_29, %dma_start3A_30] : memref<160x128xi32, #tpu.memory_space<vmem>> -> memref<1x128xi32, #tpu.memory_space<vmem>>
      %dma_start3A_32 = tpu.memref_squeeze %dma_start3A_31 : memref<1x128xi32, #tpu.memory_space<vmem>> -> memref<128xi32, #tpu.memory_space<vmem>>
      %dma_start3A_33 = arith.constant 0 : i32
      %dma_start3A_34 = arith.constant 0 : i32
      %dma_start3A_35 = tpu.memref_slice %arg16[%dma_start3A_33, %dma_start3A_34] : memref<10240x64xf32, #tpu.memory_space<vmem_shared>> -> memref<10240x64xf32, #tpu.memory_space<vmem_shared>>
      tpu.enqueue_indirect_dma source(%arg11 : memref<128x64xf32, #tpu.memory_space<vmem>>) target(%dma_start3A_35 : memref<10240x64xf32, #tpu.memory_space<vmem_shared>>) offsets(%dma_start3A_32 : memref<128xi32, #tpu.memory_space<vmem>>) semaphore(%arg22 : memref<!tpu.dma_semaphore, #tpu.memory_space<semaphore_mem>>) {add = true}
      %dma_start3A_36 = arith.constant 2 : i32
      %dma_start3A_37 = arith.constant 0 : i32
      %dma_start3A_38 = tpu.memref_slice %arg9[%dma_start3A_36, %dma_start3A_37] : memref<160x128xi32, #tpu.memory_space<vmem>> -> memref<1x128xi32, #tpu.memory_space<vmem>>
      %dma_start3A_39 = tpu.memref_squeeze %dma_start3A_38 : memref<1x128xi32, #tpu.memory_space<vmem>> -> memref<128xi32, #tpu.memory_space<vmem>>
      %dma_start3A_40 = arith.constant 0 : i32
      %dma_start3A_41 = arith.constant 0 : i32
      %dma_start3A_42 = tpu.memref_slice %arg3[%dma_start3A_40, %dma_start3A_41] : memref<10240x64xf32, #tpu.memory_space<hbm>> -> memref<10240x64xf32, #tpu.memory_space<hbm>>
      tpu.enqueue_indirect_dma source(%dma_start3A_42 : memref<10240x64xf32, #tpu.memory_space<hbm>>) target(%arg13 : memref<128x64xf32, #tpu.memory_space<vmem>>) offsets(%dma_start3A_39 : memref<128xi32, #tpu.memory_space<vmem>>) semaphore(%arg19 : memref<!tpu.dma_semaphore, #tpu.memory_space<semaphore_mem>>)
      %dma_wait3A_43 = arith.constant 1 : i32
      %dma_wait3A_44 = arith.constant 0 : i32
      %dma_wait3A_45 = tpu.memref_slice %arg9[%dma_wait3A_43, %dma_wait3A_44] : memref<160x128xi32, #tpu.memory_space<vmem>> -> memref<1x128xi32, #tpu.memory_space<vmem>>
      %dma_wait3A_46 = tpu.memref_squeeze %dma_wait3A_45 : memref<1x128xi32, #tpu.memory_space<vmem>> -> memref<128xi32, #tpu.memory_space<vmem>>
      %dma_wait3A_47 = arith.constant 0 : i32
      %dma_wait3A_48 = arith.constant 0 : i32
      %dma_wait3A_49 = tpu.memref_slice %arg3[%dma_wait3A_47, %dma_wait3A_48] : memref<10240x64xf32, #tpu.memory_space<hbm>> -> memref<10240x64xf32, #tpu.memory_space<hbm>>
      tpu.wait_indirect_dma semaphore(%arg18 : memref<!tpu.dma_semaphore, #tpu.memory_space<semaphore_mem>>) src(%dma_wait3A_49 : memref<10240x64xf32, #tpu.memory_space<hbm>>) dst(%arg12 : memref<128x64xf32, #tpu.memory_space<vmem>>)
      %dma_start3A_50 = arith.constant 1 : i32
      %dma_start3A_51 = arith.constant 0 : i32
      %dma_start3A_52 = tpu.memref_slice %arg10[%dma_start3A_50, %dma_start3A_51] : memref<160x128xi32, #tpu.memory_space<vmem>> -> memref<1x128xi32, #tpu.memory_space<vmem>>
      %dma_start3A_53 = tpu.memref_squeeze %dma_start3A_52 : memref<1x128xi32, #tpu.memory_space<vmem>> -> memref<128xi32, #tpu.memory_space<vmem>>
      %dma_start3A_54 = arith.constant 0 : i32
      %dma_start3A_55 = arith.constant 0 : i32
      %dma_start3A_56 = tpu.memref_slice %arg16[%dma_start3A_54, %dma_start3A_55] : memref<10240x64xf32, #tpu.memory_space<vmem_shared>> -> memref<10240x64xf32, #tpu.memory_space<vmem_shared>>
      tpu.enqueue_indirect_dma source(%arg12 : memref<128x64xf32, #tpu.memory_space<vmem>>) target(%dma_start3A_56 : memref<10240x64xf32, #tpu.memory_space<vmem_shared>>) offsets(%dma_start3A_53 : memref<128xi32, #tpu.memory_space<vmem>>) semaphore(%arg23 : memref<!tpu.dma_semaphore, #tpu.memory_space<semaphore_mem>>) {add = true}
      %dma_start3A_57 = arith.constant 3 : i32
      %dma_start3A_58 = arith.constant 0 : i32
      %dma_start3A_59 = tpu.memref_slice %arg9[%dma_start3A_57, %dma_start3A_58] : memref<160x128xi32, #tpu.memory_space<vmem>> -> memref<1x128xi32, #tpu.memory_space<vmem>>
      %dma_start3A_60 = tpu.memref_squeeze %dma_start3A_59 : memref<1x128xi32, #tpu.memory_space<vmem>> -> memref<128xi32, #tpu.memory_space<vmem>>
      %dma_start3A_61 = arith.constant 0 : i32
      %dma_start3A_62 = arith.constant 0 : i32
      %dma_start3A_63 = tpu.memref_slice %arg3[%dma_start3A_61, %dma_start3A_62] : memref<10240x64xf32, #tpu.memory_space<hbm>> -> memref<10240x64xf32, #tpu.memory_space<hbm>>
      tpu.enqueue_indirect_dma source(%dma_start3A_63 : memref<10240x64xf32, #tpu.memory_space<hbm>>) target(%arg14 : memref<128x64xf32, #tpu.memory_space<vmem>>) offsets(%dma_start3A_60 : memref<128xi32, #tpu.memory_space<vmem>>) semaphore(%arg20 : memref<!tpu.dma_semaphore, #tpu.memory_space<semaphore_mem>>)
      %dma_wait3A_64 = arith.constant 2 : i32
      %dma_wait3A_65 = arith.constant 0 : i32
      %dma_wait3A_66 = tpu.memref_slice %arg9[%dma_wait3A_64, %dma_wait3A_65] : memref<160x128xi32, #tpu.memory_space<vmem>> -> memref<1x128xi32, #tpu.memory_space<vmem>>
      %dma_wait3A_67 = tpu.memref_squeeze %dma_wait3A_66 : memref<1x128xi32, #tpu.memory_space<vmem>> -> memref<128xi32, #tpu.memory_space<vmem>>
      %dma_wait3A_68 = arith.constant 0 : i32
      %dma_wait3A_69 = arith.constant 0 : i32
      %dma_wait3A_70 = tpu.memref_slice %arg3[%dma_wait3A_68, %dma_wait3A_69] : memref<10240x64xf32, #tpu.memory_space<hbm>> -> memref<10240x64xf32, #tpu.memory_space<hbm>>
      tpu.wait_indirect_dma semaphore(%arg19 : memref<!tpu.dma_semaphore, #tpu.memory_space<semaphore_mem>>) src(%dma_wait3A_70 : memref<10240x64xf32, #tpu.memory_space<hbm>>) dst(%arg13 : memref<128x64xf32, #tpu.memory_space<vmem>>)
      %dma_start3A_71 = arith.constant 2 : i32
      %dma_start3A_72 = arith.constant 0 : i32
      %dma_start3A_73 = tpu.memref_slice %arg10[%dma_start3A_71, %dma_start3A_72] : memref<160x128xi32, #tpu.memory_space<vmem>> -> memref<1x128xi32, #tpu.memory_space<vmem>>
      %dma_start3A_74 = tpu.memref_squeeze %dma_start3A_73 : memref<1x128xi32, #tpu.memory_space<vmem>> -> memref<128xi32, #tpu.memory_space<vmem>>
      %dma_start3A_75 = arith.constant 0 : i32
      %dma_start3A_76 = arith.constant 0 : i32
      %dma_start3A_77 = tpu.memref_slice %arg16[%dma_start3A_75, %dma_start3A_76] : memref<10240x64xf32, #tpu.memory_space<vmem_shared>> -> memref<10240x64xf32, #tpu.memory_space<vmem_shared>>
      tpu.enqueue_indirect_dma source(%arg13 : memref<128x64xf32, #tpu.memory_space<vmem>>) target(%dma_start3A_77 : memref<10240x64xf32, #tpu.memory_space<vmem_shared>>) offsets(%dma_start3A_74 : memref<128xi32, #tpu.memory_space<vmem>>) semaphore(%arg24 : memref<!tpu.dma_semaphore, #tpu.memory_space<semaphore_mem>>) {add = true}
      %dma_start3A_78 = arith.constant 4 : i32
      %dma_start3A_79 = arith.constant 0 : i32
      %dma_start3A_80 = tpu.memref_slice %arg9[%dma_start3A_78, %dma_start3A_79] : memref<160x128xi32, #tpu.memory_space<vmem>> -> memref<1x128xi32, #tpu.memory_space<vmem>>
      %dma_start3A_81 = tpu.memref_squeeze %dma_start3A_80 : memref<1x128xi32, #tpu.memory_space<vmem>> -> memref<128xi32, #tpu.memory_space<vmem>>
      %dma_start3A_82 = arith.constant 0 : i32
      %dma_start3A_83 = arith.constant 0 : i32
      %dma_start3A_84 = tpu.memref_slice %arg3[%dma_start3A_82, %dma_start3A_83] : memref<10240x64xf32, #tpu.memory_space<hbm>> -> memref<10240x64xf32, #tpu.memory_space<hbm>>
      tpu.enqueue_indirect_dma source(%dma_start3A_84 : memref<10240x64xf32, #tpu.memory_space<hbm>>) target(%arg15 : memref<128x64xf32, #tpu.memory_space<vmem>>) offsets(%dma_start3A_81 : memref<128xi32, #tpu.memory_space<vmem>>) semaphore(%arg21 : memref<!tpu.dma_semaphore, #tpu.memory_space<semaphore_mem>>)
      %dma_wait3A_85 = arith.constant 3 : i32
      %dma_wait3A_86 = arith.constant 0 : i32
      %dma_wait3A_87 = tpu.memref_slice %arg9[%dma_wait3A_85, %dma_wait3A_86] : memref<160x128xi32, #tpu.memory_space<vmem>> -> memref<1x128xi32, #tpu.memory_space<vmem>>
      %dma_wait3A_88 = tpu.memref_squeeze %dma_wait3A_87 : memref<1x128xi32, #tpu.memory_space<vmem>> -> memref<128xi32, #tpu.memory_space<vmem>>
      %dma_wait3A_89 = arith.constant 0 : i32
      %dma_wait3A_90 = arith.constant 0 : i32
      %dma_wait3A_91 = tpu.memref_slice %arg3[%dma_wait3A_89, %dma_wait3A_90] : memref<10240x64xf32, #tpu.memory_space<hbm>> -> memref<10240x64xf32, #tpu.memory_space<hbm>>
      tpu.wait_indirect_dma semaphore(%arg20 : memref<!tpu.dma_semaphore, #tpu.memory_space<semaphore_mem>>) src(%dma_wait3A_91 : memref<10240x64xf32, #tpu.memory_space<hbm>>) dst(%arg14 : memref<128x64xf32, #tpu.memory_space<vmem>>)
      %dma_start3A_92 = arith.constant 3 : i32
      %dma_start3A_93 = arith.constant 0 : i32
      %dma_start3A_94 = tpu.memref_slice %arg10[%dma_start3A_92, %dma_start3A_93] : memref<160x128xi32, #tpu.memory_space<vmem>> -> memref<1x128xi32, #tpu.memory_space<vmem>>
      %dma_start3A_95 = tpu.memref_squeeze %dma_start3A_94 : memref<1x128xi32, #tpu.memory_space<vmem>> -> memref<128xi32, #tpu.memory_space<vmem>>
      %dma_start3A_96 = arith.constant 0 : i32
      %dma_start3A_97 = arith.constant 0 : i32
      %dma_start3A_98 = tpu.memref_slice %arg16[%dma_start3A_96, %dma_start3A_97] : memref<10240x64xf32, #tpu.memory_space<vmem_shared>> -> memref<10240x64xf32, #tpu.memory_space<vmem_shared>>
      tpu.enqueue_indirect_dma source(%arg14 : memref<128x64xf32, #tpu.memory_space<vmem>>) target(%dma_start3A_98 : memref<10240x64xf32, #tpu.memory_space<vmem_shared>>) offsets(%dma_start3A_95 : memref<128xi32, #tpu.memory_space<vmem>>) semaphore(%arg25 : memref<!tpu.dma_semaphore, #tpu.memory_space<semaphore_mem>>) {add = true}
      %dma_wait3A_99 = arith.constant 0 : i32
      %dma_wait3A_100 = arith.constant 0 : i32
      %dma_wait3A_101 = tpu.memref_slice %arg10[%dma_wait3A_99, %dma_wait3A_100] : memref<160x128xi32, #tpu.memory_space<vmem>> -> memref<1x128xi32, #tpu.memory_space<vmem>>
      %dma_wait3A_102 = tpu.memref_squeeze %dma_wait3A_101 : memref<1x128xi32, #tpu.memory_space<vmem>> -> memref<128xi32, #tpu.memory_space<vmem>>
      %dma_wait3A_103 = arith.constant 0 : i32
      %dma_wait3A_104 = arith.constant 0 : i32
      %dma_wait3A_105 = tpu.memref_slice %arg16[%dma_wait3A_103, %dma_wait3A_104] : memref<10240x64xf32, #tpu.memory_space<vmem_shared>> -> memref<10240x64xf32, #tpu.memory_space<vmem_shared>>
      tpu.wait_indirect_dma semaphore(%arg22 : memref<!tpu.dma_semaphore, #tpu.memory_space<semaphore_mem>>) src(%arg11 : memref<128x64xf32, #tpu.memory_space<vmem>>) dst(%dma_wait3A_105 : memref<10240x64xf32, #tpu.memory_space<vmem_shared>>)
      %dma_start3A_106 = arith.constant 5 : i32
      %dma_start3A_107 = arith.constant 0 : i32
      %dma_start3A_108 = tpu.memref_slice %arg9[%dma_start3A_106, %dma_start3A_107] : memref<160x128xi32, #tpu.memory_space<vmem>> -> memref<1x128xi32, #tpu.memory_space<vmem>>
      %dma_start3A_109 = tpu.memref_squeeze %dma_start3A_108 : memref<1x128xi32, #tpu.memory_space<vmem>> -> memref<128xi32, #tpu.memory_space<vmem>>
      %dma_start3A_110 = arith.constant 0 : i32
      %dma_start3A_111 = arith.constant 0 : i32
      %dma_start3A_112 = tpu.memref_slice %arg3[%dma_start3A_110, %dma_start3A_111] : memref<10240x64xf32, #tpu.memory_space<hbm>> -> memref<10240x64xf32, #tpu.memory_space<hbm>>
      tpu.enqueue_indirect_dma source(%dma_start3A_112 : memref<10240x64xf32, #tpu.memory_space<hbm>>) target(%arg11 : memref<128x64xf32, #tpu.memory_space<vmem>>) offsets(%dma_start3A_109 : memref<128xi32, #tpu.memory_space<vmem>>) semaphore(%arg17 : memref<!tpu.dma_semaphore, #tpu.memory_space<semaphore_mem>>)
      %dma_wait3A_113 = arith.constant 4 : i32
      %dma_wait3A_114 = arith.constant 0 : i32
      %dma_wait3A_115 = tpu.memref_slice %arg9[%dma_wait3A_113, %dma_wait3A_114] : memref<160x128xi32, #tpu.memory_space<vmem>> -> memref<1x128xi32, #tpu.memory_space<vmem>>
      %dma_wait3A_116 = tpu.memref_squeeze %dma_wait3A_115 : memref<1x128xi32, #tpu.memory_space<vmem>> -> memref<128xi32, #tpu.memory_space<vmem>>
      %dma_wait3A_117 = arith.constant 0 : i32
      %dma_wait3A_118 = arith.constant 0 : i32
      %dma_wait3A_119 = tpu.memref_slice %arg3[%dma_wait3A_117, %dma_wait3A_118] : memref<10240x64xf32, #tpu.memory_space<hbm>> -> memref<10240x64xf32, #tpu.memory_space<hbm>>
      tpu.wait_indirect_dma semaphore(%arg21 : memref<!tpu.dma_semaphore, #tpu.memory_space<semaphore_mem>>) src(%dma_wait3A_119 : memref<10240x64xf32, #tpu.memory_space<hbm>>) dst(%arg15 : memref<128x64xf32, #tpu.memory_space<vmem>>)
      %dma_start3A_120 = arith.constant 4 : i32
      %dma_start3A_121 = arith.constant 0 : i32
      %dma_start3A_122 = tpu.memref_slice %arg10[%dma_start3A_120, %dma_start3A_121] : memref<160x128xi32, #tpu.memory_space<vmem>> -> memref<1x128xi32, #tpu.memory_space<vmem>>
      %dma_start3A_123 = tpu.memref_squeeze %dma_start3A_122 : memref<1x128xi32, #tpu.memory_space<vmem>> -> memref<128xi32, #tpu.memory_space<vmem>>
      %dma_start3A_124 = arith.constant 0 : i32
      %dma_start3A_125 = arith.constant 0 : i32
      %dma_start3A_126 = tpu.memref_slice %arg16[%dma_start3A_124, %dma_start3A_125] : memref<10240x64xf32, #tpu.memory_space<vmem_shared>> -> memref<10240x64xf32, #tpu.memory_space<vmem_shared>>
      tpu.enqueue_indirect_dma source(%arg15 : memref<128x64xf32, #tpu.memory_space<vmem>>) target(%dma_start3A_126 : memref<10240x64xf32, #tpu.memory_space<vmem_shared>>) offsets(%dma_start3A_123 : memref<128xi32, #tpu.memory_space<vmem>>) semaphore(%arg26 : memref<!tpu.dma_semaphore, #tpu.memory_space<semaphore_mem>>) {add = true}
      %scan3A = arith.constant 0 : i32
      %scan3A_127 = arith.constant 31 : i32
      %scan3A_128 = arith.addi %scan3A, %scan3A_127 : i32
      %scan3A_129 = arith.constant 1 : i32
      scf.for %scan3A_167 = %scan3A to %scan3A_128 step %scan3A_129  : i32 {
        %mul3A_168 = arith.constant 1 : i32
        %mul3A_169 = arith.muli %scan3A_167, %mul3A_168 : i32
        %add3A = arith.constant 1 : i32
        %add3A_170 = arith.addi %add3A, %mul3A_169 : i32
        %mul3A_171 = arith.constant 5 : i32
        %mul3A_172 = arith.muli %mul3A_171, %add3A_170 : i32
        %add3A_173 = arith.constant 0 : i32
        %add3A_174 = arith.addi %mul3A_172, %add3A_173 : i32
        %add3A_175 = arith.constant 1 : i32
        %add3A_176 = arith.addi %add3A_174, %add3A_175 : i32
        %lt3A = arith.constant 160 : i32
        %lt3A_177 = arith.cmpi slt, %add3A_176, %lt3A : i32
        %convert_element_type3A_178 = arith.extui %lt3A_177 : i1 to i32
        %cond3A_179 = arith.constant 0 : i32
        %cond3A_180 = arith.cmpi ne, %convert_element_type3A_178, %cond3A_179 : i32
        scf.if %cond3A_180 {
          %sub3A = arith.constant 4 : i32
          %sub3A_285 = arith.subi %add3A_174, %sub3A : i32
          %dma_wait3A_286 = arith.constant 0 : i32
          %dma_wait3A_287 = tpu.memref_slice %arg10[%sub3A_285, %dma_wait3A_286] : memref<160x128xi32, #tpu.memory_space<vmem>> -> memref<1x128xi32, #tpu.memory_space<vmem>>
          %dma_wait3A_288 = tpu.memref_squeeze %dma_wait3A_287 : memref<1x128xi32, #tpu.memory_space<vmem>> -> memref<128xi32, #tpu.memory_space<vmem>>
          %dma_wait3A_289 = arith.constant 0 : i32
          %dma_wait3A_290 = arith.constant 0 : i32
          %dma_wait3A_291 = tpu.memref_slice %arg16[%dma_wait3A_289, %dma_wait3A_290] : memref<10240x64xf32, #tpu.memory_space<vmem_shared>> -> memref<10240x64xf32, #tpu.memory_space<vmem_shared>>
          tpu.wait_indirect_dma semaphore(%arg23 : memref<!tpu.dma_semaphore, #tpu.memory_space<semaphore_mem>>) src(%arg12 : memref<128x64xf32, #tpu.memory_space<vmem>>) dst(%dma_wait3A_291 : memref<10240x64xf32, #tpu.memory_space<vmem_shared>>)
          %add3A_292 = arith.constant 1 : i32
          %add3A_293 = arith.addi %add3A_174, %add3A_292 : i32
          %dma_start3A_294 = arith.constant 0 : i32
          %dma_start3A_295 = tpu.memref_slice %arg9[%add3A_293, %dma_start3A_294] : memref<160x128xi32, #tpu.memory_space<vmem>> -> memref<1x128xi32, #tpu.memory_space<vmem>>
          %dma_start3A_296 = tpu.memref_squeeze %dma_start3A_295 : memref<1x128xi32, #tpu.memory_space<vmem>> -> memref<128xi32, #tpu.memory_space<vmem>>
          %dma_start3A_297 = arith.constant 0 : i32
          %dma_start3A_298 = arith.constant 0 : i32
          %dma_start3A_299 = tpu.memref_slice %arg3[%dma_start3A_297, %dma_start3A_298] : memref<10240x64xf32, #tpu.memory_space<hbm>> -> memref<10240x64xf32, #tpu.memory_space<hbm>>
          tpu.enqueue_indirect_dma source(%dma_start3A_299 : memref<10240x64xf32, #tpu.memory_space<hbm>>) target(%arg12 : memref<128x64xf32, #tpu.memory_space<vmem>>) offsets(%dma_start3A_296 : memref<128xi32, #tpu.memory_space<vmem>>) semaphore(%arg18 : memref<!tpu.dma_semaphore, #tpu.memory_space<semaphore_mem>>)
        } else {
        }
        %dma_wait3A_181 = arith.constant 0 : i32
        %dma_wait3A_182 = tpu.memref_slice %arg9[%add3A_174, %dma_wait3A_181] : memref<160x128xi32, #tpu.memory_space<vmem>> -> memref<1x128xi32, #tpu.memory_space<vmem>>
        %dma_wait3A_183 = tpu.memref_squeeze %dma_wait3A_182 : memref<1x128xi32, #tpu.memory_space<vmem>> -> memref<128xi32, #tpu.memory_space<vmem>>
        %dma_wait3A_184 = arith.constant 0 : i32
        %dma_wait3A_185 = arith.constant 0 : i32
        %dma_wait3A_186 = tpu.memref_slice %arg3[%dma_wait3A_184, %dma_wait3A_185] : memref<10240x64xf32, #tpu.memory_space<hbm>> -> memref<10240x64xf32, #tpu.memory_space<hbm>>
        tpu.wait_indirect_dma semaphore(%arg17 : memref<!tpu.dma_semaphore, #tpu.memory_space<semaphore_mem>>) src(%dma_wait3A_186 : memref<10240x64xf32, #tpu.memory_space<hbm>>) dst(%arg11 : memref<128x64xf32, #tpu.memory_space<vmem>>)
        %dma_start3A_187 = arith.constant 0 : i32
        %dma_start3A_188 = tpu.memref_slice %arg10[%add3A_174, %dma_start3A_187] : memref<160x128xi32, #tpu.memory_space<vmem>> -> memref<1x128xi32, #tpu.memory_space<vmem>>
        %dma_start3A_189 = tpu.memref_squeeze %dma_start3A_188 : memref<1x128xi32, #tpu.memory_space<vmem>> -> memref<128xi32, #tpu.memory_space<vmem>>
        %dma_start3A_190 = arith.constant 0 : i32
        %dma_start3A_191 = arith.constant 0 : i32
        %dma_start3A_192 = tpu.memref_slice %arg16[%dma_start3A_190, %dma_start3A_191] : memref<10240x64xf32, #tpu.memory_space<vmem_shared>> -> memref<10240x64xf32, #tpu.memory_space<vmem_shared>>
        tpu.enqueue_indirect_dma source(%arg11 : memref<128x64xf32, #tpu.memory_space<vmem>>) target(%dma_start3A_192 : memref<10240x64xf32, #tpu.memory_space<vmem_shared>>) offsets(%dma_start3A_189 : memref<128xi32, #tpu.memory_space<vmem>>) semaphore(%arg22 : memref<!tpu.dma_semaphore, #tpu.memory_space<semaphore_mem>>) {add = true}
        %mul3A_193 = arith.constant 5 : i32
        %mul3A_194 = arith.muli %mul3A_193, %add3A_170 : i32
        %add3A_195 = arith.constant 1 : i32
        %add3A_196 = arith.addi %mul3A_194, %add3A_195 : i32
        %add3A_197 = arith.constant 1 : i32
        %add3A_198 = arith.addi %add3A_196, %add3A_197 : i32
        %lt3A_199 = arith.constant 160 : i32
        %lt3A_200 = arith.cmpi slt, %add3A_198, %lt3A_199 : i32
        %convert_element_type3A_201 = arith.extui %lt3A_200 : i1 to i32
        %cond3A_202 = arith.constant 0 : i32
        %cond3A_203 = arith.cmpi ne, %convert_element_type3A_201, %cond3A_202 : i32
        scf.if %cond3A_203 {
          %sub3A = arith.constant 4 : i32
          %sub3A_285 = arith.subi %add3A_196, %sub3A : i32
          %dma_wait3A_286 = arith.constant 0 : i32
          %dma_wait3A_287 = tpu.memref_slice %arg10[%sub3A_285, %dma_wait3A_286] : memref<160x128xi32, #tpu.memory_space<vmem>> -> memref<1x128xi32, #tpu.memory_space<vmem>>
          %dma_wait3A_288 = tpu.memref_squeeze %dma_wait3A_287 : memref<1x128xi32, #tpu.memory_space<vmem>> -> memref<128xi32, #tpu.memory_space<vmem>>
          %dma_wait3A_289 = arith.constant 0 : i32
          %dma_wait3A_290 = arith.constant 0 : i32
          %dma_wait3A_291 = tpu.memref_slice %arg16[%dma_wait3A_289, %dma_wait3A_290] : memref<10240x64xf32, #tpu.memory_space<vmem_shared>> -> memref<10240x64xf32, #tpu.memory_space<vmem_shared>>
          tpu.wait_indirect_dma semaphore(%arg24 : memref<!tpu.dma_semaphore, #tpu.memory_space<semaphore_mem>>) src(%arg13 : memref<128x64xf32, #tpu.memory_space<vmem>>) dst(%dma_wait3A_291 : memref<10240x64xf32, #tpu.memory_space<vmem_shared>>)
          %add3A_292 = arith.constant 1 : i32
          %add3A_293 = arith.addi %add3A_196, %add3A_292 : i32
          %dma_start3A_294 = arith.constant 0 : i32
          %dma_start3A_295 = tpu.memref_slice %arg9[%add3A_293, %dma_start3A_294] : memref<160x128xi32, #tpu.memory_space<vmem>> -> memref<1x128xi32, #tpu.memory_space<vmem>>
          %dma_start3A_296 = tpu.memref_squeeze %dma_start3A_295 : memref<1x128xi32, #tpu.memory_space<vmem>> -> memref<128xi32, #tpu.memory_space<vmem>>
          %dma_start3A_297 = arith.constant 0 : i32
          %dma_start3A_298 = arith.constant 0 : i32
          %dma_start3A_299 = tpu.memref_slice %arg3[%dma_start3A_297, %dma_start3A_298] : memref<10240x64xf32, #tpu.memory_space<hbm>> -> memref<10240x64xf32, #tpu.memory_space<hbm>>
          tpu.enqueue_indirect_dma source(%dma_start3A_299 : memref<10240x64xf32, #tpu.memory_space<hbm>>) target(%arg13 : memref<128x64xf32, #tpu.memory_space<vmem>>) offsets(%dma_start3A_296 : memref<128xi32, #tpu.memory_space<vmem>>) semaphore(%arg19 : memref<!tpu.dma_semaphore, #tpu.memory_space<semaphore_mem>>)
        } else {
        }
        %dma_wait3A_204 = arith.constant 0 : i32
        %dma_wait3A_205 = tpu.memref_slice %arg9[%add3A_196, %dma_wait3A_204] : memref<160x128xi32, #tpu.memory_space<vmem>> -> memref<1x128xi32, #tpu.memory_space<vmem>>
        %dma_wait3A_206 = tpu.memref_squeeze %dma_wait3A_205 : memref<1x128xi32, #tpu.memory_space<vmem>> -> memref<128xi32, #tpu.memory_space<vmem>>
        %dma_wait3A_207 = arith.constant 0 : i32
        %dma_wait3A_208 = arith.constant 0 : i32
        %dma_wait3A_209 = tpu.memref_slice %arg3[%dma_wait3A_207, %dma_wait3A_208] : memref<10240x64xf32, #tpu.memory_space<hbm>> -> memref<10240x64xf32, #tpu.memory_space<hbm>>
        tpu.wait_indirect_dma semaphore(%arg18 : memref<!tpu.dma_semaphore, #tpu.memory_space<semaphore_mem>>) src(%dma_wait3A_209 : memref<10240x64xf32, #tpu.memory_space<hbm>>) dst(%arg12 : memref<128x64xf32, #tpu.memory_space<vmem>>)
        %dma_start3A_210 = arith.constant 0 : i32
        %dma_start3A_211 = tpu.memref_slice %arg10[%add3A_196, %dma_start3A_210] : memref<160x128xi32, #tpu.memory_space<vmem>> -> memref<1x128xi32, #tpu.memory_space<vmem>>
        %dma_start3A_212 = tpu.memref_squeeze %dma_start3A_211 : memref<1x128xi32, #tpu.memory_space<vmem>> -> memref<128xi32, #tpu.memory_space<vmem>>
        %dma_start3A_213 = arith.constant 0 : i32
        %dma_start3A_214 = arith.constant 0 : i32
        %dma_start3A_215 = tpu.memref_slice %arg16[%dma_start3A_213, %dma_start3A_214] : memref<10240x64xf32, #tpu.memory_space<vmem_shared>> -> memref<10240x64xf32, #tpu.memory_space<vmem_shared>>
        tpu.enqueue_indirect_dma source(%arg12 : memref<128x64xf32, #tpu.memory_space<vmem>>) target(%dma_start3A_215 : memref<10240x64xf32, #tpu.memory_space<vmem_shared>>) offsets(%dma_start3A_212 : memref<128xi32, #tpu.memory_space<vmem>>) semaphore(%arg23 : memref<!tpu.dma_semaphore, #tpu.memory_space<semaphore_mem>>) {add = true}
        %mul3A_216 = arith.constant 5 : i32
        %mul3A_217 = arith.muli %mul3A_216, %add3A_170 : i32
        %add3A_218 = arith.constant 2 : i32
        %add3A_219 = arith.addi %mul3A_217, %add3A_218 : i32
        %add3A_220 = arith.constant 1 : i32
        %add3A_221 = arith.addi %add3A_219, %add3A_220 : i32
        %lt3A_222 = arith.constant 160 : i32
        %lt3A_223 = arith.cmpi slt, %add3A_221, %lt3A_222 : i32
        %convert_element_type3A_224 = arith.extui %lt3A_223 : i1 to i32
        %cond3A_225 = arith.constant 0 : i32
        %cond3A_226 = arith.cmpi ne, %convert_element_type3A_224, %cond3A_225 : i32
        scf.if %cond3A_226 {
          %sub3A = arith.constant 4 : i32
          %sub3A_285 = arith.subi %add3A_219, %sub3A : i32
          %dma_wait3A_286 = arith.constant 0 : i32
          %dma_wait3A_287 = tpu.memref_slice %arg10[%sub3A_285, %dma_wait3A_286] : memref<160x128xi32, #tpu.memory_space<vmem>> -> memref<1x128xi32, #tpu.memory_space<vmem>>
          %dma_wait3A_288 = tpu.memref_squeeze %dma_wait3A_287 : memref<1x128xi32, #tpu.memory_space<vmem>> -> memref<128xi32, #tpu.memory_space<vmem>>
          %dma_wait3A_289 = arith.constant 0 : i32
          %dma_wait3A_290 = arith.constant 0 : i32
          %dma_wait3A_291 = tpu.memref_slice %arg16[%dma_wait3A_289, %dma_wait3A_290] : memref<10240x64xf32, #tpu.memory_space<vmem_shared>> -> memref<10240x64xf32, #tpu.memory_space<vmem_shared>>
          tpu.wait_indirect_dma semaphore(%arg25 : memref<!tpu.dma_semaphore, #tpu.memory_space<semaphore_mem>>) src(%arg14 : memref<128x64xf32, #tpu.memory_space<vmem>>) dst(%dma_wait3A_291 : memref<10240x64xf32, #tpu.memory_space<vmem_shared>>)
          %add3A_292 = arith.constant 1 : i32
          %add3A_293 = arith.addi %add3A_219, %add3A_292 : i32
          %dma_start3A_294 = arith.constant 0 : i32
          %dma_start3A_295 = tpu.memref_slice %arg9[%add3A_293, %dma_start3A_294] : memref<160x128xi32, #tpu.memory_space<vmem>> -> memref<1x128xi32, #tpu.memory_space<vmem>>
          %dma_start3A_296 = tpu.memref_squeeze %dma_start3A_295 : memref<1x128xi32, #tpu.memory_space<vmem>> -> memref<128xi32, #tpu.memory_space<vmem>>
          %dma_start3A_297 = arith.constant 0 : i32
          %dma_start3A_298 = arith.constant 0 : i32
          %dma_start3A_299 = tpu.memref_slice %arg3[%dma_start3A_297, %dma_start3A_298] : memref<10240x64xf32, #tpu.memory_space<hbm>> -> memref<10240x64xf32, #tpu.memory_space<hbm>>
          tpu.enqueue_indirect_dma source(%dma_start3A_299 : memref<10240x64xf32, #tpu.memory_space<hbm>>) target(%arg14 : memref<128x64xf32, #tpu.memory_space<vmem>>) offsets(%dma_start3A_296 : memref<128xi32, #tpu.memory_space<vmem>>) semaphore(%arg20 : memref<!tpu.dma_semaphore, #tpu.memory_space<semaphore_mem>>)
        } else {
        }
        %dma_wait3A_227 = arith.constant 0 : i32
        %dma_wait3A_228 = tpu.memref_slice %arg9[%add3A_219, %dma_wait3A_227] : memref<160x128xi32, #tpu.memory_space<vmem>> -> memref<1x128xi32, #tpu.memory_space<vmem>>
        %dma_wait3A_229 = tpu.memref_squeeze %dma_wait3A_228 : memref<1x128xi32, #tpu.memory_space<vmem>> -> memref<128xi32, #tpu.memory_space<vmem>>
        %dma_wait3A_230 = arith.constant 0 : i32
        %dma_wait3A_231 = arith.constant 0 : i32
        %dma_wait3A_232 = tpu.memref_slice %arg3[%dma_wait3A_230, %dma_wait3A_231] : memref<10240x64xf32, #tpu.memory_space<hbm>> -> memref<10240x64xf32, #tpu.memory_space<hbm>>
        tpu.wait_indirect_dma semaphore(%arg19 : memref<!tpu.dma_semaphore, #tpu.memory_space<semaphore_mem>>) src(%dma_wait3A_232 : memref<10240x64xf32, #tpu.memory_space<hbm>>) dst(%arg13 : memref<128x64xf32, #tpu.memory_space<vmem>>)
        %dma_start3A_233 = arith.constant 0 : i32
        %dma_start3A_234 = tpu.memref_slice %arg10[%add3A_219, %dma_start3A_233] : memref<160x128xi32, #tpu.memory_space<vmem>> -> memref<1x128xi32, #tpu.memory_space<vmem>>
        %dma_start3A_235 = tpu.memref_squeeze %dma_start3A_234 : memref<1x128xi32, #tpu.memory_space<vmem>> -> memref<128xi32, #tpu.memory_space<vmem>>
        %dma_start3A_236 = arith.constant 0 : i32
        %dma_start3A_237 = arith.constant 0 : i32
        %dma_start3A_238 = tpu.memref_slice %arg16[%dma_start3A_236, %dma_start3A_237] : memref<10240x64xf32, #tpu.memory_space<vmem_shared>> -> memref<10240x64xf32, #tpu.memory_space<vmem_shared>>
        tpu.enqueue_indirect_dma source(%arg13 : memref<128x64xf32, #tpu.memory_space<vmem>>) target(%dma_start3A_238 : memref<10240x64xf32, #tpu.memory_space<vmem_shared>>) offsets(%dma_start3A_235 : memref<128xi32, #tpu.memory_space<vmem>>) semaphore(%arg24 : memref<!tpu.dma_semaphore, #tpu.memory_space<semaphore_mem>>) {add = true}
        %mul3A_239 = arith.constant 5 : i32
        %mul3A_240 = arith.muli %mul3A_239, %add3A_170 : i32
        %add3A_241 = arith.constant 3 : i32
        %add3A_242 = arith.addi %mul3A_240, %add3A_241 : i32
        %add3A_243 = arith.constant 1 : i32
        %add3A_244 = arith.addi %add3A_242, %add3A_243 : i32
        %lt3A_245 = arith.constant 160 : i32
        %lt3A_246 = arith.cmpi slt, %add3A_244, %lt3A_245 : i32
        %convert_element_type3A_247 = arith.extui %lt3A_246 : i1 to i32
        %cond3A_248 = arith.constant 0 : i32
        %cond3A_249 = arith.cmpi ne, %convert_element_type3A_247, %cond3A_248 : i32
        scf.if %cond3A_249 {
          %sub3A = arith.constant 4 : i32
          %sub3A_285 = arith.subi %add3A_242, %sub3A : i32
          %dma_wait3A_286 = arith.constant 0 : i32
          %dma_wait3A_287 = tpu.memref_slice %arg10[%sub3A_285, %dma_wait3A_286] : memref<160x128xi32, #tpu.memory_space<vmem>> -> memref<1x128xi32, #tpu.memory_space<vmem>>
          %dma_wait3A_288 = tpu.memref_squeeze %dma_wait3A_287 : memref<1x128xi32, #tpu.memory_space<vmem>> -> memref<128xi32, #tpu.memory_space<vmem>>
          %dma_wait3A_289 = arith.constant 0 : i32
          %dma_wait3A_290 = arith.constant 0 : i32
          %dma_wait3A_291 = tpu.memref_slice %arg16[%dma_wait3A_289, %dma_wait3A_290] : memref<10240x64xf32, #tpu.memory_space<vmem_shared>> -> memref<10240x64xf32, #tpu.memory_space<vmem_shared>>
          tpu.wait_indirect_dma semaphore(%arg26 : memref<!tpu.dma_semaphore, #tpu.memory_space<semaphore_mem>>) src(%arg15 : memref<128x64xf32, #tpu.memory_space<vmem>>) dst(%dma_wait3A_291 : memref<10240x64xf32, #tpu.memory_space<vmem_shared>>)
          %add3A_292 = arith.constant 1 : i32
          %add3A_293 = arith.addi %add3A_242, %add3A_292 : i32
          %dma_start3A_294 = arith.constant 0 : i32
          %dma_start3A_295 = tpu.memref_slice %arg9[%add3A_293, %dma_start3A_294] : memref<160x128xi32, #tpu.memory_space<vmem>> -> memref<1x128xi32, #tpu.memory_space<vmem>>
          %dma_start3A_296 = tpu.memref_squeeze %dma_start3A_295 : memref<1x128xi32, #tpu.memory_space<vmem>> -> memref<128xi32, #tpu.memory_space<vmem>>
          %dma_start3A_297 = arith.constant 0 : i32
          %dma_start3A_298 = arith.constant 0 : i32
          %dma_start3A_299 = tpu.memref_slice %arg3[%dma_start3A_297, %dma_start3A_298] : memref<10240x64xf32, #tpu.memory_space<hbm>> -> memref<10240x64xf32, #tpu.memory_space<hbm>>
          tpu.enqueue_indirect_dma source(%dma_start3A_299 : memref<10240x64xf32, #tpu.memory_space<hbm>>) target(%arg15 : memref<128x64xf32, #tpu.memory_space<vmem>>) offsets(%dma_start3A_296 : memref<128xi32, #tpu.memory_space<vmem>>) semaphore(%arg21 : memref<!tpu.dma_semaphore, #tpu.memory_space<semaphore_mem>>)
        } else {
        }
        %dma_wait3A_250 = arith.constant 0 : i32
        %dma_wait3A_251 = tpu.memref_slice %arg9[%add3A_242, %dma_wait3A_250] : memref<160x128xi32, #tpu.memory_space<vmem>> -> memref<1x128xi32, #tpu.memory_space<vmem>>
        %dma_wait3A_252 = tpu.memref_squeeze %dma_wait3A_251 : memref<1x128xi32, #tpu.memory_space<vmem>> -> memref<128xi32, #tpu.memory_space<vmem>>
        %dma_wait3A_253 = arith.constant 0 : i32
        %dma_wait3A_254 = arith.constant 0 : i32
        %dma_wait3A_255 = tpu.memref_slice %arg3[%dma_wait3A_253, %dma_wait3A_254] : memref<10240x64xf32, #tpu.memory_space<hbm>> -> memref<10240x64xf32, #tpu.memory_space<hbm>>
        tpu.wait_indirect_dma semaphore(%arg20 : memref<!tpu.dma_semaphore, #tpu.memory_space<semaphore_mem>>) src(%dma_wait3A_255 : memref<10240x64xf32, #tpu.memory_space<hbm>>) dst(%arg14 : memref<128x64xf32, #tpu.memory_space<vmem>>)
        %dma_start3A_256 = arith.constant 0 : i32
        %dma_start3A_257 = tpu.memref_slice %arg10[%add3A_242, %dma_start3A_256] : memref<160x128xi32, #tpu.memory_space<vmem>> -> memref<1x128xi32, #tpu.memory_space<vmem>>
        %dma_start3A_258 = tpu.memref_squeeze %dma_start3A_257 : memref<1x128xi32, #tpu.memory_space<vmem>> -> memref<128xi32, #tpu.memory_space<vmem>>
        %dma_start3A_259 = arith.constant 0 : i32
        %dma_start3A_260 = arith.constant 0 : i32
        %dma_start3A_261 = tpu.memref_slice %arg16[%dma_start3A_259, %dma_start3A_260] : memref<10240x64xf32, #tpu.memory_space<vmem_shared>> -> memref<10240x64xf32, #tpu.memory_space<vmem_shared>>
        tpu.enqueue_indirect_dma source(%arg14 : memref<128x64xf32, #tpu.memory_space<vmem>>) target(%dma_start3A_261 : memref<10240x64xf32, #tpu.memory_space<vmem_shared>>) offsets(%dma_start3A_258 : memref<128xi32, #tpu.memory_space<vmem>>) semaphore(%arg25 : memref<!tpu.dma_semaphore, #tpu.memory_space<semaphore_mem>>) {add = true}
        %mul3A_262 = arith.constant 5 : i32
        %mul3A_263 = arith.muli %mul3A_262, %add3A_170 : i32
        %add3A_264 = arith.constant 4 : i32
        %add3A_265 = arith.addi %mul3A_263, %add3A_264 : i32
        %add3A_266 = arith.constant 1 : i32
        %add3A_267 = arith.addi %add3A_265, %add3A_266 : i32
        %lt3A_268 = arith.constant 160 : i32
        %lt3A_269 = arith.cmpi slt, %add3A_267, %lt3A_268 : i32
        %convert_element_type3A_270 = arith.extui %lt3A_269 : i1 to i32
        %cond3A_271 = arith.constant 0 : i32
        %cond3A_272 = arith.cmpi ne, %convert_element_type3A_270, %cond3A_271 : i32
        scf.if %cond3A_272 {
          %sub3A = arith.constant 4 : i32
          %sub3A_285 = arith.subi %add3A_265, %sub3A : i32
          %dma_wait3A_286 = arith.constant 0 : i32
          %dma_wait3A_287 = tpu.memref_slice %arg10[%sub3A_285, %dma_wait3A_286] : memref<160x128xi32, #tpu.memory_space<vmem>> -> memref<1x128xi32, #tpu.memory_space<vmem>>
          %dma_wait3A_288 = tpu.memref_squeeze %dma_wait3A_287 : memref<1x128xi32, #tpu.memory_space<vmem>> -> memref<128xi32, #tpu.memory_space<vmem>>
          %dma_wait3A_289 = arith.constant 0 : i32
          %dma_wait3A_290 = arith.constant 0 : i32
          %dma_wait3A_291 = tpu.memref_slice %arg16[%dma_wait3A_289, %dma_wait3A_290] : memref<10240x64xf32, #tpu.memory_space<vmem_shared>> -> memref<10240x64xf32, #tpu.memory_space<vmem_shared>>
          tpu.wait_indirect_dma semaphore(%arg22 : memref<!tpu.dma_semaphore, #tpu.memory_space<semaphore_mem>>) src(%arg11 : memref<128x64xf32, #tpu.memory_space<vmem>>) dst(%dma_wait3A_291 : memref<10240x64xf32, #tpu.memory_space<vmem_shared>>)
          %add3A_292 = arith.constant 1 : i32
          %add3A_293 = arith.addi %add3A_265, %add3A_292 : i32
          %dma_start3A_294 = arith.constant 0 : i32
          %dma_start3A_295 = tpu.memref_slice %arg9[%add3A_293, %dma_start3A_294] : memref<160x128xi32, #tpu.memory_space<vmem>> -> memref<1x128xi32, #tpu.memory_space<vmem>>
          %dma_start3A_296 = tpu.memref_squeeze %dma_start3A_295 : memref<1x128xi32, #tpu.memory_space<vmem>> -> memref<128xi32, #tpu.memory_space<vmem>>
          %dma_start3A_297 = arith.constant 0 : i32
          %dma_start3A_298 = arith.constant 0 : i32
          %dma_start3A_299 = tpu.memref_slice %arg3[%dma_start3A_297, %dma_start3A_298] : memref<10240x64xf32, #tpu.memory_space<hbm>> -> memref<10240x64xf32, #tpu.memory_space<hbm>>
          tpu.enqueue_indirect_dma source(%dma_start3A_299 : memref<10240x64xf32, #tpu.memory_space<hbm>>) target(%arg11 : memref<128x64xf32, #tpu.memory_space<vmem>>) offsets(%dma_start3A_296 : memref<128xi32, #tpu.memory_space<vmem>>) semaphore(%arg17 : memref<!tpu.dma_semaphore, #tpu.memory_space<semaphore_mem>>)
        } else {
        }
        %dma_wait3A_273 = arith.constant 0 : i32
        %dma_wait3A_274 = tpu.memref_slice %arg9[%add3A_265, %dma_wait3A_273] : memref<160x128xi32, #tpu.memory_space<vmem>> -> memref<1x128xi32, #tpu.memory_space<vmem>>
        %dma_wait3A_275 = tpu.memref_squeeze %dma_wait3A_274 : memref<1x128xi32, #tpu.memory_space<vmem>> -> memref<128xi32, #tpu.memory_space<vmem>>
        %dma_wait3A_276 = arith.constant 0 : i32
        %dma_wait3A_277 = arith.constant 0 : i32
        %dma_wait3A_278 = tpu.memref_slice %arg3[%dma_wait3A_276, %dma_wait3A_277] : memref<10240x64xf32, #tpu.memory_space<hbm>> -> memref<10240x64xf32, #tpu.memory_space<hbm>>
        tpu.wait_indirect_dma semaphore(%arg21 : memref<!tpu.dma_semaphore, #tpu.memory_space<semaphore_mem>>) src(%dma_wait3A_278 : memref<10240x64xf32, #tpu.memory_space<hbm>>) dst(%arg15 : memref<128x64xf32, #tpu.memory_space<vmem>>)
        %dma_start3A_279 = arith.constant 0 : i32
        %dma_start3A_280 = tpu.memref_slice %arg10[%add3A_265, %dma_start3A_279] : memref<160x128xi32, #tpu.memory_space<vmem>> -> memref<1x128xi32, #tpu.memory_space<vmem>>
        %dma_start3A_281 = tpu.memref_squeeze %dma_start3A_280 : memref<1x128xi32, #tpu.memory_space<vmem>> -> memref<128xi32, #tpu.memory_space<vmem>>
        %dma_start3A_282 = arith.constant 0 : i32
        %dma_start3A_283 = arith.constant 0 : i32
        %dma_start3A_284 = tpu.memref_slice %arg16[%dma_start3A_282, %dma_start3A_283] : memref<10240x64xf32, #tpu.memory_space<vmem_shared>> -> memref<10240x64xf32, #tpu.memory_space<vmem_shared>>
        tpu.enqueue_indirect_dma source(%arg15 : memref<128x64xf32, #tpu.memory_space<vmem>>) target(%dma_start3A_284 : memref<10240x64xf32, #tpu.memory_space<vmem_shared>>) offsets(%dma_start3A_281 : memref<128xi32, #tpu.memory_space<vmem>>) semaphore(%arg26 : memref<!tpu.dma_semaphore, #tpu.memory_space<semaphore_mem>>) {add = true}
      }
      %scan3A_130 = arith.constant 31 : i32
      %dma_wait3A_131 = arith.constant 155 : i32
      %dma_wait3A_132 = arith.constant 0 : i32
      %dma_wait3A_133 = tpu.memref_slice %arg10[%dma_wait3A_131, %dma_wait3A_132] : memref<160x128xi32, #tpu.memory_space<vmem>> -> memref<1x128xi32, #tpu.memory_space<vmem>>
      %dma_wait3A_134 = tpu.memref_squeeze %dma_wait3A_133 : memref<1x128xi32, #tpu.memory_space<vmem>> -> memref<128xi32, #tpu.memory_space<vmem>>
      %dma_wait3A_135 = arith.constant 0 : i32
      %dma_wait3A_136 = arith.constant 0 : i32
      %dma_wait3A_137 = tpu.memref_slice %arg16[%dma_wait3A_135, %dma_wait3A_136] : memref<10240x64xf32, #tpu.memory_space<vmem_shared>> -> memref<10240x64xf32, #tpu.memory_space<vmem_shared>>
      tpu.wait_indirect_dma semaphore(%arg22 : memref<!tpu.dma_semaphore, #tpu.memory_space<semaphore_mem>>) src(%arg11 : memref<128x64xf32, #tpu.memory_space<vmem>>) dst(%dma_wait3A_137 : memref<10240x64xf32, #tpu.memory_space<vmem_shared>>)
      %dma_wait3A_138 = arith.constant 156 : i32
      %dma_wait3A_139 = arith.constant 0 : i32
      %dma_wait3A_140 = tpu.memref_slice %arg10[%dma_wait3A_138, %dma_wait3A_139] : memref<160x128xi32, #tpu.memory_space<vmem>> -> memref<1x128xi32, #tpu.memory_space<vmem>>
      %dma_wait3A_141 = tpu.memref_squeeze %dma_wait3A_140 : memref<1x128xi32, #tpu.memory_space<vmem>> -> memref<128xi32, #tpu.memory_space<vmem>>
      %dma_wait3A_142 = arith.constant 0 : i32
      %dma_wait3A_143 = arith.constant 0 : i32
      %dma_wait3A_144 = tpu.memref_slice %arg16[%dma_wait3A_142, %dma_wait3A_143] : memref<10240x64xf32, #tpu.memory_space<vmem_shared>> -> memref<10240x64xf32, #tpu.memory_space<vmem_shared>>
      tpu.wait_indirect_dma semaphore(%arg23 : memref<!tpu.dma_semaphore, #tpu.memory_space<semaphore_mem>>) src(%arg12 : memref<128x64xf32, #tpu.memory_space<vmem>>) dst(%dma_wait3A_144 : memref<10240x64xf32, #tpu.memory_space<vmem_shared>>)
      %dma_wait3A_145 = arith.constant 157 : i32
      %dma_wait3A_146 = arith.constant 0 : i32
      %dma_wait3A_147 = tpu.memref_slice %arg10[%dma_wait3A_145, %dma_wait3A_146] : memref<160x128xi32, #tpu.memory_space<vmem>> -> memref<1x128xi32, #tpu.memory_space<vmem>>
      %dma_wait3A_148 = tpu.memref_squeeze %dma_wait3A_147 : memref<1x128xi32, #tpu.memory_space<vmem>> -> memref<128xi32, #tpu.memory_space<vmem>>
      %dma_wait3A_149 = arith.constant 0 : i32
      %dma_wait3A_150 = arith.constant 0 : i32
      %dma_wait3A_151 = tpu.memref_slice %arg16[%dma_wait3A_149, %dma_wait3A_150] : memref<10240x64xf32, #tpu.memory_space<vmem_shared>> -> memref<10240x64xf32, #tpu.memory_space<vmem_shared>>
      tpu.wait_indirect_dma semaphore(%arg24 : memref<!tpu.dma_semaphore, #tpu.memory_space<semaphore_mem>>) src(%arg13 : memref<128x64xf32, #tpu.memory_space<vmem>>) dst(%dma_wait3A_151 : memref<10240x64xf32, #tpu.memory_space<vmem_shared>>)
      %dma_wait3A_152 = arith.constant 158 : i32
      %dma_wait3A_153 = arith.constant 0 : i32
      %dma_wait3A_154 = tpu.memref_slice %arg10[%dma_wait3A_152, %dma_wait3A_153] : memref<160x128xi32, #tpu.memory_space<vmem>> -> memref<1x128xi32, #tpu.memory_space<vmem>>
      %dma_wait3A_155 = tpu.memref_squeeze %dma_wait3A_154 : memref<1x128xi32, #tpu.memory_space<vmem>> -> memref<128xi32, #tpu.memory_space<vmem>>
      %dma_wait3A_156 = arith.constant 0 : i32
      %dma_wait3A_157 = arith.constant 0 : i32
      %dma_wait3A_158 = tpu.memref_slice %arg16[%dma_wait3A_156, %dma_wait3A_157] : memref<10240x64xf32, #tpu.memory_space<vmem_shared>> -> memref<10240x64xf32, #tpu.memory_space<vmem_shared>>
      tpu.wait_indirect_dma semaphore(%arg25 : memref<!tpu.dma_semaphore, #tpu.memory_space<semaphore_mem>>) src(%arg14 : memref<128x64xf32, #tpu.memory_space<vmem>>) dst(%dma_wait3A_158 : memref<10240x64xf32, #tpu.memory_space<vmem_shared>>)
      %dma_wait3A_159 = arith.constant 159 : i32
      %dma_wait3A_160 = arith.constant 0 : i32
      %dma_wait3A_161 = tpu.memref_slice %arg10[%dma_wait3A_159, %dma_wait3A_160] : memref<160x128xi32, #tpu.memory_space<vmem>> -> memref<1x128xi32, #tpu.memory_space<vmem>>
      %dma_wait3A_162 = tpu.memref_squeeze %dma_wait3A_161 : memref<1x128xi32, #tpu.memory_space<vmem>> -> memref<128xi32, #tpu.memory_space<vmem>>
      %dma_wait3A_163 = arith.constant 0 : i32
      %dma_wait3A_164 = arith.constant 0 : i32
      %dma_wait3A_165 = tpu.memref_slice %arg16[%dma_wait3A_163, %dma_wait3A_164] : memref<10240x64xf32, #tpu.memory_space<vmem_shared>> -> memref<10240x64xf32, #tpu.memory_space<vmem_shared>>
      tpu.wait_indirect_dma semaphore(%arg26 : memref<!tpu.dma_semaphore, #tpu.memory_space<semaphore_mem>>) src(%arg15 : memref<128x64xf32, #tpu.memory_space<vmem>>) dst(%dma_wait3A_165 : memref<10240x64xf32, #tpu.memory_space<vmem_shared>>)
      %barrier3A_166 = arith.constant 0 : index
      tpu.barrier barrier_id(%barrier3A_166)
      "tpu.region"() ({
        %run_scoped3A = tpu.sem_alloc : memref<!tpu.dma_semaphore, #tpu.memory_space<semaphore_mem>>
        %dma_start3A_167 = arith.constant 0 : i32
        %dma_start3A_168 = tpu.memref_slice %arg8[%mul3A_0, %dma_start3A_167] : memref<10240x64xf32, #tpu.memory_space<hbm>> -> memref<640x64xf32, #tpu.memory_space<hbm>>
        %dma_start3A_169 = arith.constant 0 : i32
        %dma_start3A_170 = tpu.memref_slice %arg16[%mul3A_0, %dma_start3A_169] : memref<10240x64xf32, #tpu.memory_space<vmem_shared>> -> memref<640x64xf32, #tpu.memory_space<vmem_shared>>
        tpu.enqueue_dma source(%dma_start3A_170 : memref<640x64xf32, #tpu.memory_space<vmem_shared>>) target(%dma_start3A_168 : memref<640x64xf32, #tpu.memory_space<hbm>>) target_semaphore(%run_scoped3A : memref<!tpu.dma_semaphore, #tpu.memory_space<semaphore_mem>>)
        %dma_wait3A_171 = arith.constant 0 : i32
        %dma_wait3A_172 = tpu.memref_slice %arg8[%mul3A_0, %dma_wait3A_171] : memref<10240x64xf32, #tpu.memory_space<hbm>> -> memref<640x64xf32, #tpu.memory_space<hbm>>
        %dma_wait3A_173 = arith.constant 0 : i32
        %dma_wait3A_174 = tpu.memref_slice %arg16[%mul3A_0, %dma_wait3A_173] : memref<10240x64xf32, #tpu.memory_space<vmem_shared>> -> memref<640x64xf32, #tpu.memory_space<vmem_shared>>
        tpu.wait_dma2 semaphore(%run_scoped3A : memref<!tpu.dma_semaphore, #tpu.memory_space<semaphore_mem>>) src(%dma_wait3A_174 : memref<640x64xf32, #tpu.memory_space<vmem_shared>>) dst(%dma_wait3A_172 : memref<640x64xf32, #tpu.memory_space<hbm>>)
        tpu.yield
      }) : () -> ()
    } else {
    }
    return
  }
}

#map = affine_map<(d0, d1) -> (0, 0)>
#map1 = affine_map<(d0, d1) -> (0)>
module attributes {stable_mosaic.version = 14 : i64} {
  func.func @_take_body(%arg0: i32, %arg1: i32, %arg2: memref<10240x128xf32, #tpu.memory_space<hbm>>, %arg3: memref<10240xi32, #tpu.memory_space<hbm>>, %arg4: memref<10240x128xf32, #tpu.memory_space<hbm>>, %arg5: memref<320xi32, #tpu.memory_space<vmem>>, %arg6: memref<320x128xf32, #tpu.memory_space<vmem>>, %arg7: memref<!tpu.dma_semaphore, #tpu.memory_space<semaphore_mem>>) attributes {dimension_semantics = [#tpu.dimension_semantics<core_parallel>, #tpu.dimension_semantics<subcore_parallel>], iteration_bounds = array<i64: 2, 16>, scalar_prefetch = 0 : i64, scratch_operands = 3 : i64, tpu.core_type = #tpu.core_type<sc_vector_subcore>, window_params = [{transform_indices = #map}, {transform_indices = #map1}, {transform_indices = #map}]} {
    %mul3A = arith.constant 2 : i32
    %mul3A_0 = arith.muli %arg1, %mul3A : i32
    %add3A = arith.addi %mul3A_0, %arg0 : i32
    %mul3A_1 = arith.constant 320 : i32
    %mul3A_2 = arith.muli %add3A, %mul3A_1 : i32
    "tpu.region"() ({
      %run_scoped3A = tpu.sem_alloc : memref<!tpu.dma_semaphore, #tpu.memory_space<semaphore_mem>>
      %dma_start3A_49 = tpu.memref_slice %arg3[%mul3A_2] : memref<10240xi32, #tpu.memory_space<hbm>> -> memref<320xi32, #tpu.memory_space<hbm>>
      %dma_start3A_50 = tpu.memref_slice %arg3[%mul3A_2] : memref<10240xi32, #tpu.memory_space<hbm>> -> memref<320xi32, #tpu.memory_space<hbm>>
      tpu.enqueue_dma source(%dma_start3A_50 : memref<320xi32, #tpu.memory_space<hbm>>) target(%arg5 : memref<320xi32, #tpu.memory_space<vmem>>) target_semaphore(%run_scoped3A : memref<!tpu.dma_semaphore, #tpu.memory_space<semaphore_mem>>)
      %dma_wait3A_51 = tpu.memref_slice %arg3[%mul3A_2] : memref<10240xi32, #tpu.memory_space<hbm>> -> memref<320xi32, #tpu.memory_space<hbm>>
      %dma_wait3A_52 = tpu.memref_slice %arg3[%mul3A_2] : memref<10240xi32, #tpu.memory_space<hbm>> -> memref<320xi32, #tpu.memory_space<hbm>>
      tpu.wait_dma2 semaphore(%run_scoped3A : memref<!tpu.dma_semaphore, #tpu.memory_space<semaphore_mem>>) src(%dma_wait3A_52 : memref<320xi32, #tpu.memory_space<hbm>>) dst(%arg5 : memref<320xi32, #tpu.memory_space<vmem>>)
      tpu.yield
    }) : () -> ()
    %dma_start3A = arith.constant 0 : i32
    %dma_start3A_3 = arith.constant 0 : i32
    %dma_start3A_4 = tpu.memref_slice %arg6[%dma_start3A, %dma_start3A_3] : memref<320x128xf32, #tpu.memory_space<vmem>> -> memref<128x128xf32, #tpu.memory_space<vmem>>
    %dma_start3A_5 = arith.constant 0 : i32
    %dma_start3A_6 = tpu.memref_slice %arg5[%dma_start3A_5] : memref<320xi32, #tpu.memory_space<vmem>> -> memref<128xi32, #tpu.memory_space<vmem>>
    %dma_start3A_7 = arith.constant 0 : i32
    %dma_start3A_8 = arith.constant 0 : i32
    %dma_start3A_9 = tpu.memref_slice %arg2[%dma_start3A_7, %dma_start3A_8] : memref<10240x128xf32, #tpu.memory_space<hbm>> -> memref<10240x128xf32, #tpu.memory_space<hbm>>
    tpu.enqueue_indirect_dma source(%dma_start3A_9 : memref<10240x128xf32, #tpu.memory_space<hbm>>) target(%dma_start3A_4 : memref<128x128xf32, #tpu.memory_space<vmem>>) offsets(%dma_start3A_6 : memref<128xi32, #tpu.memory_space<vmem>>) semaphore(%arg7 : memref<!tpu.dma_semaphore, #tpu.memory_space<semaphore_mem>>)
    %dma_wait3A = arith.constant 0 : i32
    %dma_wait3A_10 = arith.constant 0 : i32
    %dma_wait3A_11 = tpu.memref_slice %arg6[%dma_wait3A, %dma_wait3A_10] : memref<320x128xf32, #tpu.memory_space<vmem>> -> memref<128x128xf32, #tpu.memory_space<vmem>>
    %dma_wait3A_12 = arith.constant 0 : i32
    %dma_wait3A_13 = tpu.memref_slice %arg5[%dma_wait3A_12] : memref<320xi32, #tpu.memory_space<vmem>> -> memref<128xi32, #tpu.memory_space<vmem>>
    %dma_wait3A_14 = arith.constant 0 : i32
    %dma_wait3A_15 = arith.constant 0 : i32
    %dma_wait3A_16 = tpu.memref_slice %arg2[%dma_wait3A_14, %dma_wait3A_15] : memref<10240x128xf32, #tpu.memory_space<hbm>> -> memref<10240x128xf32, #tpu.memory_space<hbm>>
    tpu.wait_indirect_dma semaphore(%arg7 : memref<!tpu.dma_semaphore, #tpu.memory_space<semaphore_mem>>) src(%dma_wait3A_16 : memref<10240x128xf32, #tpu.memory_space<hbm>>) dst(%dma_wait3A_11 : memref<128x128xf32, #tpu.memory_space<vmem>>)
    %dma_start3A_17 = arith.constant 128 : i32
    %dma_start3A_18 = arith.constant 0 : i32
    %dma_start3A_19 = tpu.memref_slice %arg6[%dma_start3A_17, %dma_start3A_18] : memref<320x128xf32, #tpu.memory_space<vmem>> -> memref<128x128xf32, #tpu.memory_space<vmem>>
    %dma_start3A_20 = arith.constant 128 : i32
    %dma_start3A_21 = tpu.memref_slice %arg5[%dma_start3A_20] : memref<320xi32, #tpu.memory_space<vmem>> -> memref<128xi32, #tpu.memory_space<vmem>>
    %dma_start3A_22 = arith.constant 0 : i32
    %dma_start3A_23 = arith.constant 0 : i32
    %dma_start3A_24 = tpu.memref_slice %arg2[%dma_start3A_22, %dma_start3A_23] : memref<10240x128xf32, #tpu.memory_space<hbm>> -> memref<10240x128xf32, #tpu.memory_space<hbm>>
    tpu.enqueue_indirect_dma source(%dma_start3A_24 : memref<10240x128xf32, #tpu.memory_space<hbm>>) target(%dma_start3A_19 : memref<128x128xf32, #tpu.memory_space<vmem>>) offsets(%dma_start3A_21 : memref<128xi32, #tpu.memory_space<vmem>>) semaphore(%arg7 : memref<!tpu.dma_semaphore, #tpu.memory_space<semaphore_mem>>)
    %dma_wait3A_25 = arith.constant 128 : i32
    %dma_wait3A_26 = arith.constant 0 : i32
    %dma_wait3A_27 = tpu.memref_slice %arg6[%dma_wait3A_25, %dma_wait3A_26] : memref<320x128xf32, #tpu.memory_space<vmem>> -> memref<128x128xf32, #tpu.memory_space<vmem>>
    %dma_wait3A_28 = arith.constant 128 : i32
    %dma_wait3A_29 = tpu.memref_slice %arg5[%dma_wait3A_28] : memref<320xi32, #tpu.memory_space<vmem>> -> memref<128xi32, #tpu.memory_space<vmem>>
    %dma_wait3A_30 = arith.constant 0 : i32
    %dma_wait3A_31 = arith.constant 0 : i32
    %dma_wait3A_32 = tpu.memref_slice %arg2[%dma_wait3A_30, %dma_wait3A_31] : memref<10240x128xf32, #tpu.memory_space<hbm>> -> memref<10240x128xf32, #tpu.memory_space<hbm>>
    tpu.wait_indirect_dma semaphore(%arg7 : memref<!tpu.dma_semaphore, #tpu.memory_space<semaphore_mem>>) src(%dma_wait3A_32 : memref<10240x128xf32, #tpu.memory_space<hbm>>) dst(%dma_wait3A_27 : memref<128x128xf32, #tpu.memory_space<vmem>>)
    %dma_start3A_33 = arith.constant 256 : i32
    %dma_start3A_34 = arith.constant 0 : i32
    %dma_start3A_35 = tpu.memref_slice %arg6[%dma_start3A_33, %dma_start3A_34] : memref<320x128xf32, #tpu.memory_space<vmem>> -> memref<64x128xf32, #tpu.memory_space<vmem>>
    %dma_start3A_36 = arith.constant 256 : i32
    %dma_start3A_37 = tpu.memref_slice %arg5[%dma_start3A_36] : memref<320xi32, #tpu.memory_space<vmem>> -> memref<64xi32, #tpu.memory_space<vmem>>
    %dma_start3A_38 = arith.constant 0 : i32
    %dma_start3A_39 = arith.constant 0 : i32
    %dma_start3A_40 = tpu.memref_slice %arg2[%dma_start3A_38, %dma_start3A_39] : memref<10240x128xf32, #tpu.memory_space<hbm>> -> memref<10240x128xf32, #tpu.memory_space<hbm>>
    tpu.enqueue_indirect_dma source(%dma_start3A_40 : memref<10240x128xf32, #tpu.memory_space<hbm>>) target(%dma_start3A_35 : memref<64x128xf32, #tpu.memory_space<vmem>>) offsets(%dma_start3A_37 : memref<64xi32, #tpu.memory_space<vmem>>) semaphore(%arg7 : memref<!tpu.dma_semaphore, #tpu.memory_space<semaphore_mem>>)
    %dma_wait3A_41 = arith.constant 256 : i32
    %dma_wait3A_42 = arith.constant 0 : i32
    %dma_wait3A_43 = tpu.memref_slice %arg6[%dma_wait3A_41, %dma_wait3A_42] : memref<320x128xf32, #tpu.memory_space<vmem>> -> memref<64x128xf32, #tpu.memory_space<vmem>>
    %dma_wait3A_44 = arith.constant 256 : i32
    %dma_wait3A_45 = tpu.memref_slice %arg5[%dma_wait3A_44] : memref<320xi32, #tpu.memory_space<vmem>> -> memref<64xi32, #tpu.memory_space<vmem>>
    %dma_wait3A_46 = arith.constant 0 : i32
    %dma_wait3A_47 = arith.constant 0 : i32
    %dma_wait3A_48 = tpu.memref_slice %arg2[%dma_wait3A_46, %dma_wait3A_47] : memref<10240x128xf32, #tpu.memory_space<hbm>> -> memref<10240x128xf32, #tpu.memory_space<hbm>>
    tpu.wait_indirect_dma semaphore(%arg7 : memref<!tpu.dma_semaphore, #tpu.memory_space<semaphore_mem>>) src(%dma_wait3A_48 : memref<10240x128xf32, #tpu.memory_space<hbm>>) dst(%dma_wait3A_43 : memref<64x128xf32, #tpu.memory_space<vmem>>)
    "tpu.region"() ({
      %run_scoped3A = tpu.sem_alloc : memref<!tpu.dma_semaphore, #tpu.memory_space<semaphore_mem>>
      %dma_start3A_49 = arith.constant 0 : i32
      %dma_start3A_50 = tpu.memref_slice %arg4[%mul3A_2, %dma_start3A_49] : memref<10240x128xf32, #tpu.memory_space<hbm>> -> memref<320x128xf32, #tpu.memory_space<hbm>>
      %dma_start3A_51 = arith.constant 0 : i32
      %dma_start3A_52 = tpu.memref_slice %arg4[%mul3A_2, %dma_start3A_51] : memref<10240x128xf32, #tpu.memory_space<hbm>> -> memref<320x128xf32, #tpu.memory_space<hbm>>
      tpu.enqueue_dma source(%arg6 : memref<320x128xf32, #tpu.memory_space<vmem>>) target(%dma_start3A_52 : memref<320x128xf32, #tpu.memory_space<hbm>>) target_semaphore(%run_scoped3A : memref<!tpu.dma_semaphore, #tpu.memory_space<semaphore_mem>>)
      %dma_wait3A_53 = arith.constant 0 : i32
      %dma_wait3A_54 = tpu.memref_slice %arg4[%mul3A_2, %dma_wait3A_53] : memref<10240x128xf32, #tpu.memory_space<hbm>> -> memref<320x128xf32, #tpu.memory_space<hbm>>
      %dma_wait3A_55 = arith.constant 0 : i32
      %dma_wait3A_56 = tpu.memref_slice %arg4[%mul3A_2, %dma_wait3A_55] : memref<10240x128xf32, #tpu.memory_space<hbm>> -> memref<320x128xf32, #tpu.memory_space<hbm>>
      tpu.wait_dma2 semaphore(%run_scoped3A : memref<!tpu.dma_semaphore, #tpu.memory_space<semaphore_mem>>) src(%arg6 : memref<320x128xf32, #tpu.memory_space<vmem>>) dst(%dma_wait3A_56 : memref<320x128xf32, #tpu.memory_space<hbm>>)
      tpu.yield
    }) : () -> ()
    return
  }
}

module attributes {stable_mosaic.version = 14 : i64} {
  func.func @_pre_body(%arg0: i32, %arg1: memref<1024x128xf32, #tpu.memory_space<vmem>>, %arg2: memref<128x128xf32, #tpu.memory_space<vmem>>, %arg3: memref<1x128xf32, #tpu.memory_space<vmem>>, %arg4: memref<1024x64xf32, #tpu.memory_space<vmem>>, %arg5: memref<1024x64xf32, #tpu.memory_space<vmem>>) attributes {dimension_semantics = [#tpu.dimension_semantics<arbitrary>], iteration_bounds = array<i64: 10>, scalar_prefetch = 0 : i64, scratch_operands = 0 : i64, tpu.core_type = #tpu.core_type<tc>, window_params = [{transform_indices = @transform_0, window_bounds = array<i64: 1024, 128>}, {pipeline_mode = #tpu.pipeline_mode<synchronous>, transform_indices = @transform_1, window_bounds = array<i64: 128, 128>}, {pipeline_mode = #tpu.pipeline_mode<synchronous>, transform_indices = @transform_2, window_bounds = array<i64: 1, 128>}, {transform_indices = @transform_3, window_bounds = array<i64: 1024, 64>}, {transform_indices = @transform_4, window_bounds = array<i64: 1024, 64>}]} {
    %get3A = arith.constant 0 : index
    %get3A_0 = arith.constant 0 : index
    %get3A_1 = vector.load %arg1[%get3A, %get3A_0] : memref<1024x128xf32, #tpu.memory_space<vmem>>, vector<1024x128xf32>
    %get3A_2 = arith.constant 0 : index
    %get3A_3 = arith.constant 0 : index
    %get3A_4 = vector.load %arg2[%get3A_2, %get3A_3] : memref<128x128xf32, #tpu.memory_space<vmem>>, vector<128x128xf32>
    %dot_general3A = arith.constant dense<0.000000e+00> : vector<1024x128xf32>
    %dot_general3A_5 = tpu.matmul %get3A_1, %get3A_4, %dot_general3A {dimension_numbers = #tpu.dot_dimension_numbers<[1], [0], [0], [1], [0, 0, 1, 1], [], []>, transpose_lhs_hint = false} : vector<1024x128xf32>, vector<128x128xf32>, vector<1024x128xf32> -> vector<1024x128xf32>
    %get3A_6 = arith.constant 0 : index
    %get3A_7 = arith.constant 0 : index
    %get3A_8 = vector.load %arg3[%get3A_6, %get3A_7] : memref<1x128xf32, #tpu.memory_space<vmem>>, vector<1x128xf32>
    %add3A = vector.broadcast %get3A_8 : vector<1x128xf32> to vector<1024x128xf32>
    %add3A_9 = arith.addf %dot_general3A_5, %add3A : vector<1024x128xf32>
    %slice3A = vector.extract_strided_slice %add3A_9 {offsets = [0, 0], sizes = [1024, 64], strides = [1, 1]} : vector<1024x128xf32> to vector<1024x64xf32>
    %swap3A = arith.constant 0 : index
    %swap3A_10 = arith.constant 0 : index
    %swap3A_11 = vector.load %arg4[%swap3A, %swap3A_10] : memref<1024x64xf32, #tpu.memory_space<vmem>>, vector<1024x64xf32>
    tpu.vector_store %arg4[%swap3A, %swap3A_10], %slice3A {strides = array<i32>} : memref<1024x64xf32, #tpu.memory_space<vmem>>, vector<1024x64xf32>,
    %slice3A_12 = vector.extract_strided_slice %add3A_9 {offsets = [0, 64], sizes = [1024, 64], strides = [1, 1]} : vector<1024x128xf32> to vector<1024x64xf32>
    %swap3A_13 = arith.constant 0 : index
    %swap3A_14 = arith.constant 0 : index
    %swap3A_15 = vector.load %arg5[%swap3A_13, %swap3A_14] : memref<1024x64xf32, #tpu.memory_space<vmem>>, vector<1024x64xf32>
    tpu.vector_store %arg5[%swap3A_13, %swap3A_14], %slice3A_12 {strides = array<i32>} : memref<1024x64xf32, #tpu.memory_space<vmem>>, vector<1024x64xf32>,
    return
  }
  func.func @transform_0(%arg0: i32) -> (i32, i32) {
    %c0_i32 = arith.constant 0 : i32
    %c0_i32_0 = arith.constant 0 : i32
    return %arg0, %c0_i32 : i32, i32
  }
  func.func @transform_1(%arg0: i32) -> (i32, i32) {
    %c0_i32 = arith.constant 0 : i32
    %c0_i32_0 = arith.constant 0 : i32
    %c0_i32_1 = arith.constant 0 : i32
    return %c0_i32, %c0_i32_0 : i32, i32
  }
  func.func @transform_2(%arg0: i32) -> (i32, i32) {
    %c0_i32 = arith.constant 0 : i32
    %c0_i32_0 = arith.constant 0 : i32
    %c0_i32_1 = arith.constant 0 : i32
    return %c0_i32, %c0_i32_0 : i32, i32
  }
  func.func @transform_3(%arg0: i32) -> (i32, i32) {
    %c0_i32 = arith.constant 0 : i32
    %c0_i32_0 = arith.constant 0 : i32
    return %arg0, %c0_i32 : i32, i32
  }
  func.func @transform_4(%arg0: i32) -> (i32, i32) {
    %c0_i32 = arith.constant 0 : i32
    %c0_i32_0 = arith.constant 0 : i32
    return %arg0, %c0_i32 : i32, i32
  }
}

module attributes {stable_mosaic.version = 14 : i64} {
  func.func @_head_body(%arg0: i32, %arg1: memref<1xf32, #tpu.memory_space<smem>>, %arg2: memref<1024x64xf32, #tpu.memory_space<vmem>>, %arg3: memref<1024x64xf32, #tpu.memory_space<vmem>>, %arg4: memref<1024x64xf32, #tpu.memory_space<vmem>>, %arg5: memref<1024x64xf32, #tpu.memory_space<vmem>>, %arg6: memref<1024x64xf32, #tpu.memory_space<vmem>>, %arg7: memref<1024x64xf32, #tpu.memory_space<vmem>>, %arg8: memref<64x128xf32, #tpu.memory_space<vmem>>, %arg9: memref<64x128xf32, #tpu.memory_space<vmem>>, %arg10: memref<64x128xf32, #tpu.memory_space<vmem>>, %arg11: memref<64x128xf32, #tpu.memory_space<vmem>>, %arg12: memref<64x128xf32, #tpu.memory_space<vmem>>, %arg13: memref<64x128xf32, #tpu.memory_space<vmem>>, %arg14: memref<1x128xf32, #tpu.memory_space<vmem>>, %arg15: memref<1024x128xf32, #tpu.memory_space<vmem>>) attributes {dimension_semantics = [#tpu.dimension_semantics<arbitrary>], iteration_bounds = array<i64: 10>, scalar_prefetch = 0 : i64, scratch_operands = 0 : i64, tpu.core_type = #tpu.core_type<tc>, window_params = [{transform_indices = @transform_0, window_bounds = array<i64: 1>}, {transform_indices = @transform_1, window_bounds = array<i64: 1024, 64>}, {transform_indices = @transform_2, window_bounds = array<i64: 1024, 64>}, {transform_indices = @transform_3, window_bounds = array<i64: 1024, 64>}, {transform_indices = @transform_4, window_bounds = array<i64: 1024, 64>}, {transform_indices = @transform_5, window_bounds = array<i64: 1024, 64>}, {transform_indices = @transform_6, window_bounds = array<i64: 1024, 64>}, {pipeline_mode = #tpu.pipeline_mode<synchronous>, transform_indices = @transform_7, window_bounds = array<i64: 64, 128>}, {pipeline_mode = #tpu.pipeline_mode<synchronous>, transform_indices = @transform_8, window_bounds = array<i64: 64, 128>}, {pipeline_mode = #tpu.pipeline_mode<synchronous>, transform_indices = @transform_9, window_bounds = array<i64: 64, 128>}, {pipeline_mode = #tpu.pipeline_mode<synchronous>, transform_indices = @transform_10, window_bounds = array<i64: 64, 128>}, {pipeline_mode = #tpu.pipeline_mode<synchronous>, transform_indices = @transform_11, window_bounds = array<i64: 64, 128>}, {pipeline_mode = #tpu.pipeline_mode<synchronous>, transform_indices = @transform_12, window_bounds = array<i64: 64, 128>}, {pipeline_mode = #tpu.pipeline_mode<synchronous>, transform_indices = @transform_13, window_bounds = array<i64: 1, 128>}, {transform_indices = @transform_14, window_bounds = array<i64: 1024, 128>}]} {
    %get3A = arith.constant 0 : index
    %get3A_0 = memref.load %arg1[%get3A] : memref<1xf32, #tpu.memory_space<smem>>
    %get3A_1 = arith.constant 0 : index
    %get3A_2 = arith.constant 0 : index
    %get3A_3 = vector.load %arg2[%get3A_1, %get3A_2] : memref<1024x64xf32, #tpu.memory_space<vmem>>, vector<1024x64xf32>
    %get3A_4 = arith.constant 0 : index
    %get3A_5 = arith.constant 0 : index
    %get3A_6 = vector.load %arg8[%get3A_4, %get3A_5] : memref<64x128xf32, #tpu.memory_space<vmem>>, vector<64x128xf32>
    %dot_general3A = arith.constant dense<0.000000e+00> : vector<1024x128xf32>
    %dot_general3A_7 = tpu.matmul %get3A_3, %get3A_6, %dot_general3A {dimension_numbers = #tpu.dot_dimension_numbers<[1], [0], [0], [1], [0, 0, 1, 1], [], []>, transpose_lhs_hint = false} : vector<1024x64xf32>, vector<64x128xf32>, vector<1024x128xf32> -> vector<1024x128xf32>
    %get3A_8 = arith.constant 0 : index
    %get3A_9 = arith.constant 0 : index
    %get3A_10 = vector.load %arg3[%get3A_8, %get3A_9] : memref<1024x64xf32, #tpu.memory_space<vmem>>, vector<1024x64xf32>
    %get3A_11 = arith.constant 0 : index
    %get3A_12 = arith.constant 0 : index
    %get3A_13 = vector.load %arg9[%get3A_11, %get3A_12] : memref<64x128xf32, #tpu.memory_space<vmem>>, vector<64x128xf32>
    %dot_general3A_14 = arith.constant dense<0.000000e+00> : vector<1024x128xf32>
    %dot_general3A_15 = tpu.matmul %get3A_10, %get3A_13, %dot_general3A_14 {dimension_numbers = #tpu.dot_dimension_numbers<[1], [0], [0], [1], [0, 0, 1, 1], [], []>, transpose_lhs_hint = false} : vector<1024x64xf32>, vector<64x128xf32>, vector<1024x128xf32> -> vector<1024x128xf32>
    %add3A = arith.addf %dot_general3A_7, %dot_general3A_15 : vector<1024x128xf32>
    %mul3A = vector.broadcast %get3A_0 : f32 to vector<1024x128xf32>
    %mul3A_16 = arith.mulf %add3A, %mul3A : vector<1024x128xf32>
    %get3A_17 = arith.constant 0 : index
    %get3A_18 = arith.constant 0 : index
    %get3A_19 = vector.load %arg4[%get3A_17, %get3A_18] : memref<1024x64xf32, #tpu.memory_space<vmem>>, vector<1024x64xf32>
    %get3A_20 = arith.constant 0 : index
    %get3A_21 = arith.constant 0 : index
    %get3A_22 = vector.load %arg10[%get3A_20, %get3A_21] : memref<64x128xf32, #tpu.memory_space<vmem>>, vector<64x128xf32>
    %dot_general3A_23 = arith.constant dense<0.000000e+00> : vector<1024x128xf32>
    %dot_general3A_24 = tpu.matmul %get3A_19, %get3A_22, %dot_general3A_23 {dimension_numbers = #tpu.dot_dimension_numbers<[1], [0], [0], [1], [0, 0, 1, 1], [], []>, transpose_lhs_hint = false} : vector<1024x64xf32>, vector<64x128xf32>, vector<1024x128xf32> -> vector<1024x128xf32>
    %add3A_25 = arith.addf %mul3A_16, %dot_general3A_24 : vector<1024x128xf32>
    %get3A_26 = arith.constant 0 : index
    %get3A_27 = arith.constant 0 : index
    %get3A_28 = vector.load %arg5[%get3A_26, %get3A_27] : memref<1024x64xf32, #tpu.memory_space<vmem>>, vector<1024x64xf32>
    %get3A_29 = arith.constant 0 : index
    %get3A_30 = arith.constant 0 : index
    %get3A_31 = vector.load %arg11[%get3A_29, %get3A_30] : memref<64x128xf32, #tpu.memory_space<vmem>>, vector<64x128xf32>
    %dot_general3A_32 = arith.constant dense<0.000000e+00> : vector<1024x128xf32>
    %dot_general3A_33 = tpu.matmul %get3A_28, %get3A_31, %dot_general3A_32 {dimension_numbers = #tpu.dot_dimension_numbers<[1], [0], [0], [1], [0, 0, 1, 1], [], []>, transpose_lhs_hint = false} : vector<1024x64xf32>, vector<64x128xf32>, vector<1024x128xf32> -> vector<1024x128xf32>
    %add3A_34 = arith.addf %add3A_25, %dot_general3A_33 : vector<1024x128xf32>
    %get3A_35 = arith.constant 0 : index
    %get3A_36 = arith.constant 0 : index
    %get3A_37 = vector.load %arg6[%get3A_35, %get3A_36] : memref<1024x64xf32, #tpu.memory_space<vmem>>, vector<1024x64xf32>
    %get3A_38 = arith.constant 0 : index
    %get3A_39 = arith.constant 0 : index
    %get3A_40 = vector.load %arg12[%get3A_38, %get3A_39] : memref<64x128xf32, #tpu.memory_space<vmem>>, vector<64x128xf32>
    %dot_general3A_41 = arith.constant dense<0.000000e+00> : vector<1024x128xf32>
    %dot_general3A_42 = tpu.matmul %get3A_37, %get3A_40, %dot_general3A_41 {dimension_numbers = #tpu.dot_dimension_numbers<[1], [0], [0], [1], [0, 0, 1, 1], [], []>, transpose_lhs_hint = false} : vector<1024x64xf32>, vector<64x128xf32>, vector<1024x128xf32> -> vector<1024x128xf32>
    %add3A_43 = arith.addf %add3A_34, %dot_general3A_42 : vector<1024x128xf32>
    %get3A_44 = arith.constant 0 : index
    %get3A_45 = arith.constant 0 : index
    %get3A_46 = vector.load %arg7[%get3A_44, %get3A_45] : memref<1024x64xf32, #tpu.memory_space<vmem>>, vector<1024x64xf32>
    %get3A_47 = arith.constant 0 : index
    %get3A_48 = arith.constant 0 : index
    %get3A_49 = vector.load %arg13[%get3A_47, %get3A_48] : memref<64x128xf32, #tpu.memory_space<vmem>>, vector<64x128xf32>
    %dot_general3A_50 = arith.constant dense<0.000000e+00> : vector<1024x128xf32>
    %dot_general3A_51 = tpu.matmul %get3A_46, %get3A_49, %dot_general3A_50 {dimension_numbers = #tpu.dot_dimension_numbers<[1], [0], [0], [1], [0, 0, 1, 1], [], []>, transpose_lhs_hint = false} : vector<1024x64xf32>, vector<64x128xf32>, vector<1024x128xf32> -> vector<1024x128xf32>
    %add3A_52 = arith.addf %add3A_43, %dot_general3A_51 : vector<1024x128xf32>
    %get3A_53 = arith.constant 0 : index
    %get3A_54 = arith.constant 0 : index
    %get3A_55 = vector.load %arg14[%get3A_53, %get3A_54] : memref<1x128xf32, #tpu.memory_space<vmem>>, vector<1x128xf32>
    %add3A_56 = vector.broadcast %get3A_55 : vector<1x128xf32> to vector<1024x128xf32>
    %add3A_57 = arith.addf %add3A_52, %add3A_56 : vector<1024x128xf32>
    %swap3A = arith.constant 0 : index
    %swap3A_58 = arith.constant 0 : index
    %swap3A_59 = vector.load %arg15[%swap3A, %swap3A_58] : memref<1024x128xf32, #tpu.memory_space<vmem>>, vector<1024x128xf32>
    tpu.vector_store %arg15[%swap3A, %swap3A_58], %add3A_57 {strides = array<i32>} : memref<1024x128xf32, #tpu.memory_space<vmem>>, vector<1024x128xf32>,
    return
  }
  func.func @transform_0(%arg0: i32) -> i32 {
    %c0_i32 = arith.constant 0 : i32
    %c0_i32_0 = arith.constant 0 : i32
    return %c0_i32 : i32
  }
  func.func @transform_1(%arg0: i32) -> (i32, i32) {
    %c0_i32 = arith.constant 0 : i32
    %c0_i32_0 = arith.constant 0 : i32
    return %arg0, %c0_i32 : i32, i32
  }
  func.func @transform_2(%arg0: i32) -> (i32, i32) {
    %c0_i32 = arith.constant 0 : i32
    %c0_i32_0 = arith.constant 0 : i32
    return %arg0, %c0_i32 : i32, i32
  }
  func.func @transform_3(%arg0: i32) -> (i32, i32) {
    %c0_i32 = arith.constant 0 : i32
    %c0_i32_0 = arith.constant 0 : i32
    return %arg0, %c0_i32 : i32, i32
  }
  func.func @transform_4(%arg0: i32) -> (i32, i32) {
    %c0_i32 = arith.constant 0 : i32
    %c0_i32_0 = arith.constant 0 : i32
    return %arg0, %c0_i32 : i32, i32
  }
  func.func @transform_5(%arg0: i32) -> (i32, i32) {
    %c0_i32 = arith.constant 0 : i32
    %c0_i32_0 = arith.constant 0 : i32
    return %arg0, %c0_i32 : i32, i32
  }
  func.func @transform_6(%arg0: i32) -> (i32, i32) {
    %c0_i32 = arith.constant 0 : i32
    %c0_i32_0 = arith.constant 0 : i32
    return %arg0, %c0_i32 : i32, i32
  }
  func.func @transform_7(%arg0: i32) -> (i32, i32) {
    %c0_i32 = arith.constant 0 : i32
    %c0_i32_0 = arith.constant 0 : i32
    %c0_i32_1 = arith.constant 0 : i32
    return %c0_i32, %c0_i32_0 : i32, i32
  }
  func.func @transform_8(%arg0: i32) -> (i32, i32) {
    %c0_i32 = arith.constant 0 : i32
    %c0_i32_0 = arith.constant 0 : i32
    %c0_i32_1 = arith.constant 0 : i32
    return %c0_i32, %c0_i32_0 : i32, i32
  }
  func.func @transform_9(%arg0: i32) -> (i32, i32) {
    %c0_i32 = arith.constant 0 : i32
    %c0_i32_0 = arith.constant 0 : i32
    %c0_i32_1 = arith.constant 0 : i32
    return %c0_i32, %c0_i32_0 : i32, i32
  }
  func.func @transform_10(%arg0: i32) -> (i32, i32) {
    %c0_i32 = arith.constant 0 : i32
    %c0_i32_0 = arith.constant 0 : i32
    %c0_i32_1 = arith.constant 0 : i32
    return %c0_i32, %c0_i32_0 : i32, i32
  }
  func.func @transform_11(%arg0: i32) -> (i32, i32) {
    %c0_i32 = arith.constant 0 : i32
    %c0_i32_0 = arith.constant 0 : i32
    %c0_i32_1 = arith.constant 0 : i32
    return %c0_i32, %c0_i32_0 : i32, i32
  }
  func.func @transform_12(%arg0: i32) -> (i32, i32) {
    %c0_i32 = arith.constant 0 : i32
    %c0_i32_0 = arith.constant 0 : i32
    %c0_i32_1 = arith.constant 0 : i32
    return %c0_i32, %c0_i32_0 : i32, i32
  }
  func.func @transform_13(%arg0: i32) -> (i32, i32) {
    %c0_i32 = arith.constant 0 : i32
    %c0_i32_0 = arith.constant 0 : i32
    %c0_i32_1 = arith.constant 0 : i32
    return %c0_i32, %c0_i32_0 : i32, i32
  }
  func.func @transform_14(%arg0: i32) -> (i32, i32) {
    %c0_i32 = arith.constant 0 : i32
    %c0_i32_0 = arith.constant 0 : i32
    return %arg0, %c0_i32 : i32, i32
  }
}

</mosaic_0001>

<sc_bundles>
// kernel: kernel.10.cloned.1.call-start
scs
__scs_entry_jumppad:
0x0: {  	(pc) =	sbr.rel $0x88, $3  }
0x1: {  	(tag) =	ssettag $0x0;
	lr =	simm.s32 $0x1  }
0x2: {  	[smem:$0x3F95] =	sst lr;
	_ =	strace $0xD0000000  }
0x3: {  	_ = 	snop  }
0x4: {  	_ = 	snop  }
0x5: {  	_ = 	snop  }
0x6: {  	_ = 	snop  }
0x7: {  	_ = 	snop  }
__scs_overlays_trampoline_lowered:
0x8: {  	[smem:$0x3FA4] =	sst s0  }
0x9: {  	[smem:$0x3FA5] =	sst s1  }
0xa: {  	[smem:$0x3FA6] =	sst s2  }
0xb: {  	[smem:$0x3FA7] =	sst s3  }
0xc: {  	[smem:$0x3FA8] =	sst s4  }
0xd: {  	[smem:$0x3FA9] =	sst s5  }
0xe: {  	[smem:$0x3FAA] =	sst s6  }
0xf: {  	[smem:$0x3FAB] =	sst s7  }
0x10: {  	[smem:$0x3FAC] =	sst s8  }
0x11: {  	[smem:$0x3FAD] =	sst s9;
	s0 =	simm.s32 @!p0 $0x0  }
0x12: {  	s1 =	sld [smem:$0x3F93];
	s0 =	simm.s32 @p0 $0x1  }
0x13: {  	[smem:$0x3FAE] =	sst s0;
	s0 =	simm.s32 @!p1 $0x0  }
0x14: {  	s2 =	sld [smem:$0x3F92];
	s0 =	simm.s32 @p1 $0x1  }
0x15: {  	[smem:$0x3FAF] =	sst s0;
	s0 =	simm.s32 @!p2 $0x0  }
0x16: {  	s3 =	sld [smem:$0x3FDB];
	s0 =	simm.s32 @p2 $0x1  }
0x17: {  	s4 =	simm.s32 $0x1BF5;
	[smem:$0x3FB1] =	sst s0  }
0x18: {  	s0 =	sld [smem:$0x3F94];
	_ =	swait.ge [sflag:s4], $0x0  }
0x19: {  	s7 =	sld [smem:$0x3F95]  }
0x1a: {  	s8 =	sadd.s32 $0xFFFFE003, lr  }
0x1b: {  	s9 =	sadd.s32 $0xFFFFFEF7, lr;
	s5 =	simm.s32 $0xFFFFFFFF;
	p2 =	slt.u32 s8, $0xFFFFF086  }
0x1c: {  	p1 =	slt.u32 s9, $0xF7A;
	s5 =	simm.s32 @!p2 $0x0  }
0x1d: {  	s5 =	simm.s32 @p1 $0x1;
	p0 =	seq.s32 s7, s2  }
0x1e: {  	s7 =	smul.u32 @!p0 $0xF7A, s2;
	p2 =	seq.s32 @!p0 s5, $0x0  }
0x1f: {  	s9 =	smul.u32 $0xF7A, s1;
	s8 =	simm.s32 @!p0 $0x1BF5;
	p2 =	por !p2, p0  }
0x20: {  	[sflag:s8] =	ssyncset.s32 @!p0 $0xFFFFF086;
	s6 =	sadd.s32 @!p0 s3, s7;
	s7 =	simm.s32 @!p0 $0x108  }
0x21: {  	s3 =	sadd.s32 s3, s9;
	s6 =	sadd.s32 @!p0 $0x88, s6;
	s7 =	simm.s32 @p2 $0x1082  }
0x22: {  	[simem:s7], [sflag:s8] =	dma.local @!p0 [hbm:s6], $0xF7A  }
0x23: {  	s9 =	sor.u32 $0xD0000000, s2;
	s6 =	simm.s32 $0x108;
	_ =	swait.ge @!p0 [sflag:s8], $0x0  }
0x24: {  	s3 =	sadd.s32 $0x88, s3;
	s6 =	simm.s32 @!p1 $0x1082;
	[sflag:s4] =	ssyncset.s32 $0xFFFFF086  }
0x25: {  	[simem:s6], [sflag:s4] =	dma.local [hbm:s3], $0xF7A  }
0x26: {  	[smem:$0x3F95] =	sst s1;
	(tag) =	ssettag s2;
	_ =	strace s9  }
0x27: {  	s1 =	sld [smem:$0x3FA5]  }
0x28: {  	s2 =	sld [smem:$0x3FA6]  }
0x29: {  	s4 =	sld [smem:$0x3FA8]  }
0x2a: {  	p0 =	seq.s32 s5, $0x0;
	s5 =	sld [smem:$0x3FA9]  }
0x2b: {  	s6 =	sld [smem:$0x3FAA]  }
0x2c: {  	s7 =	sld [smem:$0x3FAB]  }
0x2d: {  	s3 =	simm.s32 $0x108;
	s8 =	sld [smem:$0x3FAC]  }
0x2e: {  	s3 =	simm.s32 @!p0 $0x1082;
	s9 =	sld [smem:$0x3FAD]  }
0x2f: {  	lr =	sadd.s32 s0, s3;
	s0 =	sld [smem:$0x3FA4]  }
0x30: {  	s3 =	sld [smem:$0x3FA7]  }
0x31: {  	[smem:$0x3FB0] =	sst s10  }
0x32: {  	s10 =	sld [smem:$0x3FAE];
	_ =	sdelay $0x3  }
0x33: {  	p0 =	seq.s32 s10, $0x1;
	s10 =	sld [smem:$0x3FB0];
	_ =	sdelay $0x3  }
0x34: {  	[smem:$0x3FB0] =	sst s10  }
0x35: {  	s10 =	sld [smem:$0x3FAF];
	_ =	sdelay $0x3  }
0x36: {  	p1 =	seq.s32 s10, $0x1;
	s10 =	sld [smem:$0x3FB0];
	_ =	sdelay $0x3  }
0x37: {  	[smem:$0x3FB0] =	sst s10  }
0x38: {  	s10 =	sld [smem:$0x3FB1]  }
0x39: {  	_ = 	snop;
	(pc) =	sbr.ind lr, $3  }
0x3a: {  	_ = 	snop  }
0x3b: {  	_ = 	snop  }
0x3c: {  	p2 =	seq.s32 s10, $0x1;
	s10 =	sld [smem:$0x3FB0]  }
0x3d: {  	_ =	shalt  }
0x3e: {  	_ =	shalt  }
0x3f: {  	_ =	shalt  }
0x40: {  	_ =	shalt  }
0x41: {  	_ =	shalt  }
0x42: {  	_ =	shalt  }
0x43: {  	_ =	shalt  }
0x44: {  	_ =	shalt  }
0x45: {  	_ =	shalt  }
0x46: {  	_ =	shalt  }
0x47: {  	_ =	shalt  }
0x48: {  	_ =	shalt  }
0x49: {  	_ =	shalt  }
0x4a: {  	_ =	shalt  }
0x4b: {  	_ =	shalt  }
0x4c: {  	_ =	shalt  }
0x4d: {  	_ =	shalt  }
0x4e: {  	_ =	shalt  }
0x4f: {  	_ =	shalt  }
0x50: {  	_ =	shalt  }
0x51: {  	_ =	shalt  }
0x52: {  	_ =	shalt  }
0x53: {  	_ =	shalt  }
0x54: {  	_ =	shalt  }
0x55: {  	_ =	shalt  }
0x56: {  	_ =	shalt  }
0x57: {  	_ =	shalt  }
0x58: {  	_ =	shalt  }
0x59: {  	_ =	shalt  }
0x5a: {  	_ =	shalt  }
0x5b: {  	_ =	shalt  }
0x5c: {  	_ =	shalt  }
0x5d: {  	_ =	shalt  }
0x5e: {  	_ =	shalt  }
0x5f: {  	_ =	shalt  }
0x60: {  	_ =	shalt  }
0x61: {  	_ =	shalt  }
0x62: {  	_ =	shalt  }
0x63: {  	_ =	shalt  }
0x64: {  	_ =	shalt  }
0x65: {  	_ =	shalt  }
0x66: {  	_ =	shalt  }
0x67: {  	_ =	shalt  }
0x68: {  	_ =	shalt  }
0x69: {  	_ =	shalt  }
0x6a: {  	_ =	shalt  }
0x6b: {  	_ =	shalt  }
0x6c: {  	_ =	shalt  }
0x6d: {  	_ =	shalt  }
0x6e: {  	_ =	shalt  }
0x6f: {  	_ =	shalt  }
0x70: {  	_ =	shalt  }
0x71: {  	_ =	shalt  }
0x72: {  	_ =	shalt  }
0x73: {  	_ =	shalt  }
0x74: {  	_ =	shalt  }
0x75: {  	_ =	shalt  }
0x76: {  	_ =	shalt  }
0x77: {  	_ =	shalt  }
0x78: {  	_ =	shalt  }
0x79: {  	_ =	shalt  }
0x7a: {  	_ =	shalt  }
0x7b: {  	_ =	shalt  }
0x7c: {  	_ =	shalt  }
0x7d: {  	_ =	shalt  }
0x7e: {  	_ =	shalt  }
0x7f: {  	_ =	shalt  }
0x80: {  	_ =	shalt  }
0x81: {  	_ =	shalt  }
0x82: {  	_ =	shalt  }
0x83: {  	_ =	shalt  }
0x84: {  	_ =	shalt  }
0x85: {  	_ =	shalt  }
0x86: {  	_ =	shalt  }
0x87: {  	_ =	shalt  }
.Lfunc_end0:
.L_simem_size_0:
called_computation.1_lowered:
.L_overlay_start_0:
0x88: {  	s2 =	sld [smem:$0x3FD9]  }
0x89: {  	s3 =	sld [smem:$0x3FFE];
	_ =	sdelay $0x1  }
0x8a: {  	s1 =	srdreg.scid  }
0x8b: {  	s0 =	sand.u32 $0x1, s1  }
0x8c: {  	s14 =	sshll.u32 s0, $0xA;
	s2 =	sadd.s32 s3, s2  }
0x8d: {  	s2 =	sadd.s32 s2, s14  }
0x8e: {  	[smem:$0x3FBC] =	sst s2  }
0x8f: {  	_ = 	snop  }
0x90: {  	s2 =	sld [smem:$0x3FD0];
	_ =	sdelay $0x2  }
0x91: {  	s15 =	simm.s32 $0xA;
	s4 =	simm.s32 $0x10  }
0x92: {  	[smem:s4], [sflag:s15] =	dma.local [hbm:s2], $0x1  }
0x93: {  	_ =	swait.eq [sflag:s15], $0x1  }
0x94: {  	[sflag:s15] =	ssyncset.done $0x0  }
0x95: {  	[sflag:s15] =	ssyncadd.s32 $0xFFFFFFFF  }
0x96: {  	s16 =	sld [smem:$0x10];
	(tm) =	ssettm $0x1  }
0x97: {  	s17 =	sld [smem:$0x3FFB];
	_ =	sdelay $0x3  }
0x98: {  	_ =	strace s17  }
0x99: {  	s3 =	sld [smem:$0x3FFC];
	_ =	sdelay $0x3  }
0x9a: {  	_ =	strace s3  }
0x9b: {  	s3 =	sld [smem:$0x3FFD];
	_ =	sdelay $0x3  }
0x9c: {  	_ =	strace s3  }
0x9d: {  	_ =	strace $0x8FFFFFFF  }
0x9e: {  	s18 =	sld [smem:$0x3FDB];
	_ =	sdelay $0x1  }
0x9f: {  	s19 =	simm.s32 $_scs_section_size  }
0xa0: {  	s5 =	simm.s32 $_size__tile_overlayer_lowered;
	s6 =	simm.s32 $_tile_overlayer_lowered  }
0xa1: {  	s22 =	simm.s32 $0x1BFF;
	s21 =	sshll.u32 s6, $0x1;
	s3 =	sadd.s32 s19, s18  }
0xa2: {  	s7 =	simm.s32 $0x0;
	s20 =	sshll.u32 s5, $0x1;
	s5 =	sadd.s32 s21, s3  }
0xa3: {  	[timem:s7], [sflag:s22] =	dma.local [hbm:s5], s20  }
0xa4: {  	_ =	swait.ge [sflag:s22], s20  }
0xa5: {  	s4 =	ssub.s32 $0x0, s20;
	[sflag:s22] =	ssyncset.done $0x0  }
0xa6: {  	[sflag:s22] =	ssyncadd.s32 s4;
	_ =	sdelay $0x1  }
0xa7: {  	s23 =	simm.s32 $0x1B8B  }
0xa8: {  	_ =	swait.ge [sflag:s23], $0x1  }
0xa9: {  	[sflag:s23] =	ssyncset.done $0x0  }
0xaa: {  	s25 =	simm.s32 $0x1B8E;
	s24 =	sld [smem:$0x3FFE];
	[sflag:s23] =	ssyncadd.s32 $0xFFFFFFFF  }
0xab: {  	s26 =	simm.s32 $execute0_lowered;
	[smem:$0x3FD2] =	sst s25  }
0xac: {  	s5 =	sshll.u32 s26, $0x1;
	_ =	strace $0x80000049;
	[dreg:$0x1] =	wrdreg $0xFFFFFFFF  }
0xad: {  	s28 =	simm.s32 $_size_execute0_lowered;
	s3 =	sadd.s32 s3, s5;
	[dreg:$0x0] =	wrdreg $0x0  }
0xae: {  	s5 =	sshll.u32 s28, $0x1;
	[dreg:$0x2] =	wrdreg s3  }
0xaf: {  	[dreg:$0x3] =	wrdreg s5  }
0xb0: {  	[dreg:$0x4] =	wrdreg $0xC0  }
0xb1: {  	_ =	task [dreg:s7], $0x5FFFF  }
0xb2: {  	[dreg:$0x1] =	wrdreg $0xFFFFFFFF  }
0xb3: {  	[dreg:$0x0] =	wrdreg $0x60  }
0xb4: {  	[dreg:$0x2] =	wrdreg s24  }
0xb5: {  	[dreg:$0x3] =	wrdreg s16  }
0xb6: {  	[dreg:$0x4] =	wrdreg $0x140000  }
0xb7: {  	[dreg:$0x5] =	wrdreg $0x9  }
0xb8: {  	_ =	task.clear_ibuf [dreg:s7], $0x6FFFF;
	_ =	strace $0x90000049  }
0xb9: {  	s29 =	simm.s32 $0x9;
	_ =	strace $0x8000004B  }
0xba: {  	_ =	swait.ge [sflag:s29], $0x1  }
0xbb: {  	[sflag:s29] =	ssyncadd.s32 $0xFFFFFFFF  }
0xbc: {  	_ =	strace $0x9000004B  }
0xbd: {  	_ =	sfence  }
0xbe: {  	s30 =	sld [smem:$0x0];
	_ =	sdelay $0x2  }
0xbf: {  	s31 =	sshll.u32 s1, $0xD;
	s1 =	sshrl.u32 s1, $0x2  }
0xc0: {  	s3 =	sand.u32 $0x4000, s31;
	s1 =	sadd.s32 s1, s30  }
0xc1: {  	s0 =	sor.u32 s3, s0;
	s1 =	sshll.u32 s1, $0x11  }
0xc2: {  	s0 =	sor.u32 s1, s0  }
0xc3: {  	s0 =	sadd.s32 $0x8F2B, s0  }
0xc4: {  	[sflag:s0] =	ssyncadd.remote.s32 $0x1  }
0xc5: {  	_ =	sfence.sel $0xFFFF  }
0xc6: {  	[dreg:$0x0] =	wrdreg $0xFFFFFFFF;
	(pc) =	sbr.abs _section_cstart, $3  }
0xc7: {  	[dreg:$0x1] =	wrdreg $0xFFFFFFFF  }
0xc8: {  	_ =	task.clear_ibuf [dreg:s7], $0x2FFFF;
	_ =	strace $0x9FFFFFFF  }
0xc9: {  	(tm) =	ssettm $0x7FFFFFFF  }
tec
execute0_lowered:
.L_overlay_start_1:
0x0: {  	(tag) =	ssettag $0x1  }
0x1: {  	s0 =	rddreg [dreg:$0x0]  }
0x2: {  	s1 =	rddreg [dreg:$0x1]  }
0x3: {  	s2 =	rddreg [dreg:$0x2];
	s3 =	simm.s32 $0x0  }
0x4: {  	s14 =	stileid.u32;
	s5 =	srdreg.scid;
	s17 =	simm.s32 $0x80  }
0x5: {  	s18 =	simm.s32 $0xA000;
	s19 =	simm.s32 $0xC000;
	s20 =	simm.s32 $0x1  }
0x6: {  	s22 =	simm.s32 $0xE000;
	s28 =	simm.s32 $0x3;
	s31 =	simm.s32 $0x12000  }
0x7: {  	s21 =	simm.s32 $0x6;
	s29 =	simm.s32 $0x8;
	s30 =	simm.s32 $0x9  }
0x8: {  	[smem:$0x7FF] =	sst s3;
	s23 =	smul.u32 $0xA000, s14;
	s4 =	sadd.s32 $0x5D200, s0  }
0x9: {  	s7 =	smul.u32 $0xA00, s14;
	s8 =	sand.u32 $0x1, s5;
	s5 =	sadd.s32 $0x71200, s0  }
0xa: {  	s13 =	sadd.s32 $0x17200, s0;
	s26 =	sshll.u32 s14, $0x6;
	_ =	strace $0x8000004A  }
0xb: {  	s9 =	ssub.s32 $0x2, s8;
	[dreg:$0x4] =	wrdreg s13;
	p0 =	seq.s32 s8, $0x1  }
0xc: {  	s13 =	simm.s32 $0xB;
	s15 =	sor.u32 $0x1C0B, s26;
	s26 =	simm.s32 $0x10000  }
0xd: {  	s8 =	simm.s32 $0x7;
	s6 =	sshrl.u32 s23, $0x3;
	s10 =	sadd.s32 s7, s0  }
0xe: {  	s12 =	sshrl.u32 s9, $0x1;
	s25 =	sadd.s32 s23, s2;
	s23 =	simm.s32 $0x2  }
.Ltmp0:
0xf: {  	s11 =	sadd.s32 s6, s0;
	s0 =	sadd.s32 $0x3200, s0;
	(pc) =	sbr.rel .LBB2_1-.Ltmp0, $4  }
0x10: {  	s24 =	ssub.s32 s9, s12;
	s9 =	sadd.s32 $0x3F200, s10;
	s10 =	sadd.s32 s1, s7  }
0x11: {  	s16 =	sshrl.u32 s25, $0x3;
	s7 =	simm.s32 $0x5;
	s1 =	simm.s32 $0xA  }
0x12: {  	s25 =	simm.s32 $0x0;
	[dreg:$0x5] =	wrdreg s0;
	s11 =	sadd.s32 $0x49200, s11  }
0x13: {  	s12 =	smax.u32 s24, $0x1;
	s24 =	simm.s32 $0x5000;
	s0 =	simm.s32 $0x4  }
.LBB2_7:
0x14: {  	[spmem:s2] =	stream.indirect.scatter.add.f32 [tilespmem:s31], [sflag:$0xA], $0x40, s3, s17, $0xb8;
	[tilespmem:$0x1E000] =	vst v63  }
0x15: {  	_ =	swait.ge [sflag:s8], $0x2000  }
0x16: {  	[sflag:s8] =	ssyncset.done $0x0  }
0x17: {  	s24 =	simm.s32 $0x4E00;
	[sflag:s8] =	ssyncadd.s32 $0xFFFFE000  }
0x18: {  	[tilespmem:s19], [sflag:$0x2] =	stream.indirect.gather [hbm4b:s5+s17], $0x40, s24, s17, $0xb8;
	[tilespmem:$0x1E000] =	vst v63  }
0x19: {  	_ =	swait.ge [sflag:s20], $0x2000  }
0x1a: {  	[sflag:s20] =	ssyncset.done $0x0  }
0x1b: {  	s14 =	simm.s32 $0x9D80;
	[sflag:s20] =	ssyncadd.s32 $0xFFFFE000  }
0x1c: {  	[spmem:s2] =	stream.indirect.scatter.add.f32 [tilespmem:s18], [sflag:$0x6], $0x40, s14, s17, $0xb8;
	[tilespmem:$0x1E000] =	vst v63  }
0x1d: {  	_ =	swait.ge [sflag:s29], $0x2000  }
0x1e: {  	[sflag:s29] =	ssyncset.done $0x0  }
0x1f: {  	s24 =	simm.s32 $0x4E80;
	[sflag:s29] =	ssyncadd.s32 $0xFFFFE000  }
0x20: {  	[tilespmem:s22], [sflag:$0x3] =	stream.indirect.gather [hbm4b:s5+s17], $0x40, s24, s17, $0xb8;
	[tilespmem:$0x1E000] =	vst v63  }
0x21: {  	_ =	swait.ge [sflag:s23], $0x2000  }
0x22: {  	[sflag:s23] =	ssyncset.done $0x0  }
0x23: {  	s14 =	simm.s32 $0x9E00;
	[sflag:s23] =	ssyncadd.s32 $0xFFFFE000  }
0x24: {  	[spmem:s2] =	stream.indirect.scatter.add.f32 [tilespmem:s19], [sflag:$0x7], $0x40, s14, s17, $0xb8;
	[tilespmem:$0x1E000] =	vst v63  }
0x25: {  	_ =	swait.ge [sflag:s30], $0x2000  }
0x26: {  	[sflag:s30] =	ssyncset.done $0x0  }
0x27: {  	s24 =	simm.s32 $0x4F00;
	[sflag:s30] =	ssyncadd.s32 $0xFFFFE000  }
0x28: {  	[tilespmem:s26], [sflag:$0x4] =	stream.indirect.gather [hbm4b:s5+s17], $0x40, s24, s17, $0xb8;
	[tilespmem:$0x1E000] =	vst v63  }
0x29: {  	_ =	swait.ge [sflag:s28], $0x2000  }
0x2a: {  	[sflag:s28] =	ssyncset.done $0x0  }
0x2b: {  	s14 =	simm.s32 $0x9E80;
	[sflag:s28] =	ssyncadd.s32 $0xFFFFE000  }
0x2c: {  	[spmem:s2] =	stream.indirect.scatter.add.f32 [tilespmem:s22], [sflag:$0x8], $0x40, s14, s17, $0xb8;
	[tilespmem:$0x1E000] =	vst v63  }
0x2d: {  	_ =	swait.ge [sflag:s1], $0x2000  }
0x2e: {  	[sflag:s1] =	ssyncset.done $0x0  }
0x2f: {  	s24 =	simm.s32 $0x4F80;
	s3 =	rddreg [dreg:$0x5];
	[sflag:s1] =	ssyncadd.s32 $0xFFFFE000  }
0x30: {  	[tilespmem:s31], [sflag:$0x5] =	stream.indirect.gather [hbm4b:s5+s17], $0x40, s24, s17, $0xb8;
	[tilespmem:$0x1E000] =	vst v63  }
.LBB2_8:
0x31: {  	_ =	swait.ge [sflag:s0], $0x2000  }
0x32: {  	[sflag:s0] =	ssyncset.done $0x0  }
0x33: {  	s14 =	simm.s32 $0x9F00;
	[sflag:s0] =	ssyncadd.s32 $0xFFFFE000  }
0x34: {  	[spmem:s2] =	stream.indirect.scatter.add.f32 [tilespmem:s26], [sflag:$0x9], $0x40, s14, s17, $0xb8;
	[tilespmem:$0x1E000] =	vst v63  }
0x35: {  	_ =	swait.ge [sflag:s7], $0x2000  }
0x36: {  	[sflag:s7] =	ssyncset.done $0x0  }
0x37: {  	s24 =	simm.s32 $0x9F80;
	[sflag:s7] =	ssyncadd.s32 $0xFFFFE000  }
0x38: {  	[spmem:s2] =	stream.indirect.scatter.add.f32 [tilespmem:s31], [sflag:$0xA], $0x40, s24, s17, $0xb8;
	[tilespmem:$0x1E000] =	vst v63  }
0x39: {  	_ =	swait.ge [sflag:s21], $0x2000  }
0x3a: {  	[sflag:s21] =	ssyncset.done $0x0  }
0x3b: {  	[sflag:s21] =	ssyncadd.s32 $0xFFFFE000  }
0x3c: {  	_ =	swait.ge [sflag:s8], $0x2000  }
0x3d: {  	[sflag:s8] =	ssyncset.done $0x0  }
0x3e: {  	[sflag:s8] =	ssyncadd.s32 $0xFFFFE000  }
0x3f: {  	_ =	swait.ge [sflag:s29], $0x2000  }
0x40: {  	[sflag:s29] =	ssyncset.done $0x0  }
0x41: {  	[sflag:s29] =	ssyncadd.s32 $0xFFFFE000  }
0x42: {  	_ =	swait.ge [sflag:s30], $0x2000  }
0x43: {  	[sflag:s30] =	ssyncset.done $0x0  }
0x44: {  	[sflag:s30] =	ssyncadd.s32 $0xFFFFE000  }
0x45: {  	_ =	swait.ge [sflag:s1], $0x2000  }
0x46: {  	s25 =	sadd.s32 $0x1, s25;
	[sflag:s1] =	ssyncset.done $0x0  }
0x47: {  	p1 =	sne.s32 s25, s12;
	[sflag:s1] =	ssyncadd.s32 $0xFFFFE000  }
.Ltmp1:
0x48: {  	s3 =	sadd.s32 s3, s6;
	[bflag:$0x0] =	sbarrier.arrive $0xFFFF;
	(pc) =	sbr.rel @!p1 .LBB2_9-.Ltmp1, $4  }
0x49: {  	[hbm:s3], [sflag:s15] =	dma.local [spmem:s16], $0x1400  }
0x4a: {  	_ =	swait.ge [sflag:s13], $0x1400  }
0x4b: {  	[sflag:s13] =	ssyncset.done $0x0  }
0x4c: {  	s24 =	simm.s32 $0x5000;
	[sflag:s13] =	ssyncadd.s32 $0xFFFFEC00  }
.LBB2_1:
0x4d: {  	s3 =	simm.s32 $0x0  }
0x4e: {  	[tilespmem:s3], [sflag:$0xB] =	stream.linear.gather [hbm4b:s9+s3], $0x5000, $0x38;
	[tilespmem:$0x1E000] =	vst v63  }
0x4f: {  	_ =	swait.ge [sflag:s13], $0x5000  }
0x50: {  	[sflag:s13] =	ssyncset.done $0x0  }
0x51: {  	[sflag:s13] =	ssyncadd.s32 $0xFFFFB000  }
0x52: {  	[tilespmem:s24], [sflag:$0xB] =	stream.linear.gather [hbm4b:s10+s3], $0x5000, $0x38;
	[tilespmem:$0x1E000] =	vst v63  }
0x53: {  	_ =	swait.ge [sflag:s13], $0x5000  }
0x54: {  	[sflag:s13] =	ssyncset.done $0x0  }
0x55: {  	[sflag:s13] =	ssyncadd.s32 $0xFFFFB000  }
0x56: {  	[spmem:s16], [sflag:s15] =	dma.local [hbm:s11], $0x1400  }
.Ltmp2:
0x57: {  	_ =	swait.ge [sflag:s13], $0x1400;
	(pc) =	sbr.rel @!p0 .LBB2_2-.Ltmp2, $4  }
0x58: {  	[sflag:s13] =	ssyncset.done $0x0  }
0x59: {  	[sflag:s13] =	ssyncadd.s32 $0xFFFFEC00  }
0x5a: {  	[bflag:$0x0] =	sbarrier.arrive $0xFFFF  }
0x5b: {  	s3 =	simm.s32 $0x0  }
0x5c: {  	[tilespmem:s18], [sflag:$0x1] =	stream.indirect.gather [hbm4b:s5+s17], $0x40, s3, s17, $0xb8;
	[tilespmem:$0x1E000] =	vst v63  }
0x5d: {  	_ = 	snop  }
0x5e: {  	[tilespmem:s19], [sflag:$0x2] =	stream.indirect.gather [hbm4b:s5+s17], $0x40, s17, s17, $0xb8;
	[tilespmem:$0x1E000] =	vst v63  }
0x5f: {  	_ =	swait.ge [sflag:s20], $0x2000  }
0x60: {  	[sflag:s20] =	ssyncset.done $0x0  }
0x61: {  	[sflag:s20] =	ssyncadd.s32 $0xFFFFE000  }
0x62: {  	[spmem:s2] =	stream.indirect.scatter.add.f32 [tilespmem:s18], [sflag:$0x6], $0x40, s24, s17, $0xb8;
	[tilespmem:$0x1E000] =	vst v63  }
0x63: {  	s24 =	simm.s32 $0x100  }
0x64: {  	[tilespmem:s22], [sflag:$0x3] =	stream.indirect.gather [hbm4b:s5+s17], $0x40, s24, s17, $0xb8;
	[tilespmem:$0x1E000] =	vst v63  }
0x65: {  	_ =	swait.ge [sflag:s23], $0x2000  }
0x66: {  	[sflag:s23] =	ssyncset.done $0x0  }
0x67: {  	s14 =	simm.s32 $0x5080;
	[sflag:s23] =	ssyncadd.s32 $0xFFFFE000  }
0x68: {  	[spmem:s2] =	stream.indirect.scatter.add.f32 [tilespmem:s19], [sflag:$0x7], $0x40, s14, s17, $0xb8;
	[tilespmem:$0x1E000] =	vst v63  }
0x69: {  	s24 =	simm.s32 $0x180  }
0x6a: {  	[tilespmem:s26], [sflag:$0x4] =	stream.indirect.gather [hbm4b:s5+s17], $0x40, s24, s17, $0xb8;
	[tilespmem:$0x1E000] =	vst v63  }
0x6b: {  	_ =	swait.ge [sflag:s28], $0x2000  }
0x6c: {  	[sflag:s28] =	ssyncset.done $0x0  }
0x6d: {  	s14 =	simm.s32 $0x5100;
	[sflag:s28] =	ssyncadd.s32 $0xFFFFE000  }
0x6e: {  	[spmem:s2] =	stream.indirect.scatter.add.f32 [tilespmem:s22], [sflag:$0x8], $0x40, s14, s17, $0xb8;
	[tilespmem:$0x1E000] =	vst v63  }
0x6f: {  	s24 =	simm.s32 $0x200  }
0x70: {  	[tilespmem:s31], [sflag:$0x5] =	stream.indirect.gather [hbm4b:s5+s17], $0x40, s24, s17, $0xb8;
	[tilespmem:$0x1E000] =	vst v63  }
0x71: {  	_ =	swait.ge [sflag:s0], $0x2000  }
0x72: {  	[sflag:s0] =	ssyncset.done $0x0  }
0x73: {  	s14 =	simm.s32 $0x5180;
	[sflag:s0] =	ssyncadd.s32 $0xFFFFE000  }
0x74: {  	[spmem:s2] =	stream.indirect.scatter.add.f32 [tilespmem:s26], [sflag:$0x9], $0x40, s14, s17, $0xb8;
	[tilespmem:$0x1E000] =	vst v63  }
0x75: {  	_ =	swait.ge [sflag:s21], $0x2000  }
0x76: {  	[sflag:s21] =	ssyncset.done $0x0  }
0x77: {  	s24 =	simm.s32 $0x280;
	[sflag:s21] =	ssyncadd.s32 $0xFFFFE000  }
0x78: {  	[tilespmem:s18], [sflag:$0x1] =	stream.indirect.gather [hbm4b:s5+s17], $0x40, s24, s17, $0xb8;
	[tilespmem:$0x1E000] =	vst v63  }
0x79: {  	_ =	swait.ge [sflag:s7], $0x2000  }
0x7a: {  	[sflag:s7] =	ssyncset.done $0x0  }
0x7b: {  	s14 =	simm.s32 $0x5200;
	[sflag:s7] =	ssyncadd.s32 $0xFFFFE000  }
0x7c: {  	[spmem:s2] =	stream.indirect.scatter.add.f32 [tilespmem:s31], [sflag:$0xA], $0x40, s14, s17, $0xb8;
	[tilespmem:$0x1E000] =	vst v63  }
0x7d: {  	_ =	swait.ge [sflag:s8], $0x2000  }
0x7e: {  	[sflag:s8] =	ssyncset.done $0x0  }
0x7f: {  	s24 =	simm.s32 $0x300;
	[sflag:s8] =	ssyncadd.s32 $0xFFFFE000  }
0x80: {  	[tilespmem:s19], [sflag:$0x2] =	stream.indirect.gather [hbm4b:s5+s17], $0x40, s24, s17, $0xb8;
	[tilespmem:$0x1E000] =	vst v63  }
0x81: {  	_ =	swait.ge [sflag:s20], $0x2000  }
0x82: {  	[sflag:s20] =	ssyncset.done $0x0  }
0x83: {  	s14 =	simm.s32 $0x5280;
	[sflag:s20] =	ssyncadd.s32 $0xFFFFE000  }
0x84: {  	[spmem:s2] =	stream.indirect.scatter.add.f32 [tilespmem:s18], [sflag:$0x6], $0x40, s14, s17, $0xb8;
	[tilespmem:$0x1E000] =	vst v63  }
0x85: {  	_ =	swait.ge [sflag:s29], $0x2000  }
0x86: {  	[sflag:s29] =	ssyncset.done $0x0  }
0x87: {  	s24 =	simm.s32 $0x380;
	[sflag:s29] =	ssyncadd.s32 $0xFFFFE000  }
0x88: {  	[tilespmem:s22], [sflag:$0x3] =	stream.indirect.gather [hbm4b:s5+s17], $0x40, s24, s17, $0xb8;
	[tilespmem:$0x1E000] =	vst v63  }
0x89: {  	_ =	swait.ge [sflag:s23], $0x2000  }
0x8a: {  	[sflag:s23] =	ssyncset.done $0x0  }
0x8b: {  	s14 =	simm.s32 $0x5300;
	[sflag:s23] =	ssyncadd.s32 $0xFFFFE000  }
0x8c: {  	[spmem:s2] =	stream.indirect.scatter.add.f32 [tilespmem:s19], [sflag:$0x7], $0x40, s14, s17, $0xb8;
	[tilespmem:$0x1E000] =	vst v63  }
0x8d: {  	_ =	swait.ge [sflag:s30], $0x2000  }
0x8e: {  	[sflag:s30] =	ssyncset.done $0x0  }
0x8f: {  	s24 =	simm.s32 $0x400;
	[sflag:s30] =	ssyncadd.s32 $0xFFFFE000  }
0x90: {  	[tilespmem:s26], [sflag:$0x4] =	stream.indirect.gather [hbm4b:s5+s17], $0x40, s24, s17, $0xb8;
	[tilespmem:$0x1E000] =	vst v63  }
0x91: {  	_ =	swait.ge [sflag:s28], $0x2000  }
0x92: {  	[sflag:s28] =	ssyncset.done $0x0  }
0x93: {  	s14 =	simm.s32 $0x5380;
	[sflag:s28] =	ssyncadd.s32 $0xFFFFE000  }
0x94: {  	[spmem:s2] =	stream.indirect.scatter.add.f32 [tilespmem:s22], [sflag:$0x8], $0x40, s14, s17, $0xb8;
	[tilespmem:$0x1E000] =	vst v63  }
0x95: {  	_ =	swait.ge [sflag:s1], $0x2000  }
0x96: {  	[sflag:s1] =	ssyncset.done $0x0  }
0x97: {  	s24 =	simm.s32 $0x480;
	[sflag:s1] =	ssyncadd.s32 $0xFFFFE000  }
0x98: {  	[tilespmem:s31], [sflag:$0x5] =	stream.indirect.gather [hbm4b:s5+s17], $0x40, s24, s17, $0xb8;
	[tilespmem:$0x1E000] =	vst v63  }
0x99: {  	_ =	swait.ge [sflag:s0], $0x2000  }
0x9a: {  	[sflag:s0] =	ssyncset.done $0x0  }
0x9b: {  	s14 =	simm.s32 $0x5400;
	[sflag:s0] =	ssyncadd.s32 $0xFFFFE000  }
0x9c: {  	[spmem:s2] =	stream.indirect.scatter.add.f32 [tilespmem:s26], [sflag:$0x9], $0x40, s14, s17, $0xb8;
	[tilespmem:$0x1E000] =	vst v63  }
0x9d: {  	_ =	swait.ge [sflag:s21], $0x2000  }
0x9e: {  	[sflag:s21] =	ssyncset.done $0x0  }
0x9f: {  	s24 =	simm.s32 $0x500;
	[sflag:s21] =	ssyncadd.s32 $0xFFFFE000  }
0xa0: {  	[tilespmem:s18], [sflag:$0x1] =	stream.indirect.gather [hbm4b:s5+s17], $0x40, s24, s17, $0xb8;
	[tilespmem:$0x1E000] =	vst v63  }
0xa1: {  	_ =	swait.ge [sflag:s7], $0x2000  }
0xa2: {  	[sflag:s7] =	ssyncset.done $0x0  }
0xa3: {  	s3 =	simm.s32 $0x5480;
	s24 =	simm.s32 $0xA00;
	[sflag:s7] =	ssyncadd.s32 $0xFFFFE000  }
.LBB2_6:
0xa4: {  	[spmem:s2] =	stream.indirect.scatter.add.f32 [tilespmem:s31], [sflag:$0xA], $0x40, s3, s17, $0xb8;
	[tilespmem:$0x1E000] =	vst v63  }
0xa5: {  	s3 =	smov.u32 s24  }
0xa6: {  	p1 =	sne.s32 s24, $0x12200;
	s24 =	sadd.s32 $0xA00, s24;
	_ =	swait.ge [sflag:s8], $0x2000  }
0xa7: {  	s3 =	sshra.s32 s3, $0x2;
	[sflag:s8] =	ssyncset.done $0x0  }
0xa8: {  	s14 =	sadd.s32 $0x300, s3;
	[sflag:s8] =	ssyncadd.s32 $0xFFFFE000  }
0xa9: {  	[tilespmem:s19], [sflag:$0x2] =	stream.indirect.gather [hbm4b:s5+s17], $0x40, s14, s17, $0xb8;
	[tilespmem:$0x1E000] =	vst v63  }
0xaa: {  	_ =	swait.ge [sflag:s20], $0x2000  }
0xab: {  	[sflag:s20] =	ssyncset.done $0x0  }
0xac: {  	s14 =	sadd.s32 $0x5280, s3;
	[sflag:s20] =	ssyncadd.s32 $0xFFFFE000  }
0xad: {  	[spmem:s2] =	stream.indirect.scatter.add.f32 [tilespmem:s18], [sflag:$0x6], $0x40, s14, s17, $0xb8;
	[tilespmem:$0x1E000] =	vst v63  }
0xae: {  	_ =	swait.ge [sflag:s29], $0x2000  }
0xaf: {  	[sflag:s29] =	ssyncset.done $0x0  }
0xb0: {  	s14 =	sadd.s32 $0x380, s3;
	[sflag:s29] =	ssyncadd.s32 $0xFFFFE000  }
0xb1: {  	[tilespmem:s22], [sflag:$0x3] =	stream.indirect.gather [hbm4b:s5+s17], $0x40, s14, s17, $0xb8;
	[tilespmem:$0x1E000] =	vst v63  }
0xb2: {  	_ =	swait.ge [sflag:s23], $0x2000  }
0xb3: {  	[sflag:s23] =	ssyncset.done $0x0  }
0xb4: {  	s14 =	sadd.s32 $0x5300, s3;
	[sflag:s23] =	ssyncadd.s32 $0xFFFFE000  }
0xb5: {  	[spmem:s2] =	stream.indirect.scatter.add.f32 [tilespmem:s19], [sflag:$0x7], $0x40, s14, s17, $0xb8;
	[tilespmem:$0x1E000] =	vst v63  }
0xb6: {  	_ =	swait.ge [sflag:s30], $0x2000  }
0xb7: {  	[sflag:s30] =	ssyncset.done $0x0  }
0xb8: {  	s14 =	sadd.s32 $0x400, s3;
	[sflag:s30] =	ssyncadd.s32 $0xFFFFE000  }
0xb9: {  	[tilespmem:s26], [sflag:$0x4] =	stream.indirect.gather [hbm4b:s5+s17], $0x40, s14, s17, $0xb8;
	[tilespmem:$0x1E000] =	vst v63  }
0xba: {  	_ =	swait.ge [sflag:s28], $0x2000  }
0xbb: {  	[sflag:s28] =	ssyncset.done $0x0  }
0xbc: {  	s14 =	sadd.s32 $0x5380, s3;
	[sflag:s28] =	ssyncadd.s32 $0xFFFFE000  }
0xbd: {  	[spmem:s2] =	stream.indirect.scatter.add.f32 [tilespmem:s22], [sflag:$0x8], $0x40, s14, s17, $0xb8;
	[tilespmem:$0x1E000] =	vst v63  }
0xbe: {  	_ =	swait.ge [sflag:s1], $0x2000  }
0xbf: {  	[sflag:s1] =	ssyncset.done $0x0  }
0xc0: {  	s14 =	sadd.s32 $0x480, s3;
	[sflag:s1] =	ssyncadd.s32 $0xFFFFE000  }
0xc1: {  	[tilespmem:s31], [sflag:$0x5] =	stream.indirect.gather [hbm4b:s5+s17], $0x40, s14, s17, $0xb8;
	[tilespmem:$0x1E000] =	vst v63  }
0xc2: {  	_ =	swait.ge [sflag:s0], $0x2000  }
0xc3: {  	[sflag:s0] =	ssyncset.done $0x0  }
0xc4: {  	s14 =	sadd.s32 $0x5400, s3;
	[sflag:s0] =	ssyncadd.s32 $0xFFFFE000  }
0xc5: {  	[spmem:s2] =	stream.indirect.scatter.add.f32 [tilespmem:s26], [sflag:$0x9], $0x40, s14, s17, $0xb8;
	[tilespmem:$0x1E000] =	vst v63  }
0xc6: {  	_ =	swait.ge [sflag:s21], $0x2000  }
0xc7: {  	[sflag:s21] =	ssyncset.done $0x0  }
.Ltmp3:
0xc8: {  	s14 =	sadd.s32 $0x500, s3;
	[sflag:s21] =	ssyncadd.s32 $0xFFFFE000;
	(pc) =	sbr.rel @p1 .LBB2_6-.Ltmp3, $4  }
0xc9: {  	[tilespmem:s18], [sflag:$0x1] =	stream.indirect.gather [hbm4b:s5+s17], $0x40, s14, s17, $0xb8;
	[tilespmem:$0x1E000] =	vst v63  }
0xca: {  	_ =	swait.ge [sflag:s7], $0x2000  }
0xcb: {  	[sflag:s7] =	ssyncset.done $0x0  }
0xcc: {  	s3 =	sadd.s32 $0x5480, s3;
	[sflag:s7] =	ssyncadd.s32 $0xFFFFE000  }
.Ltmp4:
0xcd: {  	_ = 	snop;
	(pc) =	sbr.rel .LBB2_7-.Ltmp4, $1  }
0xce: {  	_ =	sdelay $0x3  }
.LBB2_2:
0xcf: {  	[tilespmem:s18], [sflag:$0x1] =	stream.indirect.gather [hbm4b:s4+s17], $0x40, s3, s17, $0xb8;
	[tilespmem:$0x1E000] =	vst v63  }
0xd0: {  	_ = 	snop  }
0xd1: {  	[tilespmem:s19], [sflag:$0x2] =	stream.indirect.gather [hbm4b:s4+s17], $0x40, s17, s17, $0xb8;
	[tilespmem:$0x1E000] =	vst v63  }
0xd2: {  	_ =	swait.ge [sflag:s20], $0x2000  }
0xd3: {  	[sflag:s20] =	ssyncset.done $0x0  }
0xd4: {  	[sflag:s20] =	ssyncadd.s32 $0xFFFFE000  }
0xd5: {  	[spmem:s2] =	stream.indirect.scatter.add.f32 [tilespmem:s18], [sflag:$0x6], $0x40, s24, s17, $0xb8;
	[tilespmem:$0x1E000] =	vst v63  }
0xd6: {  	s24 =	simm.s32 $0x100  }
0xd7: {  	[tilespmem:s22], [sflag:$0x3] =	stream.indirect.gather [hbm4b:s4+s17], $0x40, s24, s17, $0xb8;
	[tilespmem:$0x1E000] =	vst v63  }
0xd8: {  	_ =	swait.ge [sflag:s23], $0x2000  }
0xd9: {  	[sflag:s23] =	ssyncset.done $0x0  }
0xda: {  	s14 =	simm.s32 $0x5080;
	[sflag:s23] =	ssyncadd.s32 $0xFFFFE000  }
0xdb: {  	[spmem:s2] =	stream.indirect.scatter.add.f32 [tilespmem:s19], [sflag:$0x7], $0x40, s14, s17, $0xb8;
	[tilespmem:$0x1E000] =	vst v63  }
0xdc: {  	s24 =	simm.s32 $0x180  }
0xdd: {  	[tilespmem:s26], [sflag:$0x4] =	stream.indirect.gather [hbm4b:s4+s17], $0x40, s24, s17, $0xb8;
	[tilespmem:$0x1E000] =	vst v63  }
0xde: {  	_ =	swait.ge [sflag:s28], $0x2000  }
0xdf: {  	[sflag:s28] =	ssyncset.done $0x0  }
0xe0: {  	s14 =	simm.s32 $0x5100;
	[sflag:s28] =	ssyncadd.s32 $0xFFFFE000  }
0xe1: {  	[spmem:s2] =	stream.indirect.scatter.add.f32 [tilespmem:s22], [sflag:$0x8], $0x40, s14, s17, $0xb8;
	[tilespmem:$0x1E000] =	vst v63  }
0xe2: {  	s24 =	simm.s32 $0x200  }
0xe3: {  	[tilespmem:s31], [sflag:$0x5] =	stream.indirect.gather [hbm4b:s4+s17], $0x40, s24, s17, $0xb8;
	[tilespmem:$0x1E000] =	vst v63  }
0xe4: {  	_ =	swait.ge [sflag:s0], $0x2000  }
0xe5: {  	[sflag:s0] =	ssyncset.done $0x0  }
0xe6: {  	s14 =	simm.s32 $0x5180;
	[sflag:s0] =	ssyncadd.s32 $0xFFFFE000  }
0xe7: {  	[spmem:s2] =	stream.indirect.scatter.add.f32 [tilespmem:s26], [sflag:$0x9], $0x40, s14, s17, $0xb8;
	[tilespmem:$0x1E000] =	vst v63  }
0xe8: {  	_ =	swait.ge [sflag:s21], $0x2000  }
0xe9: {  	[sflag:s21] =	ssyncset.done $0x0  }
0xea: {  	s24 =	simm.s32 $0x280;
	[sflag:s21] =	ssyncadd.s32 $0xFFFFE000  }
0xeb: {  	[tilespmem:s18], [sflag:$0x1] =	stream.indirect.gather [hbm4b:s4+s17], $0x40, s24, s17, $0xb8;
	[tilespmem:$0x1E000] =	vst v63  }
0xec: {  	_ =	swait.ge [sflag:s7], $0x2000  }
0xed: {  	[sflag:s7] =	ssyncset.done $0x0  }
0xee: {  	s14 =	simm.s32 $0x5200;
	[sflag:s7] =	ssyncadd.s32 $0xFFFFE000  }
0xef: {  	[spmem:s2] =	stream.indirect.scatter.add.f32 [tilespmem:s31], [sflag:$0xA], $0x40, s14, s17, $0xb8;
	[tilespmem:$0x1E000] =	vst v63  }
0xf0: {  	_ =	swait.ge [sflag:s8], $0x2000  }
0xf1: {  	[sflag:s8] =	ssyncset.done $0x0  }
0xf2: {  	s24 =	simm.s32 $0x300;
	[sflag:s8] =	ssyncadd.s32 $0xFFFFE000  }
0xf3: {  	[tilespmem:s19], [sflag:$0x2] =	stream.indirect.gather [hbm4b:s4+s17], $0x40, s24, s17, $0xb8;
	[tilespmem:$0x1E000] =	vst v63  }
0xf4: {  	_ =	swait.ge [sflag:s20], $0x2000  }
0xf5: {  	[sflag:s20] =	ssyncset.done $0x0  }
0xf6: {  	s14 =	simm.s32 $0x5280;
	[sflag:s20] =	ssyncadd.s32 $0xFFFFE000  }
0xf7: {  	[spmem:s2] =	stream.indirect.scatter.add.f32 [tilespmem:s18], [sflag:$0x6], $0x40, s14, s17, $0xb8;
	[tilespmem:$0x1E000] =	vst v63  }
0xf8: {  	_ =	swait.ge [sflag:s29], $0x2000  }
0xf9: {  	[sflag:s29] =	ssyncset.done $0x0  }
0xfa: {  	s24 =	simm.s32 $0x380;
	[sflag:s29] =	ssyncadd.s32 $0xFFFFE000  }
0xfb: {  	[tilespmem:s22], [sflag:$0x3] =	stream.indirect.gather [hbm4b:s4+s17], $0x40, s24, s17, $0xb8;
	[tilespmem:$0x1E000] =	vst v63  }
0xfc: {  	_ =	swait.ge [sflag:s23], $0x2000  }
0xfd: {  	[sflag:s23] =	ssyncset.done $0x0  }
0xfe: {  	s14 =	simm.s32 $0x5300;
	[sflag:s23] =	ssyncadd.s32 $0xFFFFE000  }
0xff: {  	[spmem:s2] =	stream.indirect.scatter.add.f32 [tilespmem:s19], [sflag:$0x7], $0x40, s14, s17, $0xb8;
	[tilespmem:$0x1E000] =	vst v63  }
0x100: {  	_ =	swait.ge [sflag:s30], $0x2000  }
0x101: {  	[sflag:s30] =	ssyncset.done $0x0  }
0x102: {  	s24 =	simm.s32 $0x400;
	[sflag:s30] =	ssyncadd.s32 $0xFFFFE000  }
0x103: {  	[tilespmem:s26], [sflag:$0x4] =	stream.indirect.gather [hbm4b:s4+s17], $0x40, s24, s17, $0xb8;
	[tilespmem:$0x1E000] =	vst v63  }
0x104: {  	_ =	swait.ge [sflag:s28], $0x2000  }
0x105: {  	[sflag:s28] =	ssyncset.done $0x0  }
0x106: {  	s14 =	simm.s32 $0x5380;
	[sflag:s28] =	ssyncadd.s32 $0xFFFFE000  }
0x107: {  	[spmem:s2] =	stream.indirect.scatter.add.f32 [tilespmem:s22], [sflag:$0x8], $0x40, s14, s17, $0xb8;
	[tilespmem:$0x1E000] =	vst v63  }
0x108: {  	_ =	swait.ge [sflag:s1], $0x2000  }
0x109: {  	[sflag:s1] =	ssyncset.done $0x0  }
0x10a: {  	s24 =	simm.s32 $0x480;
	[sflag:s1] =	ssyncadd.s32 $0xFFFFE000  }
0x10b: {  	[tilespmem:s31], [sflag:$0x5] =	stream.indirect.gather [hbm4b:s4+s17], $0x40, s24, s17, $0xb8;
	[tilespmem:$0x1E000] =	vst v63  }
0x10c: {  	_ =	swait.ge [sflag:s0], $0x2000  }
0x10d: {  	[sflag:s0] =	ssyncset.done $0x0  }
0x10e: {  	s14 =	simm.s32 $0x5400;
	[sflag:s0] =	ssyncadd.s32 $0xFFFFE000  }
0x10f: {  	[spmem:s2] =	stream.indirect.scatter.add.f32 [tilespmem:s26], [sflag:$0x9], $0x40, s14, s17, $0xb8;
	[tilespmem:$0x1E000] =	vst v63  }
0x110: {  	_ =	swait.ge [sflag:s21], $0x2000  }
0x111: {  	[sflag:s21] =	ssyncset.done $0x0  }
0x112: {  	s24 =	simm.s32 $0x500;
	[sflag:s21] =	ssyncadd.s32 $0xFFFFE000  }
0x113: {  	[tilespmem:s18], [sflag:$0x1] =	stream.indirect.gather [hbm4b:s4+s17], $0x40, s24, s17, $0xb8;
	[tilespmem:$0x1E000] =	vst v63  }
0x114: {  	_ =	swait.ge [sflag:s7], $0x2000  }
0x115: {  	[sflag:s7] =	ssyncset.done $0x0  }
0x116: {  	s3 =	simm.s32 $0x5480;
	s24 =	simm.s32 $0xA00;
	[sflag:s7] =	ssyncadd.s32 $0xFFFFE000  }
.LBB2_3:
0x117: {  	[spmem:s2] =	stream.indirect.scatter.add.f32 [tilespmem:s31], [sflag:$0xA], $0x40, s3, s17, $0xb8;
	[tilespmem:$0x1E000] =	vst v63  }
0x118: {  	s3 =	smov.u32 s24  }
0x119: {  	p1 =	sne.s32 s24, $0x12200;
	s24 =	sadd.s32 $0xA00, s24;
	_ =	swait.ge [sflag:s8], $0x2000  }
0x11a: {  	s3 =	sshra.s32 s3, $0x2;
	[sflag:s8] =	ssyncset.done $0x0  }
0x11b: {  	s14 =	sadd.s32 $0x300, s3;
	[sflag:s8] =	ssyncadd.s32 $0xFFFFE000  }
0x11c: {  	[tilespmem:s19], [sflag:$0x2] =	stream.indirect.gather [hbm4b:s4+s17], $0x40, s14, s17, $0xb8;
	[tilespmem:$0x1E000] =	vst v63  }
0x11d: {  	_ =	swait.ge [sflag:s20], $0x2000  }
0x11e: {  	[sflag:s20] =	ssyncset.done $0x0  }
0x11f: {  	s14 =	sadd.s32 $0x5280, s3;
	[sflag:s20] =	ssyncadd.s32 $0xFFFFE000  }
0x120: {  	[spmem:s2] =	stream.indirect.scatter.add.f32 [tilespmem:s18], [sflag:$0x6], $0x40, s14, s17, $0xb8;
	[tilespmem:$0x1E000] =	vst v63  }
0x121: {  	_ =	swait.ge [sflag:s29], $0x2000  }
0x122: {  	[sflag:s29] =	ssyncset.done $0x0  }
0x123: {  	s14 =	sadd.s32 $0x380, s3;
	[sflag:s29] =	ssyncadd.s32 $0xFFFFE000  }
0x124: {  	[tilespmem:s22], [sflag:$0x3] =	stream.indirect.gather [hbm4b:s4+s17], $0x40, s14, s17, $0xb8;
	[tilespmem:$0x1E000] =	vst v63  }
0x125: {  	_ =	swait.ge [sflag:s23], $0x2000  }
0x126: {  	[sflag:s23] =	ssyncset.done $0x0  }
0x127: {  	s14 =	sadd.s32 $0x5300, s3;
	[sflag:s23] =	ssyncadd.s32 $0xFFFFE000  }
0x128: {  	[spmem:s2] =	stream.indirect.scatter.add.f32 [tilespmem:s19], [sflag:$0x7], $0x40, s14, s17, $0xb8;
	[tilespmem:$0x1E000] =	vst v63  }
0x129: {  	_ =	swait.ge [sflag:s30], $0x2000  }
0x12a: {  	[sflag:s30] =	ssyncset.done $0x0  }
0x12b: {  	s14 =	sadd.s32 $0x400, s3;
	[sflag:s30] =	ssyncadd.s32 $0xFFFFE000  }
0x12c: {  	[tilespmem:s26], [sflag:$0x4] =	stream.indirect.gather [hbm4b:s4+s17], $0x40, s14, s17, $0xb8;
	[tilespmem:$0x1E000] =	vst v63  }
0x12d: {  	_ =	swait.ge [sflag:s28], $0x2000  }
0x12e: {  	[sflag:s28] =	ssyncset.done $0x0  }
0x12f: {  	s14 =	sadd.s32 $0x5380, s3;
	[sflag:s28] =	ssyncadd.s32 $0xFFFFE000  }
0x130: {  	[spmem:s2] =	stream.indirect.scatter.add.f32 [tilespmem:s22], [sflag:$0x8], $0x40, s14, s17, $0xb8;
	[tilespmem:$0x1E000] =	vst v63  }
0x131: {  	_ =	swait.ge [sflag:s1], $0x2000  }
0x132: {  	[sflag:s1] =	ssyncset.done $0x0  }
0x133: {  	s14 =	sadd.s32 $0x480, s3;
	[sflag:s1] =	ssyncadd.s32 $0xFFFFE000  }
0x134: {  	[tilespmem:s31], [sflag:$0x5] =	stream.indirect.gather [hbm4b:s4+s17], $0x40, s14, s17, $0xb8;
	[tilespmem:$0x1E000] =	vst v63  }
0x135: {  	_ =	swait.ge [sflag:s0], $0x2000  }
0x136: {  	[sflag:s0] =	ssyncset.done $0x0  }
0x137: {  	s14 =	sadd.s32 $0x5400, s3;
	[sflag:s0] =	ssyncadd.s32 $0xFFFFE000  }
0x138: {  	[spmem:s2] =	stream.indirect.scatter.add.f32 [tilespmem:s26], [sflag:$0x9], $0x40, s14, s17, $0xb8;
	[tilespmem:$0x1E000] =	vst v63  }
0x139: {  	_ =	swait.ge [sflag:s21], $0x2000  }
0x13a: {  	[sflag:s21] =	ssyncset.done $0x0  }
.Ltmp5:
0x13b: {  	s14 =	sadd.s32 $0x500, s3;
	[sflag:s21] =	ssyncadd.s32 $0xFFFFE000;
	(pc) =	sbr.rel @p1 .LBB2_3-.Ltmp5, $4  }
0x13c: {  	[tilespmem:s18], [sflag:$0x1] =	stream.indirect.gather [hbm4b:s4+s17], $0x40, s14, s17, $0xb8;
	[tilespmem:$0x1E000] =	vst v63  }
0x13d: {  	_ =	swait.ge [sflag:s7], $0x2000  }
0x13e: {  	[sflag:s7] =	ssyncset.done $0x0  }
0x13f: {  	s3 =	sadd.s32 $0x5480, s3;
	[sflag:s7] =	ssyncadd.s32 $0xFFFFE000  }
0x140: {  	[spmem:s2] =	stream.indirect.scatter.add.f32 [tilespmem:s31], [sflag:$0xA], $0x40, s3, s17, $0xb8;
	[tilespmem:$0x1E000] =	vst v63  }
0x141: {  	_ =	swait.ge [sflag:s8], $0x2000  }
0x142: {  	[sflag:s8] =	ssyncset.done $0x0  }
0x143: {  	s24 =	simm.s32 $0x4E00;
	[sflag:s8] =	ssyncadd.s32 $0xFFFFE000  }
0x144: {  	[tilespmem:s19], [sflag:$0x2] =	stream.indirect.gather [hbm4b:s4+s17], $0x40, s24, s17, $0xb8;
	[tilespmem:$0x1E000] =	vst v63  }
0x145: {  	_ =	swait.ge [sflag:s20], $0x2000  }
0x146: {  	[sflag:s20] =	ssyncset.done $0x0  }
0x147: {  	s14 =	simm.s32 $0x9D80;
	[sflag:s20] =	ssyncadd.s32 $0xFFFFE000  }
0x148: {  	[spmem:s2] =	stream.indirect.scatter.add.f32 [tilespmem:s18], [sflag:$0x6], $0x40, s14, s17, $0xb8;
	[tilespmem:$0x1E000] =	vst v63  }
0x149: {  	_ =	swait.ge [sflag:s29], $0x2000  }
0x14a: {  	[sflag:s29] =	ssyncset.done $0x0  }
0x14b: {  	s24 =	simm.s32 $0x4E80;
	[sflag:s29] =	ssyncadd.s32 $0xFFFFE000  }
0x14c: {  	[tilespmem:s22], [sflag:$0x3] =	stream.indirect.gather [hbm4b:s4+s17], $0x40, s24, s17, $0xb8;
	[tilespmem:$0x1E000] =	vst v63  }
0x14d: {  	_ =	swait.ge [sflag:s23], $0x2000  }
0x14e: {  	[sflag:s23] =	ssyncset.done $0x0  }
0x14f: {  	s14 =	simm.s32 $0x9E00;
	[sflag:s23] =	ssyncadd.s32 $0xFFFFE000  }
0x150: {  	[spmem:s2] =	stream.indirect.scatter.add.f32 [tilespmem:s19], [sflag:$0x7], $0x40, s14, s17, $0xb8;
	[tilespmem:$0x1E000] =	vst v63  }
0x151: {  	_ =	swait.ge [sflag:s30], $0x2000  }
0x152: {  	[sflag:s30] =	ssyncset.done $0x0  }
0x153: {  	s24 =	simm.s32 $0x4F00;
	[sflag:s30] =	ssyncadd.s32 $0xFFFFE000  }
0x154: {  	[tilespmem:s26], [sflag:$0x4] =	stream.indirect.gather [hbm4b:s4+s17], $0x40, s24, s17, $0xb8;
	[tilespmem:$0x1E000] =	vst v63  }
0x155: {  	_ =	swait.ge [sflag:s28], $0x2000  }
0x156: {  	[sflag:s28] =	ssyncset.done $0x0  }
0x157: {  	s14 =	simm.s32 $0x9E80;
	[sflag:s28] =	ssyncadd.s32 $0xFFFFE000  }
0x158: {  	[spmem:s2] =	stream.indirect.scatter.add.f32 [tilespmem:s22], [sflag:$0x8], $0x40, s14, s17, $0xb8;
	[tilespmem:$0x1E000] =	vst v63  }
.Ltmp6:
0x159: {  	_ = 	snop;
	(pc) =	sbr.rel .LBB2_8-.Ltmp6, $4  }
0x15a: {  	_ =	swait.ge [sflag:s1], $0x2000  }
0x15b: {  	[sflag:s1] =	ssyncset.done $0x0  }
0x15c: {  	s24 =	simm.s32 $0x4F80;
	s3 =	rddreg [dreg:$0x4];
	[sflag:s1] =	ssyncadd.s32 $0xFFFFE000  }
0x15d: {  	[tilespmem:s31], [sflag:$0x5] =	stream.indirect.gather [hbm4b:s4+s17], $0x40, s24, s17, $0xb8;
	[tilespmem:$0x1E000] =	vst v63  }
.LBB2_9:
0x15e: {  	_ =	sfence.sel $0x180000  }
0x15f: {  	[bflag:$0x0] =	sbarrier.arrive $0xFFFF  }
0x160: {  	_ =	strace $0x9000004A  }
0x161: {  	s0 =	stileid.u32;
	[bflag:$0x2] =	sbarrier.arrive $0xFFFF  }
0x162: {  	p0 =	sne.s32 s0, $0x0;
	s0 =	rddreg [dreg:$0x3]  }
0x163: {  	s0 =	sadd.s32 @!p0 $0x100000, s0  }
0x164: {  	[sflag:s0] =	ssyncadd.tile.s32 @!p0 $0x1;
	_ =	shalt  }
.Lfunc_end2:
_tile_overlayer_lowered:
.L_overlay_start_2:
0x165: {  	(tag) =	ssettag $0x2  }
0x166: {  	s0 =	rddreg [dreg:$0x0];
	s2 =	stileid.u32  }
0x167: {  	s1 =	rddreg [dreg:$0x1];
	p0 =	sne.s32 s2, $0x0  }
0x168: {  	s3 =	rddreg [dreg:$0x2];
	[bflag:$0x3] =	sbarrier.arrive $0xFFFF;
	s2 =	simm.s32 @!p0 $0x1C0B  }
0x169: {  	[timem:s3], [sflag:s2] =	dma.local @!p0 [hbm:s0], s1  }
0x16a: {  	s0 =	simm.s32 @!p0 $0xB  }
0x16b: {  	_ =	swait.ge @!p0 [sflag:s0], s1  }
0x16c: {  	s1 =	ssub.s32 @!p0 $0x0, s1;
	[sflag:s0] =	ssyncset.done @!p0 $0x0  }
0x16d: {  	[sflag:s0] =	ssyncadd.s32 @!p0 s1  }
0x16e: {  	[bflag:$0x3] =	sbarrier.arrive $0xFFFF  }
0x16f: {  	_ =	shalt  }

// kernel: kernel.13.cloned.1.call-start
scs
__scs_entry_jumppad:
0x0: {  	(pc) =	sbr.rel $0x88, $3  }
0x1: {  	(tag) =	ssettag $0x0;
	lr =	simm.s32 $0x1  }
0x2: {  	[smem:$0x3F95] =	sst lr;
	_ =	strace $0xD0000000  }
0x3: {  	_ = 	snop  }
0x4: {  	_ = 	snop  }
0x5: {  	_ = 	snop  }
0x6: {  	_ = 	snop  }
0x7: {  	_ = 	snop  }
__scs_overlays_trampoline_lowered:
0x8: {  	[smem:$0x3FA4] =	sst s0  }
0x9: {  	[smem:$0x3FA5] =	sst s1  }
0xa: {  	[smem:$0x3FA6] =	sst s2  }
0xb: {  	[smem:$0x3FA7] =	sst s3  }
0xc: {  	[smem:$0x3FA8] =	sst s4  }
0xd: {  	[smem:$0x3FA9] =	sst s5  }
0xe: {  	[smem:$0x3FAA] =	sst s6  }
0xf: {  	[smem:$0x3FAB] =	sst s7  }
0x10: {  	[smem:$0x3FAC] =	sst s8  }
0x11: {  	[smem:$0x3FAD] =	sst s9;
	s0 =	simm.s32 @!p0 $0x0  }
0x12: {  	s1 =	sld [smem:$0x3F93];
	s0 =	simm.s32 @p0 $0x1  }
0x13: {  	[smem:$0x3FAE] =	sst s0;
	s0 =	simm.s32 @!p1 $0x0  }
0x14: {  	s2 =	sld [smem:$0x3F92];
	s0 =	simm.s32 @p1 $0x1  }
0x15: {  	[smem:$0x3FAF] =	sst s0;
	s0 =	simm.s32 @!p2 $0x0  }
0x16: {  	s3 =	sld [smem:$0x3FDB];
	s0 =	simm.s32 @p2 $0x1  }
0x17: {  	s4 =	simm.s32 $0x1BF5;
	[smem:$0x3FB1] =	sst s0  }
0x18: {  	s0 =	sld [smem:$0x3F94];
	_ =	swait.ge [sflag:s4], $0x0  }
0x19: {  	s7 =	sld [smem:$0x3F95]  }
0x1a: {  	s8 =	sadd.s32 $0xFFFFE003, lr  }
0x1b: {  	s9 =	sadd.s32 $0xFFFFFEF7, lr;
	s5 =	simm.s32 $0xFFFFFFFF;
	p2 =	slt.u32 s8, $0xFFFFF086  }
0x1c: {  	p1 =	slt.u32 s9, $0xF7A;
	s5 =	simm.s32 @!p2 $0x0  }
0x1d: {  	s5 =	simm.s32 @p1 $0x1;
	p0 =	seq.s32 s7, s2  }
0x1e: {  	s7 =	smul.u32 @!p0 $0xF7A, s2;
	p2 =	seq.s32 @!p0 s5, $0x0  }
0x1f: {  	s9 =	smul.u32 $0xF7A, s1;
	s8 =	simm.s32 @!p0 $0x1BF5;
	p2 =	por !p2, p0  }
0x20: {  	[sflag:s8] =	ssyncset.s32 @!p0 $0xFFFFF086;
	s6 =	sadd.s32 @!p0 s3, s7;
	s7 =	simm.s32 @!p0 $0x108  }
0x21: {  	s3 =	sadd.s32 s3, s9;
	s6 =	sadd.s32 @!p0 $0x88, s6;
	s7 =	simm.s32 @p2 $0x1082  }
0x22: {  	[simem:s7], [sflag:s8] =	dma.local @!p0 [hbm:s6], $0xF7A  }
0x23: {  	s9 =	sor.u32 $0xD0000000, s2;
	s6 =	simm.s32 $0x108;
	_ =	swait.ge @!p0 [sflag:s8], $0x0  }
0x24: {  	s3 =	sadd.s32 $0x88, s3;
	s6 =	simm.s32 @!p1 $0x1082;
	[sflag:s4] =	ssyncset.s32 $0xFFFFF086  }
0x25: {  	[simem:s6], [sflag:s4] =	dma.local [hbm:s3], $0xF7A  }
0x26: {  	[smem:$0x3F95] =	sst s1;
	(tag) =	ssettag s2;
	_ =	strace s9  }
0x27: {  	s1 =	sld [smem:$0x3FA5]  }
0x28: {  	s2 =	sld [smem:$0x3FA6]  }
0x29: {  	s4 =	sld [smem:$0x3FA8]  }
0x2a: {  	p0 =	seq.s32 s5, $0x0;
	s5 =	sld [smem:$0x3FA9]  }
0x2b: {  	s6 =	sld [smem:$0x3FAA]  }
0x2c: {  	s7 =	sld [smem:$0x3FAB]  }
0x2d: {  	s3 =	simm.s32 $0x108;
	s8 =	sld [smem:$0x3FAC]  }
0x2e: {  	s3 =	simm.s32 @!p0 $0x1082;
	s9 =	sld [smem:$0x3FAD]  }
0x2f: {  	lr =	sadd.s32 s0, s3;
	s0 =	sld [smem:$0x3FA4]  }
0x30: {  	s3 =	sld [smem:$0x3FA7]  }
0x31: {  	[smem:$0x3FB0] =	sst s10  }
0x32: {  	s10 =	sld [smem:$0x3FAE];
	_ =	sdelay $0x3  }
0x33: {  	p0 =	seq.s32 s10, $0x1;
	s10 =	sld [smem:$0x3FB0];
	_ =	sdelay $0x3  }
0x34: {  	[smem:$0x3FB0] =	sst s10  }
0x35: {  	s10 =	sld [smem:$0x3FAF];
	_ =	sdelay $0x3  }
0x36: {  	p1 =	seq.s32 s10, $0x1;
	s10 =	sld [smem:$0x3FB0];
	_ =	sdelay $0x3  }
0x37: {  	[smem:$0x3FB0] =	sst s10  }
0x38: {  	s10 =	sld [smem:$0x3FB1]  }
0x39: {  	_ = 	snop;
	(pc) =	sbr.ind lr, $3  }
0x3a: {  	_ = 	snop  }
0x3b: {  	_ = 	snop  }
0x3c: {  	p2 =	seq.s32 s10, $0x1;
	s10 =	sld [smem:$0x3FB0]  }
0x3d: {  	_ =	shalt  }
0x3e: {  	_ =	shalt  }
0x3f: {  	_ =	shalt  }
0x40: {  	_ =	shalt  }
0x41: {  	_ =	shalt  }
0x42: {  	_ =	shalt  }
0x43: {  	_ =	shalt  }
0x44: {  	_ =	shalt  }
0x45: {  	_ =	shalt  }
0x46: {  	_ =	shalt  }
0x47: {  	_ =	shalt  }
0x48: {  	_ =	shalt  }
0x49: {  	_ =	shalt  }
0x4a: {  	_ =	shalt  }
0x4b: {  	_ =	shalt  }
0x4c: {  	_ =	shalt  }
0x4d: {  	_ =	shalt  }
0x4e: {  	_ =	shalt  }
0x4f: {  	_ =	shalt  }
0x50: {  	_ =	shalt  }
0x51: {  	_ =	shalt  }
0x52: {  	_ =	shalt  }
0x53: {  	_ =	shalt  }
0x54: {  	_ =	shalt  }
0x55: {  	_ =	shalt  }
0x56: {  	_ =	shalt  }
0x57: {  	_ =	shalt  }
0x58: {  	_ =	shalt  }
0x59: {  	_ =	shalt  }
0x5a: {  	_ =	shalt  }
0x5b: {  	_ =	shalt  }
0x5c: {  	_ =	shalt  }
0x5d: {  	_ =	shalt  }
0x5e: {  	_ =	shalt  }
0x5f: {  	_ =	shalt  }
0x60: {  	_ =	shalt  }
0x61: {  	_ =	shalt  }
0x62: {  	_ =	shalt  }
0x63: {  	_ =	shalt  }
0x64: {  	_ =	shalt  }
0x65: {  	_ =	shalt  }
0x66: {  	_ =	shalt  }
0x67: {  	_ =	shalt  }
0x68: {  	_ =	shalt  }
0x69: {  	_ =	shalt  }
0x6a: {  	_ =	shalt  }
0x6b: {  	_ =	shalt  }
0x6c: {  	_ =	shalt  }
0x6d: {  	_ =	shalt  }
0x6e: {  	_ =	shalt  }
0x6f: {  	_ =	shalt  }
0x70: {  	_ =	shalt  }
0x71: {  	_ =	shalt  }
0x72: {  	_ =	shalt  }
0x73: {  	_ =	shalt  }
0x74: {  	_ =	shalt  }
0x75: {  	_ =	shalt  }
0x76: {  	_ =	shalt  }
0x77: {  	_ =	shalt  }
0x78: {  	_ =	shalt  }
0x79: {  	_ =	shalt  }
0x7a: {  	_ =	shalt  }
0x7b: {  	_ =	shalt  }
0x7c: {  	_ =	shalt  }
0x7d: {  	_ =	shalt  }
0x7e: {  	_ =	shalt  }
0x7f: {  	_ =	shalt  }
0x80: {  	_ =	shalt  }
0x81: {  	_ =	shalt  }
0x82: {  	_ =	shalt  }
0x83: {  	_ =	shalt  }
0x84: {  	_ =	shalt  }
0x85: {  	_ =	shalt  }
0x86: {  	_ =	shalt  }
0x87: {  	_ =	shalt  }
.Lfunc_end0:
.L_simem_size_0:
called_computation.2_lowered:
.L_overlay_start_0:
0x88: {  	s2 =	sld [smem:$0x3FD9]  }
0x89: {  	s3 =	sld [smem:$0x3FFE];
	_ =	sdelay $0x1  }
0x8a: {  	s1 =	srdreg.scid  }
0x8b: {  	s0 =	sand.u32 $0x1, s1  }
0x8c: {  	s14 =	sshll.u32 s0, $0xA;
	s2 =	sadd.s32 s3, s2  }
0x8d: {  	s2 =	sadd.s32 s2, s14  }
0x8e: {  	[smem:$0x3FBC] =	sst s2  }
0x8f: {  	_ = 	snop  }
0x90: {  	s2 =	sld [smem:$0x3FD0];
	_ =	sdelay $0x2  }
0x91: {  	s15 =	simm.s32 $0xA;
	s4 =	simm.s32 $0x10  }
0x92: {  	[smem:s4], [sflag:s15] =	dma.local [hbm:s2], $0x1  }
0x93: {  	_ =	swait.eq [sflag:s15], $0x1  }
0x94: {  	[sflag:s15] =	ssyncset.done $0x0  }
0x95: {  	[sflag:s15] =	ssyncadd.s32 $0xFFFFFFFF  }
0x96: {  	s16 =	sld [smem:$0x11];
	(tm) =	ssettm $0x1  }
0x97: {  	s17 =	sld [smem:$0x3FFB];
	_ =	sdelay $0x3  }
0x98: {  	_ =	strace s17  }
0x99: {  	s3 =	sld [smem:$0x3FFC];
	_ =	sdelay $0x3  }
0x9a: {  	_ =	strace s3  }
0x9b: {  	s3 =	sld [smem:$0x3FFD];
	_ =	sdelay $0x3  }
0x9c: {  	_ =	strace s3  }
0x9d: {  	_ =	strace $0x8FFFFFFF  }
0x9e: {  	s18 =	sld [smem:$0x3FDB];
	_ =	sdelay $0x1  }
0x9f: {  	s19 =	simm.s32 $_scs_section_size  }
0xa0: {  	s5 =	simm.s32 $_size__tile_overlayer_lowered;
	s6 =	simm.s32 $_tile_overlayer_lowered  }
0xa1: {  	s22 =	simm.s32 $0x1BFF;
	s21 =	sshll.u32 s6, $0x1;
	s3 =	sadd.s32 s19, s18  }
0xa2: {  	s7 =	simm.s32 $0x0;
	s20 =	sshll.u32 s5, $0x1;
	s5 =	sadd.s32 s21, s3  }
0xa3: {  	[timem:s7], [sflag:s22] =	dma.local [hbm:s5], s20  }
0xa4: {  	_ =	swait.ge [sflag:s22], s20  }
0xa5: {  	s4 =	ssub.s32 $0x0, s20;
	[sflag:s22] =	ssyncset.done $0x0  }
0xa6: {  	[sflag:s22] =	ssyncadd.s32 s4;
	_ =	sdelay $0x1  }
0xa7: {  	s23 =	simm.s32 $0x1B8B  }
0xa8: {  	_ =	swait.ge [sflag:s23], $0x1  }
0xa9: {  	[sflag:s23] =	ssyncset.done $0x0  }
0xaa: {  	s25 =	simm.s32 $0x1B8E;
	s24 =	sld [smem:$0x3FFE];
	[sflag:s23] =	ssyncadd.s32 $0xFFFFFFFF  }
0xab: {  	s26 =	simm.s32 $execute0_lowered;
	[smem:$0x3FD2] =	sst s25  }
0xac: {  	s5 =	sshll.u32 s26, $0x1;
	_ =	strace $0x8000004C;
	[dreg:$0x1] =	wrdreg $0xFFFFFFFF  }
0xad: {  	s28 =	simm.s32 $_size_execute0_lowered;
	s3 =	sadd.s32 s3, s5;
	[dreg:$0x0] =	wrdreg $0x0  }
0xae: {  	s5 =	sshll.u32 s28, $0x1;
	[dreg:$0x2] =	wrdreg s3  }
0xaf: {  	[dreg:$0x3] =	wrdreg s5  }
0xb0: {  	[dreg:$0x4] =	wrdreg $0xC0  }
0xb1: {  	_ =	task [dreg:s7], $0x5FFFF  }
0xb2: {  	[dreg:$0x1] =	wrdreg $0xFFFFFFFF  }
0xb3: {  	[dreg:$0x0] =	wrdreg $0x60  }
0xb4: {  	[dreg:$0x2] =	wrdreg s24  }
0xb5: {  	[dreg:$0x3] =	wrdreg s16  }
0xb6: {  	[dreg:$0x4] =	wrdreg $0x9  }
0xb7: {  	_ =	task.clear_ibuf [dreg:s7], $0x5FFFF;
	_ =	strace $0x9000004C  }
0xb8: {  	s29 =	simm.s32 $0x9;
	_ =	strace $0x8000004E  }
0xb9: {  	_ =	swait.ge [sflag:s29], $0x1  }
0xba: {  	[sflag:s29] =	ssyncadd.s32 $0xFFFFFFFF  }
0xbb: {  	_ =	strace $0x9000004E  }
0xbc: {  	_ =	sfence  }
0xbd: {  	s30 =	sld [smem:$0x0];
	_ =	sdelay $0x2  }
0xbe: {  	s31 =	sshll.u32 s1, $0xD;
	s1 =	sshrl.u32 s1, $0x2  }
0xbf: {  	s3 =	sand.u32 $0x4000, s31;
	s1 =	sadd.s32 s1, s30  }
0xc0: {  	s0 =	sor.u32 s3, s0;
	s1 =	sshll.u32 s1, $0x11  }
0xc1: {  	s0 =	sor.u32 s1, s0  }
0xc2: {  	s0 =	sadd.s32 $0x8F2B, s0  }
0xc3: {  	[sflag:s0] =	ssyncadd.remote.s32 $0x1  }
0xc4: {  	_ =	sfence.sel $0xFFFF  }
0xc5: {  	[dreg:$0x0] =	wrdreg $0xFFFFFFFF;
	(pc) =	sbr.abs _section_cstart, $3  }
0xc6: {  	[dreg:$0x1] =	wrdreg $0xFFFFFFFF  }
0xc7: {  	_ =	task.clear_ibuf [dreg:s7], $0x2FFFF;
	_ =	strace $0x9FFFFFFF  }
0xc8: {  	(tm) =	ssettm $0x7FFFFFFF  }
0xc9: {  	_ =	shalt  }
tec
execute0_lowered:
.L_overlay_start_1:
0x0: {  	(tag) =	ssettag $0x1  }
0x1: {  	s1 =	srdreg.scid;
	s0 =	stileid.u32  }
0x2: {  	s13 =	rddreg [dreg:$0x0];
	s10 =	sand.u32 $0x1, s1;
	s30 =	sshll.u32 s0, $0x1  }
0x3: {  	s3 =	rddreg [dreg:$0x1];
	s11 =	sor.u32 s10, s30  }
0x4: {  	s2 =	simm.s32 $0x0;
	s1 =	rddreg [dreg:$0x2];
	s4 =	smul.u32 $0x28, s11  }
0x5: {  	[smem:$0x7FF] =	sst s2  }
0x6: {  	_ =	strace $0x8000004D;
	s4 =	sadd.s32 s3, s4;
	s3 =	simm.s32 $0x2  }
0x7: {  	[tilespmem:s2], [sflag:$0x2] =	stream.linear.gather [hbm4b:s4+s2], $0x140, $0x38;
	[tilespmem:$0xA140] =	vst v63  }
0x8: {  	_ =	swait.ge [sflag:s3], $0x140  }
0x9: {  	s6 =	simm.s32 $0x80;
	s7 =	simm.s32 $0x140;
	[sflag:s3] =	ssyncset.done $0x0  }
0xa: {  	s8 =	simm.s32 $0x1;
	s5 =	sadd.s32 $0x3200, s13;
	[sflag:s3] =	ssyncadd.s32 $0xFFFFFEC0  }
0xb: {  	[tilespmem:s7], [sflag:$0x1] =	stream.indirect.gather [hbm4b:s5+s6], $0x80, s2, s6, $0xb8;
	[tilespmem:$0xA140] =	vst v63  }
0xc: {  	_ =	swait.ge [sflag:s8], $0x4000  }
0xd: {  	s9 =	simm.s32 $0x4140;
	s12 =	simm.s32 $0x8140;
	[sflag:s8] =	ssyncset.done $0x0  }
0xe: {  	s15 =	ssub.s32 $0x2, s10;
	s10 =	simm.s32 $0x40;
	[sflag:s8] =	ssyncadd.s32 $0xFFFFC000  }
0xf: {  	[tilespmem:s9], [sflag:$0x1] =	stream.indirect.gather [hbm4b:s5+s6], $0x80, s6, s6, $0xb8;
	[tilespmem:$0xA140] =	vst v63  }
0x10: {  	s14 =	smul.u32 $0x1400, s11;
	s16 =	sshrl.u32 s15, $0x1;
	_ =	swait.ge [sflag:s8], $0x4000  }
0x11: {  	s11 =	simm.s32 $0x100;
	s31 =	ssub.s32 s15, s16;
	[sflag:s8] =	ssyncset.done $0x0  }
0x12: {  	s13 =	sadd.s32 s14, s13;
	s14 =	smax.u32 s31, $0x1;
	[sflag:s8] =	ssyncadd.s32 $0xFFFFC000  }
0x13: {  	[tilespmem:s12], [sflag:$0x1] =	stream.indirect.gather [hbm4b:s5+s10], $0x80, s11, s10, $0xb8;
	[tilespmem:$0xA140] =	vst v63  }
0x14: {  	p0 =	sne.s32 s14, $0x1;
	_ =	swait.ge [sflag:s8], $0x2000  }
.Ltmp0:
0x15: {  	[sflag:s8] =	ssyncset.done $0x0;
	(pc) =	sbr.rel @!p0 .LBB2_2-.Ltmp0, $4  }
0x16: {  	s13 =	sadd.s32 $0x2B200, s13;
	[sflag:s8] =	ssyncadd.s32 $0xFFFFE000  }
0x17: {  	[hbm4b:s13+s2] =	stream.linear.scatter [tilespmem:s7], [sflag:$0x2], $0xA000, $0x38;
	[tilespmem:$0xA140] =	vst v63  }
0x18: {  	_ =	swait.ge [sflag:s3], $0xA000  }
0x19: {  	s14 =	sadd.s32 $0xFFFFFFFF, s14;
	[sflag:s3] =	ssyncset.done $0x0  }
.LBB2_1:
0x1a: {  	p0 =	sne.s32 s14, $0x1;
	s14 =	sadd.s32 $0xFFFFFFFF, s14;
	[sflag:s3] =	ssyncadd.s32 $0xFFFF6000  }
0x1b: {  	[tilespmem:s2], [sflag:$0x2] =	stream.linear.gather [hbm4b:s4+s2], $0x140, $0x38;
	[tilespmem:$0xA140] =	vst v63  }
0x1c: {  	_ =	swait.ge [sflag:s3], $0x140  }
0x1d: {  	[sflag:s3] =	ssyncset.done $0x0  }
0x1e: {  	[sflag:s3] =	ssyncadd.s32 $0xFFFFFEC0  }
0x1f: {  	[tilespmem:s7], [sflag:$0x1] =	stream.indirect.gather [hbm4b:s5+s6], $0x80, s2, s6, $0xb8;
	[tilespmem:$0xA140] =	vst v63  }
0x20: {  	_ =	swait.ge [sflag:s8], $0x4000  }
0x21: {  	[sflag:s8] =	ssyncset.done $0x0  }
0x22: {  	[sflag:s8] =	ssyncadd.s32 $0xFFFFC000  }
0x23: {  	[tilespmem:s9], [sflag:$0x1] =	stream.indirect.gather [hbm4b:s5+s6], $0x80, s6, s6, $0xb8;
	[tilespmem:$0xA140] =	vst v63  }
0x24: {  	_ =	swait.ge [sflag:s8], $0x4000  }
0x25: {  	[sflag:s8] =	ssyncset.done $0x0  }
0x26: {  	[sflag:s8] =	ssyncadd.s32 $0xFFFFC000  }
0x27: {  	[tilespmem:s12], [sflag:$0x1] =	stream.indirect.gather [hbm4b:s5+s10], $0x80, s11, s10, $0xb8;
	[tilespmem:$0xA140] =	vst v63  }
0x28: {  	_ =	swait.ge [sflag:s8], $0x2000  }
.Ltmp1:
0x29: {  	[sflag:s8] =	ssyncset.done $0x0;
	(pc) =	sbr.rel @p0 .LBB2_1-.Ltmp1, $4  }
0x2a: {  	[sflag:s8] =	ssyncadd.s32 $0xFFFFE000  }
0x2b: {  	[hbm4b:s13+s2] =	stream.linear.scatter [tilespmem:s7], [sflag:$0x2], $0xA000, $0x38;
	[tilespmem:$0xA140] =	vst v63  }
0x2c: {  	_ =	swait.ge [sflag:s3], $0xA000  }
0x2d: {  	[sflag:s3] =	ssyncset.done $0x0  }
.LBB2_2:
0x2e: {  	[sflag:s3] =	ssyncadd.s32 $0xFFFF6000  }
0x2f: {  	_ =	sfence.sel $0x180000  }
0x30: {  	[bflag:$0x0] =	sbarrier.arrive $0xFFFF  }
0x31: {  	p0 =	sne.s32 s0, $0x0;
	_ =	strace $0x9000004D  }
0x32: {  	s0 =	sadd.s32 @!p0 $0x100000, s1;
	[bflag:$0x2] =	sbarrier.arrive $0xFFFF  }
0x33: {  	[sflag:s0] =	ssyncadd.tile.s32 @!p0 $0x1;
	_ =	shalt  }
.Lfunc_end2:
_tile_overlayer_lowered:
.L_overlay_start_2:
0x34: {  	(tag) =	ssettag $0x2  }
0x35: {  	s0 =	rddreg [dreg:$0x0];
	s2 =	stileid.u32  }
0x36: {  	s1 =	rddreg [dreg:$0x1];
	p0 =	sne.s32 s2, $0x0  }
0x37: {  	s3 =	rddreg [dreg:$0x2];
	[bflag:$0x3] =	sbarrier.arrive $0xFFFF;
	s2 =	simm.s32 @!p0 $0x1C02  }
0x38: {  	[timem:s3], [sflag:s2] =	dma.local @!p0 [hbm:s0], s1  }
0x39: {  	s0 =	simm.s32 @!p0 $0x2  }
0x3a: {  	_ =	swait.ge @!p0 [sflag:s0], s1  }
0x3b: {  	s1 =	ssub.s32 @!p0 $0x0, s1;
	[sflag:s0] =	ssyncset.done @!p0 $0x0  }
0x3c: {  	[sflag:s0] =	ssyncadd.s32 @!p0 s1  }
0x3d: {  	[bflag:$0x3] =	sbarrier.arrive $0xFFFF  }
0x3e: {  	_ =	shalt  }

// kernel: kernel.7.cloned.1.call-start
scs
__scs_entry_jumppad:
0x0: {  	(pc) =	sbr.rel $0x88, $3  }
0x1: {  	(tag) =	ssettag $0x0;
	lr =	simm.s32 $0x1  }
0x2: {  	[smem:$0x3F95] =	sst lr;
	_ =	strace $0xD0000000  }
0x3: {  	_ = 	snop  }
0x4: {  	_ = 	snop  }
0x5: {  	_ = 	snop  }
0x6: {  	_ = 	snop  }
0x7: {  	_ = 	snop  }
__scs_overlays_trampoline_lowered:
0x8: {  	[smem:$0x3FA4] =	sst s0  }
0x9: {  	[smem:$0x3FA5] =	sst s1  }
0xa: {  	[smem:$0x3FA6] =	sst s2  }
0xb: {  	[smem:$0x3FA7] =	sst s3  }
0xc: {  	[smem:$0x3FA8] =	sst s4  }
0xd: {  	[smem:$0x3FA9] =	sst s5  }
0xe: {  	[smem:$0x3FAA] =	sst s6  }
0xf: {  	[smem:$0x3FAB] =	sst s7  }
0x10: {  	[smem:$0x3FAC] =	sst s8  }
0x11: {  	[smem:$0x3FAD] =	sst s9;
	s0 =	simm.s32 @!p0 $0x0  }
0x12: {  	s1 =	sld [smem:$0x3F93];
	s0 =	simm.s32 @p0 $0x1  }
0x13: {  	[smem:$0x3FAE] =	sst s0;
	s0 =	simm.s32 @!p1 $0x0  }
0x14: {  	s2 =	sld [smem:$0x3F92];
	s0 =	simm.s32 @p1 $0x1  }
0x15: {  	[smem:$0x3FAF] =	sst s0;
	s0 =	simm.s32 @!p2 $0x0  }
0x16: {  	s3 =	sld [smem:$0x3FDB];
	s0 =	simm.s32 @p2 $0x1  }
0x17: {  	s4 =	simm.s32 $0x1BF5;
	[smem:$0x3FB1] =	sst s0  }
0x18: {  	s0 =	sld [smem:$0x3F94];
	_ =	swait.ge [sflag:s4], $0x0  }
0x19: {  	s7 =	sld [smem:$0x3F95]  }
0x1a: {  	s8 =	sadd.s32 $0xFFFFE003, lr  }
0x1b: {  	s9 =	sadd.s32 $0xFFFFFEF7, lr;
	s5 =	simm.s32 $0xFFFFFFFF;
	p2 =	slt.u32 s8, $0xFFFFF086  }
0x1c: {  	p1 =	slt.u32 s9, $0xF7A;
	s5 =	simm.s32 @!p2 $0x0  }
0x1d: {  	s5 =	simm.s32 @p1 $0x1;
	p0 =	seq.s32 s7, s2  }
0x1e: {  	s7 =	smul.u32 @!p0 $0xF7A, s2;
	p2 =	seq.s32 @!p0 s5, $0x0  }
0x1f: {  	s9 =	smul.u32 $0xF7A, s1;
	s8 =	simm.s32 @!p0 $0x1BF5;
	p2 =	por !p2, p0  }
0x20: {  	[sflag:s8] =	ssyncset.s32 @!p0 $0xFFFFF086;
	s6 =	sadd.s32 @!p0 s3, s7;
	s7 =	simm.s32 @!p0 $0x108  }
0x21: {  	s3 =	sadd.s32 s3, s9;
	s6 =	sadd.s32 @!p0 $0x88, s6;
	s7 =	simm.s32 @p2 $0x1082  }
0x22: {  	[simem:s7], [sflag:s8] =	dma.local @!p0 [hbm:s6], $0xF7A  }
0x23: {  	s9 =	sor.u32 $0xD0000000, s2;
	s6 =	simm.s32 $0x108;
	_ =	swait.ge @!p0 [sflag:s8], $0x0  }
0x24: {  	s3 =	sadd.s32 $0x88, s3;
	s6 =	simm.s32 @!p1 $0x1082;
	[sflag:s4] =	ssyncset.s32 $0xFFFFF086  }
0x25: {  	[simem:s6], [sflag:s4] =	dma.local [hbm:s3], $0xF7A  }
0x26: {  	[smem:$0x3F95] =	sst s1;
	(tag) =	ssettag s2;
	_ =	strace s9  }
0x27: {  	s1 =	sld [smem:$0x3FA5]  }
0x28: {  	s2 =	sld [smem:$0x3FA6]  }
0x29: {  	s4 =	sld [smem:$0x3FA8]  }
0x2a: {  	p0 =	seq.s32 s5, $0x0;
	s5 =	sld [smem:$0x3FA9]  }
0x2b: {  	s6 =	sld [smem:$0x3FAA]  }
0x2c: {  	s7 =	sld [smem:$0x3FAB]  }
0x2d: {  	s3 =	simm.s32 $0x108;
	s8 =	sld [smem:$0x3FAC]  }
0x2e: {  	s3 =	simm.s32 @!p0 $0x1082;
	s9 =	sld [smem:$0x3FAD]  }
0x2f: {  	lr =	sadd.s32 s0, s3;
	s0 =	sld [smem:$0x3FA4]  }
0x30: {  	s3 =	sld [smem:$0x3FA7]  }
0x31: {  	[smem:$0x3FB0] =	sst s10  }
0x32: {  	s10 =	sld [smem:$0x3FAE];
	_ =	sdelay $0x3  }
0x33: {  	p0 =	seq.s32 s10, $0x1;
	s10 =	sld [smem:$0x3FB0];
	_ =	sdelay $0x3  }
0x34: {  	[smem:$0x3FB0] =	sst s10  }
0x35: {  	s10 =	sld [smem:$0x3FAF];
	_ =	sdelay $0x3  }
0x36: {  	p1 =	seq.s32 s10, $0x1;
	s10 =	sld [smem:$0x3FB0];
	_ =	sdelay $0x3  }
0x37: {  	[smem:$0x3FB0] =	sst s10  }
0x38: {  	s10 =	sld [smem:$0x3FB1]  }
0x39: {  	_ = 	snop;
	(pc) =	sbr.ind lr, $3  }
0x3a: {  	_ = 	snop  }
0x3b: {  	_ = 	snop  }
0x3c: {  	p2 =	seq.s32 s10, $0x1;
	s10 =	sld [smem:$0x3FB0]  }
0x3d: {  	_ =	shalt  }
0x3e: {  	_ =	shalt  }
0x3f: {  	_ =	shalt  }
0x40: {  	_ =	shalt  }
0x41: {  	_ =	shalt  }
0x42: {  	_ =	shalt  }
0x43: {  	_ =	shalt  }
0x44: {  	_ =	shalt  }
0x45: {  	_ =	shalt  }
0x46: {  	_ =	shalt  }
0x47: {  	_ =	shalt  }
0x48: {  	_ =	shalt  }
0x49: {  	_ =	shalt  }
0x4a: {  	_ =	shalt  }
0x4b: {  	_ =	shalt  }
0x4c: {  	_ =	shalt  }
0x4d: {  	_ =	shalt  }
0x4e: {  	_ =	shalt  }
0x4f: {  	_ =	shalt  }
0x50: {  	_ =	shalt  }
0x51: {  	_ =	shalt  }
0x52: {  	_ =	shalt  }
0x53: {  	_ =	shalt  }
0x54: {  	_ =	shalt  }
0x55: {  	_ =	shalt  }
0x56: {  	_ =	shalt  }
0x57: {  	_ =	shalt  }
0x58: {  	_ =	shalt  }
0x59: {  	_ =	shalt  }
0x5a: {  	_ =	shalt  }
0x5b: {  	_ =	shalt  }
0x5c: {  	_ =	shalt  }
0x5d: {  	_ =	shalt  }
0x5e: {  	_ =	shalt  }
0x5f: {  	_ =	shalt  }
0x60: {  	_ =	shalt  }
0x61: {  	_ =	shalt  }
0x62: {  	_ =	shalt  }
0x63: {  	_ =	shalt  }
0x64: {  	_ =	shalt  }
0x65: {  	_ =	shalt  }
0x66: {  	_ =	shalt  }
0x67: {  	_ =	shalt  }
0x68: {  	_ =	shalt  }
0x69: {  	_ =	shalt  }
0x6a: {  	_ =	shalt  }
0x6b: {  	_ =	shalt  }
0x6c: {  	_ =	shalt  }
0x6d: {  	_ =	shalt  }
0x6e: {  	_ =	shalt  }
0x6f: {  	_ =	shalt  }
0x70: {  	_ =	shalt  }
0x71: {  	_ =	shalt  }
0x72: {  	_ =	shalt  }
0x73: {  	_ =	shalt  }
0x74: {  	_ =	shalt  }
0x75: {  	_ =	shalt  }
0x76: {  	_ =	shalt  }
0x77: {  	_ =	shalt  }
0x78: {  	_ =	shalt  }
0x79: {  	_ =	shalt  }
0x7a: {  	_ =	shalt  }
0x7b: {  	_ =	shalt  }
0x7c: {  	_ =	shalt  }
0x7d: {  	_ =	shalt  }
0x7e: {  	_ =	shalt  }
0x7f: {  	_ =	shalt  }
0x80: {  	_ =	shalt  }
0x81: {  	_ =	shalt  }
0x82: {  	_ =	shalt  }
0x83: {  	_ =	shalt  }
0x84: {  	_ =	shalt  }
0x85: {  	_ =	shalt  }
0x86: {  	_ =	shalt  }
0x87: {  	_ =	shalt  }
.Lfunc_end0:
.L_simem_size_0:
called_computation_lowered:
.L_overlay_start_0:
0x88: {  	s2 =	sld [smem:$0x3FD9]  }
0x89: {  	s3 =	sld [smem:$0x3FFE];
	_ =	sdelay $0x1  }
0x8a: {  	s1 =	srdreg.scid  }
0x8b: {  	s0 =	sand.u32 $0x1, s1  }
0x8c: {  	s16 =	sshll.u32 s0, $0xA;
	s2 =	sadd.s32 s3, s2  }
0x8d: {  	s2 =	sadd.s32 s2, s16  }
0x8e: {  	[smem:$0x3FBC] =	sst s2  }
0x8f: {  	_ = 	snop  }
0x90: {  	(tm) =	ssettm $0x1  }
0x91: {  	s17 =	sld [smem:$0x3FFB];
	_ =	sdelay $0x3  }
0x92: {  	_ =	strace s17  }
0x93: {  	s2 =	sld [smem:$0x3FFC];
	_ =	sdelay $0x3  }
0x94: {  	_ =	strace s2  }
0x95: {  	s2 =	sld [smem:$0x3FFD];
	_ =	sdelay $0x3  }
0x96: {  	_ =	strace s2  }
0x97: {  	_ =	strace $0x8FFFFFFF  }
0x98: {  	s18 =	sld [smem:$0x3FDB];
	_ =	sdelay $0x1  }
0x99: {  	s19 =	simm.s32 $_scs_section_size  }
0x9a: {  	s4 =	simm.s32 $_size__tile_overlayer_lowered;
	s5 =	simm.s32 $_tile_overlayer_lowered  }
0x9b: {  	s22 =	simm.s32 $0x1BFF;
	s21 =	sshll.u32 s5, $0x1;
	s2 =	sadd.s32 s19, s18  }
0x9c: {  	s6 =	simm.s32 $0x0;
	s20 =	sshll.u32 s4, $0x1;
	s4 =	sadd.s32 s21, s2  }
0x9d: {  	[timem:s6], [sflag:s22] =	dma.local [hbm:s4], s20  }
0x9e: {  	_ =	swait.ge [sflag:s22], s20  }
0x9f: {  	s3 =	ssub.s32 $0x0, s20;
	[sflag:s22] =	ssyncset.done $0x0  }
0xa0: {  	[sflag:s22] =	ssyncadd.s32 s3;
	_ =	sdelay $0x1  }
0xa1: {  	s23 =	simm.s32 $0x1B8B  }
0xa2: {  	_ =	swait.ge [sflag:s23], $0x1  }
0xa3: {  	[sflag:s23] =	ssyncset.done $0x0  }
0xa4: {  	s25 =	simm.s32 $0x1B8E;
	s24 =	sld [smem:$0x3FFE];
	[sflag:s23] =	ssyncadd.s32 $0xFFFFFFFF  }
0xa5: {  	s26 =	simm.s32 $execute0_lowered;
	[smem:$0x3FD2] =	sst s25  }
0xa6: {  	s4 =	sshll.u32 s26, $0x1;
	_ =	strace $0x80000046;
	[dreg:$0x1] =	wrdreg $0xFFFFFFFF  }
0xa7: {  	s28 =	simm.s32 $_size_execute0_lowered;
	s2 =	sadd.s32 s2, s4;
	[dreg:$0x0] =	wrdreg $0x0  }
0xa8: {  	s4 =	sshll.u32 s28, $0x1;
	[dreg:$0x2] =	wrdreg s2  }
0xa9: {  	[dreg:$0x3] =	wrdreg s4  }
0xaa: {  	[dreg:$0x4] =	wrdreg $0xC0  }
0xab: {  	_ =	task [dreg:s6], $0x5FFFF  }
0xac: {  	[dreg:$0x1] =	wrdreg $0xFFFFFFFF  }
0xad: {  	[dreg:$0x0] =	wrdreg $0x60  }
0xae: {  	[dreg:$0x2] =	wrdreg s24  }
0xaf: {  	[dreg:$0x3] =	wrdreg $0x140000  }
0xb0: {  	[dreg:$0x4] =	wrdreg $0x9  }
0xb1: {  	_ =	task.clear_ibuf [dreg:s6], $0x5FFFF;
	_ =	strace $0x90000046  }
0xb2: {  	s29 =	simm.s32 $0x9;
	_ =	strace $0x80000048  }
0xb3: {  	_ =	swait.ge [sflag:s29], $0x1  }
0xb4: {  	[sflag:s29] =	ssyncadd.s32 $0xFFFFFFFF  }
0xb5: {  	_ =	strace $0x90000048  }
0xb6: {  	_ =	sfence  }
0xb7: {  	s30 =	sld [smem:$0x0];
	_ =	sdelay $0x2  }
0xb8: {  	s31 =	sshll.u32 s1, $0xD;
	s1 =	sshrl.u32 s1, $0x2  }
0xb9: {  	s3 =	sand.u32 $0x4000, s31;
	s1 =	sadd.s32 s1, s30  }
0xba: {  	s0 =	sor.u32 s3, s0;
	s1 =	sshll.u32 s1, $0x11  }
0xbb: {  	s0 =	sor.u32 s1, s0  }
0xbc: {  	s0 =	sadd.s32 $0x8F2B, s0  }
0xbd: {  	[sflag:s0] =	ssyncadd.remote.s32 $0x1  }
0xbe: {  	_ =	sfence.sel $0xFFFF  }
0xbf: {  	[dreg:$0x0] =	wrdreg $0xFFFFFFFF;
	(pc) =	sbr.abs _section_cstart, $3  }
0xc0: {  	[dreg:$0x1] =	wrdreg $0xFFFFFFFF  }
0xc1: {  	_ =	task.clear_ibuf [dreg:s6], $0x2FFFF;
	_ =	strace $0x9FFFFFFF  }
0xc2: {  	(tm) =	ssettm $0x7FFFFFFF  }
0xc3: {  	_ =	shalt  }
tec
execute0_lowered:
.L_overlay_start_1:
0x0: {  	(tag) =	ssettag $0x1  }
0x1: {  	s0 =	rddreg [dreg:$0x0]  }
0x2: {  	s2 =	rddreg [dreg:$0x1];
	s1 =	simm.s32 $0x0  }
0x3: {  	s14 =	stileid.u32;
	s3 =	srdreg.scid;
	s13 =	simm.s32 $0xB  }
0x4: {  	s17 =	simm.s32 $0x80;
	s18 =	simm.s32 $0xA000;
	s19 =	simm.s32 $0xC000  }
0x5: {  	s20 =	simm.s32 $0x1;
	s22 =	simm.s32 $0xE000;
	s23 =	simm.s32 $0x2  }
0x6: {  	s28 =	simm.s32 $0x3;
	s31 =	simm.s32 $0x12000;
	s21 =	simm.s32 $0x6  }
0x7: {  	s29 =	simm.s32 $0x8;
	s30 =	simm.s32 $0x9;
	s24 =	smul.u32 $0xA000, s14  }
0x8: {  	[smem:$0x7FF] =	sst s1;
	s4 =	sadd.s32 $0x17200, s0;
	s7 =	smul.u32 $0xA00, s14  }
0x9: {  	s3 =	sand.u32 $0x1, s3;
	s5 =	sadd.s32 $0x3200, s0;
	s10 =	sadd.s32 $0x5D200, s0  }
0xa: {  	s26 =	sshll.u32 s14, $0x6;
	_ =	strace $0x80000047;
	s8 =	ssub.s32 $0x2, s3  }
0xb: {  	[dreg:$0x3] =	wrdreg s10;
	p0 =	seq.s32 s3, $0x1;
	s15 =	sor.u32 $0x1C0B, s26  }
0xc: {  	s26 =	simm.s32 $0x10000;
	s6 =	sshrl.u32 s24, $0x3;
	s7 =	sadd.s32 s7, s0  }
0xd: {  	s9 =	sshrl.u32 s8, $0x1;
	s1 =	sadd.s32 s24, s2;
	s24 =	simm.s32 $0x5000  }
.Ltmp0:
0xe: {  	s11 =	sadd.s32 s6, s0;
	s0 =	sadd.s32 $0x71200, s0;
	(pc) =	sbr.rel .LBB2_1-.Ltmp0, $4  }
0xf: {  	s25 =	ssub.s32 s8, s9;
	s9 =	sadd.s32 $0x35200, s7;
	s10 =	sadd.s32 $0x2B200, s7  }
0x10: {  	s16 =	sshrl.u32 s1, $0x3;
	s7 =	simm.s32 $0x5;
	s8 =	simm.s32 $0x7  }
0x11: {  	s1 =	simm.s32 $0xA;
	[dreg:$0x4] =	wrdreg s0;
	s11 =	sadd.s32 $0x49200, s11  }
0x12: {  	s12 =	smax.u32 s25, $0x1;
	s0 =	simm.s32 $0x4;
	s25 =	simm.s32 $0x0  }
.LBB2_7:
0x13: {  	[spmem:s2] =	stream.indirect.scatter.add.f32 [tilespmem:s31], [sflag:$0xA], $0x40, s3, s17, $0xb8;
	[tilespmem:$0x1E000] =	vst v63  }
0x14: {  	_ =	swait.ge [sflag:s8], $0x2000  }
0x15: {  	[sflag:s8] =	ssyncset.done $0x0  }
0x16: {  	s24 =	simm.s32 $0x4E00;
	[sflag:s8] =	ssyncadd.s32 $0xFFFFE000  }
0x17: {  	[tilespmem:s19], [sflag:$0x2] =	stream.indirect.gather [hbm4b:s5+s17], $0x40, s24, s17, $0xb8;
	[tilespmem:$0x1E000] =	vst v63  }
0x18: {  	_ =	swait.ge [sflag:s20], $0x2000  }
0x19: {  	[sflag:s20] =	ssyncset.done $0x0  }
0x1a: {  	s14 =	simm.s32 $0x9D80;
	[sflag:s20] =	ssyncadd.s32 $0xFFFFE000  }
0x1b: {  	[spmem:s2] =	stream.indirect.scatter.add.f32 [tilespmem:s18], [sflag:$0x6], $0x40, s14, s17, $0xb8;
	[tilespmem:$0x1E000] =	vst v63  }
0x1c: {  	_ =	swait.ge [sflag:s29], $0x2000  }
0x1d: {  	[sflag:s29] =	ssyncset.done $0x0  }
0x1e: {  	s24 =	simm.s32 $0x4E80;
	[sflag:s29] =	ssyncadd.s32 $0xFFFFE000  }
0x1f: {  	[tilespmem:s22], [sflag:$0x3] =	stream.indirect.gather [hbm4b:s5+s17], $0x40, s24, s17, $0xb8;
	[tilespmem:$0x1E000] =	vst v63  }
0x20: {  	_ =	swait.ge [sflag:s23], $0x2000  }
0x21: {  	[sflag:s23] =	ssyncset.done $0x0  }
0x22: {  	s14 =	simm.s32 $0x9E00;
	[sflag:s23] =	ssyncadd.s32 $0xFFFFE000  }
0x23: {  	[spmem:s2] =	stream.indirect.scatter.add.f32 [tilespmem:s19], [sflag:$0x7], $0x40, s14, s17, $0xb8;
	[tilespmem:$0x1E000] =	vst v63  }
0x24: {  	_ =	swait.ge [sflag:s30], $0x2000  }
0x25: {  	[sflag:s30] =	ssyncset.done $0x0  }
0x26: {  	s24 =	simm.s32 $0x4F00;
	[sflag:s30] =	ssyncadd.s32 $0xFFFFE000  }
0x27: {  	[tilespmem:s26], [sflag:$0x4] =	stream.indirect.gather [hbm4b:s5+s17], $0x40, s24, s17, $0xb8;
	[tilespmem:$0x1E000] =	vst v63  }
0x28: {  	_ =	swait.ge [sflag:s28], $0x2000  }
0x29: {  	[sflag:s28] =	ssyncset.done $0x0  }
0x2a: {  	s14 =	simm.s32 $0x9E80;
	[sflag:s28] =	ssyncadd.s32 $0xFFFFE000  }
0x2b: {  	[spmem:s2] =	stream.indirect.scatter.add.f32 [tilespmem:s22], [sflag:$0x8], $0x40, s14, s17, $0xb8;
	[tilespmem:$0x1E000] =	vst v63  }
0x2c: {  	_ =	swait.ge [sflag:s1], $0x2000  }
0x2d: {  	[sflag:s1] =	ssyncset.done $0x0  }
0x2e: {  	s24 =	simm.s32 $0x4F80;
	s3 =	rddreg [dreg:$0x4];
	[sflag:s1] =	ssyncadd.s32 $0xFFFFE000  }
0x2f: {  	[tilespmem:s31], [sflag:$0x5] =	stream.indirect.gather [hbm4b:s5+s17], $0x40, s24, s17, $0xb8;
	[tilespmem:$0x1E000] =	vst v63  }
.LBB2_8:
0x30: {  	_ =	swait.ge [sflag:s0], $0x2000  }
0x31: {  	[sflag:s0] =	ssyncset.done $0x0  }
0x32: {  	s14 =	simm.s32 $0x9F00;
	[sflag:s0] =	ssyncadd.s32 $0xFFFFE000  }
0x33: {  	[spmem:s2] =	stream.indirect.scatter.add.f32 [tilespmem:s26], [sflag:$0x9], $0x40, s14, s17, $0xb8;
	[tilespmem:$0x1E000] =	vst v63  }
0x34: {  	_ =	swait.ge [sflag:s7], $0x2000  }
0x35: {  	[sflag:s7] =	ssyncset.done $0x0  }
0x36: {  	s24 =	simm.s32 $0x9F80;
	[sflag:s7] =	ssyncadd.s32 $0xFFFFE000  }
0x37: {  	[spmem:s2] =	stream.indirect.scatter.add.f32 [tilespmem:s31], [sflag:$0xA], $0x40, s24, s17, $0xb8;
	[tilespmem:$0x1E000] =	vst v63  }
0x38: {  	_ =	swait.ge [sflag:s21], $0x2000  }
0x39: {  	[sflag:s21] =	ssyncset.done $0x0  }
0x3a: {  	[sflag:s21] =	ssyncadd.s32 $0xFFFFE000  }
0x3b: {  	_ =	swait.ge [sflag:s8], $0x2000  }
0x3c: {  	[sflag:s8] =	ssyncset.done $0x0  }
0x3d: {  	[sflag:s8] =	ssyncadd.s32 $0xFFFFE000  }
0x3e: {  	_ =	swait.ge [sflag:s29], $0x2000  }
0x3f: {  	[sflag:s29] =	ssyncset.done $0x0  }
0x40: {  	[sflag:s29] =	ssyncadd.s32 $0xFFFFE000  }
0x41: {  	_ =	swait.ge [sflag:s30], $0x2000  }
0x42: {  	[sflag:s30] =	ssyncset.done $0x0  }
0x43: {  	[sflag:s30] =	ssyncadd.s32 $0xFFFFE000  }
0x44: {  	_ =	swait.ge [sflag:s1], $0x2000  }
0x45: {  	s25 =	sadd.s32 $0x1, s25;
	[sflag:s1] =	ssyncset.done $0x0  }
0x46: {  	p1 =	sne.s32 s25, s12;
	[sflag:s1] =	ssyncadd.s32 $0xFFFFE000  }
.Ltmp1:
0x47: {  	s3 =	sadd.s32 s3, s6;
	[bflag:$0x0] =	sbarrier.arrive $0xFFFF;
	(pc) =	sbr.rel @!p1 .LBB2_9-.Ltmp1, $4  }
0x48: {  	[hbm:s3], [sflag:s15] =	dma.local [spmem:s16], $0x1400  }
0x49: {  	_ =	swait.ge [sflag:s13], $0x1400  }
0x4a: {  	[sflag:s13] =	ssyncset.done $0x0  }
0x4b: {  	s24 =	simm.s32 $0x5000;
	[sflag:s13] =	ssyncadd.s32 $0xFFFFEC00  }
.LBB2_1:
0x4c: {  	s3 =	simm.s32 $0x0  }
0x4d: {  	[tilespmem:s3], [sflag:$0xB] =	stream.linear.gather [hbm4b:s9+s3], $0x5000, $0x38;
	[tilespmem:$0x1E000] =	vst v63  }
0x4e: {  	_ =	swait.ge [sflag:s13], $0x5000  }
0x4f: {  	[sflag:s13] =	ssyncset.done $0x0  }
0x50: {  	[sflag:s13] =	ssyncadd.s32 $0xFFFFB000  }
0x51: {  	[tilespmem:s24], [sflag:$0xB] =	stream.linear.gather [hbm4b:s10+s3], $0x5000, $0x38;
	[tilespmem:$0x1E000] =	vst v63  }
0x52: {  	_ =	swait.ge [sflag:s13], $0x5000  }
0x53: {  	[sflag:s13] =	ssyncset.done $0x0  }
0x54: {  	[sflag:s13] =	ssyncadd.s32 $0xFFFFB000  }
0x55: {  	[spmem:s16], [sflag:s15] =	dma.local [hbm:s11], $0x1400  }
.Ltmp2:
0x56: {  	_ =	swait.ge [sflag:s13], $0x1400;
	(pc) =	sbr.rel @!p0 .LBB2_2-.Ltmp2, $4  }
0x57: {  	[sflag:s13] =	ssyncset.done $0x0  }
0x58: {  	[sflag:s13] =	ssyncadd.s32 $0xFFFFEC00  }
0x59: {  	[bflag:$0x0] =	sbarrier.arrive $0xFFFF  }
0x5a: {  	s3 =	simm.s32 $0x0  }
0x5b: {  	[tilespmem:s18], [sflag:$0x1] =	stream.indirect.gather [hbm4b:s5+s17], $0x40, s3, s17, $0xb8;
	[tilespmem:$0x1E000] =	vst v63  }
0x5c: {  	_ = 	snop  }
0x5d: {  	[tilespmem:s19], [sflag:$0x2] =	stream.indirect.gather [hbm4b:s5+s17], $0x40, s17, s17, $0xb8;
	[tilespmem:$0x1E000] =	vst v63  }
0x5e: {  	_ =	swait.ge [sflag:s20], $0x2000  }
0x5f: {  	[sflag:s20] =	ssyncset.done $0x0  }
0x60: {  	[sflag:s20] =	ssyncadd.s32 $0xFFFFE000  }
0x61: {  	[spmem:s2] =	stream.indirect.scatter.add.f32 [tilespmem:s18], [sflag:$0x6], $0x40, s24, s17, $0xb8;
	[tilespmem:$0x1E000] =	vst v63  }
0x62: {  	s24 =	simm.s32 $0x100  }
0x63: {  	[tilespmem:s22], [sflag:$0x3] =	stream.indirect.gather [hbm4b:s5+s17], $0x40, s24, s17, $0xb8;
	[tilespmem:$0x1E000] =	vst v63  }
0x64: {  	_ =	swait.ge [sflag:s23], $0x2000  }
0x65: {  	[sflag:s23] =	ssyncset.done $0x0  }
0x66: {  	s14 =	simm.s32 $0x5080;
	[sflag:s23] =	ssyncadd.s32 $0xFFFFE000  }
0x67: {  	[spmem:s2] =	stream.indirect.scatter.add.f32 [tilespmem:s19], [sflag:$0x7], $0x40, s14, s17, $0xb8;
	[tilespmem:$0x1E000] =	vst v63  }
0x68: {  	s24 =	simm.s32 $0x180  }
0x69: {  	[tilespmem:s26], [sflag:$0x4] =	stream.indirect.gather [hbm4b:s5+s17], $0x40, s24, s17, $0xb8;
	[tilespmem:$0x1E000] =	vst v63  }
0x6a: {  	_ =	swait.ge [sflag:s28], $0x2000  }
0x6b: {  	[sflag:s28] =	ssyncset.done $0x0  }
0x6c: {  	s14 =	simm.s32 $0x5100;
	[sflag:s28] =	ssyncadd.s32 $0xFFFFE000  }
0x6d: {  	[spmem:s2] =	stream.indirect.scatter.add.f32 [tilespmem:s22], [sflag:$0x8], $0x40, s14, s17, $0xb8;
	[tilespmem:$0x1E000] =	vst v63  }
0x6e: {  	s24 =	simm.s32 $0x200  }
0x6f: {  	[tilespmem:s31], [sflag:$0x5] =	stream.indirect.gather [hbm4b:s5+s17], $0x40, s24, s17, $0xb8;
	[tilespmem:$0x1E000] =	vst v63  }
0x70: {  	_ =	swait.ge [sflag:s0], $0x2000  }
0x71: {  	[sflag:s0] =	ssyncset.done $0x0  }
0x72: {  	s14 =	simm.s32 $0x5180;
	[sflag:s0] =	ssyncadd.s32 $0xFFFFE000  }
0x73: {  	[spmem:s2] =	stream.indirect.scatter.add.f32 [tilespmem:s26], [sflag:$0x9], $0x40, s14, s17, $0xb8;
	[tilespmem:$0x1E000] =	vst v63  }
0x74: {  	_ =	swait.ge [sflag:s21], $0x2000  }
0x75: {  	[sflag:s21] =	ssyncset.done $0x0  }
0x76: {  	s24 =	simm.s32 $0x280;
	[sflag:s21] =	ssyncadd.s32 $0xFFFFE000  }
0x77: {  	[tilespmem:s18], [sflag:$0x1] =	stream.indirect.gather [hbm4b:s5+s17], $0x40, s24, s17, $0xb8;
	[tilespmem:$0x1E000] =	vst v63  }
0x78: {  	_ =	swait.ge [sflag:s7], $0x2000  }
0x79: {  	[sflag:s7] =	ssyncset.done $0x0  }
0x7a: {  	s14 =	simm.s32 $0x5200;
	[sflag:s7] =	ssyncadd.s32 $0xFFFFE000  }
0x7b: {  	[spmem:s2] =	stream.indirect.scatter.add.f32 [tilespmem:s31], [sflag:$0xA], $0x40, s14, s17, $0xb8;
	[tilespmem:$0x1E000] =	vst v63  }
0x7c: {  	_ =	swait.ge [sflag:s8], $0x2000  }
0x7d: {  	[sflag:s8] =	ssyncset.done $0x0  }
0x7e: {  	s24 =	simm.s32 $0x300;
	[sflag:s8] =	ssyncadd.s32 $0xFFFFE000  }
0x7f: {  	[tilespmem:s19], [sflag:$0x2] =	stream.indirect.gather [hbm4b:s5+s17], $0x40, s24, s17, $0xb8;
	[tilespmem:$0x1E000] =	vst v63  }
0x80: {  	_ =	swait.ge [sflag:s20], $0x2000  }
0x81: {  	[sflag:s20] =	ssyncset.done $0x0  }
0x82: {  	s14 =	simm.s32 $0x5280;
	[sflag:s20] =	ssyncadd.s32 $0xFFFFE000  }
0x83: {  	[spmem:s2] =	stream.indirect.scatter.add.f32 [tilespmem:s18], [sflag:$0x6], $0x40, s14, s17, $0xb8;
	[tilespmem:$0x1E000] =	vst v63  }
0x84: {  	_ =	swait.ge [sflag:s29], $0x2000  }
0x85: {  	[sflag:s29] =	ssyncset.done $0x0  }
0x86: {  	s24 =	simm.s32 $0x380;
	[sflag:s29] =	ssyncadd.s32 $0xFFFFE000  }
0x87: {  	[tilespmem:s22], [sflag:$0x3] =	stream.indirect.gather [hbm4b:s5+s17], $0x40, s24, s17, $0xb8;
	[tilespmem:$0x1E000] =	vst v63  }
0x88: {  	_ =	swait.ge [sflag:s23], $0x2000  }
0x89: {  	[sflag:s23] =	ssyncset.done $0x0  }
0x8a: {  	s14 =	simm.s32 $0x5300;
	[sflag:s23] =	ssyncadd.s32 $0xFFFFE000  }
0x8b: {  	[spmem:s2] =	stream.indirect.scatter.add.f32 [tilespmem:s19], [sflag:$0x7], $0x40, s14, s17, $0xb8;
	[tilespmem:$0x1E000] =	vst v63  }
0x8c: {  	_ =	swait.ge [sflag:s30], $0x2000  }
0x8d: {  	[sflag:s30] =	ssyncset.done $0x0  }
0x8e: {  	s24 =	simm.s32 $0x400;
	[sflag:s30] =	ssyncadd.s32 $0xFFFFE000  }
0x8f: {  	[tilespmem:s26], [sflag:$0x4] =	stream.indirect.gather [hbm4b:s5+s17], $0x40, s24, s17, $0xb8;
	[tilespmem:$0x1E000] =	vst v63  }
0x90: {  	_ =	swait.ge [sflag:s28], $0x2000  }
0x91: {  	[sflag:s28] =	ssyncset.done $0x0  }
0x92: {  	s14 =	simm.s32 $0x5380;
	[sflag:s28] =	ssyncadd.s32 $0xFFFFE000  }
0x93: {  	[spmem:s2] =	stream.indirect.scatter.add.f32 [tilespmem:s22], [sflag:$0x8], $0x40, s14, s17, $0xb8;
	[tilespmem:$0x1E000] =	vst v63  }
0x94: {  	_ =	swait.ge [sflag:s1], $0x2000  }
0x95: {  	[sflag:s1] =	ssyncset.done $0x0  }
0x96: {  	s24 =	simm.s32 $0x480;
	[sflag:s1] =	ssyncadd.s32 $0xFFFFE000  }
0x97: {  	[tilespmem:s31], [sflag:$0x5] =	stream.indirect.gather [hbm4b:s5+s17], $0x40, s24, s17, $0xb8;
	[tilespmem:$0x1E000] =	vst v63  }
0x98: {  	_ =	swait.ge [sflag:s0], $0x2000  }
0x99: {  	[sflag:s0] =	ssyncset.done $0x0  }
0x9a: {  	s14 =	simm.s32 $0x5400;
	[sflag:s0] =	ssyncadd.s32 $0xFFFFE000  }
0x9b: {  	[spmem:s2] =	stream.indirect.scatter.add.f32 [tilespmem:s26], [sflag:$0x9], $0x40, s14, s17, $0xb8;
	[tilespmem:$0x1E000] =	vst v63  }
0x9c: {  	_ =	swait.ge [sflag:s21], $0x2000  }
0x9d: {  	[sflag:s21] =	ssyncset.done $0x0  }
0x9e: {  	s24 =	simm.s32 $0x500;
	[sflag:s21] =	ssyncadd.s32 $0xFFFFE000  }
0x9f: {  	[tilespmem:s18], [sflag:$0x1] =	stream.indirect.gather [hbm4b:s5+s17], $0x40, s24, s17, $0xb8;
	[tilespmem:$0x1E000] =	vst v63  }
0xa0: {  	_ =	swait.ge [sflag:s7], $0x2000  }
0xa1: {  	[sflag:s7] =	ssyncset.done $0x0  }
0xa2: {  	s3 =	simm.s32 $0x5480;
	s24 =	simm.s32 $0xA00;
	[sflag:s7] =	ssyncadd.s32 $0xFFFFE000  }
.LBB2_6:
0xa3: {  	[spmem:s2] =	stream.indirect.scatter.add.f32 [tilespmem:s31], [sflag:$0xA], $0x40, s3, s17, $0xb8;
	[tilespmem:$0x1E000] =	vst v63  }
0xa4: {  	s3 =	smov.u32 s24  }
0xa5: {  	p1 =	sne.s32 s24, $0x12200;
	s24 =	sadd.s32 $0xA00, s24;
	_ =	swait.ge [sflag:s8], $0x2000  }
0xa6: {  	s3 =	sshra.s32 s3, $0x2;
	[sflag:s8] =	ssyncset.done $0x0  }
0xa7: {  	s14 =	sadd.s32 $0x300, s3;
	[sflag:s8] =	ssyncadd.s32 $0xFFFFE000  }
0xa8: {  	[tilespmem:s19], [sflag:$0x2] =	stream.indirect.gather [hbm4b:s5+s17], $0x40, s14, s17, $0xb8;
	[tilespmem:$0x1E000] =	vst v63  }
0xa9: {  	_ =	swait.ge [sflag:s20], $0x2000  }
0xaa: {  	[sflag:s20] =	ssyncset.done $0x0  }
0xab: {  	s14 =	sadd.s32 $0x5280, s3;
	[sflag:s20] =	ssyncadd.s32 $0xFFFFE000  }
0xac: {  	[spmem:s2] =	stream.indirect.scatter.add.f32 [tilespmem:s18], [sflag:$0x6], $0x40, s14, s17, $0xb8;
	[tilespmem:$0x1E000] =	vst v63  }
0xad: {  	_ =	swait.ge [sflag:s29], $0x2000  }
0xae: {  	[sflag:s29] =	ssyncset.done $0x0  }
0xaf: {  	s14 =	sadd.s32 $0x380, s3;
	[sflag:s29] =	ssyncadd.s32 $0xFFFFE000  }
0xb0: {  	[tilespmem:s22], [sflag:$0x3] =	stream.indirect.gather [hbm4b:s5+s17], $0x40, s14, s17, $0xb8;
	[tilespmem:$0x1E000] =	vst v63  }
0xb1: {  	_ =	swait.ge [sflag:s23], $0x2000  }
0xb2: {  	[sflag:s23] =	ssyncset.done $0x0  }
0xb3: {  	s14 =	sadd.s32 $0x5300, s3;
	[sflag:s23] =	ssyncadd.s32 $0xFFFFE000  }
0xb4: {  	[spmem:s2] =	stream.indirect.scatter.add.f32 [tilespmem:s19], [sflag:$0x7], $0x40, s14, s17, $0xb8;
	[tilespmem:$0x1E000] =	vst v63  }
0xb5: {  	_ =	swait.ge [sflag:s30], $0x2000  }
0xb6: {  	[sflag:s30] =	ssyncset.done $0x0  }
0xb7: {  	s14 =	sadd.s32 $0x400, s3;
	[sflag:s30] =	ssyncadd.s32 $0xFFFFE000  }
0xb8: {  	[tilespmem:s26], [sflag:$0x4] =	stream.indirect.gather [hbm4b:s5+s17], $0x40, s14, s17, $0xb8;
	[tilespmem:$0x1E000] =	vst v63  }
0xb9: {  	_ =	swait.ge [sflag:s28], $0x2000  }
0xba: {  	[sflag:s28] =	ssyncset.done $0x0  }
0xbb: {  	s14 =	sadd.s32 $0x5380, s3;
	[sflag:s28] =	ssyncadd.s32 $0xFFFFE000  }
0xbc: {  	[spmem:s2] =	stream.indirect.scatter.add.f32 [tilespmem:s22], [sflag:$0x8], $0x40, s14, s17, $0xb8;
	[tilespmem:$0x1E000] =	vst v63  }
0xbd: {  	_ =	swait.ge [sflag:s1], $0x2000  }
0xbe: {  	[sflag:s1] =	ssyncset.done $0x0  }
0xbf: {  	s14 =	sadd.s32 $0x480, s3;
	[sflag:s1] =	ssyncadd.s32 $0xFFFFE000  }
0xc0: {  	[tilespmem:s31], [sflag:$0x5] =	stream.indirect.gather [hbm4b:s5+s17], $0x40, s14, s17, $0xb8;
	[tilespmem:$0x1E000] =	vst v63  }
0xc1: {  	_ =	swait.ge [sflag:s0], $0x2000  }
0xc2: {  	[sflag:s0] =	ssyncset.done $0x0  }
0xc3: {  	s14 =	sadd.s32 $0x5400, s3;
	[sflag:s0] =	ssyncadd.s32 $0xFFFFE000  }
0xc4: {  	[spmem:s2] =	stream.indirect.scatter.add.f32 [tilespmem:s26], [sflag:$0x9], $0x40, s14, s17, $0xb8;
	[tilespmem:$0x1E000] =	vst v63  }
0xc5: {  	_ =	swait.ge [sflag:s21], $0x2000  }
0xc6: {  	[sflag:s21] =	ssyncset.done $0x0  }
.Ltmp3:
0xc7: {  	s14 =	sadd.s32 $0x500, s3;
	[sflag:s21] =	ssyncadd.s32 $0xFFFFE000;
	(pc) =	sbr.rel @p1 .LBB2_6-.Ltmp3, $4  }
0xc8: {  	[tilespmem:s18], [sflag:$0x1] =	stream.indirect.gather [hbm4b:s5+s17], $0x40, s14, s17, $0xb8;
	[tilespmem:$0x1E000] =	vst v63  }
0xc9: {  	_ =	swait.ge [sflag:s7], $0x2000  }
0xca: {  	[sflag:s7] =	ssyncset.done $0x0  }
0xcb: {  	s3 =	sadd.s32 $0x5480, s3;
	[sflag:s7] =	ssyncadd.s32 $0xFFFFE000  }
.Ltmp4:
0xcc: {  	_ = 	snop;
	(pc) =	sbr.rel .LBB2_7-.Ltmp4, $1  }
0xcd: {  	_ =	sdelay $0x3  }
.LBB2_2:
0xce: {  	[tilespmem:s18], [sflag:$0x1] =	stream.indirect.gather [hbm4b:s4+s17], $0x40, s3, s17, $0xb8;
	[tilespmem:$0x1E000] =	vst v63  }
0xcf: {  	_ = 	snop  }
0xd0: {  	[tilespmem:s19], [sflag:$0x2] =	stream.indirect.gather [hbm4b:s4+s17], $0x40, s17, s17, $0xb8;
	[tilespmem:$0x1E000] =	vst v63  }
0xd1: {  	_ =	swait.ge [sflag:s20], $0x2000  }
0xd2: {  	[sflag:s20] =	ssyncset.done $0x0  }
0xd3: {  	[sflag:s20] =	ssyncadd.s32 $0xFFFFE000  }
0xd4: {  	[spmem:s2] =	stream.indirect.scatter.add.f32 [tilespmem:s18], [sflag:$0x6], $0x40, s24, s17, $0xb8;
	[tilespmem:$0x1E000] =	vst v63  }
0xd5: {  	s24 =	simm.s32 $0x100  }
0xd6: {  	[tilespmem:s22], [sflag:$0x3] =	stream.indirect.gather [hbm4b:s4+s17], $0x40, s24, s17, $0xb8;
	[tilespmem:$0x1E000] =	vst v63  }
0xd7: {  	_ =	swait.ge [sflag:s23], $0x2000  }
0xd8: {  	[sflag:s23] =	ssyncset.done $0x0  }
0xd9: {  	s14 =	simm.s32 $0x5080;
	[sflag:s23] =	ssyncadd.s32 $0xFFFFE000  }
0xda: {  	[spmem:s2] =	stream.indirect.scatter.add.f32 [tilespmem:s19], [sflag:$0x7], $0x40, s14, s17, $0xb8;
	[tilespmem:$0x1E000] =	vst v63  }
0xdb: {  	s24 =	simm.s32 $0x180  }
0xdc: {  	[tilespmem:s26], [sflag:$0x4] =	stream.indirect.gather [hbm4b:s4+s17], $0x40, s24, s17, $0xb8;
	[tilespmem:$0x1E000] =	vst v63  }
0xdd: {  	_ =	swait.ge [sflag:s28], $0x2000  }
0xde: {  	[sflag:s28] =	ssyncset.done $0x0  }
0xdf: {  	s14 =	simm.s32 $0x5100;
	[sflag:s28] =	ssyncadd.s32 $0xFFFFE000  }
0xe0: {  	[spmem:s2] =	stream.indirect.scatter.add.f32 [tilespmem:s22], [sflag:$0x8], $0x40, s14, s17, $0xb8;
	[tilespmem:$0x1E000] =	vst v63  }
0xe1: {  	s24 =	simm.s32 $0x200  }
0xe2: {  	[tilespmem:s31], [sflag:$0x5] =	stream.indirect.gather [hbm4b:s4+s17], $0x40, s24, s17, $0xb8;
	[tilespmem:$0x1E000] =	vst v63  }
0xe3: {  	_ =	swait.ge [sflag:s0], $0x2000  }
0xe4: {  	[sflag:s0] =	ssyncset.done $0x0  }
0xe5: {  	s14 =	simm.s32 $0x5180;
	[sflag:s0] =	ssyncadd.s32 $0xFFFFE000  }
0xe6: {  	[spmem:s2] =	stream.indirect.scatter.add.f32 [tilespmem:s26], [sflag:$0x9], $0x40, s14, s17, $0xb8;
	[tilespmem:$0x1E000] =	vst v63  }
0xe7: {  	_ =	swait.ge [sflag:s21], $0x2000  }
0xe8: {  	[sflag:s21] =	ssyncset.done $0x0  }
0xe9: {  	s24 =	simm.s32 $0x280;
	[sflag:s21] =	ssyncadd.s32 $0xFFFFE000  }
0xea: {  	[tilespmem:s18], [sflag:$0x1] =	stream.indirect.gather [hbm4b:s4+s17], $0x40, s24, s17, $0xb8;
	[tilespmem:$0x1E000] =	vst v63  }
0xeb: {  	_ =	swait.ge [sflag:s7], $0x2000  }
0xec: {  	[sflag:s7] =	ssyncset.done $0x0  }
0xed: {  	s14 =	simm.s32 $0x5200;
	[sflag:s7] =	ssyncadd.s32 $0xFFFFE000  }
0xee: {  	[spmem:s2] =	stream.indirect.scatter.add.f32 [tilespmem:s31], [sflag:$0xA], $0x40, s14, s17, $0xb8;
	[tilespmem:$0x1E000] =	vst v63  }
0xef: {  	_ =	swait.ge [sflag:s8], $0x2000  }
0xf0: {  	[sflag:s8] =	ssyncset.done $0x0  }
0xf1: {  	s24 =	simm.s32 $0x300;
	[sflag:s8] =	ssyncadd.s32 $0xFFFFE000  }
0xf2: {  	[tilespmem:s19], [sflag:$0x2] =	stream.indirect.gather [hbm4b:s4+s17], $0x40, s24, s17, $0xb8;
	[tilespmem:$0x1E000] =	vst v63  }
0xf3: {  	_ =	swait.ge [sflag:s20], $0x2000  }
0xf4: {  	[sflag:s20] =	ssyncset.done $0x0  }
0xf5: {  	s14 =	simm.s32 $0x5280;
	[sflag:s20] =	ssyncadd.s32 $0xFFFFE000  }
0xf6: {  	[spmem:s2] =	stream.indirect.scatter.add.f32 [tilespmem:s18], [sflag:$0x6], $0x40, s14, s17, $0xb8;
	[tilespmem:$0x1E000] =	vst v63  }
0xf7: {  	_ =	swait.ge [sflag:s29], $0x2000  }
0xf8: {  	[sflag:s29] =	ssyncset.done $0x0  }
0xf9: {  	s24 =	simm.s32 $0x380;
	[sflag:s29] =	ssyncadd.s32 $0xFFFFE000  }
0xfa: {  	[tilespmem:s22], [sflag:$0x3] =	stream.indirect.gather [hbm4b:s4+s17], $0x40, s24, s17, $0xb8;
	[tilespmem:$0x1E000] =	vst v63  }
0xfb: {  	_ =	swait.ge [sflag:s23], $0x2000  }
0xfc: {  	[sflag:s23] =	ssyncset.done $0x0  }
0xfd: {  	s14 =	simm.s32 $0x5300;
	[sflag:s23] =	ssyncadd.s32 $0xFFFFE000  }
0xfe: {  	[spmem:s2] =	stream.indirect.scatter.add.f32 [tilespmem:s19], [sflag:$0x7], $0x40, s14, s17, $0xb8;
	[tilespmem:$0x1E000] =	vst v63  }
0xff: {  	_ =	swait.ge [sflag:s30], $0x2000  }
0x100: {  	[sflag:s30] =	ssyncset.done $0x0  }
0x101: {  	s24 =	simm.s32 $0x400;
	[sflag:s30] =	ssyncadd.s32 $0xFFFFE000  }
0x102: {  	[tilespmem:s26], [sflag:$0x4] =	stream.indirect.gather [hbm4b:s4+s17], $0x40, s24, s17, $0xb8;
	[tilespmem:$0x1E000] =	vst v63  }
0x103: {  	_ =	swait.ge [sflag:s28], $0x2000  }
0x104: {  	[sflag:s28] =	ssyncset.done $0x0  }
0x105: {  	s14 =	simm.s32 $0x5380;
	[sflag:s28] =	ssyncadd.s32 $0xFFFFE000  }
0x106: {  	[spmem:s2] =	stream.indirect.scatter.add.f32 [tilespmem:s22], [sflag:$0x8], $0x40, s14, s17, $0xb8;
	[tilespmem:$0x1E000] =	vst v63  }
0x107: {  	_ =	swait.ge [sflag:s1], $0x2000  }
0x108: {  	[sflag:s1] =	ssyncset.done $0x0  }
0x109: {  	s24 =	simm.s32 $0x480;
	[sflag:s1] =	ssyncadd.s32 $0xFFFFE000  }
0x10a: {  	[tilespmem:s31], [sflag:$0x5] =	stream.indirect.gather [hbm4b:s4+s17], $0x40, s24, s17, $0xb8;
	[tilespmem:$0x1E000] =	vst v63  }
0x10b: {  	_ =	swait.ge [sflag:s0], $0x2000  }
0x10c: {  	[sflag:s0] =	ssyncset.done $0x0  }
0x10d: {  	s14 =	simm.s32 $0x5400;
	[sflag:s0] =	ssyncadd.s32 $0xFFFFE000  }
0x10e: {  	[spmem:s2] =	stream.indirect.scatter.add.f32 [tilespmem:s26], [sflag:$0x9], $0x40, s14, s17, $0xb8;
	[tilespmem:$0x1E000] =	vst v63  }
0x10f: {  	_ =	swait.ge [sflag:s21], $0x2000  }
0x110: {  	[sflag:s21] =	ssyncset.done $0x0  }
0x111: {  	s24 =	simm.s32 $0x500;
	[sflag:s21] =	ssyncadd.s32 $0xFFFFE000  }
0x112: {  	[tilespmem:s18], [sflag:$0x1] =	stream.indirect.gather [hbm4b:s4+s17], $0x40, s24, s17, $0xb8;
	[tilespmem:$0x1E000] =	vst v63  }
0x113: {  	_ =	swait.ge [sflag:s7], $0x2000  }
0x114: {  	[sflag:s7] =	ssyncset.done $0x0  }
0x115: {  	s3 =	simm.s32 $0x5480;
	s24 =	simm.s32 $0xA00;
	[sflag:s7] =	ssyncadd.s32 $0xFFFFE000  }
.LBB2_3:
0x116: {  	[spmem:s2] =	stream.indirect.scatter.add.f32 [tilespmem:s31], [sflag:$0xA], $0x40, s3, s17, $0xb8;
	[tilespmem:$0x1E000] =	vst v63  }
0x117: {  	s3 =	smov.u32 s24  }
0x118: {  	p1 =	sne.s32 s24, $0x12200;
	s24 =	sadd.s32 $0xA00, s24;
	_ =	swait.ge [sflag:s8], $0x2000  }
0x119: {  	s3 =	sshra.s32 s3, $0x2;
	[sflag:s8] =	ssyncset.done $0x0  }
0x11a: {  	s14 =	sadd.s32 $0x300, s3;
	[sflag:s8] =	ssyncadd.s32 $0xFFFFE000  }
0x11b: {  	[tilespmem:s19], [sflag:$0x2] =	stream.indirect.gather [hbm4b:s4+s17], $0x40, s14, s17, $0xb8;
	[tilespmem:$0x1E000] =	vst v63  }
0x11c: {  	_ =	swait.ge [sflag:s20], $0x2000  }
0x11d: {  	[sflag:s20] =	ssyncset.done $0x0  }
0x11e: {  	s14 =	sadd.s32 $0x5280, s3;
	[sflag:s20] =	ssyncadd.s32 $0xFFFFE000  }
0x11f: {  	[spmem:s2] =	stream.indirect.scatter.add.f32 [tilespmem:s18], [sflag:$0x6], $0x40, s14, s17, $0xb8;
	[tilespmem:$0x1E000] =	vst v63  }
0x120: {  	_ =	swait.ge [sflag:s29], $0x2000  }
0x121: {  	[sflag:s29] =	ssyncset.done $0x0  }
0x122: {  	s14 =	sadd.s32 $0x380, s3;
	[sflag:s29] =	ssyncadd.s32 $0xFFFFE000  }
0x123: {  	[tilespmem:s22], [sflag:$0x3] =	stream.indirect.gather [hbm4b:s4+s17], $0x40, s14, s17, $0xb8;
	[tilespmem:$0x1E000] =	vst v63  }
0x124: {  	_ =	swait.ge [sflag:s23], $0x2000  }
0x125: {  	[sflag:s23] =	ssyncset.done $0x0  }
0x126: {  	s14 =	sadd.s32 $0x5300, s3;
	[sflag:s23] =	ssyncadd.s32 $0xFFFFE000  }
0x127: {  	[spmem:s2] =	stream.indirect.scatter.add.f32 [tilespmem:s19], [sflag:$0x7], $0x40, s14, s17, $0xb8;
	[tilespmem:$0x1E000] =	vst v63  }
0x128: {  	_ =	swait.ge [sflag:s30], $0x2000  }
0x129: {  	[sflag:s30] =	ssyncset.done $0x0  }
0x12a: {  	s14 =	sadd.s32 $0x400, s3;
	[sflag:s30] =	ssyncadd.s32 $0xFFFFE000  }
0x12b: {  	[tilespmem:s26], [sflag:$0x4] =	stream.indirect.gather [hbm4b:s4+s17], $0x40, s14, s17, $0xb8;
	[tilespmem:$0x1E000] =	vst v63  }
0x12c: {  	_ =	swait.ge [sflag:s28], $0x2000  }
0x12d: {  	[sflag:s28] =	ssyncset.done $0x0  }
0x12e: {  	s14 =	sadd.s32 $0x5380, s3;
	[sflag:s28] =	ssyncadd.s32 $0xFFFFE000  }
0x12f: {  	[spmem:s2] =	stream.indirect.scatter.add.f32 [tilespmem:s22], [sflag:$0x8], $0x40, s14, s17, $0xb8;
	[tilespmem:$0x1E000] =	vst v63  }
0x130: {  	_ =	swait.ge [sflag:s1], $0x2000  }
0x131: {  	[sflag:s1] =	ssyncset.done $0x0  }
0x132: {  	s14 =	sadd.s32 $0x480, s3;
	[sflag:s1] =	ssyncadd.s32 $0xFFFFE000  }
0x133: {  	[tilespmem:s31], [sflag:$0x5] =	stream.indirect.gather [hbm4b:s4+s17], $0x40, s14, s17, $0xb8;
	[tilespmem:$0x1E000] =	vst v63  }
0x134: {  	_ =	swait.ge [sflag:s0], $0x2000  }
0x135: {  	[sflag:s0] =	ssyncset.done $0x0  }
0x136: {  	s14 =	sadd.s32 $0x5400, s3;
	[sflag:s0] =	ssyncadd.s32 $0xFFFFE000  }
0x137: {  	[spmem:s2] =	stream.indirect.scatter.add.f32 [tilespmem:s26], [sflag:$0x9], $0x40, s14, s17, $0xb8;
	[tilespmem:$0x1E000] =	vst v63  }
0x138: {  	_ =	swait.ge [sflag:s21], $0x2000  }
0x139: {  	[sflag:s21] =	ssyncset.done $0x0  }
.Ltmp5:
0x13a: {  	s14 =	sadd.s32 $0x500, s3;
	[sflag:s21] =	ssyncadd.s32 $0xFFFFE000;
	(pc) =	sbr.rel @p1 .LBB2_3-.Ltmp5, $4  }
0x13b: {  	[tilespmem:s18], [sflag:$0x1] =	stream.indirect.gather [hbm4b:s4+s17], $0x40, s14, s17, $0xb8;
	[tilespmem:$0x1E000] =	vst v63  }
0x13c: {  	_ =	swait.ge [sflag:s7], $0x2000  }
0x13d: {  	[sflag:s7] =	ssyncset.done $0x0  }
0x13e: {  	s3 =	sadd.s32 $0x5480, s3;
	[sflag:s7] =	ssyncadd.s32 $0xFFFFE000  }
0x13f: {  	[spmem:s2] =	stream.indirect.scatter.add.f32 [tilespmem:s31], [sflag:$0xA], $0x40, s3, s17, $0xb8;
	[tilespmem:$0x1E000] =	vst v63  }
0x140: {  	_ =	swait.ge [sflag:s8], $0x2000  }
0x141: {  	[sflag:s8] =	ssyncset.done $0x0  }
0x142: {  	s24 =	simm.s32 $0x4E00;
	[sflag:s8] =	ssyncadd.s32 $0xFFFFE000  }
0x143: {  	[tilespmem:s19], [sflag:$0x2] =	stream.indirect.gather [hbm4b:s4+s17], $0x40, s24, s17, $0xb8;
	[tilespmem:$0x1E000] =	vst v63  }
0x144: {  	_ =	swait.ge [sflag:s20], $0x2000  }
0x145: {  	[sflag:s20] =	ssyncset.done $0x0  }
0x146: {  	s14 =	simm.s32 $0x9D80;
	[sflag:s20] =	ssyncadd.s32 $0xFFFFE000  }
0x147: {  	[spmem:s2] =	stream.indirect.scatter.add.f32 [tilespmem:s18], [sflag:$0x6], $0x40, s14, s17, $0xb8;
	[tilespmem:$0x1E000] =	vst v63  }
0x148: {  	_ =	swait.ge [sflag:s29], $0x2000  }
0x149: {  	[sflag:s29] =	ssyncset.done $0x0  }
0x14a: {  	s24 =	simm.s32 $0x4E80;
	[sflag:s29] =	ssyncadd.s32 $0xFFFFE000  }
0x14b: {  	[tilespmem:s22], [sflag:$0x3] =	stream.indirect.gather [hbm4b:s4+s17], $0x40, s24, s17, $0xb8;
	[tilespmem:$0x1E000] =	vst v63  }
0x14c: {  	_ =	swait.ge [sflag:s23], $0x2000  }
0x14d: {  	[sflag:s23] =	ssyncset.done $0x0  }
0x14e: {  	s14 =	simm.s32 $0x9E00;
	[sflag:s23] =	ssyncadd.s32 $0xFFFFE000  }
0x14f: {  	[spmem:s2] =	stream.indirect.scatter.add.f32 [tilespmem:s19], [sflag:$0x7], $0x40, s14, s17, $0xb8;
	[tilespmem:$0x1E000] =	vst v63  }
0x150: {  	_ =	swait.ge [sflag:s30], $0x2000  }
0x151: {  	[sflag:s30] =	ssyncset.done $0x0  }
0x152: {  	s24 =	simm.s32 $0x4F00;
	[sflag:s30] =	ssyncadd.s32 $0xFFFFE000  }
0x153: {  	[tilespmem:s26], [sflag:$0x4] =	stream.indirect.gather [hbm4b:s4+s17], $0x40, s24, s17, $0xb8;
	[tilespmem:$0x1E000] =	vst v63  }
0x154: {  	_ =	swait.ge [sflag:s28], $0x2000  }
0x155: {  	[sflag:s28] =	ssyncset.done $0x0  }
0x156: {  	s14 =	simm.s32 $0x9E80;
	[sflag:s28] =	ssyncadd.s32 $0xFFFFE000  }
0x157: {  	[spmem:s2] =	stream.indirect.scatter.add.f32 [tilespmem:s22], [sflag:$0x8], $0x40, s14, s17, $0xb8;
	[tilespmem:$0x1E000] =	vst v63  }
.Ltmp6:
0x158: {  	_ = 	snop;
	(pc) =	sbr.rel .LBB2_8-.Ltmp6, $4  }
0x159: {  	_ =	swait.ge [sflag:s1], $0x2000  }
0x15a: {  	[sflag:s1] =	ssyncset.done $0x0  }
0x15b: {  	s24 =	simm.s32 $0x4F80;
	s3 =	rddreg [dreg:$0x3];
	[sflag:s1] =	ssyncadd.s32 $0xFFFFE000  }
0x15c: {  	[tilespmem:s31], [sflag:$0x5] =	stream.indirect.gather [hbm4b:s4+s17], $0x40, s24, s17, $0xb8;
	[tilespmem:$0x1E000] =	vst v63  }
.LBB2_9:
0x15d: {  	_ =	sfence.sel $0x180000  }
0x15e: {  	[bflag:$0x0] =	sbarrier.arrive $0xFFFF  }
0x15f: {  	_ =	strace $0x90000047  }
0x160: {  	s0 =	stileid.u32;
	[bflag:$0x2] =	sbarrier.arrive $0xFFFF  }
0x161: {  	p0 =	sne.s32 s0, $0x0;
	s0 =	rddreg [dreg:$0x2]  }
0x162: {  	s0 =	sadd.s32 @!p0 $0x100000, s0  }
0x163: {  	[sflag:s0] =	ssyncadd.tile.s32 @!p0 $0x1;
	_ =	shalt  }
.Lfunc_end2:
_tile_overlayer_lowered:
.L_overlay_start_2:
0x164: {  	(tag) =	ssettag $0x2  }
0x165: {  	s0 =	rddreg [dreg:$0x0];
	s2 =	stileid.u32  }
0x166: {  	s1 =	rddreg [dreg:$0x1];
	p0 =	sne.s32 s2, $0x0  }
0x167: {  	s3 =	rddreg [dreg:$0x2];
	[bflag:$0x3] =	sbarrier.arrive $0xFFFF;
	s2 =	simm.s32 @!p0 $0x1C0B  }
0x168: {  	[timem:s3], [sflag:s2] =	dma.local @!p0 [hbm:s0], s1  }
0x169: {  	s0 =	simm.s32 @!p0 $0xB  }
0x16a: {  	_ =	swait.ge @!p0 [sflag:s0], s1  }
0x16b: {  	s1 =	ssub.s32 @!p0 $0x0, s1;
	[sflag:s0] =	ssyncset.done @!p0 $0x0  }
0x16c: {  	[sflag:s0] =	ssyncadd.s32 @!p0 s1  }
0x16d: {  	[bflag:$0x3] =	sbarrier.arrive $0xFFFF  }
0x16e: {  	_ =	shalt  }

</sc_bundles>
